<compile_context>
chip_gen: v7x
topology: tpu7x:2x2x1
jax: 0.10.2.dev20260603
libtpu: 0.0.44.dev20260713+nightly
codegen_flags: <defaults>
</compile_context>

<pallas_src>
import functools

import jax
import jax.numpy as jnp
from jax import lax
from jax.experimental import pallas as pl
from jax.experimental.pallas import tpu as pltpu
from jax.experimental.pallas import tpu_sc as plsc

D = 64
S = 50
S_PAD = 56
NC, NS = 2, 16
NW = NC * NS


def _make_gather(n_b, nb_per_grp):
    b_per_w = n_b // NW
    ngrp = b_per_w // nb_per_grp
    C = nb_per_grp * S
    assert ngrp % 2 == 0 and ngrp >= 4
    mesh = plsc.VectorSubcoreMesh(core_axis_name="c", subcore_axis_name="s")

    @functools.partial(
        pl.kernel,
        out_type=jax.ShapeDtypeStruct((n_b, S_PAD, 128), jnp.float32),
        mesh=mesh,
        scratch_types=[
            pltpu.VMEM((2, C), jnp.int32),
            pltpu.VMEM((2, C, D), jnp.float32),
            pltpu.SemaphoreType.DMA,
            pltpu.SemaphoreType.DMA,
            pltpu.SemaphoreType.DMA,
            pltpu.SemaphoreType.DMA,
            pltpu.SemaphoreType.DMA,
            pltpu.SemaphoreType.DMA,
        ],
        compiler_params=pltpu.CompilerParams(use_tc_tiling_on_sc=False),
    )
    def gather_kernel(table_hbm, idx_hbm, out_hbm, idx_v, rows_v,
                      si0, si1, sg0, sg1, sw0, sw1):
        s_idx = (si0, si1)
        s_g = (sg0, sg1)
        s_w = (sw0, sw1)
        wid = lax.axis_index("s") * NC + lax.axis_index("c")
        base_b = wid * b_per_w

        def idx_off(k):
            return pl.multiple_of(
                jnp.minimum((base_b + k * nb_per_grp) * S, (n_b - nb_per_grp) * S), 8)

        def start_idx(k, b):
            pltpu.async_copy(idx_hbm.at[pl.ds(idx_off(k), C)],
                             idx_v.at[b], s_idx[b])

        def wait_idx(b):
            pltpu.make_async_copy(idx_hbm.at[pl.ds(0, C)],
                                  idx_v.at[b], s_idx[b]).wait()

        def start_g(b):
            pltpu.async_copy(table_hbm.at[idx_v.at[b]], rows_v.at[b], s_g[b])

        def wait_g(b):
            pltpu.make_async_copy(table_hbm.at[pl.ds(0, C)],
                                  rows_v.at[b], s_g[b]).wait()

        def start_w(k, b):
            b0 = base_b + k * nb_per_grp
            for j in range(nb_per_grp):
                pltpu.async_copy(
                    rows_v.at[b, pl.ds(j * S, S), :],
                    out_hbm.at[b0 + j, pl.ds(0, S), pl.ds(0, D)],
                    s_w[b])

        def wait_w(b):
            for _ in range(nb_per_grp):
                pltpu.make_async_copy(
                    rows_v.at[b, pl.ds(0, S), :],
                    out_hbm.at[0, pl.ds(0, S), pl.ds(0, D)],
                    s_w[b]).wait()

        start_idx(0, 0)
        wait_idx(0)
        start_g(0)
        start_idx(1, 1)
        wait_g(0)
        wait_idx(1)
        start_g(1)
        start_w(0, 0)
        start_idx(2, 0)

        def lap(k, b):
            nb = 1 - b
            wait_g(b)
            wait_idx(nb)
            wait_w(nb)
            start_g(nb)
            start_w(k, b)
            start_idx(k + 2, b)

        def body(j, carry):
            lap(1 + 2 * j, 1)
            lap(2 + 2 * j, 0)
            return carry

        lax.fori_loop(0, (ngrp - 2) // 2, body, 0)

        wait_g(1)
        start_w(ngrp - 1, 1)
        wait_w(0)
        wait_w(1)
        wait_idx(0)

    return gather_kernel


def kernel(weight, token_ids):
    B0, S0 = token_ids.shape
    flat = token_ids.reshape(B0 * S0)
    out_pad = _make_gather(B0, 16)(weight, flat)
    return out_pad[:, :S0, :D]

# --- scband reference (transcript-rebuilt; emitter-appended) ---
"""Pipeline reference for scband-embedding-50483045597385 (READ-ONLY COPY).

The authoritative reference and input builder live on the scoring server;
editing this copy changes nothing except your own understanding.
"""

import jax, jax.numpy as jnp
import numpy as np

NUM_EMBEDDINGS = 1000000
EMBEDDING_DIM = 64

def setup_inputs(seed: int = 0) -> dict:
    key = jax.random.key(seed)
    k_idx, k_w = jax.random.split(key)
    token_ids = jax.random.randint(k_idx, (16384, 50), 0, NUM_EMBEDDINGS, dtype=jnp.int64 if jax.config.jax_enable_x64 else jnp.int32)
    # trunc_normal_ init: standard normal truncated to [-2, 2]
    weight = jax.random.truncated_normal(k_w, -2.0, 2.0, (NUM_EMBEDDINGS, EMBEDDING_DIM), dtype=jnp.float32)
    return {"weight": weight, "token_ids": token_ids}

def reference(weight, token_ids):
    # Embedding lookup: weight[token_ids]
    return jnp.take(weight, token_ids, axis=0)

if __name__ == "__main__":
    import jax
    _d = setup_inputs()
    print(jax.jit(kernel)(*tuple(_d.values())))

</pallas_src>

<mosaic_0001>
#map = affine_map<(d0, d1) -> (0, 0)>
#map1 = affine_map<(d0, d1) -> (0)>
#map2 = affine_map<(d0, d1) -> (0, 0, 0)>
module attributes {stable_mosaic.version = 14 : i64} {
  func.func @gather_kernel(%arg0: i32, %arg1: i32, %arg2: memref<1000000x64xf32, #tpu.memory_space<hbm>>, %arg3: memref<819200xi32, #tpu.memory_space<hbm>>, %arg4: memref<16384x56x128xf32, #tpu.memory_space<hbm>>, %arg5: memref<2x800xi32, #tpu.memory_space<vmem>>, %arg6: memref<2x800x64xf32, #tpu.memory_space<vmem>>, %arg7: memref<!tpu.dma_semaphore, #tpu.memory_space<semaphore_mem>>, %arg8: memref<!tpu.dma_semaphore, #tpu.memory_space<semaphore_mem>>, %arg9: memref<!tpu.dma_semaphore, #tpu.memory_space<semaphore_mem>>, %arg10: memref<!tpu.dma_semaphore, #tpu.memory_space<semaphore_mem>>, %arg11: memref<!tpu.dma_semaphore, #tpu.memory_space<semaphore_mem>>, %arg12: memref<!tpu.dma_semaphore, #tpu.memory_space<semaphore_mem>>) attributes {dimension_semantics = [#tpu.dimension_semantics<core_parallel>, #tpu.dimension_semantics<subcore_parallel>], iteration_bounds = array<i64: 2, 16>, scalar_prefetch = 0 : i64, scratch_operands = 8 : i64, tpu.core_type = #tpu.core_type<sc_vector_subcore>, window_params = [{transform_indices = #map}, {transform_indices = #map1}, {transform_indices = #map2}]} {
    %mul3A = arith.constant 2 : i32
    %mul3A_0 = arith.muli %arg1, %mul3A : i32
    %add3A = arith.addi %mul3A_0, %arg0 : i32
    %mul3A_1 = arith.constant 512 : i32
    %mul3A_2 = arith.muli %add3A, %mul3A_1 : i32
    %add3A_3 = arith.constant 0 : i32
    %add3A_4 = arith.addi %mul3A_2, %add3A_3 : i32
    %mul3A_5 = arith.constant 50 : i32
    %mul3A_6 = arith.muli %add3A_4, %mul3A_5 : i32
    %min3A = arith.constant 818400 : i32
    %min3A_7 = arith.minsi %mul3A_6, %min3A : i32
    %multiple_of3A = tpu.assume_multiple %min3A_7, 8 : i32
    %dma_start3A = arith.constant 0 : i32
    %dma_start3A_8 = arith.constant 0 : i32
    %dma_start3A_9 = tpu.memref_slice %arg5[%dma_start3A, %dma_start3A_8] : memref<2x800xi32, #tpu.memory_space<vmem>> -> memref<1x800xi32, #tpu.memory_space<vmem>>
    %dma_start3A_10 = tpu.memref_squeeze %dma_start3A_9 : memref<1x800xi32, #tpu.memory_space<vmem>> -> memref<800xi32, #tpu.memory_space<vmem>>
    %dma_start3A_11 = tpu.memref_slice %arg3[%multiple_of3A] : memref<819200xi32, #tpu.memory_space<hbm>> -> memref<800xi32, #tpu.memory_space<hbm>>
    %dma_start3A_12 = arith.constant 0 : i32
    %dma_start3A_13 = tpu.memref_slice %arg5[%dma_start3A, %dma_start3A_12] : memref<2x800xi32, #tpu.memory_space<vmem>> -> memref<1x800xi32, #tpu.memory_space<vmem>>
    %dma_start3A_14 = tpu.memref_squeeze %dma_start3A_13 : memref<1x800xi32, #tpu.memory_space<vmem>> -> memref<800xi32, #tpu.memory_space<vmem>>
    %dma_start3A_15 = tpu.memref_slice %arg3[%multiple_of3A] : memref<819200xi32, #tpu.memory_space<hbm>> -> memref<800xi32, #tpu.memory_space<hbm>>
    tpu.enqueue_dma source(%dma_start3A_15 : memref<800xi32, #tpu.memory_space<hbm>>) target(%dma_start3A_14 : memref<800xi32, #tpu.memory_space<vmem>>) target_semaphore(%arg7 : memref<!tpu.dma_semaphore, #tpu.memory_space<semaphore_mem>>)
    %dma_wait3A = arith.constant 0 : i32
    %dma_wait3A_16 = arith.constant 0 : i32
    %dma_wait3A_17 = tpu.memref_slice %arg5[%dma_wait3A, %dma_wait3A_16] : memref<2x800xi32, #tpu.memory_space<vmem>> -> memref<1x800xi32, #tpu.memory_space<vmem>>
    %dma_wait3A_18 = tpu.memref_squeeze %dma_wait3A_17 : memref<1x800xi32, #tpu.memory_space<vmem>> -> memref<800xi32, #tpu.memory_space<vmem>>
    %dma_wait3A_19 = arith.constant 0 : i32
    %dma_wait3A_20 = tpu.memref_slice %arg3[%dma_wait3A_19] : memref<819200xi32, #tpu.memory_space<hbm>> -> memref<800xi32, #tpu.memory_space<hbm>>
    %dma_wait3A_21 = arith.constant 0 : i32
    %dma_wait3A_22 = tpu.memref_slice %arg5[%dma_wait3A, %dma_wait3A_21] : memref<2x800xi32, #tpu.memory_space<vmem>> -> memref<1x800xi32, #tpu.memory_space<vmem>>
    %dma_wait3A_23 = tpu.memref_squeeze %dma_wait3A_22 : memref<1x800xi32, #tpu.memory_space<vmem>> -> memref<800xi32, #tpu.memory_space<vmem>>
    %dma_wait3A_24 = arith.constant 0 : i32
    %dma_wait3A_25 = tpu.memref_slice %arg3[%dma_wait3A_24] : memref<819200xi32, #tpu.memory_space<hbm>> -> memref<800xi32, #tpu.memory_space<hbm>>
    tpu.wait_dma2 semaphore(%arg7 : memref<!tpu.dma_semaphore, #tpu.memory_space<semaphore_mem>>) src(%dma_wait3A_25 : memref<800xi32, #tpu.memory_space<hbm>>) dst(%dma_wait3A_23 : memref<800xi32, #tpu.memory_space<vmem>>)
    %dma_start3A_26 = arith.constant 0 : i32
    %dma_start3A_27 = arith.constant 0 : i32
    %dma_start3A_28 = arith.constant 0 : i32
    %dma_start3A_29 = arith.constant 0 : i32
    %dma_start3A_30 = tpu.memref_slice %arg6[%dma_start3A_27, %dma_start3A_28, %dma_start3A_29] : memref<2x800x64xf32, #tpu.memory_space<vmem>> -> memref<1x800x64xf32, #tpu.memory_space<vmem>>
    %dma_start3A_31 = tpu.memref_squeeze %dma_start3A_30 : memref<1x800x64xf32, #tpu.memory_space<vmem>> -> memref<800x64xf32, #tpu.memory_space<vmem>>
    %dma_start3A_32 = arith.constant 0 : i32
    %dma_start3A_33 = tpu.memref_slice %arg5[%dma_start3A_26, %dma_start3A_32] : memref<2x800xi32, #tpu.memory_space<vmem>> -> memref<1x800xi32, #tpu.memory_space<vmem>>
    %dma_start3A_34 = tpu.memref_squeeze %dma_start3A_33 : memref<1x800xi32, #tpu.memory_space<vmem>> -> memref<800xi32, #tpu.memory_space<vmem>>
    %dma_start3A_35 = arith.constant 0 : i32
    %dma_start3A_36 = arith.constant 0 : i32
    %dma_start3A_37 = tpu.memref_slice %arg2[%dma_start3A_35, %dma_start3A_36] : memref<1000000x64xf32, #tpu.memory_space<hbm>> -> memref<1000000x64xf32, #tpu.memory_space<hbm>>
    tpu.enqueue_indirect_dma source(%dma_start3A_37 : memref<1000000x64xf32, #tpu.memory_space<hbm>>) target(%dma_start3A_31 : memref<800x64xf32, #tpu.memory_space<vmem>>) offsets(%dma_start3A_34 : memref<800xi32, #tpu.memory_space<vmem>>) semaphore(%arg9 : memref<!tpu.dma_semaphore, #tpu.memory_space<semaphore_mem>>)
    %add3A_38 = arith.constant 16 : i32
    %add3A_39 = arith.addi %mul3A_2, %add3A_38 : i32
    %mul3A_40 = arith.constant 50 : i32
    %mul3A_41 = arith.muli %add3A_39, %mul3A_40 : i32
    %min3A_42 = arith.constant 818400 : i32
    %min3A_43 = arith.minsi %mul3A_41, %min3A_42 : i32
    %multiple_of3A_44 = tpu.assume_multiple %min3A_43, 8 : i32
    %dma_start3A_45 = arith.constant 1 : i32
    %dma_start3A_46 = arith.constant 0 : i32
    %dma_start3A_47 = tpu.memref_slice %arg5[%dma_start3A_45, %dma_start3A_46] : memref<2x800xi32, #tpu.memory_space<vmem>> -> memref<1x800xi32, #tpu.memory_space<vmem>>
    %dma_start3A_48 = tpu.memref_squeeze %dma_start3A_47 : memref<1x800xi32, #tpu.memory_space<vmem>> -> memref<800xi32, #tpu.memory_space<vmem>>
    %dma_start3A_49 = tpu.memref_slice %arg3[%multiple_of3A_44] : memref<819200xi32, #tpu.memory_space<hbm>> -> memref<800xi32, #tpu.memory_space<hbm>>
    %dma_start3A_50 = arith.constant 0 : i32
    %dma_start3A_51 = tpu.memref_slice %arg5[%dma_start3A_45, %dma_start3A_50] : memref<2x800xi32, #tpu.memory_space<vmem>> -> memref<1x800xi32, #tpu.memory_space<vmem>>
    %dma_start3A_52 = tpu.memref_squeeze %dma_start3A_51 : memref<1x800xi32, #tpu.memory_space<vmem>> -> memref<800xi32, #tpu.memory_space<vmem>>
    %dma_start3A_53 = tpu.memref_slice %arg3[%multiple_of3A_44] : memref<819200xi32, #tpu.memory_space<hbm>> -> memref<800xi32, #tpu.memory_space<hbm>>
    tpu.enqueue_dma source(%dma_start3A_53 : memref<800xi32, #tpu.memory_space<hbm>>) target(%dma_start3A_52 : memref<800xi32, #tpu.memory_space<vmem>>) target_semaphore(%arg8 : memref<!tpu.dma_semaphore, #tpu.memory_space<semaphore_mem>>)
    %dma_wait3A_54 = arith.constant 0 : i32
    %dma_wait3A_55 = arith.constant 0 : i32
    %dma_wait3A_56 = arith.constant 0 : i32
    %dma_wait3A_57 = tpu.memref_slice %arg6[%dma_wait3A_54, %dma_wait3A_55, %dma_wait3A_56] : memref<2x800x64xf32, #tpu.memory_space<vmem>> -> memref<1x800x64xf32, #tpu.memory_space<vmem>>
    %dma_wait3A_58 = tpu.memref_squeeze %dma_wait3A_57 : memref<1x800x64xf32, #tpu.memory_space<vmem>> -> memref<800x64xf32, #tpu.memory_space<vmem>>
    %dma_wait3A_59 = arith.constant 0 : i32
    %dma_wait3A_60 = arith.constant 0 : i32
    %dma_wait3A_61 = tpu.memref_slice %arg2[%dma_wait3A_59, %dma_wait3A_60] : memref<1000000x64xf32, #tpu.memory_space<hbm>> -> memref<800x64xf32, #tpu.memory_space<hbm>>
    %dma_wait3A_62 = arith.constant 0 : i32
    %dma_wait3A_63 = arith.constant 0 : i32
    %dma_wait3A_64 = tpu.memref_slice %arg6[%dma_wait3A_54, %dma_wait3A_62, %dma_wait3A_63] : memref<2x800x64xf32, #tpu.memory_space<vmem>> -> memref<1x800x64xf32, #tpu.memory_space<vmem>>
    %dma_wait3A_65 = tpu.memref_squeeze %dma_wait3A_64 : memref<1x800x64xf32, #tpu.memory_space<vmem>> -> memref<800x64xf32, #tpu.memory_space<vmem>>
    %dma_wait3A_66 = arith.constant 0 : i32
    %dma_wait3A_67 = arith.constant 0 : i32
    %dma_wait3A_68 = tpu.memref_slice %arg2[%dma_wait3A_66, %dma_wait3A_67] : memref<1000000x64xf32, #tpu.memory_space<hbm>> -> memref<800x64xf32, #tpu.memory_space<hbm>>
    tpu.wait_dma2 semaphore(%arg9 : memref<!tpu.dma_semaphore, #tpu.memory_space<semaphore_mem>>) src(%dma_wait3A_68 : memref<800x64xf32, #tpu.memory_space<hbm>>) dst(%dma_wait3A_65 : memref<800x64xf32, #tpu.memory_space<vmem>>)
    %dma_wait3A_69 = arith.constant 1 : i32
    %dma_wait3A_70 = arith.constant 0 : i32
    %dma_wait3A_71 = tpu.memref_slice %arg5[%dma_wait3A_69, %dma_wait3A_70] : memref<2x800xi32, #tpu.memory_space<vmem>> -> memref<1x800xi32, #tpu.memory_space<vmem>>
    %dma_wait3A_72 = tpu.memref_squeeze %dma_wait3A_71 : memref<1x800xi32, #tpu.memory_space<vmem>> -> memref<800xi32, #tpu.memory_space<vmem>>
    %dma_wait3A_73 = arith.constant 0 : i32
    %dma_wait3A_74 = tpu.memref_slice %arg3[%dma_wait3A_73] : memref<819200xi32, #tpu.memory_space<hbm>> -> memref<800xi32, #tpu.memory_space<hbm>>
    %dma_wait3A_75 = arith.constant 0 : i32
    %dma_wait3A_76 = tpu.memref_slice %arg5[%dma_wait3A_69, %dma_wait3A_75] : memref<2x800xi32, #tpu.memory_space<vmem>> -> memref<1x800xi32, #tpu.memory_space<vmem>>
    %dma_wait3A_77 = tpu.memref_squeeze %dma_wait3A_76 : memref<1x800xi32, #tpu.memory_space<vmem>> -> memref<800xi32, #tpu.memory_space<vmem>>
    %dma_wait3A_78 = arith.constant 0 : i32
    %dma_wait3A_79 = tpu.memref_slice %arg3[%dma_wait3A_78] : memref<819200xi32, #tpu.memory_space<hbm>> -> memref<800xi32, #tpu.memory_space<hbm>>
    tpu.wait_dma2 semaphore(%arg8 : memref<!tpu.dma_semaphore, #tpu.memory_space<semaphore_mem>>) src(%dma_wait3A_79 : memref<800xi32, #tpu.memory_space<hbm>>) dst(%dma_wait3A_77 : memref<800xi32, #tpu.memory_space<vmem>>)
    %dma_start3A_80 = arith.constant 1 : i32
    %dma_start3A_81 = arith.constant 1 : i32
    %dma_start3A_82 = arith.constant 0 : i32
    %dma_start3A_83 = arith.constant 0 : i32
    %dma_start3A_84 = tpu.memref_slice %arg6[%dma_start3A_81, %dma_start3A_82, %dma_start3A_83] : memref<2x800x64xf32, #tpu.memory_space<vmem>> -> memref<1x800x64xf32, #tpu.memory_space<vmem>>
    %dma_start3A_85 = tpu.memref_squeeze %dma_start3A_84 : memref<1x800x64xf32, #tpu.memory_space<vmem>> -> memref<800x64xf32, #tpu.memory_space<vmem>>
    %dma_start3A_86 = arith.constant 0 : i32
    %dma_start3A_87 = tpu.memref_slice %arg5[%dma_start3A_80, %dma_start3A_86] : memref<2x800xi32, #tpu.memory_space<vmem>> -> memref<1x800xi32, #tpu.memory_space<vmem>>
    %dma_start3A_88 = tpu.memref_squeeze %dma_start3A_87 : memref<1x800xi32, #tpu.memory_space<vmem>> -> memref<800xi32, #tpu.memory_space<vmem>>
    %dma_start3A_89 = arith.constant 0 : i32
    %dma_start3A_90 = arith.constant 0 : i32
    %dma_start3A_91 = tpu.memref_slice %arg2[%dma_start3A_89, %dma_start3A_90] : memref<1000000x64xf32, #tpu.memory_space<hbm>> -> memref<1000000x64xf32, #tpu.memory_space<hbm>>
    tpu.enqueue_indirect_dma source(%dma_start3A_91 : memref<1000000x64xf32, #tpu.memory_space<hbm>>) target(%dma_start3A_85 : memref<800x64xf32, #tpu.memory_space<vmem>>) offsets(%dma_start3A_88 : memref<800xi32, #tpu.memory_space<vmem>>) semaphore(%arg10 : memref<!tpu.dma_semaphore, #tpu.memory_space<semaphore_mem>>)
    %add3A_92 = arith.constant 0 : i32
    %add3A_93 = arith.addi %mul3A_2, %add3A_92 : i32
    %add3A_94 = arith.constant 0 : i32
    %add3A_95 = arith.addi %add3A_93, %add3A_94 : i32
    %dma_start3A_96 = arith.constant 0 : i32
    %dma_start3A_97 = arith.constant 0 : i32
    %dma_start3A_98 = arith.constant 0 : i32
    %dma_start3A_99 = tpu.memref_slice %arg6[%dma_start3A_96, %dma_start3A_97, %dma_start3A_98] : memref<2x800x64xf32, #tpu.memory_space<vmem>> -> memref<1x50x64xf32, #tpu.memory_space<vmem>>
    %dma_start3A_100 = tpu.memref_squeeze %dma_start3A_99 : memref<1x50x64xf32, #tpu.memory_space<vmem>> -> memref<50x64xf32, #tpu.memory_space<vmem>>
    %dma_start3A_101 = arith.constant 0 : i32
    %dma_start3A_102 = arith.constant 0 : i32
    %dma_start3A_103 = tpu.memref_slice %arg4[%add3A_95, %dma_start3A_101, %dma_start3A_102] : memref<16384x56x128xf32, #tpu.memory_space<hbm>> -> memref<1x50x64xf32, #tpu.memory_space<hbm>>
    %dma_start3A_104 = tpu.memref_squeeze %dma_start3A_103 : memref<1x50x64xf32, #tpu.memory_space<hbm>> -> memref<50x64xf32, #tpu.memory_space<hbm>>
    %dma_start3A_105 = arith.constant 0 : i32
    %dma_start3A_106 = arith.constant 0 : i32
    %dma_start3A_107 = tpu.memref_slice %arg4[%add3A_95, %dma_start3A_105, %dma_start3A_106] : memref<16384x56x128xf32, #tpu.memory_space<hbm>> -> memref<1x50x64xf32, #tpu.memory_space<hbm>>
    %dma_start3A_108 = tpu.memref_squeeze %dma_start3A_107 : memref<1x50x64xf32, #tpu.memory_space<hbm>> -> memref<50x64xf32, #tpu.memory_space<hbm>>
    %dma_start3A_109 = arith.constant 0 : i32
    %dma_start3A_110 = arith.constant 0 : i32
    %dma_start3A_111 = tpu.memref_slice %arg6[%dma_start3A_96, %dma_start3A_109, %dma_start3A_110] : memref<2x800x64xf32, #tpu.memory_space<vmem>> -> memref<1x50x64xf32, #tpu.memory_space<vmem>>
    %dma_start3A_112 = tpu.memref_squeeze %dma_start3A_111 : memref<1x50x64xf32, #tpu.memory_space<vmem>> -> memref<50x64xf32, #tpu.memory_space<vmem>>
    tpu.enqueue_dma source(%dma_start3A_112 : memref<50x64xf32, #tpu.memory_space<vmem>>) target(%dma_start3A_108 : memref<50x64xf32, #tpu.memory_space<hbm>>) target_semaphore(%arg11 : memref<!tpu.dma_semaphore, #tpu.memory_space<semaphore_mem>>)
    %add3A_113 = arith.constant 1 : i32
    %add3A_114 = arith.addi %add3A_93, %add3A_113 : i32
    %dma_start3A_115 = arith.constant 0 : i32
    %dma_start3A_116 = arith.constant 50 : i32
    %dma_start3A_117 = arith.constant 0 : i32
    %dma_start3A_118 = tpu.memref_slice %arg6[%dma_start3A_115, %dma_start3A_116, %dma_start3A_117] : memref<2x800x64xf32, #tpu.memory_space<vmem>> -> memref<1x50x64xf32, #tpu.memory_space<vmem>>
    %dma_start3A_119 = tpu.memref_squeeze %dma_start3A_118 : memref<1x50x64xf32, #tpu.memory_space<vmem>> -> memref<50x64xf32, #tpu.memory_space<vmem>>
    %dma_start3A_120 = arith.constant 0 : i32
    %dma_start3A_121 = arith.constant 0 : i32
    %dma_start3A_122 = tpu.memref_slice %arg4[%add3A_114, %dma_start3A_120, %dma_start3A_121] : memref<16384x56x128xf32, #tpu.memory_space<hbm>> -> memref<1x50x64xf32, #tpu.memory_space<hbm>>
    %dma_start3A_123 = tpu.memref_squeeze %dma_start3A_122 : memref<1x50x64xf32, #tpu.memory_space<hbm>> -> memref<50x64xf32, #tpu.memory_space<hbm>>
    %dma_start3A_124 = arith.constant 0 : i32
    %dma_start3A_125 = arith.constant 0 : i32
    %dma_start3A_126 = tpu.memref_slice %arg4[%add3A_114, %dma_start3A_124, %dma_start3A_125] : memref<16384x56x128xf32, #tpu.memory_space<hbm>> -> memref<1x50x64xf32, #tpu.memory_space<hbm>>
    %dma_start3A_127 = tpu.memref_squeeze %dma_start3A_126 : memref<1x50x64xf32, #tpu.memory_space<hbm>> -> memref<50x64xf32, #tpu.memory_space<hbm>>
    %dma_start3A_128 = arith.constant 50 : i32
    %dma_start3A_129 = arith.constant 0 : i32
    %dma_start3A_130 = tpu.memref_slice %arg6[%dma_start3A_115, %dma_start3A_128, %dma_start3A_129] : memref<2x800x64xf32, #tpu.memory_space<vmem>> -> memref<1x50x64xf32, #tpu.memory_space<vmem>>
    %dma_start3A_131 = tpu.memref_squeeze %dma_start3A_130 : memref<1x50x64xf32, #tpu.memory_space<vmem>> -> memref<50x64xf32, #tpu.memory_space<vmem>>
    tpu.enqueue_dma source(%dma_start3A_131 : memref<50x64xf32, #tpu.memory_space<vmem>>) target(%dma_start3A_127 : memref<50x64xf32, #tpu.memory_space<hbm>>) target_semaphore(%arg11 : memref<!tpu.dma_semaphore, #tpu.memory_space<semaphore_mem>>)
    %add3A_132 = arith.constant 2 : i32
    %add3A_133 = arith.addi %add3A_93, %add3A_132 : i32
    %dma_start3A_134 = arith.constant 0 : i32
    %dma_start3A_135 = arith.constant 100 : i32
    %dma_start3A_136 = arith.constant 0 : i32
    %dma_start3A_137 = tpu.memref_slice %arg6[%dma_start3A_134, %dma_start3A_135, %dma_start3A_136] : memref<2x800x64xf32, #tpu.memory_space<vmem>> -> memref<1x50x64xf32, #tpu.memory_space<vmem>>
    %dma_start3A_138 = tpu.memref_squeeze %dma_start3A_137 : memref<1x50x64xf32, #tpu.memory_space<vmem>> -> memref<50x64xf32, #tpu.memory_space<vmem>>
    %dma_start3A_139 = arith.constant 0 : i32
    %dma_start3A_140 = arith.constant 0 : i32
    %dma_start3A_141 = tpu.memref_slice %arg4[%add3A_133, %dma_start3A_139, %dma_start3A_140] : memref<16384x56x128xf32, #tpu.memory_space<hbm>> -> memref<1x50x64xf32, #tpu.memory_space<hbm>>
    %dma_start3A_142 = tpu.memref_squeeze %dma_start3A_141 : memref<1x50x64xf32, #tpu.memory_space<hbm>> -> memref<50x64xf32, #tpu.memory_space<hbm>>
    %dma_start3A_143 = arith.constant 0 : i32
    %dma_start3A_144 = arith.constant 0 : i32
    %dma_start3A_145 = tpu.memref_slice %arg4[%add3A_133, %dma_start3A_143, %dma_start3A_144] : memref<16384x56x128xf32, #tpu.memory_space<hbm>> -> memref<1x50x64xf32, #tpu.memory_space<hbm>>
    %dma_start3A_146 = tpu.memref_squeeze %dma_start3A_145 : memref<1x50x64xf32, #tpu.memory_space<hbm>> -> memref<50x64xf32, #tpu.memory_space<hbm>>
    %dma_start3A_147 = arith.constant 100 : i32
    %dma_start3A_148 = arith.constant 0 : i32
    %dma_start3A_149 = tpu.memref_slice %arg6[%dma_start3A_134, %dma_start3A_147, %dma_start3A_148] : memref<2x800x64xf32, #tpu.memory_space<vmem>> -> memref<1x50x64xf32, #tpu.memory_space<vmem>>
    %dma_start3A_150 = tpu.memref_squeeze %dma_start3A_149 : memref<1x50x64xf32, #tpu.memory_space<vmem>> -> memref<50x64xf32, #tpu.memory_space<vmem>>
    tpu.enqueue_dma source(%dma_start3A_150 : memref<50x64xf32, #tpu.memory_space<vmem>>) target(%dma_start3A_146 : memref<50x64xf32, #tpu.memory_space<hbm>>) target_semaphore(%arg11 : memref<!tpu.dma_semaphore, #tpu.memory_space<semaphore_mem>>)
    %add3A_151 = arith.constant 3 : i32
    %add3A_152 = arith.addi %add3A_93, %add3A_151 : i32
    %dma_start3A_153 = arith.constant 0 : i32
    %dma_start3A_154 = arith.constant 150 : i32
    %dma_start3A_155 = arith.constant 0 : i32
    %dma_start3A_156 = tpu.memref_slice %arg6[%dma_start3A_153, %dma_start3A_154, %dma_start3A_155] : memref<2x800x64xf32, #tpu.memory_space<vmem>> -> memref<1x50x64xf32, #tpu.memory_space<vmem>>
    %dma_start3A_157 = tpu.memref_squeeze %dma_start3A_156 : memref<1x50x64xf32, #tpu.memory_space<vmem>> -> memref<50x64xf32, #tpu.memory_space<vmem>>
    %dma_start3A_158 = arith.constant 0 : i32
    %dma_start3A_159 = arith.constant 0 : i32
    %dma_start3A_160 = tpu.memref_slice %arg4[%add3A_152, %dma_start3A_158, %dma_start3A_159] : memref<16384x56x128xf32, #tpu.memory_space<hbm>> -> memref<1x50x64xf32, #tpu.memory_space<hbm>>
    %dma_start3A_161 = tpu.memref_squeeze %dma_start3A_160 : memref<1x50x64xf32, #tpu.memory_space<hbm>> -> memref<50x64xf32, #tpu.memory_space<hbm>>
    %dma_start3A_162 = arith.constant 0 : i32
    %dma_start3A_163 = arith.constant 0 : i32
    %dma_start3A_164 = tpu.memref_slice %arg4[%add3A_152, %dma_start3A_162, %dma_start3A_163] : memref<16384x56x128xf32, #tpu.memory_space<hbm>> -> memref<1x50x64xf32, #tpu.memory_space<hbm>>
    %dma_start3A_165 = tpu.memref_squeeze %dma_start3A_164 : memref<1x50x64xf32, #tpu.memory_space<hbm>> -> memref<50x64xf32, #tpu.memory_space<hbm>>
    %dma_start3A_166 = arith.constant 150 : i32
    %dma_start3A_167 = arith.constant 0 : i32
    %dma_start3A_168 = tpu.memref_slice %arg6[%dma_start3A_153, %dma_start3A_166, %dma_start3A_167] : memref<2x800x64xf32, #tpu.memory_space<vmem>> -> memref<1x50x64xf32, #tpu.memory_space<vmem>>
    %dma_start3A_169 = tpu.memref_squeeze %dma_start3A_168 : memref<1x50x64xf32, #tpu.memory_space<vmem>> -> memref<50x64xf32, #tpu.memory_space<vmem>>
    tpu.enqueue_dma source(%dma_start3A_169 : memref<50x64xf32, #tpu.memory_space<vmem>>) target(%dma_start3A_165 : memref<50x64xf32, #tpu.memory_space<hbm>>) target_semaphore(%arg11 : memref<!tpu.dma_semaphore, #tpu.memory_space<semaphore_mem>>)
    %add3A_170 = arith.constant 4 : i32
    %add3A_171 = arith.addi %add3A_93, %add3A_170 : i32
    %dma_start3A_172 = arith.constant 0 : i32
    %dma_start3A_173 = arith.constant 200 : i32
    %dma_start3A_174 = arith.constant 0 : i32
    %dma_start3A_175 = tpu.memref_slice %arg6[%dma_start3A_172, %dma_start3A_173, %dma_start3A_174] : memref<2x800x64xf32, #tpu.memory_space<vmem>> -> memref<1x50x64xf32, #tpu.memory_space<vmem>>
    %dma_start3A_176 = tpu.memref_squeeze %dma_start3A_175 : memref<1x50x64xf32, #tpu.memory_space<vmem>> -> memref<50x64xf32, #tpu.memory_space<vmem>>
    %dma_start3A_177 = arith.constant 0 : i32
    %dma_start3A_178 = arith.constant 0 : i32
    %dma_start3A_179 = tpu.memref_slice %arg4[%add3A_171, %dma_start3A_177, %dma_start3A_178] : memref<16384x56x128xf32, #tpu.memory_space<hbm>> -> memref<1x50x64xf32, #tpu.memory_space<hbm>>
    %dma_start3A_180 = tpu.memref_squeeze %dma_start3A_179 : memref<1x50x64xf32, #tpu.memory_space<hbm>> -> memref<50x64xf32, #tpu.memory_space<hbm>>
    %dma_start3A_181 = arith.constant 0 : i32
    %dma_start3A_182 = arith.constant 0 : i32
    %dma_start3A_183 = tpu.memref_slice %arg4[%add3A_171, %dma_start3A_181, %dma_start3A_182] : memref<16384x56x128xf32, #tpu.memory_space<hbm>> -> memref<1x50x64xf32, #tpu.memory_space<hbm>>
    %dma_start3A_184 = tpu.memref_squeeze %dma_start3A_183 : memref<1x50x64xf32, #tpu.memory_space<hbm>> -> memref<50x64xf32, #tpu.memory_space<hbm>>
    %dma_start3A_185 = arith.constant 200 : i32
    %dma_start3A_186 = arith.constant 0 : i32
    %dma_start3A_187 = tpu.memref_slice %arg6[%dma_start3A_172, %dma_start3A_185, %dma_start3A_186] : memref<2x800x64xf32, #tpu.memory_space<vmem>> -> memref<1x50x64xf32, #tpu.memory_space<vmem>>
    %dma_start3A_188 = tpu.memref_squeeze %dma_start3A_187 : memref<1x50x64xf32, #tpu.memory_space<vmem>> -> memref<50x64xf32, #tpu.memory_space<vmem>>
    tpu.enqueue_dma source(%dma_start3A_188 : memref<50x64xf32, #tpu.memory_space<vmem>>) target(%dma_start3A_184 : memref<50x64xf32, #tpu.memory_space<hbm>>) target_semaphore(%arg11 : memref<!tpu.dma_semaphore, #tpu.memory_space<semaphore_mem>>)
    %add3A_189 = arith.constant 5 : i32
    %add3A_190 = arith.addi %add3A_93, %add3A_189 : i32
    %dma_start3A_191 = arith.constant 0 : i32
    %dma_start3A_192 = arith.constant 250 : i32
    %dma_start3A_193 = arith.constant 0 : i32
    %dma_start3A_194 = tpu.memref_slice %arg6[%dma_start3A_191, %dma_start3A_192, %dma_start3A_193] : memref<2x800x64xf32, #tpu.memory_space<vmem>> -> memref<1x50x64xf32, #tpu.memory_space<vmem>>
    %dma_start3A_195 = tpu.memref_squeeze %dma_start3A_194 : memref<1x50x64xf32, #tpu.memory_space<vmem>> -> memref<50x64xf32, #tpu.memory_space<vmem>>
    %dma_start3A_196 = arith.constant 0 : i32
    %dma_start3A_197 = arith.constant 0 : i32
    %dma_start3A_198 = tpu.memref_slice %arg4[%add3A_190, %dma_start3A_196, %dma_start3A_197] : memref<16384x56x128xf32, #tpu.memory_space<hbm>> -> memref<1x50x64xf32, #tpu.memory_space<hbm>>
    %dma_start3A_199 = tpu.memref_squeeze %dma_start3A_198 : memref<1x50x64xf32, #tpu.memory_space<hbm>> -> memref<50x64xf32, #tpu.memory_space<hbm>>
    %dma_start3A_200 = arith.constant 0 : i32
    %dma_start3A_201 = arith.constant 0 : i32
    %dma_start3A_202 = tpu.memref_slice %arg4[%add3A_190, %dma_start3A_200, %dma_start3A_201] : memref<16384x56x128xf32, #tpu.memory_space<hbm>> -> memref<1x50x64xf32, #tpu.memory_space<hbm>>
    %dma_start3A_203 = tpu.memref_squeeze %dma_start3A_202 : memref<1x50x64xf32, #tpu.memory_space<hbm>> -> memref<50x64xf32, #tpu.memory_space<hbm>>
    %dma_start3A_204 = arith.constant 250 : i32
    %dma_start3A_205 = arith.constant 0 : i32
    %dma_start3A_206 = tpu.memref_slice %arg6[%dma_start3A_191, %dma_start3A_204, %dma_start3A_205] : memref<2x800x64xf32, #tpu.memory_space<vmem>> -> memref<1x50x64xf32, #tpu.memory_space<vmem>>
    %dma_start3A_207 = tpu.memref_squeeze %dma_start3A_206 : memref<1x50x64xf32, #tpu.memory_space<vmem>> -> memref<50x64xf32, #tpu.memory_space<vmem>>
    tpu.enqueue_dma source(%dma_start3A_207 : memref<50x64xf32, #tpu.memory_space<vmem>>) target(%dma_start3A_203 : memref<50x64xf32, #tpu.memory_space<hbm>>) target_semaphore(%arg11 : memref<!tpu.dma_semaphore, #tpu.memory_space<semaphore_mem>>)
    %add3A_208 = arith.constant 6 : i32
    %add3A_209 = arith.addi %add3A_93, %add3A_208 : i32
    %dma_start3A_210 = arith.constant 0 : i32
    %dma_start3A_211 = arith.constant 300 : i32
    %dma_start3A_212 = arith.constant 0 : i32
    %dma_start3A_213 = tpu.memref_slice %arg6[%dma_start3A_210, %dma_start3A_211, %dma_start3A_212] : memref<2x800x64xf32, #tpu.memory_space<vmem>> -> memref<1x50x64xf32, #tpu.memory_space<vmem>>
    %dma_start3A_214 = tpu.memref_squeeze %dma_start3A_213 : memref<1x50x64xf32, #tpu.memory_space<vmem>> -> memref<50x64xf32, #tpu.memory_space<vmem>>
    %dma_start3A_215 = arith.constant 0 : i32
    %dma_start3A_216 = arith.constant 0 : i32
    %dma_start3A_217 = tpu.memref_slice %arg4[%add3A_209, %dma_start3A_215, %dma_start3A_216] : memref<16384x56x128xf32, #tpu.memory_space<hbm>> -> memref<1x50x64xf32, #tpu.memory_space<hbm>>
    %dma_start3A_218 = tpu.memref_squeeze %dma_start3A_217 : memref<1x50x64xf32, #tpu.memory_space<hbm>> -> memref<50x64xf32, #tpu.memory_space<hbm>>
    %dma_start3A_219 = arith.constant 0 : i32
    %dma_start3A_220 = arith.constant 0 : i32
    %dma_start3A_221 = tpu.memref_slice %arg4[%add3A_209, %dma_start3A_219, %dma_start3A_220] : memref<16384x56x128xf32, #tpu.memory_space<hbm>> -> memref<1x50x64xf32, #tpu.memory_space<hbm>>
    %dma_start3A_222 = tpu.memref_squeeze %dma_start3A_221 : memref<1x50x64xf32, #tpu.memory_space<hbm>> -> memref<50x64xf32, #tpu.memory_space<hbm>>
    %dma_start3A_223 = arith.constant 300 : i32
    %dma_start3A_224 = arith.constant 0 : i32
    %dma_start3A_225 = tpu.memref_slice %arg6[%dma_start3A_210, %dma_start3A_223, %dma_start3A_224] : memref<2x800x64xf32, #tpu.memory_space<vmem>> -> memref<1x50x64xf32, #tpu.memory_space<vmem>>
    %dma_start3A_226 = tpu.memref_squeeze %dma_start3A_225 : memref<1x50x64xf32, #tpu.memory_space<vmem>> -> memref<50x64xf32, #tpu.memory_space<vmem>>
    tpu.enqueue_dma source(%dma_start3A_226 : memref<50x64xf32, #tpu.memory_space<vmem>>) target(%dma_start3A_222 : memref<50x64xf32, #tpu.memory_space<hbm>>) target_semaphore(%arg11 : memref<!tpu.dma_semaphore, #tpu.memory_space<semaphore_mem>>)
    %add3A_227 = arith.constant 7 : i32
    %add3A_228 = arith.addi %add3A_93, %add3A_227 : i32
    %dma_start3A_229 = arith.constant 0 : i32
    %dma_start3A_230 = arith.constant 350 : i32
    %dma_start3A_231 = arith.constant 0 : i32
    %dma_start3A_232 = tpu.memref_slice %arg6[%dma_start3A_229, %dma_start3A_230, %dma_start3A_231] : memref<2x800x64xf32, #tpu.memory_space<vmem>> -> memref<1x50x64xf32, #tpu.memory_space<vmem>>
    %dma_start3A_233 = tpu.memref_squeeze %dma_start3A_232 : memref<1x50x64xf32, #tpu.memory_space<vmem>> -> memref<50x64xf32, #tpu.memory_space<vmem>>
    %dma_start3A_234 = arith.constant 0 : i32
    %dma_start3A_235 = arith.constant 0 : i32
    %dma_start3A_236 = tpu.memref_slice %arg4[%add3A_228, %dma_start3A_234, %dma_start3A_235] : memref<16384x56x128xf32, #tpu.memory_space<hbm>> -> memref<1x50x64xf32, #tpu.memory_space<hbm>>
    %dma_start3A_237 = tpu.memref_squeeze %dma_start3A_236 : memref<1x50x64xf32, #tpu.memory_space<hbm>> -> memref<50x64xf32, #tpu.memory_space<hbm>>
    %dma_start3A_238 = arith.constant 0 : i32
    %dma_start3A_239 = arith.constant 0 : i32
    %dma_start3A_240 = tpu.memref_slice %arg4[%add3A_228, %dma_start3A_238, %dma_start3A_239] : memref<16384x56x128xf32, #tpu.memory_space<hbm>> -> memref<1x50x64xf32, #tpu.memory_space<hbm>>
    %dma_start3A_241 = tpu.memref_squeeze %dma_start3A_240 : memref<1x50x64xf32, #tpu.memory_space<hbm>> -> memref<50x64xf32, #tpu.memory_space<hbm>>
    %dma_start3A_242 = arith.constant 350 : i32
    %dma_start3A_243 = arith.constant 0 : i32
    %dma_start3A_244 = tpu.memref_slice %arg6[%dma_start3A_229, %dma_start3A_242, %dma_start3A_243] : memref<2x800x64xf32, #tpu.memory_space<vmem>> -> memref<1x50x64xf32, #tpu.memory_space<vmem>>
    %dma_start3A_245 = tpu.memref_squeeze %dma_start3A_244 : memref<1x50x64xf32, #tpu.memory_space<vmem>> -> memref<50x64xf32, #tpu.memory_space<vmem>>
    tpu.enqueue_dma source(%dma_start3A_245 : memref<50x64xf32, #tpu.memory_space<vmem>>) target(%dma_start3A_241 : memref<50x64xf32, #tpu.memory_space<hbm>>) target_semaphore(%arg11 : memref<!tpu.dma_semaphore, #tpu.memory_space<semaphore_mem>>)
    %add3A_246 = arith.constant 8 : i32
    %add3A_247 = arith.addi %add3A_93, %add3A_246 : i32
    %dma_start3A_248 = arith.constant 0 : i32
    %dma_start3A_249 = arith.constant 400 : i32
    %dma_start3A_250 = arith.constant 0 : i32
    %dma_start3A_251 = tpu.memref_slice %arg6[%dma_start3A_248, %dma_start3A_249, %dma_start3A_250] : memref<2x800x64xf32, #tpu.memory_space<vmem>> -> memref<1x50x64xf32, #tpu.memory_space<vmem>>
    %dma_start3A_252 = tpu.memref_squeeze %dma_start3A_251 : memref<1x50x64xf32, #tpu.memory_space<vmem>> -> memref<50x64xf32, #tpu.memory_space<vmem>>
    %dma_start3A_253 = arith.constant 0 : i32
    %dma_start3A_254 = arith.constant 0 : i32
    %dma_start3A_255 = tpu.memref_slice %arg4[%add3A_247, %dma_start3A_253, %dma_start3A_254] : memref<16384x56x128xf32, #tpu.memory_space<hbm>> -> memref<1x50x64xf32, #tpu.memory_space<hbm>>
    %dma_start3A_256 = tpu.memref_squeeze %dma_start3A_255 : memref<1x50x64xf32, #tpu.memory_space<hbm>> -> memref<50x64xf32, #tpu.memory_space<hbm>>
    %dma_start3A_257 = arith.constant 0 : i32
    %dma_start3A_258 = arith.constant 0 : i32
    %dma_start3A_259 = tpu.memref_slice %arg4[%add3A_247, %dma_start3A_257, %dma_start3A_258] : memref<16384x56x128xf32, #tpu.memory_space<hbm>> -> memref<1x50x64xf32, #tpu.memory_space<hbm>>
    %dma_start3A_260 = tpu.memref_squeeze %dma_start3A_259 : memref<1x50x64xf32, #tpu.memory_space<hbm>> -> memref<50x64xf32, #tpu.memory_space<hbm>>
    %dma_start3A_261 = arith.constant 400 : i32
    %dma_start3A_262 = arith.constant 0 : i32
    %dma_start3A_263 = tpu.memref_slice %arg6[%dma_start3A_248, %dma_start3A_261, %dma_start3A_262] : memref<2x800x64xf32, #tpu.memory_space<vmem>> -> memref<1x50x64xf32, #tpu.memory_space<vmem>>
    %dma_start3A_264 = tpu.memref_squeeze %dma_start3A_263 : memref<1x50x64xf32, #tpu.memory_space<vmem>> -> memref<50x64xf32, #tpu.memory_space<vmem>>
    tpu.enqueue_dma source(%dma_start3A_264 : memref<50x64xf32, #tpu.memory_space<vmem>>) target(%dma_start3A_260 : memref<50x64xf32, #tpu.memory_space<hbm>>) target_semaphore(%arg11 : memref<!tpu.dma_semaphore, #tpu.memory_space<semaphore_mem>>)
    %add3A_265 = arith.constant 9 : i32
    %add3A_266 = arith.addi %add3A_93, %add3A_265 : i32
    %dma_start3A_267 = arith.constant 0 : i32
    %dma_start3A_268 = arith.constant 450 : i32
    %dma_start3A_269 = arith.constant 0 : i32
    %dma_start3A_270 = tpu.memref_slice %arg6[%dma_start3A_267, %dma_start3A_268, %dma_start3A_269] : memref<2x800x64xf32, #tpu.memory_space<vmem>> -> memref<1x50x64xf32, #tpu.memory_space<vmem>>
    %dma_start3A_271 = tpu.memref_squeeze %dma_start3A_270 : memref<1x50x64xf32, #tpu.memory_space<vmem>> -> memref<50x64xf32, #tpu.memory_space<vmem>>
    %dma_start3A_272 = arith.constant 0 : i32
    %dma_start3A_273 = arith.constant 0 : i32
    %dma_start3A_274 = tpu.memref_slice %arg4[%add3A_266, %dma_start3A_272, %dma_start3A_273] : memref<16384x56x128xf32, #tpu.memory_space<hbm>> -> memref<1x50x64xf32, #tpu.memory_space<hbm>>
    %dma_start3A_275 = tpu.memref_squeeze %dma_start3A_274 : memref<1x50x64xf32, #tpu.memory_space<hbm>> -> memref<50x64xf32, #tpu.memory_space<hbm>>
    %dma_start3A_276 = arith.constant 0 : i32
    %dma_start3A_277 = arith.constant 0 : i32
    %dma_start3A_278 = tpu.memref_slice %arg4[%add3A_266, %dma_start3A_276, %dma_start3A_277] : memref<16384x56x128xf32, #tpu.memory_space<hbm>> -> memref<1x50x64xf32, #tpu.memory_space<hbm>>
    %dma_start3A_279 = tpu.memref_squeeze %dma_start3A_278 : memref<1x50x64xf32, #tpu.memory_space<hbm>> -> memref<50x64xf32, #tpu.memory_space<hbm>>
    %dma_start3A_280 = arith.constant 450 : i32
    %dma_start3A_281 = arith.constant 0 : i32
    %dma_start3A_282 = tpu.memref_slice %arg6[%dma_start3A_267, %dma_start3A_280, %dma_start3A_281] : memref<2x800x64xf32, #tpu.memory_space<vmem>> -> memref<1x50x64xf32, #tpu.memory_space<vmem>>
    %dma_start3A_283 = tpu.memref_squeeze %dma_start3A_282 : memref<1x50x64xf32, #tpu.memory_space<vmem>> -> memref<50x64xf32, #tpu.memory_space<vmem>>
    tpu.enqueue_dma source(%dma_start3A_283 : memref<50x64xf32, #tpu.memory_space<vmem>>) target(%dma_start3A_279 : memref<50x64xf32, #tpu.memory_space<hbm>>) target_semaphore(%arg11 : memref<!tpu.dma_semaphore, #tpu.memory_space<semaphore_mem>>)
    %add3A_284 = arith.constant 10 : i32
    %add3A_285 = arith.addi %add3A_93, %add3A_284 : i32
    %dma_start3A_286 = arith.constant 0 : i32
    %dma_start3A_287 = arith.constant 500 : i32
    %dma_start3A_288 = arith.constant 0 : i32
    %dma_start3A_289 = tpu.memref_slice %arg6[%dma_start3A_286, %dma_start3A_287, %dma_start3A_288] : memref<2x800x64xf32, #tpu.memory_space<vmem>> -> memref<1x50x64xf32, #tpu.memory_space<vmem>>
    %dma_start3A_290 = tpu.memref_squeeze %dma_start3A_289 : memref<1x50x64xf32, #tpu.memory_space<vmem>> -> memref<50x64xf32, #tpu.memory_space<vmem>>
    %dma_start3A_291 = arith.constant 0 : i32
    %dma_start3A_292 = arith.constant 0 : i32
    %dma_start3A_293 = tpu.memref_slice %arg4[%add3A_285, %dma_start3A_291, %dma_start3A_292] : memref<16384x56x128xf32, #tpu.memory_space<hbm>> -> memref<1x50x64xf32, #tpu.memory_space<hbm>>
    %dma_start3A_294 = tpu.memref_squeeze %dma_start3A_293 : memref<1x50x64xf32, #tpu.memory_space<hbm>> -> memref<50x64xf32, #tpu.memory_space<hbm>>
    %dma_start3A_295 = arith.constant 0 : i32
    %dma_start3A_296 = arith.constant 0 : i32
    %dma_start3A_297 = tpu.memref_slice %arg4[%add3A_285, %dma_start3A_295, %dma_start3A_296] : memref<16384x56x128xf32, #tpu.memory_space<hbm>> -> memref<1x50x64xf32, #tpu.memory_space<hbm>>
    %dma_start3A_298 = tpu.memref_squeeze %dma_start3A_297 : memref<1x50x64xf32, #tpu.memory_space<hbm>> -> memref<50x64xf32, #tpu.memory_space<hbm>>
    %dma_start3A_299 = arith.constant 500 : i32
    %dma_start3A_300 = arith.constant 0 : i32
    %dma_start3A_301 = tpu.memref_slice %arg6[%dma_start3A_286, %dma_start3A_299, %dma_start3A_300] : memref<2x800x64xf32, #tpu.memory_space<vmem>> -> memref<1x50x64xf32, #tpu.memory_space<vmem>>
    %dma_start3A_302 = tpu.memref_squeeze %dma_start3A_301 : memref<1x50x64xf32, #tpu.memory_space<vmem>> -> memref<50x64xf32, #tpu.memory_space<vmem>>
    tpu.enqueue_dma source(%dma_start3A_302 : memref<50x64xf32, #tpu.memory_space<vmem>>) target(%dma_start3A_298 : memref<50x64xf32, #tpu.memory_space<hbm>>) target_semaphore(%arg11 : memref<!tpu.dma_semaphore, #tpu.memory_space<semaphore_mem>>)
    %add3A_303 = arith.constant 11 : i32
    %add3A_304 = arith.addi %add3A_93, %add3A_303 : i32
    %dma_start3A_305 = arith.constant 0 : i32
    %dma_start3A_306 = arith.constant 550 : i32
    %dma_start3A_307 = arith.constant 0 : i32
    %dma_start3A_308 = tpu.memref_slice %arg6[%dma_start3A_305, %dma_start3A_306, %dma_start3A_307] : memref<2x800x64xf32, #tpu.memory_space<vmem>> -> memref<1x50x64xf32, #tpu.memory_space<vmem>>
    %dma_start3A_309 = tpu.memref_squeeze %dma_start3A_308 : memref<1x50x64xf32, #tpu.memory_space<vmem>> -> memref<50x64xf32, #tpu.memory_space<vmem>>
    %dma_start3A_310 = arith.constant 0 : i32
    %dma_start3A_311 = arith.constant 0 : i32
    %dma_start3A_312 = tpu.memref_slice %arg4[%add3A_304, %dma_start3A_310, %dma_start3A_311] : memref<16384x56x128xf32, #tpu.memory_space<hbm>> -> memref<1x50x64xf32, #tpu.memory_space<hbm>>
    %dma_start3A_313 = tpu.memref_squeeze %dma_start3A_312 : memref<1x50x64xf32, #tpu.memory_space<hbm>> -> memref<50x64xf32, #tpu.memory_space<hbm>>
    %dma_start3A_314 = arith.constant 0 : i32
    %dma_start3A_315 = arith.constant 0 : i32
    %dma_start3A_316 = tpu.memref_slice %arg4[%add3A_304, %dma_start3A_314, %dma_start3A_315] : memref<16384x56x128xf32, #tpu.memory_space<hbm>> -> memref<1x50x64xf32, #tpu.memory_space<hbm>>
    %dma_start3A_317 = tpu.memref_squeeze %dma_start3A_316 : memref<1x50x64xf32, #tpu.memory_space<hbm>> -> memref<50x64xf32, #tpu.memory_space<hbm>>
    %dma_start3A_318 = arith.constant 550 : i32
    %dma_start3A_319 = arith.constant 0 : i32
    %dma_start3A_320 = tpu.memref_slice %arg6[%dma_start3A_305, %dma_start3A_318, %dma_start3A_319] : memref<2x800x64xf32, #tpu.memory_space<vmem>> -> memref<1x50x64xf32, #tpu.memory_space<vmem>>
    %dma_start3A_321 = tpu.memref_squeeze %dma_start3A_320 : memref<1x50x64xf32, #tpu.memory_space<vmem>> -> memref<50x64xf32, #tpu.memory_space<vmem>>
    tpu.enqueue_dma source(%dma_start3A_321 : memref<50x64xf32, #tpu.memory_space<vmem>>) target(%dma_start3A_317 : memref<50x64xf32, #tpu.memory_space<hbm>>) target_semaphore(%arg11 : memref<!tpu.dma_semaphore, #tpu.memory_space<semaphore_mem>>)
    %add3A_322 = arith.constant 12 : i32
    %add3A_323 = arith.addi %add3A_93, %add3A_322 : i32
    %dma_start3A_324 = arith.constant 0 : i32
    %dma_start3A_325 = arith.constant 600 : i32
    %dma_start3A_326 = arith.constant 0 : i32
    %dma_start3A_327 = tpu.memref_slice %arg6[%dma_start3A_324, %dma_start3A_325, %dma_start3A_326] : memref<2x800x64xf32, #tpu.memory_space<vmem>> -> memref<1x50x64xf32, #tpu.memory_space<vmem>>
    %dma_start3A_328 = tpu.memref_squeeze %dma_start3A_327 : memref<1x50x64xf32, #tpu.memory_space<vmem>> -> memref<50x64xf32, #tpu.memory_space<vmem>>
    %dma_start3A_329 = arith.constant 0 : i32
    %dma_start3A_330 = arith.constant 0 : i32
    %dma_start3A_331 = tpu.memref_slice %arg4[%add3A_323, %dma_start3A_329, %dma_start3A_330] : memref<16384x56x128xf32, #tpu.memory_space<hbm>> -> memref<1x50x64xf32, #tpu.memory_space<hbm>>
    %dma_start3A_332 = tpu.memref_squeeze %dma_start3A_331 : memref<1x50x64xf32, #tpu.memory_space<hbm>> -> memref<50x64xf32, #tpu.memory_space<hbm>>
    %dma_start3A_333 = arith.constant 0 : i32
    %dma_start3A_334 = arith.constant 0 : i32
    %dma_start3A_335 = tpu.memref_slice %arg4[%add3A_323, %dma_start3A_333, %dma_start3A_334] : memref<16384x56x128xf32, #tpu.memory_space<hbm>> -> memref<1x50x64xf32, #tpu.memory_space<hbm>>
    %dma_start3A_336 = tpu.memref_squeeze %dma_start3A_335 : memref<1x50x64xf32, #tpu.memory_space<hbm>> -> memref<50x64xf32, #tpu.memory_space<hbm>>
    %dma_start3A_337 = arith.constant 600 : i32
    %dma_start3A_338 = arith.constant 0 : i32
    %dma_start3A_339 = tpu.memref_slice %arg6[%dma_start3A_324, %dma_start3A_337, %dma_start3A_338] : memref<2x800x64xf32, #tpu.memory_space<vmem>> -> memref<1x50x64xf32, #tpu.memory_space<vmem>>
    %dma_start3A_340 = tpu.memref_squeeze %dma_start3A_339 : memref<1x50x64xf32, #tpu.memory_space<vmem>> -> memref<50x64xf32, #tpu.memory_space<vmem>>
    tpu.enqueue_dma source(%dma_start3A_340 : memref<50x64xf32, #tpu.memory_space<vmem>>) target(%dma_start3A_336 : memref<50x64xf32, #tpu.memory_space<hbm>>) target_semaphore(%arg11 : memref<!tpu.dma_semaphore, #tpu.memory_space<semaphore_mem>>)
    %add3A_341 = arith.constant 13 : i32
    %add3A_342 = arith.addi %add3A_93, %add3A_341 : i32
    %dma_start3A_343 = arith.constant 0 : i32
    %dma_start3A_344 = arith.constant 650 : i32
    %dma_start3A_345 = arith.constant 0 : i32
    %dma_start3A_346 = tpu.memref_slice %arg6[%dma_start3A_343, %dma_start3A_344, %dma_start3A_345] : memref<2x800x64xf32, #tpu.memory_space<vmem>> -> memref<1x50x64xf32, #tpu.memory_space<vmem>>
    %dma_start3A_347 = tpu.memref_squeeze %dma_start3A_346 : memref<1x50x64xf32, #tpu.memory_space<vmem>> -> memref<50x64xf32, #tpu.memory_space<vmem>>
    %dma_start3A_348 = arith.constant 0 : i32
    %dma_start3A_349 = arith.constant 0 : i32
    %dma_start3A_350 = tpu.memref_slice %arg4[%add3A_342, %dma_start3A_348, %dma_start3A_349] : memref<16384x56x128xf32, #tpu.memory_space<hbm>> -> memref<1x50x64xf32, #tpu.memory_space<hbm>>
    %dma_start3A_351 = tpu.memref_squeeze %dma_start3A_350 : memref<1x50x64xf32, #tpu.memory_space<hbm>> -> memref<50x64xf32, #tpu.memory_space<hbm>>
    %dma_start3A_352 = arith.constant 0 : i32
    %dma_start3A_353 = arith.constant 0 : i32
    %dma_start3A_354 = tpu.memref_slice %arg4[%add3A_342, %dma_start3A_352, %dma_start3A_353] : memref<16384x56x128xf32, #tpu.memory_space<hbm>> -> memref<1x50x64xf32, #tpu.memory_space<hbm>>
    %dma_start3A_355 = tpu.memref_squeeze %dma_start3A_354 : memref<1x50x64xf32, #tpu.memory_space<hbm>> -> memref<50x64xf32, #tpu.memory_space<hbm>>
    %dma_start3A_356 = arith.constant 650 : i32
    %dma_start3A_357 = arith.constant 0 : i32
    %dma_start3A_358 = tpu.memref_slice %arg6[%dma_start3A_343, %dma_start3A_356, %dma_start3A_357] : memref<2x800x64xf32, #tpu.memory_space<vmem>> -> memref<1x50x64xf32, #tpu.memory_space<vmem>>
    %dma_start3A_359 = tpu.memref_squeeze %dma_start3A_358 : memref<1x50x64xf32, #tpu.memory_space<vmem>> -> memref<50x64xf32, #tpu.memory_space<vmem>>
    tpu.enqueue_dma source(%dma_start3A_359 : memref<50x64xf32, #tpu.memory_space<vmem>>) target(%dma_start3A_355 : memref<50x64xf32, #tpu.memory_space<hbm>>) target_semaphore(%arg11 : memref<!tpu.dma_semaphore, #tpu.memory_space<semaphore_mem>>)
    %add3A_360 = arith.constant 14 : i32
    %add3A_361 = arith.addi %add3A_93, %add3A_360 : i32
    %dma_start3A_362 = arith.constant 0 : i32
    %dma_start3A_363 = arith.constant 700 : i32
    %dma_start3A_364 = arith.constant 0 : i32
    %dma_start3A_365 = tpu.memref_slice %arg6[%dma_start3A_362, %dma_start3A_363, %dma_start3A_364] : memref<2x800x64xf32, #tpu.memory_space<vmem>> -> memref<1x50x64xf32, #tpu.memory_space<vmem>>
    %dma_start3A_366 = tpu.memref_squeeze %dma_start3A_365 : memref<1x50x64xf32, #tpu.memory_space<vmem>> -> memref<50x64xf32, #tpu.memory_space<vmem>>
    %dma_start3A_367 = arith.constant 0 : i32
    %dma_start3A_368 = arith.constant 0 : i32
    %dma_start3A_369 = tpu.memref_slice %arg4[%add3A_361, %dma_start3A_367, %dma_start3A_368] : memref<16384x56x128xf32, #tpu.memory_space<hbm>> -> memref<1x50x64xf32, #tpu.memory_space<hbm>>
    %dma_start3A_370 = tpu.memref_squeeze %dma_start3A_369 : memref<1x50x64xf32, #tpu.memory_space<hbm>> -> memref<50x64xf32, #tpu.memory_space<hbm>>
    %dma_start3A_371 = arith.constant 0 : i32
    %dma_start3A_372 = arith.constant 0 : i32
    %dma_start3A_373 = tpu.memref_slice %arg4[%add3A_361, %dma_start3A_371, %dma_start3A_372] : memref<16384x56x128xf32, #tpu.memory_space<hbm>> -> memref<1x50x64xf32, #tpu.memory_space<hbm>>
    %dma_start3A_374 = tpu.memref_squeeze %dma_start3A_373 : memref<1x50x64xf32, #tpu.memory_space<hbm>> -> memref<50x64xf32, #tpu.memory_space<hbm>>
    %dma_start3A_375 = arith.constant 700 : i32
    %dma_start3A_376 = arith.constant 0 : i32
    %dma_start3A_377 = tpu.memref_slice %arg6[%dma_start3A_362, %dma_start3A_375, %dma_start3A_376] : memref<2x800x64xf32, #tpu.memory_space<vmem>> -> memref<1x50x64xf32, #tpu.memory_space<vmem>>
    %dma_start3A_378 = tpu.memref_squeeze %dma_start3A_377 : memref<1x50x64xf32, #tpu.memory_space<vmem>> -> memref<50x64xf32, #tpu.memory_space<vmem>>
    tpu.enqueue_dma source(%dma_start3A_378 : memref<50x64xf32, #tpu.memory_space<vmem>>) target(%dma_start3A_374 : memref<50x64xf32, #tpu.memory_space<hbm>>) target_semaphore(%arg11 : memref<!tpu.dma_semaphore, #tpu.memory_space<semaphore_mem>>)
    %add3A_379 = arith.constant 15 : i32
    %add3A_380 = arith.addi %add3A_93, %add3A_379 : i32
    %dma_start3A_381 = arith.constant 0 : i32
    %dma_start3A_382 = arith.constant 750 : i32
    %dma_start3A_383 = arith.constant 0 : i32
    %dma_start3A_384 = tpu.memref_slice %arg6[%dma_start3A_381, %dma_start3A_382, %dma_start3A_383] : memref<2x800x64xf32, #tpu.memory_space<vmem>> -> memref<1x50x64xf32, #tpu.memory_space<vmem>>
    %dma_start3A_385 = tpu.memref_squeeze %dma_start3A_384 : memref<1x50x64xf32, #tpu.memory_space<vmem>> -> memref<50x64xf32, #tpu.memory_space<vmem>>
    %dma_start3A_386 = arith.constant 0 : i32
    %dma_start3A_387 = arith.constant 0 : i32
    %dma_start3A_388 = tpu.memref_slice %arg4[%add3A_380, %dma_start3A_386, %dma_start3A_387] : memref<16384x56x128xf32, #tpu.memory_space<hbm>> -> memref<1x50x64xf32, #tpu.memory_space<hbm>>
    %dma_start3A_389 = tpu.memref_squeeze %dma_start3A_388 : memref<1x50x64xf32, #tpu.memory_space<hbm>> -> memref<50x64xf32, #tpu.memory_space<hbm>>
    %dma_start3A_390 = arith.constant 0 : i32
    %dma_start3A_391 = arith.constant 0 : i32
    %dma_start3A_392 = tpu.memref_slice %arg4[%add3A_380, %dma_start3A_390, %dma_start3A_391] : memref<16384x56x128xf32, #tpu.memory_space<hbm>> -> memref<1x50x64xf32, #tpu.memory_space<hbm>>
    %dma_start3A_393 = tpu.memref_squeeze %dma_start3A_392 : memref<1x50x64xf32, #tpu.memory_space<hbm>> -> memref<50x64xf32, #tpu.memory_space<hbm>>
    %dma_start3A_394 = arith.constant 750 : i32
    %dma_start3A_395 = arith.constant 0 : i32
    %dma_start3A_396 = tpu.memref_slice %arg6[%dma_start3A_381, %dma_start3A_394, %dma_start3A_395] : memref<2x800x64xf32, #tpu.memory_space<vmem>> -> memref<1x50x64xf32, #tpu.memory_space<vmem>>
    %dma_start3A_397 = tpu.memref_squeeze %dma_start3A_396 : memref<1x50x64xf32, #tpu.memory_space<vmem>> -> memref<50x64xf32, #tpu.memory_space<vmem>>
    tpu.enqueue_dma source(%dma_start3A_397 : memref<50x64xf32, #tpu.memory_space<vmem>>) target(%dma_start3A_393 : memref<50x64xf32, #tpu.memory_space<hbm>>) target_semaphore(%arg11 : memref<!tpu.dma_semaphore, #tpu.memory_space<semaphore_mem>>)
    %add3A_398 = arith.constant 32 : i32
    %add3A_399 = arith.addi %mul3A_2, %add3A_398 : i32
    %mul3A_400 = arith.constant 50 : i32
    %mul3A_401 = arith.muli %add3A_399, %mul3A_400 : i32
    %min3A_402 = arith.constant 818400 : i32
    %min3A_403 = arith.minsi %mul3A_401, %min3A_402 : i32
    %multiple_of3A_404 = tpu.assume_multiple %min3A_403, 8 : i32
    %dma_start3A_405 = arith.constant 0 : i32
    %dma_start3A_406 = arith.constant 0 : i32
    %dma_start3A_407 = tpu.memref_slice %arg5[%dma_start3A_405, %dma_start3A_406] : memref<2x800xi32, #tpu.memory_space<vmem>> -> memref<1x800xi32, #tpu.memory_space<vmem>>
    %dma_start3A_408 = tpu.memref_squeeze %dma_start3A_407 : memref<1x800xi32, #tpu.memory_space<vmem>> -> memref<800xi32, #tpu.memory_space<vmem>>
    %dma_start3A_409 = tpu.memref_slice %arg3[%multiple_of3A_404] : memref<819200xi32, #tpu.memory_space<hbm>> -> memref<800xi32, #tpu.memory_space<hbm>>
    %dma_start3A_410 = arith.constant 0 : i32
    %dma_start3A_411 = tpu.memref_slice %arg5[%dma_start3A_405, %dma_start3A_410] : memref<2x800xi32, #tpu.memory_space<vmem>> -> memref<1x800xi32, #tpu.memory_space<vmem>>
    %dma_start3A_412 = tpu.memref_squeeze %dma_start3A_411 : memref<1x800xi32, #tpu.memory_space<vmem>> -> memref<800xi32, #tpu.memory_space<vmem>>
    %dma_start3A_413 = tpu.memref_slice %arg3[%multiple_of3A_404] : memref<819200xi32, #tpu.memory_space<hbm>> -> memref<800xi32, #tpu.memory_space<hbm>>
    tpu.enqueue_dma source(%dma_start3A_413 : memref<800xi32, #tpu.memory_space<hbm>>) target(%dma_start3A_412 : memref<800xi32, #tpu.memory_space<vmem>>) target_semaphore(%arg7 : memref<!tpu.dma_semaphore, #tpu.memory_space<semaphore_mem>>)
    %scan3A = arith.constant 0 : i32
    %scan3A_414 = arith.constant 0 : i32
    %scan3A_415 = arith.constant 15 : i32
    %scan3A_416 = arith.addi %scan3A_414, %scan3A_415 : i32
    %scan3A_417 = arith.constant 1 : i32
    scf.for %scan3A_1327 = %scan3A_414 to %scan3A_416 step %scan3A_417  : i32 {
      %mul3A_1328 = arith.constant 2 : i32
      %mul3A_1329 = arith.muli %mul3A_1328, %scan3A_1327 : i32
      %add3A_1330 = arith.constant 1 : i32
      %add3A_1331 = arith.addi %add3A_1330, %mul3A_1329 : i32
      %dma_wait3A_1332 = arith.constant 1 : i32
      %dma_wait3A_1333 = arith.constant 0 : i32
      %dma_wait3A_1334 = arith.constant 0 : i32
      %dma_wait3A_1335 = tpu.memref_slice %arg6[%dma_wait3A_1332, %dma_wait3A_1333, %dma_wait3A_1334] : memref<2x800x64xf32, #tpu.memory_space<vmem>> -> memref<1x800x64xf32, #tpu.memory_space<vmem>>
      %dma_wait3A_1336 = tpu.memref_squeeze %dma_wait3A_1335 : memref<1x800x64xf32, #tpu.memory_space<vmem>> -> memref<800x64xf32, #tpu.memory_space<vmem>>
      %dma_wait3A_1337 = arith.constant 0 : i32
      %dma_wait3A_1338 = arith.constant 0 : i32
      %dma_wait3A_1339 = tpu.memref_slice %arg2[%dma_wait3A_1337, %dma_wait3A_1338] : memref<1000000x64xf32, #tpu.memory_space<hbm>> -> memref<800x64xf32, #tpu.memory_space<hbm>>
      %dma_wait3A_1340 = arith.constant 0 : i32
      %dma_wait3A_1341 = arith.constant 0 : i32
      %dma_wait3A_1342 = tpu.memref_slice %arg6[%dma_wait3A_1332, %dma_wait3A_1340, %dma_wait3A_1341] : memref<2x800x64xf32, #tpu.memory_space<vmem>> -> memref<1x800x64xf32, #tpu.memory_space<vmem>>
      %dma_wait3A_1343 = tpu.memref_squeeze %dma_wait3A_1342 : memref<1x800x64xf32, #tpu.memory_space<vmem>> -> memref<800x64xf32, #tpu.memory_space<vmem>>
      %dma_wait3A_1344 = arith.constant 0 : i32
      %dma_wait3A_1345 = arith.constant 0 : i32
      %dma_wait3A_1346 = tpu.memref_slice %arg2[%dma_wait3A_1344, %dma_wait3A_1345] : memref<1000000x64xf32, #tpu.memory_space<hbm>> -> memref<800x64xf32, #tpu.memory_space<hbm>>
      tpu.wait_dma2 semaphore(%arg10 : memref<!tpu.dma_semaphore, #tpu.memory_space<semaphore_mem>>) src(%dma_wait3A_1346 : memref<800x64xf32, #tpu.memory_space<hbm>>) dst(%dma_wait3A_1343 : memref<800x64xf32, #tpu.memory_space<vmem>>)
      %dma_wait3A_1347 = arith.constant 0 : i32
      %dma_wait3A_1348 = arith.constant 0 : i32
      %dma_wait3A_1349 = tpu.memref_slice %arg5[%dma_wait3A_1347, %dma_wait3A_1348] : memref<2x800xi32, #tpu.memory_space<vmem>> -> memref<1x800xi32, #tpu.memory_space<vmem>>
      %dma_wait3A_1350 = tpu.memref_squeeze %dma_wait3A_1349 : memref<1x800xi32, #tpu.memory_space<vmem>> -> memref<800xi32, #tpu.memory_space<vmem>>
      %dma_wait3A_1351 = arith.constant 0 : i32
      %dma_wait3A_1352 = tpu.memref_slice %arg3[%dma_wait3A_1351] : memref<819200xi32, #tpu.memory_space<hbm>> -> memref<800xi32, #tpu.memory_space<hbm>>
      %dma_wait3A_1353 = arith.constant 0 : i32
      %dma_wait3A_1354 = tpu.memref_slice %arg5[%dma_wait3A_1347, %dma_wait3A_1353] : memref<2x800xi32, #tpu.memory_space<vmem>> -> memref<1x800xi32, #tpu.memory_space<vmem>>
      %dma_wait3A_1355 = tpu.memref_squeeze %dma_wait3A_1354 : memref<1x800xi32, #tpu.memory_space<vmem>> -> memref<800xi32, #tpu.memory_space<vmem>>
      %dma_wait3A_1356 = arith.constant 0 : i32
      %dma_wait3A_1357 = tpu.memref_slice %arg3[%dma_wait3A_1356] : memref<819200xi32, #tpu.memory_space<hbm>> -> memref<800xi32, #tpu.memory_space<hbm>>
      tpu.wait_dma2 semaphore(%arg7 : memref<!tpu.dma_semaphore, #tpu.memory_space<semaphore_mem>>) src(%dma_wait3A_1357 : memref<800xi32, #tpu.memory_space<hbm>>) dst(%dma_wait3A_1355 : memref<800xi32, #tpu.memory_space<vmem>>)
      %dma_wait3A_1358 = arith.constant 0 : i32
      %dma_wait3A_1359 = arith.constant 0 : i32
      %dma_wait3A_1360 = arith.constant 0 : i32
      %dma_wait3A_1361 = arith.constant 0 : i32
      %dma_wait3A_1362 = tpu.memref_slice %arg6[%dma_wait3A_1358, %dma_wait3A_1360, %dma_wait3A_1361] : memref<2x800x64xf32, #tpu.memory_space<vmem>> -> memref<1x50x64xf32, #tpu.memory_space<vmem>>
      %dma_wait3A_1363 = tpu.memref_squeeze %dma_wait3A_1362 : memref<1x50x64xf32, #tpu.memory_space<vmem>> -> memref<50x64xf32, #tpu.memory_space<vmem>>
      %dma_wait3A_1364 = arith.constant 0 : i32
      %dma_wait3A_1365 = arith.constant 0 : i32
      %dma_wait3A_1366 = tpu.memref_slice %arg4[%dma_wait3A_1359, %dma_wait3A_1364, %dma_wait3A_1365] : memref<16384x56x128xf32, #tpu.memory_space<hbm>> -> memref<1x50x64xf32, #tpu.memory_space<hbm>>
      %dma_wait3A_1367 = tpu.memref_squeeze %dma_wait3A_1366 : memref<1x50x64xf32, #tpu.memory_space<hbm>> -> memref<50x64xf32, #tpu.memory_space<hbm>>
      %dma_wait3A_1368 = arith.constant 0 : i32
      %dma_wait3A_1369 = arith.constant 0 : i32
      %dma_wait3A_1370 = tpu.memref_slice %arg4[%dma_wait3A_1359, %dma_wait3A_1368, %dma_wait3A_1369] : memref<16384x56x128xf32, #tpu.memory_space<hbm>> -> memref<1x50x64xf32, #tpu.memory_space<hbm>>
      %dma_wait3A_1371 = tpu.memref_squeeze %dma_wait3A_1370 : memref<1x50x64xf32, #tpu.memory_space<hbm>> -> memref<50x64xf32, #tpu.memory_space<hbm>>
      %dma_wait3A_1372 = arith.constant 0 : i32
      %dma_wait3A_1373 = arith.constant 0 : i32
      %dma_wait3A_1374 = tpu.memref_slice %arg6[%dma_wait3A_1358, %dma_wait3A_1372, %dma_wait3A_1373] : memref<2x800x64xf32, #tpu.memory_space<vmem>> -> memref<1x50x64xf32, #tpu.memory_space<vmem>>
      %dma_wait3A_1375 = tpu.memref_squeeze %dma_wait3A_1374 : memref<1x50x64xf32, #tpu.memory_space<vmem>> -> memref<50x64xf32, #tpu.memory_space<vmem>>
      tpu.wait_dma2 semaphore(%arg11 : memref<!tpu.dma_semaphore, #tpu.memory_space<semaphore_mem>>) src(%dma_wait3A_1375 : memref<50x64xf32, #tpu.memory_space<vmem>>) dst(%dma_wait3A_1371 : memref<50x64xf32, #tpu.memory_space<hbm>>)
      %dma_wait3A_1376 = arith.constant 0 : i32
      %dma_wait3A_1377 = arith.constant 0 : i32
      %dma_wait3A_1378 = arith.constant 0 : i32
      %dma_wait3A_1379 = arith.constant 0 : i32
      %dma_wait3A_1380 = tpu.memref_slice %arg6[%dma_wait3A_1376, %dma_wait3A_1378, %dma_wait3A_1379] : memref<2x800x64xf32, #tpu.memory_space<vmem>> -> memref<1x50x64xf32, #tpu.memory_space<vmem>>
      %dma_wait3A_1381 = tpu.memref_squeeze %dma_wait3A_1380 : memref<1x50x64xf32, #tpu.memory_space<vmem>> -> memref<50x64xf32, #tpu.memory_space<vmem>>
      %dma_wait3A_1382 = arith.constant 0 : i32
      %dma_wait3A_1383 = arith.constant 0 : i32
      %dma_wait3A_1384 = tpu.memref_slice %arg4[%dma_wait3A_1377, %dma_wait3A_1382, %dma_wait3A_1383] : memref<16384x56x128xf32, #tpu.memory_space<hbm>> -> memref<1x50x64xf32, #tpu.memory_space<hbm>>
      %dma_wait3A_1385 = tpu.memref_squeeze %dma_wait3A_1384 : memref<1x50x64xf32, #tpu.memory_space<hbm>> -> memref<50x64xf32, #tpu.memory_space<hbm>>
      %dma_wait3A_1386 = arith.constant 0 : i32
      %dma_wait3A_1387 = arith.constant 0 : i32
      %dma_wait3A_1388 = tpu.memref_slice %arg4[%dma_wait3A_1377, %dma_wait3A_1386, %dma_wait3A_1387] : memref<16384x56x128xf32, #tpu.memory_space<hbm>> -> memref<1x50x64xf32, #tpu.memory_space<hbm>>
      %dma_wait3A_1389 = tpu.memref_squeeze %dma_wait3A_1388 : memref<1x50x64xf32, #tpu.memory_space<hbm>> -> memref<50x64xf32, #tpu.memory_space<hbm>>
      %dma_wait3A_1390 = arith.constant 0 : i32
      %dma_wait3A_1391 = arith.constant 0 : i32
      %dma_wait3A_1392 = tpu.memref_slice %arg6[%dma_wait3A_1376, %dma_wait3A_1390, %dma_wait3A_1391] : memref<2x800x64xf32, #tpu.memory_space<vmem>> -> memref<1x50x64xf32, #tpu.memory_space<vmem>>
      %dma_wait3A_1393 = tpu.memref_squeeze %dma_wait3A_1392 : memref<1x50x64xf32, #tpu.memory_space<vmem>> -> memref<50x64xf32, #tpu.memory_space<vmem>>
      tpu.wait_dma2 semaphore(%arg11 : memref<!tpu.dma_semaphore, #tpu.memory_space<semaphore_mem>>) src(%dma_wait3A_1393 : memref<50x64xf32, #tpu.memory_space<vmem>>) dst(%dma_wait3A_1389 : memref<50x64xf32, #tpu.memory_space<hbm>>)
      %dma_wait3A_1394 = arith.constant 0 : i32
      %dma_wait3A_1395 = arith.constant 0 : i32
      %dma_wait3A_1396 = arith.constant 0 : i32
      %dma_wait3A_1397 = arith.constant 0 : i32
      %dma_wait3A_1398 = tpu.memref_slice %arg6[%dma_wait3A_1394, %dma_wait3A_1396, %dma_wait3A_1397] : memref<2x800x64xf32, #tpu.memory_space<vmem>> -> memref<1x50x64xf32, #tpu.memory_space<vmem>>
      %dma_wait3A_1399 = tpu.memref_squeeze %dma_wait3A_1398 : memref<1x50x64xf32, #tpu.memory_space<vmem>> -> memref<50x64xf32, #tpu.memory_space<vmem>>
      %dma_wait3A_1400 = arith.constant 0 : i32
      %dma_wait3A_1401 = arith.constant 0 : i32
      %dma_wait3A_1402 = tpu.memref_slice %arg4[%dma_wait3A_1395, %dma_wait3A_1400, %dma_wait3A_1401] : memref<16384x56x128xf32, #tpu.memory_space<hbm>> -> memref<1x50x64xf32, #tpu.memory_space<hbm>>
      %dma_wait3A_1403 = tpu.memref_squeeze %dma_wait3A_1402 : memref<1x50x64xf32, #tpu.memory_space<hbm>> -> memref<50x64xf32, #tpu.memory_space<hbm>>
      %dma_wait3A_1404 = arith.constant 0 : i32
      %dma_wait3A_1405 = arith.constant 0 : i32
      %dma_wait3A_1406 = tpu.memref_slice %arg4[%dma_wait3A_1395, %dma_wait3A_1404, %dma_wait3A_1405] : memref<16384x56x128xf32, #tpu.memory_space<hbm>> -> memref<1x50x64xf32, #tpu.memory_space<hbm>>
      %dma_wait3A_1407 = tpu.memref_squeeze %dma_wait3A_1406 : memref<1x50x64xf32, #tpu.memory_space<hbm>> -> memref<50x64xf32, #tpu.memory_space<hbm>>
      %dma_wait3A_1408 = arith.constant 0 : i32
      %dma_wait3A_1409 = arith.constant 0 : i32
      %dma_wait3A_1410 = tpu.memref_slice %arg6[%dma_wait3A_1394, %dma_wait3A_1408, %dma_wait3A_1409] : memref<2x800x64xf32, #tpu.memory_space<vmem>> -> memref<1x50x64xf32, #tpu.memory_space<vmem>>
      %dma_wait3A_1411 = tpu.memref_squeeze %dma_wait3A_1410 : memref<1x50x64xf32, #tpu.memory_space<vmem>> -> memref<50x64xf32, #tpu.memory_space<vmem>>
      tpu.wait_dma2 semaphore(%arg11 : memref<!tpu.dma_semaphore, #tpu.memory_space<semaphore_mem>>) src(%dma_wait3A_1411 : memref<50x64xf32, #tpu.memory_space<vmem>>) dst(%dma_wait3A_1407 : memref<50x64xf32, #tpu.memory_space<hbm>>)
      %dma_wait3A_1412 = arith.constant 0 : i32
      %dma_wait3A_1413 = arith.constant 0 : i32
      %dma_wait3A_1414 = arith.constant 0 : i32
      %dma_wait3A_1415 = arith.constant 0 : i32
      %dma_wait3A_1416 = tpu.memref_slice %arg6[%dma_wait3A_1412, %dma_wait3A_1414, %dma_wait3A_1415] : memref<2x800x64xf32, #tpu.memory_space<vmem>> -> memref<1x50x64xf32, #tpu.memory_space<vmem>>
      %dma_wait3A_1417 = tpu.memref_squeeze %dma_wait3A_1416 : memref<1x50x64xf32, #tpu.memory_space<vmem>> -> memref<50x64xf32, #tpu.memory_space<vmem>>
      %dma_wait3A_1418 = arith.constant 0 : i32
      %dma_wait3A_1419 = arith.constant 0 : i32
      %dma_wait3A_1420 = tpu.memref_slice %arg4[%dma_wait3A_1413, %dma_wait3A_1418, %dma_wait3A_1419] : memref<16384x56x128xf32, #tpu.memory_space<hbm>> -> memref<1x50x64xf32, #tpu.memory_space<hbm>>
      %dma_wait3A_1421 = tpu.memref_squeeze %dma_wait3A_1420 : memref<1x50x64xf32, #tpu.memory_space<hbm>> -> memref<50x64xf32, #tpu.memory_space<hbm>>
      %dma_wait3A_1422 = arith.constant 0 : i32
      %dma_wait3A_1423 = arith.constant 0 : i32
      %dma_wait3A_1424 = tpu.memref_slice %arg4[%dma_wait3A_1413, %dma_wait3A_1422, %dma_wait3A_1423] : memref<16384x56x128xf32, #tpu.memory_space<hbm>> -> memref<1x50x64xf32, #tpu.memory_space<hbm>>
      %dma_wait3A_1425 = tpu.memref_squeeze %dma_wait3A_1424 : memref<1x50x64xf32, #tpu.memory_space<hbm>> -> memref<50x64xf32, #tpu.memory_space<hbm>>
      %dma_wait3A_1426 = arith.constant 0 : i32
      %dma_wait3A_1427 = arith.constant 0 : i32
      %dma_wait3A_1428 = tpu.memref_slice %arg6[%dma_wait3A_1412, %dma_wait3A_1426, %dma_wait3A_1427] : memref<2x800x64xf32, #tpu.memory_space<vmem>> -> memref<1x50x64xf32, #tpu.memory_space<vmem>>
      %dma_wait3A_1429 = tpu.memref_squeeze %dma_wait3A_1428 : memref<1x50x64xf32, #tpu.memory_space<vmem>> -> memref<50x64xf32, #tpu.memory_space<vmem>>
      tpu.wait_dma2 semaphore(%arg11 : memref<!tpu.dma_semaphore, #tpu.memory_space<semaphore_mem>>) src(%dma_wait3A_1429 : memref<50x64xf32, #tpu.memory_space<vmem>>) dst(%dma_wait3A_1425 : memref<50x64xf32, #tpu.memory_space<hbm>>)
      %dma_wait3A_1430 = arith.constant 0 : i32
      %dma_wait3A_1431 = arith.constant 0 : i32
      %dma_wait3A_1432 = arith.constant 0 : i32
      %dma_wait3A_1433 = arith.constant 0 : i32
      %dma_wait3A_1434 = tpu.memref_slice %arg6[%dma_wait3A_1430, %dma_wait3A_1432, %dma_wait3A_1433] : memref<2x800x64xf32, #tpu.memory_space<vmem>> -> memref<1x50x64xf32, #tpu.memory_space<vmem>>
      %dma_wait3A_1435 = tpu.memref_squeeze %dma_wait3A_1434 : memref<1x50x64xf32, #tpu.memory_space<vmem>> -> memref<50x64xf32, #tpu.memory_space<vmem>>
      %dma_wait3A_1436 = arith.constant 0 : i32
      %dma_wait3A_1437 = arith.constant 0 : i32
      %dma_wait3A_1438 = tpu.memref_slice %arg4[%dma_wait3A_1431, %dma_wait3A_1436, %dma_wait3A_1437] : memref<16384x56x128xf32, #tpu.memory_space<hbm>> -> memref<1x50x64xf32, #tpu.memory_space<hbm>>
      %dma_wait3A_1439 = tpu.memref_squeeze %dma_wait3A_1438 : memref<1x50x64xf32, #tpu.memory_space<hbm>> -> memref<50x64xf32, #tpu.memory_space<hbm>>
      %dma_wait3A_1440 = arith.constant 0 : i32
      %dma_wait3A_1441 = arith.constant 0 : i32
      %dma_wait3A_1442 = tpu.memref_slice %arg4[%dma_wait3A_1431, %dma_wait3A_1440, %dma_wait3A_1441] : memref<16384x56x128xf32, #tpu.memory_space<hbm>> -> memref<1x50x64xf32, #tpu.memory_space<hbm>>
      %dma_wait3A_1443 = tpu.memref_squeeze %dma_wait3A_1442 : memref<1x50x64xf32, #tpu.memory_space<hbm>> -> memref<50x64xf32, #tpu.memory_space<hbm>>
      %dma_wait3A_1444 = arith.constant 0 : i32
      %dma_wait3A_1445 = arith.constant 0 : i32
      %dma_wait3A_1446 = tpu.memref_slice %arg6[%dma_wait3A_1430, %dma_wait3A_1444, %dma_wait3A_1445] : memref<2x800x64xf32, #tpu.memory_space<vmem>> -> memref<1x50x64xf32, #tpu.memory_space<vmem>>
      %dma_wait3A_1447 = tpu.memref_squeeze %dma_wait3A_1446 : memref<1x50x64xf32, #tpu.memory_space<vmem>> -> memref<50x64xf32, #tpu.memory_space<vmem>>
      tpu.wait_dma2 semaphore(%arg11 : memref<!tpu.dma_semaphore, #tpu.memory_space<semaphore_mem>>) src(%dma_wait3A_1447 : memref<50x64xf32, #tpu.memory_space<vmem>>) dst(%dma_wait3A_1443 : memref<50x64xf32, #tpu.memory_space<hbm>>)
      %dma_wait3A_1448 = arith.constant 0 : i32
      %dma_wait3A_1449 = arith.constant 0 : i32
      %dma_wait3A_1450 = arith.constant 0 : i32
      %dma_wait3A_1451 = arith.constant 0 : i32
      %dma_wait3A_1452 = tpu.memref_slice %arg6[%dma_wait3A_1448, %dma_wait3A_1450, %dma_wait3A_1451] : memref<2x800x64xf32, #tpu.memory_space<vmem>> -> memref<1x50x64xf32, #tpu.memory_space<vmem>>
      %dma_wait3A_1453 = tpu.memref_squeeze %dma_wait3A_1452 : memref<1x50x64xf32, #tpu.memory_space<vmem>> -> memref<50x64xf32, #tpu.memory_space<vmem>>
      %dma_wait3A_1454 = arith.constant 0 : i32
      %dma_wait3A_1455 = arith.constant 0 : i32
      %dma_wait3A_1456 = tpu.memref_slice %arg4[%dma_wait3A_1449, %dma_wait3A_1454, %dma_wait3A_1455] : memref<16384x56x128xf32, #tpu.memory_space<hbm>> -> memref<1x50x64xf32, #tpu.memory_space<hbm>>
      %dma_wait3A_1457 = tpu.memref_squeeze %dma_wait3A_1456 : memref<1x50x64xf32, #tpu.memory_space<hbm>> -> memref<50x64xf32, #tpu.memory_space<hbm>>
      %dma_wait3A_1458 = arith.constant 0 : i32
      %dma_wait3A_1459 = arith.constant 0 : i32
      %dma_wait3A_1460 = tpu.memref_slice %arg4[%dma_wait3A_1449, %dma_wait3A_1458, %dma_wait3A_1459] : memref<16384x56x128xf32, #tpu.memory_space<hbm>> -> memref<1x50x64xf32, #tpu.memory_space<hbm>>
      %dma_wait3A_1461 = tpu.memref_squeeze %dma_wait3A_1460 : memref<1x50x64xf32, #tpu.memory_space<hbm>> -> memref<50x64xf32, #tpu.memory_space<hbm>>
      %dma_wait3A_1462 = arith.constant 0 : i32
      %dma_wait3A_1463 = arith.constant 0 : i32
      %dma_wait3A_1464 = tpu.memref_slice %arg6[%dma_wait3A_1448, %dma_wait3A_1462, %dma_wait3A_1463] : memref<2x800x64xf32, #tpu.memory_space<vmem>> -> memref<1x50x64xf32, #tpu.memory_space<vmem>>
      %dma_wait3A_1465 = tpu.memref_squeeze %dma_wait3A_1464 : memref<1x50x64xf32, #tpu.memory_space<vmem>> -> memref<50x64xf32, #tpu.memory_space<vmem>>
      tpu.wait_dma2 semaphore(%arg11 : memref<!tpu.dma_semaphore, #tpu.memory_space<semaphore_mem>>) src(%dma_wait3A_1465 : memref<50x64xf32, #tpu.memory_space<vmem>>) dst(%dma_wait3A_1461 : memref<50x64xf32, #tpu.memory_space<hbm>>)
      %dma_wait3A_1466 = arith.constant 0 : i32
      %dma_wait3A_1467 = arith.constant 0 : i32
      %dma_wait3A_1468 = arith.constant 0 : i32
      %dma_wait3A_1469 = arith.constant 0 : i32
      %dma_wait3A_1470 = tpu.memref_slice %arg6[%dma_wait3A_1466, %dma_wait3A_1468, %dma_wait3A_1469] : memref<2x800x64xf32, #tpu.memory_space<vmem>> -> memref<1x50x64xf32, #tpu.memory_space<vmem>>
      %dma_wait3A_1471 = tpu.memref_squeeze %dma_wait3A_1470 : memref<1x50x64xf32, #tpu.memory_space<vmem>> -> memref<50x64xf32, #tpu.memory_space<vmem>>
      %dma_wait3A_1472 = arith.constant 0 : i32
      %dma_wait3A_1473 = arith.constant 0 : i32
      %dma_wait3A_1474 = tpu.memref_slice %arg4[%dma_wait3A_1467, %dma_wait3A_1472, %dma_wait3A_1473] : memref<16384x56x128xf32, #tpu.memory_space<hbm>> -> memref<1x50x64xf32, #tpu.memory_space<hbm>>
      %dma_wait3A_1475 = tpu.memref_squeeze %dma_wait3A_1474 : memref<1x50x64xf32, #tpu.memory_space<hbm>> -> memref<50x64xf32, #tpu.memory_space<hbm>>
      %dma_wait3A_1476 = arith.constant 0 : i32
      %dma_wait3A_1477 = arith.constant 0 : i32
      %dma_wait3A_1478 = tpu.memref_slice %arg4[%dma_wait3A_1467, %dma_wait3A_1476, %dma_wait3A_1477] : memref<16384x56x128xf32, #tpu.memory_space<hbm>> -> memref<1x50x64xf32, #tpu.memory_space<hbm>>
      %dma_wait3A_1479 = tpu.memref_squeeze %dma_wait3A_1478 : memref<1x50x64xf32, #tpu.memory_space<hbm>> -> memref<50x64xf32, #tpu.memory_space<hbm>>
      %dma_wait3A_1480 = arith.constant 0 : i32
      %dma_wait3A_1481 = arith.constant 0 : i32
      %dma_wait3A_1482 = tpu.memref_slice %arg6[%dma_wait3A_1466, %dma_wait3A_1480, %dma_wait3A_1481] : memref<2x800x64xf32, #tpu.memory_space<vmem>> -> memref<1x50x64xf32, #tpu.memory_space<vmem>>
      %dma_wait3A_1483 = tpu.memref_squeeze %dma_wait3A_1482 : memref<1x50x64xf32, #tpu.memory_space<vmem>> -> memref<50x64xf32, #tpu.memory_space<vmem>>
      tpu.wait_dma2 semaphore(%arg11 : memref<!tpu.dma_semaphore, #tpu.memory_space<semaphore_mem>>) src(%dma_wait3A_1483 : memref<50x64xf32, #tpu.memory_space<vmem>>) dst(%dma_wait3A_1479 : memref<50x64xf32, #tpu.memory_space<hbm>>)
      %dma_wait3A_1484 = arith.constant 0 : i32
      %dma_wait3A_1485 = arith.constant 0 : i32
      %dma_wait3A_1486 = arith.constant 0 : i32
      %dma_wait3A_1487 = arith.constant 0 : i32
      %dma_wait3A_1488 = tpu.memref_slice %arg6[%dma_wait3A_1484, %dma_wait3A_1486, %dma_wait3A_1487] : memref<2x800x64xf32, #tpu.memory_space<vmem>> -> memref<1x50x64xf32, #tpu.memory_space<vmem>>
      %dma_wait3A_1489 = tpu.memref_squeeze %dma_wait3A_1488 : memref<1x50x64xf32, #tpu.memory_space<vmem>> -> memref<50x64xf32, #tpu.memory_space<vmem>>
      %dma_wait3A_1490 = arith.constant 0 : i32
      %dma_wait3A_1491 = arith.constant 0 : i32
      %dma_wait3A_1492 = tpu.memref_slice %arg4[%dma_wait3A_1485, %dma_wait3A_1490, %dma_wait3A_1491] : memref<16384x56x128xf32, #tpu.memory_space<hbm>> -> memref<1x50x64xf32, #tpu.memory_space<hbm>>
      %dma_wait3A_1493 = tpu.memref_squeeze %dma_wait3A_1492 : memref<1x50x64xf32, #tpu.memory_space<hbm>> -> memref<50x64xf32, #tpu.memory_space<hbm>>
      %dma_wait3A_1494 = arith.constant 0 : i32
      %dma_wait3A_1495 = arith.constant 0 : i32
      %dma_wait3A_1496 = tpu.memref_slice %arg4[%dma_wait3A_1485, %dma_wait3A_1494, %dma_wait3A_1495] : memref<16384x56x128xf32, #tpu.memory_space<hbm>> -> memref<1x50x64xf32, #tpu.memory_space<hbm>>
      %dma_wait3A_1497 = tpu.memref_squeeze %dma_wait3A_1496 : memref<1x50x64xf32, #tpu.memory_space<hbm>> -> memref<50x64xf32, #tpu.memory_space<hbm>>
      %dma_wait3A_1498 = arith.constant 0 : i32
      %dma_wait3A_1499 = arith.constant 0 : i32
      %dma_wait3A_1500 = tpu.memref_slice %arg6[%dma_wait3A_1484, %dma_wait3A_1498, %dma_wait3A_1499] : memref<2x800x64xf32, #tpu.memory_space<vmem>> -> memref<1x50x64xf32, #tpu.memory_space<vmem>>
      %dma_wait3A_1501 = tpu.memref_squeeze %dma_wait3A_1500 : memref<1x50x64xf32, #tpu.memory_space<vmem>> -> memref<50x64xf32, #tpu.memory_space<vmem>>
      tpu.wait_dma2 semaphore(%arg11 : memref<!tpu.dma_semaphore, #tpu.memory_space<semaphore_mem>>) src(%dma_wait3A_1501 : memref<50x64xf32, #tpu.memory_space<vmem>>) dst(%dma_wait3A_1497 : memref<50x64xf32, #tpu.memory_space<hbm>>)
      %dma_wait3A_1502 = arith.constant 0 : i32
      %dma_wait3A_1503 = arith.constant 0 : i32
      %dma_wait3A_1504 = arith.constant 0 : i32
      %dma_wait3A_1505 = arith.constant 0 : i32
      %dma_wait3A_1506 = tpu.memref_slice %arg6[%dma_wait3A_1502, %dma_wait3A_1504, %dma_wait3A_1505] : memref<2x800x64xf32, #tpu.memory_space<vmem>> -> memref<1x50x64xf32, #tpu.memory_space<vmem>>
      %dma_wait3A_1507 = tpu.memref_squeeze %dma_wait3A_1506 : memref<1x50x64xf32, #tpu.memory_space<vmem>> -> memref<50x64xf32, #tpu.memory_space<vmem>>
      %dma_wait3A_1508 = arith.constant 0 : i32
      %dma_wait3A_1509 = arith.constant 0 : i32
      %dma_wait3A_1510 = tpu.memref_slice %arg4[%dma_wait3A_1503, %dma_wait3A_1508, %dma_wait3A_1509] : memref<16384x56x128xf32, #tpu.memory_space<hbm>> -> memref<1x50x64xf32, #tpu.memory_space<hbm>>
      %dma_wait3A_1511 = tpu.memref_squeeze %dma_wait3A_1510 : memref<1x50x64xf32, #tpu.memory_space<hbm>> -> memref<50x64xf32, #tpu.memory_space<hbm>>
      %dma_wait3A_1512 = arith.constant 0 : i32
      %dma_wait3A_1513 = arith.constant 0 : i32
      %dma_wait3A_1514 = tpu.memref_slice %arg4[%dma_wait3A_1503, %dma_wait3A_1512, %dma_wait3A_1513] : memref<16384x56x128xf32, #tpu.memory_space<hbm>> -> memref<1x50x64xf32, #tpu.memory_space<hbm>>
      %dma_wait3A_1515 = tpu.memref_squeeze %dma_wait3A_1514 : memref<1x50x64xf32, #tpu.memory_space<hbm>> -> memref<50x64xf32, #tpu.memory_space<hbm>>
      %dma_wait3A_1516 = arith.constant 0 : i32
      %dma_wait3A_1517 = arith.constant 0 : i32
      %dma_wait3A_1518 = tpu.memref_slice %arg6[%dma_wait3A_1502, %dma_wait3A_1516, %dma_wait3A_1517] : memref<2x800x64xf32, #tpu.memory_space<vmem>> -> memref<1x50x64xf32, #tpu.memory_space<vmem>>
      %dma_wait3A_1519 = tpu.memref_squeeze %dma_wait3A_1518 : memref<1x50x64xf32, #tpu.memory_space<vmem>> -> memref<50x64xf32, #tpu.memory_space<vmem>>
      tpu.wait_dma2 semaphore(%arg11 : memref<!tpu.dma_semaphore, #tpu.memory_space<semaphore_mem>>) src(%dma_wait3A_1519 : memref<50x64xf32, #tpu.memory_space<vmem>>) dst(%dma_wait3A_1515 : memref<50x64xf32, #tpu.memory_space<hbm>>)
      %dma_wait3A_1520 = arith.constant 0 : i32
      %dma_wait3A_1521 = arith.constant 0 : i32
      %dma_wait3A_1522 = arith.constant 0 : i32
      %dma_wait3A_1523 = arith.constant 0 : i32
      %dma_wait3A_1524 = tpu.memref_slice %arg6[%dma_wait3A_1520, %dma_wait3A_1522, %dma_wait3A_1523] : memref<2x800x64xf32, #tpu.memory_space<vmem>> -> memref<1x50x64xf32, #tpu.memory_space<vmem>>
      %dma_wait3A_1525 = tpu.memref_squeeze %dma_wait3A_1524 : memref<1x50x64xf32, #tpu.memory_space<vmem>> -> memref<50x64xf32, #tpu.memory_space<vmem>>
      %dma_wait3A_1526 = arith.constant 0 : i32
      %dma_wait3A_1527 = arith.constant 0 : i32
      %dma_wait3A_1528 = tpu.memref_slice %arg4[%dma_wait3A_1521, %dma_wait3A_1526, %dma_wait3A_1527] : memref<16384x56x128xf32, #tpu.memory_space<hbm>> -> memref<1x50x64xf32, #tpu.memory_space<hbm>>
      %dma_wait3A_1529 = tpu.memref_squeeze %dma_wait3A_1528 : memref<1x50x64xf32, #tpu.memory_space<hbm>> -> memref<50x64xf32, #tpu.memory_space<hbm>>
      %dma_wait3A_1530 = arith.constant 0 : i32
      %dma_wait3A_1531 = arith.constant 0 : i32
      %dma_wait3A_1532 = tpu.memref_slice %arg4[%dma_wait3A_1521, %dma_wait3A_1530, %dma_wait3A_1531] : memref<16384x56x128xf32, #tpu.memory_space<hbm>> -> memref<1x50x64xf32, #tpu.memory_space<hbm>>
      %dma_wait3A_1533 = tpu.memref_squeeze %dma_wait3A_1532 : memref<1x50x64xf32, #tpu.memory_space<hbm>> -> memref<50x64xf32, #tpu.memory_space<hbm>>
      %dma_wait3A_1534 = arith.constant 0 : i32
      %dma_wait3A_1535 = arith.constant 0 : i32
      %dma_wait3A_1536 = tpu.memref_slice %arg6[%dma_wait3A_1520, %dma_wait3A_1534, %dma_wait3A_1535] : memref<2x800x64xf32, #tpu.memory_space<vmem>> -> memref<1x50x64xf32, #tpu.memory_space<vmem>>
      %dma_wait3A_1537 = tpu.memref_squeeze %dma_wait3A_1536 : memref<1x50x64xf32, #tpu.memory_space<vmem>> -> memref<50x64xf32, #tpu.memory_space<vmem>>
      tpu.wait_dma2 semaphore(%arg11 : memref<!tpu.dma_semaphore, #tpu.memory_space<semaphore_mem>>) src(%dma_wait3A_1537 : memref<50x64xf32, #tpu.memory_space<vmem>>) dst(%dma_wait3A_1533 : memref<50x64xf32, #tpu.memory_space<hbm>>)
      %dma_wait3A_1538 = arith.constant 0 : i32
      %dma_wait3A_1539 = arith.constant 0 : i32
      %dma_wait3A_1540 = arith.constant 0 : i32
      %dma_wait3A_1541 = arith.constant 0 : i32
      %dma_wait3A_1542 = tpu.memref_slice %arg6[%dma_wait3A_1538, %dma_wait3A_1540, %dma_wait3A_1541] : memref<2x800x64xf32, #tpu.memory_space<vmem>> -> memref<1x50x64xf32, #tpu.memory_space<vmem>>
      %dma_wait3A_1543 = tpu.memref_squeeze %dma_wait3A_1542 : memref<1x50x64xf32, #tpu.memory_space<vmem>> -> memref<50x64xf32, #tpu.memory_space<vmem>>
      %dma_wait3A_1544 = arith.constant 0 : i32
      %dma_wait3A_1545 = arith.constant 0 : i32
      %dma_wait3A_1546 = tpu.memref_slice %arg4[%dma_wait3A_1539, %dma_wait3A_1544, %dma_wait3A_1545] : memref<16384x56x128xf32, #tpu.memory_space<hbm>> -> memref<1x50x64xf32, #tpu.memory_space<hbm>>
      %dma_wait3A_1547 = tpu.memref_squeeze %dma_wait3A_1546 : memref<1x50x64xf32, #tpu.memory_space<hbm>> -> memref<50x64xf32, #tpu.memory_space<hbm>>
      %dma_wait3A_1548 = arith.constant 0 : i32
      %dma_wait3A_1549 = arith.constant 0 : i32
      %dma_wait3A_1550 = tpu.memref_slice %arg4[%dma_wait3A_1539, %dma_wait3A_1548, %dma_wait3A_1549] : memref<16384x56x128xf32, #tpu.memory_space<hbm>> -> memref<1x50x64xf32, #tpu.memory_space<hbm>>
      %dma_wait3A_1551 = tpu.memref_squeeze %dma_wait3A_1550 : memref<1x50x64xf32, #tpu.memory_space<hbm>> -> memref<50x64xf32, #tpu.memory_space<hbm>>
      %dma_wait3A_1552 = arith.constant 0 : i32
      %dma_wait3A_1553 = arith.constant 0 : i32
      %dma_wait3A_1554 = tpu.memref_slice %arg6[%dma_wait3A_1538, %dma_wait3A_1552, %dma_wait3A_1553] : memref<2x800x64xf32, #tpu.memory_space<vmem>> -> memref<1x50x64xf32, #tpu.memory_space<vmem>>
      %dma_wait3A_1555 = tpu.memref_squeeze %dma_wait3A_1554 : memref<1x50x64xf32, #tpu.memory_space<vmem>> -> memref<50x64xf32, #tpu.memory_space<vmem>>
      tpu.wait_dma2 semaphore(%arg11 : memref<!tpu.dma_semaphore, #tpu.memory_space<semaphore_mem>>) src(%dma_wait3A_1555 : memref<50x64xf32, #tpu.memory_space<vmem>>) dst(%dma_wait3A_1551 : memref<50x64xf32, #tpu.memory_space<hbm>>)
      %dma_wait3A_1556 = arith.constant 0 : i32
      %dma_wait3A_1557 = arith.constant 0 : i32
      %dma_wait3A_1558 = arith.constant 0 : i32
      %dma_wait3A_1559 = arith.constant 0 : i32
      %dma_wait3A_1560 = tpu.memref_slice %arg6[%dma_wait3A_1556, %dma_wait3A_1558, %dma_wait3A_1559] : memref<2x800x64xf32, #tpu.memory_space<vmem>> -> memref<1x50x64xf32, #tpu.memory_space<vmem>>
      %dma_wait3A_1561 = tpu.memref_squeeze %dma_wait3A_1560 : memref<1x50x64xf32, #tpu.memory_space<vmem>> -> memref<50x64xf32, #tpu.memory_space<vmem>>
      %dma_wait3A_1562 = arith.constant 0 : i32
      %dma_wait3A_1563 = arith.constant 0 : i32
      %dma_wait3A_1564 = tpu.memref_slice %arg4[%dma_wait3A_1557, %dma_wait3A_1562, %dma_wait3A_1563] : memref<16384x56x128xf32, #tpu.memory_space<hbm>> -> memref<1x50x64xf32, #tpu.memory_space<hbm>>
      %dma_wait3A_1565 = tpu.memref_squeeze %dma_wait3A_1564 : memref<1x50x64xf32, #tpu.memory_space<hbm>> -> memref<50x64xf32, #tpu.memory_space<hbm>>
      %dma_wait3A_1566 = arith.constant 0 : i32
      %dma_wait3A_1567 = arith.constant 0 : i32
      %dma_wait3A_1568 = tpu.memref_slice %arg4[%dma_wait3A_1557, %dma_wait3A_1566, %dma_wait3A_1567] : memref<16384x56x128xf32, #tpu.memory_space<hbm>> -> memref<1x50x64xf32, #tpu.memory_space<hbm>>
      %dma_wait3A_1569 = tpu.memref_squeeze %dma_wait3A_1568 : memref<1x50x64xf32, #tpu.memory_space<hbm>> -> memref<50x64xf32, #tpu.memory_space<hbm>>
      %dma_wait3A_1570 = arith.constant 0 : i32
      %dma_wait3A_1571 = arith.constant 0 : i32
      %dma_wait3A_1572 = tpu.memref_slice %arg6[%dma_wait3A_1556, %dma_wait3A_1570, %dma_wait3A_1571] : memref<2x800x64xf32, #tpu.memory_space<vmem>> -> memref<1x50x64xf32, #tpu.memory_space<vmem>>
      %dma_wait3A_1573 = tpu.memref_squeeze %dma_wait3A_1572 : memref<1x50x64xf32, #tpu.memory_space<vmem>> -> memref<50x64xf32, #tpu.memory_space<vmem>>
      tpu.wait_dma2 semaphore(%arg11 : memref<!tpu.dma_semaphore, #tpu.memory_space<semaphore_mem>>) src(%dma_wait3A_1573 : memref<50x64xf32, #tpu.memory_space<vmem>>) dst(%dma_wait3A_1569 : memref<50x64xf32, #tpu.memory_space<hbm>>)
      %dma_wait3A_1574 = arith.constant 0 : i32
      %dma_wait3A_1575 = arith.constant 0 : i32
      %dma_wait3A_1576 = arith.constant 0 : i32
      %dma_wait3A_1577 = arith.constant 0 : i32
      %dma_wait3A_1578 = tpu.memref_slice %arg6[%dma_wait3A_1574, %dma_wait3A_1576, %dma_wait3A_1577] : memref<2x800x64xf32, #tpu.memory_space<vmem>> -> memref<1x50x64xf32, #tpu.memory_space<vmem>>
      %dma_wait3A_1579 = tpu.memref_squeeze %dma_wait3A_1578 : memref<1x50x64xf32, #tpu.memory_space<vmem>> -> memref<50x64xf32, #tpu.memory_space<vmem>>
      %dma_wait3A_1580 = arith.constant 0 : i32
      %dma_wait3A_1581 = arith.constant 0 : i32
      %dma_wait3A_1582 = tpu.memref_slice %arg4[%dma_wait3A_1575, %dma_wait3A_1580, %dma_wait3A_1581] : memref<16384x56x128xf32, #tpu.memory_space<hbm>> -> memref<1x50x64xf32, #tpu.memory_space<hbm>>
      %dma_wait3A_1583 = tpu.memref_squeeze %dma_wait3A_1582 : memref<1x50x64xf32, #tpu.memory_space<hbm>> -> memref<50x64xf32, #tpu.memory_space<hbm>>
      %dma_wait3A_1584 = arith.constant 0 : i32
      %dma_wait3A_1585 = arith.constant 0 : i32
      %dma_wait3A_1586 = tpu.memref_slice %arg4[%dma_wait3A_1575, %dma_wait3A_1584, %dma_wait3A_1585] : memref<16384x56x128xf32, #tpu.memory_space<hbm>> -> memref<1x50x64xf32, #tpu.memory_space<hbm>>
      %dma_wait3A_1587 = tpu.memref_squeeze %dma_wait3A_1586 : memref<1x50x64xf32, #tpu.memory_space<hbm>> -> memref<50x64xf32, #tpu.memory_space<hbm>>
      %dma_wait3A_1588 = arith.constant 0 : i32
      %dma_wait3A_1589 = arith.constant 0 : i32
      %dma_wait3A_1590 = tpu.memref_slice %arg6[%dma_wait3A_1574, %dma_wait3A_1588, %dma_wait3A_1589] : memref<2x800x64xf32, #tpu.memory_space<vmem>> -> memref<1x50x64xf32, #tpu.memory_space<vmem>>
      %dma_wait3A_1591 = tpu.memref_squeeze %dma_wait3A_1590 : memref<1x50x64xf32, #tpu.memory_space<vmem>> -> memref<50x64xf32, #tpu.memory_space<vmem>>
      tpu.wait_dma2 semaphore(%arg11 : memref<!tpu.dma_semaphore, #tpu.memory_space<semaphore_mem>>) src(%dma_wait3A_1591 : memref<50x64xf32, #tpu.memory_space<vmem>>) dst(%dma_wait3A_1587 : memref<50x64xf32, #tpu.memory_space<hbm>>)
      %dma_wait3A_1592 = arith.constant 0 : i32
      %dma_wait3A_1593 = arith.constant 0 : i32
      %dma_wait3A_1594 = arith.constant 0 : i32
      %dma_wait3A_1595 = arith.constant 0 : i32
      %dma_wait3A_1596 = tpu.memref_slice %arg6[%dma_wait3A_1592, %dma_wait3A_1594, %dma_wait3A_1595] : memref<2x800x64xf32, #tpu.memory_space<vmem>> -> memref<1x50x64xf32, #tpu.memory_space<vmem>>
      %dma_wait3A_1597 = tpu.memref_squeeze %dma_wait3A_1596 : memref<1x50x64xf32, #tpu.memory_space<vmem>> -> memref<50x64xf32, #tpu.memory_space<vmem>>
      %dma_wait3A_1598 = arith.constant 0 : i32
      %dma_wait3A_1599 = arith.constant 0 : i32
      %dma_wait3A_1600 = tpu.memref_slice %arg4[%dma_wait3A_1593, %dma_wait3A_1598, %dma_wait3A_1599] : memref<16384x56x128xf32, #tpu.memory_space<hbm>> -> memref<1x50x64xf32, #tpu.memory_space<hbm>>
      %dma_wait3A_1601 = tpu.memref_squeeze %dma_wait3A_1600 : memref<1x50x64xf32, #tpu.memory_space<hbm>> -> memref<50x64xf32, #tpu.memory_space<hbm>>
      %dma_wait3A_1602 = arith.constant 0 : i32
      %dma_wait3A_1603 = arith.constant 0 : i32
      %dma_wait3A_1604 = tpu.memref_slice %arg4[%dma_wait3A_1593, %dma_wait3A_1602, %dma_wait3A_1603] : memref<16384x56x128xf32, #tpu.memory_space<hbm>> -> memref<1x50x64xf32, #tpu.memory_space<hbm>>
      %dma_wait3A_1605 = tpu.memref_squeeze %dma_wait3A_1604 : memref<1x50x64xf32, #tpu.memory_space<hbm>> -> memref<50x64xf32, #tpu.memory_space<hbm>>
      %dma_wait3A_1606 = arith.constant 0 : i32
      %dma_wait3A_1607 = arith.constant 0 : i32
      %dma_wait3A_1608 = tpu.memref_slice %arg6[%dma_wait3A_1592, %dma_wait3A_1606, %dma_wait3A_1607] : memref<2x800x64xf32, #tpu.memory_space<vmem>> -> memref<1x50x64xf32, #tpu.memory_space<vmem>>
      %dma_wait3A_1609 = tpu.memref_squeeze %dma_wait3A_1608 : memref<1x50x64xf32, #tpu.memory_space<vmem>> -> memref<50x64xf32, #tpu.memory_space<vmem>>
      tpu.wait_dma2 semaphore(%arg11 : memref<!tpu.dma_semaphore, #tpu.memory_space<semaphore_mem>>) src(%dma_wait3A_1609 : memref<50x64xf32, #tpu.memory_space<vmem>>) dst(%dma_wait3A_1605 : memref<50x64xf32, #tpu.memory_space<hbm>>)
      %dma_wait3A_1610 = arith.constant 0 : i32
      %dma_wait3A_1611 = arith.constant 0 : i32
      %dma_wait3A_1612 = arith.constant 0 : i32
      %dma_wait3A_1613 = arith.constant 0 : i32
      %dma_wait3A_1614 = tpu.memref_slice %arg6[%dma_wait3A_1610, %dma_wait3A_1612, %dma_wait3A_1613] : memref<2x800x64xf32, #tpu.memory_space<vmem>> -> memref<1x50x64xf32, #tpu.memory_space<vmem>>
      %dma_wait3A_1615 = tpu.memref_squeeze %dma_wait3A_1614 : memref<1x50x64xf32, #tpu.memory_space<vmem>> -> memref<50x64xf32, #tpu.memory_space<vmem>>
      %dma_wait3A_1616 = arith.constant 0 : i32
      %dma_wait3A_1617 = arith.constant 0 : i32
      %dma_wait3A_1618 = tpu.memref_slice %arg4[%dma_wait3A_1611, %dma_wait3A_1616, %dma_wait3A_1617] : memref<16384x56x128xf32, #tpu.memory_space<hbm>> -> memref<1x50x64xf32, #tpu.memory_space<hbm>>
      %dma_wait3A_1619 = tpu.memref_squeeze %dma_wait3A_1618 : memref<1x50x64xf32, #tpu.memory_space<hbm>> -> memref<50x64xf32, #tpu.memory_space<hbm>>
      %dma_wait3A_1620 = arith.constant 0 : i32
      %dma_wait3A_1621 = arith.constant 0 : i32
      %dma_wait3A_1622 = tpu.memref_slice %arg4[%dma_wait3A_1611, %dma_wait3A_1620, %dma_wait3A_1621] : memref<16384x56x128xf32, #tpu.memory_space<hbm>> -> memref<1x50x64xf32, #tpu.memory_space<hbm>>
      %dma_wait3A_1623 = tpu.memref_squeeze %dma_wait3A_1622 : memref<1x50x64xf32, #tpu.memory_space<hbm>> -> memref<50x64xf32, #tpu.memory_space<hbm>>
      %dma_wait3A_1624 = arith.constant 0 : i32
      %dma_wait3A_1625 = arith.constant 0 : i32
      %dma_wait3A_1626 = tpu.memref_slice %arg6[%dma_wait3A_1610, %dma_wait3A_1624, %dma_wait3A_1625] : memref<2x800x64xf32, #tpu.memory_space<vmem>> -> memref<1x50x64xf32, #tpu.memory_space<vmem>>
      %dma_wait3A_1627 = tpu.memref_squeeze %dma_wait3A_1626 : memref<1x50x64xf32, #tpu.memory_space<vmem>> -> memref<50x64xf32, #tpu.memory_space<vmem>>
      tpu.wait_dma2 semaphore(%arg11 : memref<!tpu.dma_semaphore, #tpu.memory_space<semaphore_mem>>) src(%dma_wait3A_1627 : memref<50x64xf32, #tpu.memory_space<vmem>>) dst(%dma_wait3A_1623 : memref<50x64xf32, #tpu.memory_space<hbm>>)
      %dma_wait3A_1628 = arith.constant 0 : i32
      %dma_wait3A_1629 = arith.constant 0 : i32
      %dma_wait3A_1630 = arith.constant 0 : i32
      %dma_wait3A_1631 = arith.constant 0 : i32
      %dma_wait3A_1632 = tpu.memref_slice %arg6[%dma_wait3A_1628, %dma_wait3A_1630, %dma_wait3A_1631] : memref<2x800x64xf32, #tpu.memory_space<vmem>> -> memref<1x50x64xf32, #tpu.memory_space<vmem>>
      %dma_wait3A_1633 = tpu.memref_squeeze %dma_wait3A_1632 : memref<1x50x64xf32, #tpu.memory_space<vmem>> -> memref<50x64xf32, #tpu.memory_space<vmem>>
      %dma_wait3A_1634 = arith.constant 0 : i32
      %dma_wait3A_1635 = arith.constant 0 : i32
      %dma_wait3A_1636 = tpu.memref_slice %arg4[%dma_wait3A_1629, %dma_wait3A_1634, %dma_wait3A_1635] : memref<16384x56x128xf32, #tpu.memory_space<hbm>> -> memref<1x50x64xf32, #tpu.memory_space<hbm>>
      %dma_wait3A_1637 = tpu.memref_squeeze %dma_wait3A_1636 : memref<1x50x64xf32, #tpu.memory_space<hbm>> -> memref<50x64xf32, #tpu.memory_space<hbm>>
      %dma_wait3A_1638 = arith.constant 0 : i32
      %dma_wait3A_1639 = arith.constant 0 : i32
      %dma_wait3A_1640 = tpu.memref_slice %arg4[%dma_wait3A_1629, %dma_wait3A_1638, %dma_wait3A_1639] : memref<16384x56x128xf32, #tpu.memory_space<hbm>> -> memref<1x50x64xf32, #tpu.memory_space<hbm>>
      %dma_wait3A_1641 = tpu.memref_squeeze %dma_wait3A_1640 : memref<1x50x64xf32, #tpu.memory_space<hbm>> -> memref<50x64xf32, #tpu.memory_space<hbm>>
      %dma_wait3A_1642 = arith.constant 0 : i32
      %dma_wait3A_1643 = arith.constant 0 : i32
      %dma_wait3A_1644 = tpu.memref_slice %arg6[%dma_wait3A_1628, %dma_wait3A_1642, %dma_wait3A_1643] : memref<2x800x64xf32, #tpu.memory_space<vmem>> -> memref<1x50x64xf32, #tpu.memory_space<vmem>>
      %dma_wait3A_1645 = tpu.memref_squeeze %dma_wait3A_1644 : memref<1x50x64xf32, #tpu.memory_space<vmem>> -> memref<50x64xf32, #tpu.memory_space<vmem>>
      tpu.wait_dma2 semaphore(%arg11 : memref<!tpu.dma_semaphore, #tpu.memory_space<semaphore_mem>>) src(%dma_wait3A_1645 : memref<50x64xf32, #tpu.memory_space<vmem>>) dst(%dma_wait3A_1641 : memref<50x64xf32, #tpu.memory_space<hbm>>)
      %dma_start3A_1646 = arith.constant 0 : i32
      %dma_start3A_1647 = arith.constant 0 : i32
      %dma_start3A_1648 = arith.constant 0 : i32
      %dma_start3A_1649 = arith.constant 0 : i32
      %dma_start3A_1650 = tpu.memref_slice %arg6[%dma_start3A_1647, %dma_start3A_1648, %dma_start3A_1649] : memref<2x800x64xf32, #tpu.memory_space<vmem>> -> memref<1x800x64xf32, #tpu.memory_space<vmem>>
      %dma_start3A_1651 = tpu.memref_squeeze %dma_start3A_1650 : memref<1x800x64xf32, #tpu.memory_space<vmem>> -> memref<800x64xf32, #tpu.memory_space<vmem>>
      %dma_start3A_1652 = arith.constant 0 : i32
      %dma_start3A_1653 = tpu.memref_slice %arg5[%dma_start3A_1646, %dma_start3A_1652] : memref<2x800xi32, #tpu.memory_space<vmem>> -> memref<1x800xi32, #tpu.memory_space<vmem>>
      %dma_start3A_1654 = tpu.memref_squeeze %dma_start3A_1653 : memref<1x800xi32, #tpu.memory_space<vmem>> -> memref<800xi32, #tpu.memory_space<vmem>>
      %dma_start3A_1655 = arith.constant 0 : i32
      %dma_start3A_1656 = arith.constant 0 : i32
      %dma_start3A_1657 = tpu.memref_slice %arg2[%dma_start3A_1655, %dma_start3A_1656] : memref<1000000x64xf32, #tpu.memory_space<hbm>> -> memref<1000000x64xf32, #tpu.memory_space<hbm>>
      tpu.enqueue_indirect_dma source(%dma_start3A_1657 : memref<1000000x64xf32, #tpu.memory_space<hbm>>) target(%dma_start3A_1651 : memref<800x64xf32, #tpu.memory_space<vmem>>) offsets(%dma_start3A_1654 : memref<800xi32, #tpu.memory_space<vmem>>) semaphore(%arg9 : memref<!tpu.dma_semaphore, #tpu.memory_space<semaphore_mem>>)
      %mul3A_1658 = arith.constant 16 : i32
      %mul3A_1659 = arith.muli %add3A_1331, %mul3A_1658 : i32
      %add3A_1660 = arith.addi %mul3A_2, %mul3A_1659 : i32
      %add3A_1661 = arith.constant 0 : i32
      %add3A_1662 = arith.addi %add3A_1660, %add3A_1661 : i32
      %dma_start3A_1663 = arith.constant 1 : i32
      %dma_start3A_1664 = arith.constant 0 : i32
      %dma_start3A_1665 = arith.constant 0 : i32
      %dma_start3A_1666 = tpu.memref_slice %arg6[%dma_start3A_1663, %dma_start3A_1664, %dma_start3A_1665] : memref<2x800x64xf32, #tpu.memory_space<vmem>> -> memref<1x50x64xf32, #tpu.memory_space<vmem>>
      %dma_start3A_1667 = tpu.memref_squeeze %dma_start3A_1666 : memref<1x50x64xf32, #tpu.memory_space<vmem>> -> memref<50x64xf32, #tpu.memory_space<vmem>>
      %dma_start3A_1668 = arith.constant 0 : i32
      %dma_start3A_1669 = arith.constant 0 : i32
      %dma_start3A_1670 = tpu.memref_slice %arg4[%add3A_1662, %dma_start3A_1668, %dma_start3A_1669] : memref<16384x56x128xf32, #tpu.memory_space<hbm>> -> memref<1x50x64xf32, #tpu.memory_space<hbm>>
      %dma_start3A_1671 = tpu.memref_squeeze %dma_start3A_1670 : memref<1x50x64xf32, #tpu.memory_space<hbm>> -> memref<50x64xf32, #tpu.memory_space<hbm>>
      %dma_start3A_1672 = arith.constant 0 : i32
      %dma_start3A_1673 = arith.constant 0 : i32
      %dma_start3A_1674 = tpu.memref_slice %arg4[%add3A_1662, %dma_start3A_1672, %dma_start3A_1673] : memref<16384x56x128xf32, #tpu.memory_space<hbm>> -> memref<1x50x64xf32, #tpu.memory_space<hbm>>
      %dma_start3A_1675 = tpu.memref_squeeze %dma_start3A_1674 : memref<1x50x64xf32, #tpu.memory_space<hbm>> -> memref<50x64xf32, #tpu.memory_space<hbm>>
      %dma_start3A_1676 = arith.constant 0 : i32
      %dma_start3A_1677 = arith.constant 0 : i32
      %dma_start3A_1678 = tpu.memref_slice %arg6[%dma_start3A_1663, %dma_start3A_1676, %dma_start3A_1677] : memref<2x800x64xf32, #tpu.memory_space<vmem>> -> memref<1x50x64xf32, #tpu.memory_space<vmem>>
      %dma_start3A_1679 = tpu.memref_squeeze %dma_start3A_1678 : memref<1x50x64xf32, #tpu.memory_space<vmem>> -> memref<50x64xf32, #tpu.memory_space<vmem>>
      tpu.enqueue_dma source(%dma_start3A_1679 : memref<50x64xf32, #tpu.memory_space<vmem>>) target(%dma_start3A_1675 : memref<50x64xf32, #tpu.memory_space<hbm>>) target_semaphore(%arg12 : memref<!tpu.dma_semaphore, #tpu.memory_space<semaphore_mem>>)
      %add3A_1680 = arith.constant 1 : i32
      %add3A_1681 = arith.addi %add3A_1660, %add3A_1680 : i32
      %dma_start3A_1682 = arith.constant 1 : i32
      %dma_start3A_1683 = arith.constant 50 : i32
      %dma_start3A_1684 = arith.constant 0 : i32
      %dma_start3A_1685 = tpu.memref_slice %arg6[%dma_start3A_1682, %dma_start3A_1683, %dma_start3A_1684] : memref<2x800x64xf32, #tpu.memory_space<vmem>> -> memref<1x50x64xf32, #tpu.memory_space<vmem>>
      %dma_start3A_1686 = tpu.memref_squeeze %dma_start3A_1685 : memref<1x50x64xf32, #tpu.memory_space<vmem>> -> memref<50x64xf32, #tpu.memory_space<vmem>>
      %dma_start3A_1687 = arith.constant 0 : i32
      %dma_start3A_1688 = arith.constant 0 : i32
      %dma_start3A_1689 = tpu.memref_slice %arg4[%add3A_1681, %dma_start3A_1687, %dma_start3A_1688] : memref<16384x56x128xf32, #tpu.memory_space<hbm>> -> memref<1x50x64xf32, #tpu.memory_space<hbm>>
      %dma_start3A_1690 = tpu.memref_squeeze %dma_start3A_1689 : memref<1x50x64xf32, #tpu.memory_space<hbm>> -> memref<50x64xf32, #tpu.memory_space<hbm>>
      %dma_start3A_1691 = arith.constant 0 : i32
      %dma_start3A_1692 = arith.constant 0 : i32
      %dma_start3A_1693 = tpu.memref_slice %arg4[%add3A_1681, %dma_start3A_1691, %dma_start3A_1692] : memref<16384x56x128xf32, #tpu.memory_space<hbm>> -> memref<1x50x64xf32, #tpu.memory_space<hbm>>
      %dma_start3A_1694 = tpu.memref_squeeze %dma_start3A_1693 : memref<1x50x64xf32, #tpu.memory_space<hbm>> -> memref<50x64xf32, #tpu.memory_space<hbm>>
      %dma_start3A_1695 = arith.constant 50 : i32
      %dma_start3A_1696 = arith.constant 0 : i32
      %dma_start3A_1697 = tpu.memref_slice %arg6[%dma_start3A_1682, %dma_start3A_1695, %dma_start3A_1696] : memref<2x800x64xf32, #tpu.memory_space<vmem>> -> memref<1x50x64xf32, #tpu.memory_space<vmem>>
      %dma_start3A_1698 = tpu.memref_squeeze %dma_start3A_1697 : memref<1x50x64xf32, #tpu.memory_space<vmem>> -> memref<50x64xf32, #tpu.memory_space<vmem>>
      tpu.enqueue_dma source(%dma_start3A_1698 : memref<50x64xf32, #tpu.memory_space<vmem>>) target(%dma_start3A_1694 : memref<50x64xf32, #tpu.memory_space<hbm>>) target_semaphore(%arg12 : memref<!tpu.dma_semaphore, #tpu.memory_space<semaphore_mem>>)
      %add3A_1699 = arith.constant 2 : i32
      %add3A_1700 = arith.addi %add3A_1660, %add3A_1699 : i32
      %dma_start3A_1701 = arith.constant 1 : i32
      %dma_start3A_1702 = arith.constant 100 : i32
      %dma_start3A_1703 = arith.constant 0 : i32
      %dma_start3A_1704 = tpu.memref_slice %arg6[%dma_start3A_1701, %dma_start3A_1702, %dma_start3A_1703] : memref<2x800x64xf32, #tpu.memory_space<vmem>> -> memref<1x50x64xf32, #tpu.memory_space<vmem>>
      %dma_start3A_1705 = tpu.memref_squeeze %dma_start3A_1704 : memref<1x50x64xf32, #tpu.memory_space<vmem>> -> memref<50x64xf32, #tpu.memory_space<vmem>>
      %dma_start3A_1706 = arith.constant 0 : i32
      %dma_start3A_1707 = arith.constant 0 : i32
      %dma_start3A_1708 = tpu.memref_slice %arg4[%add3A_1700, %dma_start3A_1706, %dma_start3A_1707] : memref<16384x56x128xf32, #tpu.memory_space<hbm>> -> memref<1x50x64xf32, #tpu.memory_space<hbm>>
      %dma_start3A_1709 = tpu.memref_squeeze %dma_start3A_1708 : memref<1x50x64xf32, #tpu.memory_space<hbm>> -> memref<50x64xf32, #tpu.memory_space<hbm>>
      %dma_start3A_1710 = arith.constant 0 : i32
      %dma_start3A_1711 = arith.constant 0 : i32
      %dma_start3A_1712 = tpu.memref_slice %arg4[%add3A_1700, %dma_start3A_1710, %dma_start3A_1711] : memref<16384x56x128xf32, #tpu.memory_space<hbm>> -> memref<1x50x64xf32, #tpu.memory_space<hbm>>
      %dma_start3A_1713 = tpu.memref_squeeze %dma_start3A_1712 : memref<1x50x64xf32, #tpu.memory_space<hbm>> -> memref<50x64xf32, #tpu.memory_space<hbm>>
      %dma_start3A_1714 = arith.constant 100 : i32
      %dma_start3A_1715 = arith.constant 0 : i32
      %dma_start3A_1716 = tpu.memref_slice %arg6[%dma_start3A_1701, %dma_start3A_1714, %dma_start3A_1715] : memref<2x800x64xf32, #tpu.memory_space<vmem>> -> memref<1x50x64xf32, #tpu.memory_space<vmem>>
      %dma_start3A_1717 = tpu.memref_squeeze %dma_start3A_1716 : memref<1x50x64xf32, #tpu.memory_space<vmem>> -> memref<50x64xf32, #tpu.memory_space<vmem>>
      tpu.enqueue_dma source(%dma_start3A_1717 : memref<50x64xf32, #tpu.memory_space<vmem>>) target(%dma_start3A_1713 : memref<50x64xf32, #tpu.memory_space<hbm>>) target_semaphore(%arg12 : memref<!tpu.dma_semaphore, #tpu.memory_space<semaphore_mem>>)
      %add3A_1718 = arith.constant 3 : i32
      %add3A_1719 = arith.addi %add3A_1660, %add3A_1718 : i32
      %dma_start3A_1720 = arith.constant 1 : i32
      %dma_start3A_1721 = arith.constant 150 : i32
      %dma_start3A_1722 = arith.constant 0 : i32
      %dma_start3A_1723 = tpu.memref_slice %arg6[%dma_start3A_1720, %dma_start3A_1721, %dma_start3A_1722] : memref<2x800x64xf32, #tpu.memory_space<vmem>> -> memref<1x50x64xf32, #tpu.memory_space<vmem>>
      %dma_start3A_1724 = tpu.memref_squeeze %dma_start3A_1723 : memref<1x50x64xf32, #tpu.memory_space<vmem>> -> memref<50x64xf32, #tpu.memory_space<vmem>>
      %dma_start3A_1725 = arith.constant 0 : i32
      %dma_start3A_1726 = arith.constant 0 : i32
      %dma_start3A_1727 = tpu.memref_slice %arg4[%add3A_1719, %dma_start3A_1725, %dma_start3A_1726] : memref<16384x56x128xf32, #tpu.memory_space<hbm>> -> memref<1x50x64xf32, #tpu.memory_space<hbm>>
      %dma_start3A_1728 = tpu.memref_squeeze %dma_start3A_1727 : memref<1x50x64xf32, #tpu.memory_space<hbm>> -> memref<50x64xf32, #tpu.memory_space<hbm>>
      %dma_start3A_1729 = arith.constant 0 : i32
      %dma_start3A_1730 = arith.constant 0 : i32
      %dma_start3A_1731 = tpu.memref_slice %arg4[%add3A_1719, %dma_start3A_1729, %dma_start3A_1730] : memref<16384x56x128xf32, #tpu.memory_space<hbm>> -> memref<1x50x64xf32, #tpu.memory_space<hbm>>
      %dma_start3A_1732 = tpu.memref_squeeze %dma_start3A_1731 : memref<1x50x64xf32, #tpu.memory_space<hbm>> -> memref<50x64xf32, #tpu.memory_space<hbm>>
      %dma_start3A_1733 = arith.constant 150 : i32
      %dma_start3A_1734 = arith.constant 0 : i32
      %dma_start3A_1735 = tpu.memref_slice %arg6[%dma_start3A_1720, %dma_start3A_1733, %dma_start3A_1734] : memref<2x800x64xf32, #tpu.memory_space<vmem>> -> memref<1x50x64xf32, #tpu.memory_space<vmem>>
      %dma_start3A_1736 = tpu.memref_squeeze %dma_start3A_1735 : memref<1x50x64xf32, #tpu.memory_space<vmem>> -> memref<50x64xf32, #tpu.memory_space<vmem>>
      tpu.enqueue_dma source(%dma_start3A_1736 : memref<50x64xf32, #tpu.memory_space<vmem>>) target(%dma_start3A_1732 : memref<50x64xf32, #tpu.memory_space<hbm>>) target_semaphore(%arg12 : memref<!tpu.dma_semaphore, #tpu.memory_space<semaphore_mem>>)
      %add3A_1737 = arith.constant 4 : i32
      %add3A_1738 = arith.addi %add3A_1660, %add3A_1737 : i32
      %dma_start3A_1739 = arith.constant 1 : i32
      %dma_start3A_1740 = arith.constant 200 : i32
      %dma_start3A_1741 = arith.constant 0 : i32
      %dma_start3A_1742 = tpu.memref_slice %arg6[%dma_start3A_1739, %dma_start3A_1740, %dma_start3A_1741] : memref<2x800x64xf32, #tpu.memory_space<vmem>> -> memref<1x50x64xf32, #tpu.memory_space<vmem>>
      %dma_start3A_1743 = tpu.memref_squeeze %dma_start3A_1742 : memref<1x50x64xf32, #tpu.memory_space<vmem>> -> memref<50x64xf32, #tpu.memory_space<vmem>>
      %dma_start3A_1744 = arith.constant 0 : i32
      %dma_start3A_1745 = arith.constant 0 : i32
      %dma_start3A_1746 = tpu.memref_slice %arg4[%add3A_1738, %dma_start3A_1744, %dma_start3A_1745] : memref<16384x56x128xf32, #tpu.memory_space<hbm>> -> memref<1x50x64xf32, #tpu.memory_space<hbm>>
      %dma_start3A_1747 = tpu.memref_squeeze %dma_start3A_1746 : memref<1x50x64xf32, #tpu.memory_space<hbm>> -> memref<50x64xf32, #tpu.memory_space<hbm>>
      %dma_start3A_1748 = arith.constant 0 : i32
      %dma_start3A_1749 = arith.constant 0 : i32
      %dma_start3A_1750 = tpu.memref_slice %arg4[%add3A_1738, %dma_start3A_1748, %dma_start3A_1749] : memref<16384x56x128xf32, #tpu.memory_space<hbm>> -> memref<1x50x64xf32, #tpu.memory_space<hbm>>
      %dma_start3A_1751 = tpu.memref_squeeze %dma_start3A_1750 : memref<1x50x64xf32, #tpu.memory_space<hbm>> -> memref<50x64xf32, #tpu.memory_space<hbm>>
      %dma_start3A_1752 = arith.constant 200 : i32
      %dma_start3A_1753 = arith.constant 0 : i32
      %dma_start3A_1754 = tpu.memref_slice %arg6[%dma_start3A_1739, %dma_start3A_1752, %dma_start3A_1753] : memref<2x800x64xf32, #tpu.memory_space<vmem>> -> memref<1x50x64xf32, #tpu.memory_space<vmem>>
      %dma_start3A_1755 = tpu.memref_squeeze %dma_start3A_1754 : memref<1x50x64xf32, #tpu.memory_space<vmem>> -> memref<50x64xf32, #tpu.memory_space<vmem>>
      tpu.enqueue_dma source(%dma_start3A_1755 : memref<50x64xf32, #tpu.memory_space<vmem>>) target(%dma_start3A_1751 : memref<50x64xf32, #tpu.memory_space<hbm>>) target_semaphore(%arg12 : memref<!tpu.dma_semaphore, #tpu.memory_space<semaphore_mem>>)
      %add3A_1756 = arith.constant 5 : i32
      %add3A_1757 = arith.addi %add3A_1660, %add3A_1756 : i32
      %dma_start3A_1758 = arith.constant 1 : i32
      %dma_start3A_1759 = arith.constant 250 : i32
      %dma_start3A_1760 = arith.constant 0 : i32
      %dma_start3A_1761 = tpu.memref_slice %arg6[%dma_start3A_1758, %dma_start3A_1759, %dma_start3A_1760] : memref<2x800x64xf32, #tpu.memory_space<vmem>> -> memref<1x50x64xf32, #tpu.memory_space<vmem>>
      %dma_start3A_1762 = tpu.memref_squeeze %dma_start3A_1761 : memref<1x50x64xf32, #tpu.memory_space<vmem>> -> memref<50x64xf32, #tpu.memory_space<vmem>>
      %dma_start3A_1763 = arith.constant 0 : i32
      %dma_start3A_1764 = arith.constant 0 : i32
      %dma_start3A_1765 = tpu.memref_slice %arg4[%add3A_1757, %dma_start3A_1763, %dma_start3A_1764] : memref<16384x56x128xf32, #tpu.memory_space<hbm>> -> memref<1x50x64xf32, #tpu.memory_space<hbm>>
      %dma_start3A_1766 = tpu.memref_squeeze %dma_start3A_1765 : memref<1x50x64xf32, #tpu.memory_space<hbm>> -> memref<50x64xf32, #tpu.memory_space<hbm>>
      %dma_start3A_1767 = arith.constant 0 : i32
      %dma_start3A_1768 = arith.constant 0 : i32
      %dma_start3A_1769 = tpu.memref_slice %arg4[%add3A_1757, %dma_start3A_1767, %dma_start3A_1768] : memref<16384x56x128xf32, #tpu.memory_space<hbm>> -> memref<1x50x64xf32, #tpu.memory_space<hbm>>
      %dma_start3A_1770 = tpu.memref_squeeze %dma_start3A_1769 : memref<1x50x64xf32, #tpu.memory_space<hbm>> -> memref<50x64xf32, #tpu.memory_space<hbm>>
      %dma_start3A_1771 = arith.constant 250 : i32
      %dma_start3A_1772 = arith.constant 0 : i32
      %dma_start3A_1773 = tpu.memref_slice %arg6[%dma_start3A_1758, %dma_start3A_1771, %dma_start3A_1772] : memref<2x800x64xf32, #tpu.memory_space<vmem>> -> memref<1x50x64xf32, #tpu.memory_space<vmem>>
      %dma_start3A_1774 = tpu.memref_squeeze %dma_start3A_1773 : memref<1x50x64xf32, #tpu.memory_space<vmem>> -> memref<50x64xf32, #tpu.memory_space<vmem>>
      tpu.enqueue_dma source(%dma_start3A_1774 : memref<50x64xf32, #tpu.memory_space<vmem>>) target(%dma_start3A_1770 : memref<50x64xf32, #tpu.memory_space<hbm>>) target_semaphore(%arg12 : memref<!tpu.dma_semaphore, #tpu.memory_space<semaphore_mem>>)
      %add3A_1775 = arith.constant 6 : i32
      %add3A_1776 = arith.addi %add3A_1660, %add3A_1775 : i32
      %dma_start3A_1777 = arith.constant 1 : i32
      %dma_start3A_1778 = arith.constant 300 : i32
      %dma_start3A_1779 = arith.constant 0 : i32
      %dma_start3A_1780 = tpu.memref_slice %arg6[%dma_start3A_1777, %dma_start3A_1778, %dma_start3A_1779] : memref<2x800x64xf32, #tpu.memory_space<vmem>> -> memref<1x50x64xf32, #tpu.memory_space<vmem>>
      %dma_start3A_1781 = tpu.memref_squeeze %dma_start3A_1780 : memref<1x50x64xf32, #tpu.memory_space<vmem>> -> memref<50x64xf32, #tpu.memory_space<vmem>>
      %dma_start3A_1782 = arith.constant 0 : i32
      %dma_start3A_1783 = arith.constant 0 : i32
      %dma_start3A_1784 = tpu.memref_slice %arg4[%add3A_1776, %dma_start3A_1782, %dma_start3A_1783] : memref<16384x56x128xf32, #tpu.memory_space<hbm>> -> memref<1x50x64xf32, #tpu.memory_space<hbm>>
      %dma_start3A_1785 = tpu.memref_squeeze %dma_start3A_1784 : memref<1x50x64xf32, #tpu.memory_space<hbm>> -> memref<50x64xf32, #tpu.memory_space<hbm>>
      %dma_start3A_1786 = arith.constant 0 : i32
      %dma_start3A_1787 = arith.constant 0 : i32
      %dma_start3A_1788 = tpu.memref_slice %arg4[%add3A_1776, %dma_start3A_1786, %dma_start3A_1787] : memref<16384x56x128xf32, #tpu.memory_space<hbm>> -> memref<1x50x64xf32, #tpu.memory_space<hbm>>
      %dma_start3A_1789 = tpu.memref_squeeze %dma_start3A_1788 : memref<1x50x64xf32, #tpu.memory_space<hbm>> -> memref<50x64xf32, #tpu.memory_space<hbm>>
      %dma_start3A_1790 = arith.constant 300 : i32
      %dma_start3A_1791 = arith.constant 0 : i32
      %dma_start3A_1792 = tpu.memref_slice %arg6[%dma_start3A_1777, %dma_start3A_1790, %dma_start3A_1791] : memref<2x800x64xf32, #tpu.memory_space<vmem>> -> memref<1x50x64xf32, #tpu.memory_space<vmem>>
      %dma_start3A_1793 = tpu.memref_squeeze %dma_start3A_1792 : memref<1x50x64xf32, #tpu.memory_space<vmem>> -> memref<50x64xf32, #tpu.memory_space<vmem>>
      tpu.enqueue_dma source(%dma_start3A_1793 : memref<50x64xf32, #tpu.memory_space<vmem>>) target(%dma_start3A_1789 : memref<50x64xf32, #tpu.memory_space<hbm>>) target_semaphore(%arg12 : memref<!tpu.dma_semaphore, #tpu.memory_space<semaphore_mem>>)
      %add3A_1794 = arith.constant 7 : i32
      %add3A_1795 = arith.addi %add3A_1660, %add3A_1794 : i32
      %dma_start3A_1796 = arith.constant 1 : i32
      %dma_start3A_1797 = arith.constant 350 : i32
      %dma_start3A_1798 = arith.constant 0 : i32
      %dma_start3A_1799 = tpu.memref_slice %arg6[%dma_start3A_1796, %dma_start3A_1797, %dma_start3A_1798] : memref<2x800x64xf32, #tpu.memory_space<vmem>> -> memref<1x50x64xf32, #tpu.memory_space<vmem>>
      %dma_start3A_1800 = tpu.memref_squeeze %dma_start3A_1799 : memref<1x50x64xf32, #tpu.memory_space<vmem>> -> memref<50x64xf32, #tpu.memory_space<vmem>>
      %dma_start3A_1801 = arith.constant 0 : i32
      %dma_start3A_1802 = arith.constant 0 : i32
      %dma_start3A_1803 = tpu.memref_slice %arg4[%add3A_1795, %dma_start3A_1801, %dma_start3A_1802] : memref<16384x56x128xf32, #tpu.memory_space<hbm>> -> memref<1x50x64xf32, #tpu.memory_space<hbm>>
      %dma_start3A_1804 = tpu.memref_squeeze %dma_start3A_1803 : memref<1x50x64xf32, #tpu.memory_space<hbm>> -> memref<50x64xf32, #tpu.memory_space<hbm>>
      %dma_start3A_1805 = arith.constant 0 : i32
      %dma_start3A_1806 = arith.constant 0 : i32
      %dma_start3A_1807 = tpu.memref_slice %arg4[%add3A_1795, %dma_start3A_1805, %dma_start3A_1806] : memref<16384x56x128xf32, #tpu.memory_space<hbm>> -> memref<1x50x64xf32, #tpu.memory_space<hbm>>
      %dma_start3A_1808 = tpu.memref_squeeze %dma_start3A_1807 : memref<1x50x64xf32, #tpu.memory_space<hbm>> -> memref<50x64xf32, #tpu.memory_space<hbm>>
      %dma_start3A_1809 = arith.constant 350 : i32
      %dma_start3A_1810 = arith.constant 0 : i32
      %dma_start3A_1811 = tpu.memref_slice %arg6[%dma_start3A_1796, %dma_start3A_1809, %dma_start3A_1810] : memref<2x800x64xf32, #tpu.memory_space<vmem>> -> memref<1x50x64xf32, #tpu.memory_space<vmem>>
      %dma_start3A_1812 = tpu.memref_squeeze %dma_start3A_1811 : memref<1x50x64xf32, #tpu.memory_space<vmem>> -> memref<50x64xf32, #tpu.memory_space<vmem>>
      tpu.enqueue_dma source(%dma_start3A_1812 : memref<50x64xf32, #tpu.memory_space<vmem>>) target(%dma_start3A_1808 : memref<50x64xf32, #tpu.memory_space<hbm>>) target_semaphore(%arg12 : memref<!tpu.dma_semaphore, #tpu.memory_space<semaphore_mem>>)
      %add3A_1813 = arith.constant 8 : i32
      %add3A_1814 = arith.addi %add3A_1660, %add3A_1813 : i32
      %dma_start3A_1815 = arith.constant 1 : i32
      %dma_start3A_1816 = arith.constant 400 : i32
      %dma_start3A_1817 = arith.constant 0 : i32
      %dma_start3A_1818 = tpu.memref_slice %arg6[%dma_start3A_1815, %dma_start3A_1816, %dma_start3A_1817] : memref<2x800x64xf32, #tpu.memory_space<vmem>> -> memref<1x50x64xf32, #tpu.memory_space<vmem>>
      %dma_start3A_1819 = tpu.memref_squeeze %dma_start3A_1818 : memref<1x50x64xf32, #tpu.memory_space<vmem>> -> memref<50x64xf32, #tpu.memory_space<vmem>>
      %dma_start3A_1820 = arith.constant 0 : i32
      %dma_start3A_1821 = arith.constant 0 : i32
      %dma_start3A_1822 = tpu.memref_slice %arg4[%add3A_1814, %dma_start3A_1820, %dma_start3A_1821] : memref<16384x56x128xf32, #tpu.memory_space<hbm>> -> memref<1x50x64xf32, #tpu.memory_space<hbm>>
      %dma_start3A_1823 = tpu.memref_squeeze %dma_start3A_1822 : memref<1x50x64xf32, #tpu.memory_space<hbm>> -> memref<50x64xf32, #tpu.memory_space<hbm>>
      %dma_start3A_1824 = arith.constant 0 : i32
      %dma_start3A_1825 = arith.constant 0 : i32
      %dma_start3A_1826 = tpu.memref_slice %arg4[%add3A_1814, %dma_start3A_1824, %dma_start3A_1825] : memref<16384x56x128xf32, #tpu.memory_space<hbm>> -> memref<1x50x64xf32, #tpu.memory_space<hbm>>
      %dma_start3A_1827 = tpu.memref_squeeze %dma_start3A_1826 : memref<1x50x64xf32, #tpu.memory_space<hbm>> -> memref<50x64xf32, #tpu.memory_space<hbm>>
      %dma_start3A_1828 = arith.constant 400 : i32
      %dma_start3A_1829 = arith.constant 0 : i32
      %dma_start3A_1830 = tpu.memref_slice %arg6[%dma_start3A_1815, %dma_start3A_1828, %dma_start3A_1829] : memref<2x800x64xf32, #tpu.memory_space<vmem>> -> memref<1x50x64xf32, #tpu.memory_space<vmem>>
      %dma_start3A_1831 = tpu.memref_squeeze %dma_start3A_1830 : memref<1x50x64xf32, #tpu.memory_space<vmem>> -> memref<50x64xf32, #tpu.memory_space<vmem>>
      tpu.enqueue_dma source(%dma_start3A_1831 : memref<50x64xf32, #tpu.memory_space<vmem>>) target(%dma_start3A_1827 : memref<50x64xf32, #tpu.memory_space<hbm>>) target_semaphore(%arg12 : memref<!tpu.dma_semaphore, #tpu.memory_space<semaphore_mem>>)
      %add3A_1832 = arith.constant 9 : i32
      %add3A_1833 = arith.addi %add3A_1660, %add3A_1832 : i32
      %dma_start3A_1834 = arith.constant 1 : i32
      %dma_start3A_1835 = arith.constant 450 : i32
      %dma_start3A_1836 = arith.constant 0 : i32
      %dma_start3A_1837 = tpu.memref_slice %arg6[%dma_start3A_1834, %dma_start3A_1835, %dma_start3A_1836] : memref<2x800x64xf32, #tpu.memory_space<vmem>> -> memref<1x50x64xf32, #tpu.memory_space<vmem>>
      %dma_start3A_1838 = tpu.memref_squeeze %dma_start3A_1837 : memref<1x50x64xf32, #tpu.memory_space<vmem>> -> memref<50x64xf32, #tpu.memory_space<vmem>>
      %dma_start3A_1839 = arith.constant 0 : i32
      %dma_start3A_1840 = arith.constant 0 : i32
      %dma_start3A_1841 = tpu.memref_slice %arg4[%add3A_1833, %dma_start3A_1839, %dma_start3A_1840] : memref<16384x56x128xf32, #tpu.memory_space<hbm>> -> memref<1x50x64xf32, #tpu.memory_space<hbm>>
      %dma_start3A_1842 = tpu.memref_squeeze %dma_start3A_1841 : memref<1x50x64xf32, #tpu.memory_space<hbm>> -> memref<50x64xf32, #tpu.memory_space<hbm>>
      %dma_start3A_1843 = arith.constant 0 : i32
      %dma_start3A_1844 = arith.constant 0 : i32
      %dma_start3A_1845 = tpu.memref_slice %arg4[%add3A_1833, %dma_start3A_1843, %dma_start3A_1844] : memref<16384x56x128xf32, #tpu.memory_space<hbm>> -> memref<1x50x64xf32, #tpu.memory_space<hbm>>
      %dma_start3A_1846 = tpu.memref_squeeze %dma_start3A_1845 : memref<1x50x64xf32, #tpu.memory_space<hbm>> -> memref<50x64xf32, #tpu.memory_space<hbm>>
      %dma_start3A_1847 = arith.constant 450 : i32
      %dma_start3A_1848 = arith.constant 0 : i32
      %dma_start3A_1849 = tpu.memref_slice %arg6[%dma_start3A_1834, %dma_start3A_1847, %dma_start3A_1848] : memref<2x800x64xf32, #tpu.memory_space<vmem>> -> memref<1x50x64xf32, #tpu.memory_space<vmem>>
      %dma_start3A_1850 = tpu.memref_squeeze %dma_start3A_1849 : memref<1x50x64xf32, #tpu.memory_space<vmem>> -> memref<50x64xf32, #tpu.memory_space<vmem>>
      tpu.enqueue_dma source(%dma_start3A_1850 : memref<50x64xf32, #tpu.memory_space<vmem>>) target(%dma_start3A_1846 : memref<50x64xf32, #tpu.memory_space<hbm>>) target_semaphore(%arg12 : memref<!tpu.dma_semaphore, #tpu.memory_space<semaphore_mem>>)
      %add3A_1851 = arith.constant 10 : i32
      %add3A_1852 = arith.addi %add3A_1660, %add3A_1851 : i32
      %dma_start3A_1853 = arith.constant 1 : i32
      %dma_start3A_1854 = arith.constant 500 : i32
      %dma_start3A_1855 = arith.constant 0 : i32
      %dma_start3A_1856 = tpu.memref_slice %arg6[%dma_start3A_1853, %dma_start3A_1854, %dma_start3A_1855] : memref<2x800x64xf32, #tpu.memory_space<vmem>> -> memref<1x50x64xf32, #tpu.memory_space<vmem>>
      %dma_start3A_1857 = tpu.memref_squeeze %dma_start3A_1856 : memref<1x50x64xf32, #tpu.memory_space<vmem>> -> memref<50x64xf32, #tpu.memory_space<vmem>>
      %dma_start3A_1858 = arith.constant 0 : i32
      %dma_start3A_1859 = arith.constant 0 : i32
      %dma_start3A_1860 = tpu.memref_slice %arg4[%add3A_1852, %dma_start3A_1858, %dma_start3A_1859] : memref<16384x56x128xf32, #tpu.memory_space<hbm>> -> memref<1x50x64xf32, #tpu.memory_space<hbm>>
      %dma_start3A_1861 = tpu.memref_squeeze %dma_start3A_1860 : memref<1x50x64xf32, #tpu.memory_space<hbm>> -> memref<50x64xf32, #tpu.memory_space<hbm>>
      %dma_start3A_1862 = arith.constant 0 : i32
      %dma_start3A_1863 = arith.constant 0 : i32
      %dma_start3A_1864 = tpu.memref_slice %arg4[%add3A_1852, %dma_start3A_1862, %dma_start3A_1863] : memref<16384x56x128xf32, #tpu.memory_space<hbm>> -> memref<1x50x64xf32, #tpu.memory_space<hbm>>
      %dma_start3A_1865 = tpu.memref_squeeze %dma_start3A_1864 : memref<1x50x64xf32, #tpu.memory_space<hbm>> -> memref<50x64xf32, #tpu.memory_space<hbm>>
      %dma_start3A_1866 = arith.constant 500 : i32
      %dma_start3A_1867 = arith.constant 0 : i32
      %dma_start3A_1868 = tpu.memref_slice %arg6[%dma_start3A_1853, %dma_start3A_1866, %dma_start3A_1867] : memref<2x800x64xf32, #tpu.memory_space<vmem>> -> memref<1x50x64xf32, #tpu.memory_space<vmem>>
      %dma_start3A_1869 = tpu.memref_squeeze %dma_start3A_1868 : memref<1x50x64xf32, #tpu.memory_space<vmem>> -> memref<50x64xf32, #tpu.memory_space<vmem>>
      tpu.enqueue_dma source(%dma_start3A_1869 : memref<50x64xf32, #tpu.memory_space<vmem>>) target(%dma_start3A_1865 : memref<50x64xf32, #tpu.memory_space<hbm>>) target_semaphore(%arg12 : memref<!tpu.dma_semaphore, #tpu.memory_space<semaphore_mem>>)
      %add3A_1870 = arith.constant 11 : i32
      %add3A_1871 = arith.addi %add3A_1660, %add3A_1870 : i32
      %dma_start3A_1872 = arith.constant 1 : i32
      %dma_start3A_1873 = arith.constant 550 : i32
      %dma_start3A_1874 = arith.constant 0 : i32
      %dma_start3A_1875 = tpu.memref_slice %arg6[%dma_start3A_1872, %dma_start3A_1873, %dma_start3A_1874] : memref<2x800x64xf32, #tpu.memory_space<vmem>> -> memref<1x50x64xf32, #tpu.memory_space<vmem>>
      %dma_start3A_1876 = tpu.memref_squeeze %dma_start3A_1875 : memref<1x50x64xf32, #tpu.memory_space<vmem>> -> memref<50x64xf32, #tpu.memory_space<vmem>>
      %dma_start3A_1877 = arith.constant 0 : i32
      %dma_start3A_1878 = arith.constant 0 : i32
      %dma_start3A_1879 = tpu.memref_slice %arg4[%add3A_1871, %dma_start3A_1877, %dma_start3A_1878] : memref<16384x56x128xf32, #tpu.memory_space<hbm>> -> memref<1x50x64xf32, #tpu.memory_space<hbm>>
      %dma_start3A_1880 = tpu.memref_squeeze %dma_start3A_1879 : memref<1x50x64xf32, #tpu.memory_space<hbm>> -> memref<50x64xf32, #tpu.memory_space<hbm>>
      %dma_start3A_1881 = arith.constant 0 : i32
      %dma_start3A_1882 = arith.constant 0 : i32
      %dma_start3A_1883 = tpu.memref_slice %arg4[%add3A_1871, %dma_start3A_1881, %dma_start3A_1882] : memref<16384x56x128xf32, #tpu.memory_space<hbm>> -> memref<1x50x64xf32, #tpu.memory_space<hbm>>
      %dma_start3A_1884 = tpu.memref_squeeze %dma_start3A_1883 : memref<1x50x64xf32, #tpu.memory_space<hbm>> -> memref<50x64xf32, #tpu.memory_space<hbm>>
      %dma_start3A_1885 = arith.constant 550 : i32
      %dma_start3A_1886 = arith.constant 0 : i32
      %dma_start3A_1887 = tpu.memref_slice %arg6[%dma_start3A_1872, %dma_start3A_1885, %dma_start3A_1886] : memref<2x800x64xf32, #tpu.memory_space<vmem>> -> memref<1x50x64xf32, #tpu.memory_space<vmem>>
      %dma_start3A_1888 = tpu.memref_squeeze %dma_start3A_1887 : memref<1x50x64xf32, #tpu.memory_space<vmem>> -> memref<50x64xf32, #tpu.memory_space<vmem>>
      tpu.enqueue_dma source(%dma_start3A_1888 : memref<50x64xf32, #tpu.memory_space<vmem>>) target(%dma_start3A_1884 : memref<50x64xf32, #tpu.memory_space<hbm>>) target_semaphore(%arg12 : memref<!tpu.dma_semaphore, #tpu.memory_space<semaphore_mem>>)
      %add3A_1889 = arith.constant 12 : i32
      %add3A_1890 = arith.addi %add3A_1660, %add3A_1889 : i32
      %dma_start3A_1891 = arith.constant 1 : i32
      %dma_start3A_1892 = arith.constant 600 : i32
      %dma_start3A_1893 = arith.constant 0 : i32
      %dma_start3A_1894 = tpu.memref_slice %arg6[%dma_start3A_1891, %dma_start3A_1892, %dma_start3A_1893] : memref<2x800x64xf32, #tpu.memory_space<vmem>> -> memref<1x50x64xf32, #tpu.memory_space<vmem>>
      %dma_start3A_1895 = tpu.memref_squeeze %dma_start3A_1894 : memref<1x50x64xf32, #tpu.memory_space<vmem>> -> memref<50x64xf32, #tpu.memory_space<vmem>>
      %dma_start3A_1896 = arith.constant 0 : i32
      %dma_start3A_1897 = arith.constant 0 : i32
      %dma_start3A_1898 = tpu.memref_slice %arg4[%add3A_1890, %dma_start3A_1896, %dma_start3A_1897] : memref<16384x56x128xf32, #tpu.memory_space<hbm>> -> memref<1x50x64xf32, #tpu.memory_space<hbm>>
      %dma_start3A_1899 = tpu.memref_squeeze %dma_start3A_1898 : memref<1x50x64xf32, #tpu.memory_space<hbm>> -> memref<50x64xf32, #tpu.memory_space<hbm>>
      %dma_start3A_1900 = arith.constant 0 : i32
      %dma_start3A_1901 = arith.constant 0 : i32
      %dma_start3A_1902 = tpu.memref_slice %arg4[%add3A_1890, %dma_start3A_1900, %dma_start3A_1901] : memref<16384x56x128xf32, #tpu.memory_space<hbm>> -> memref<1x50x64xf32, #tpu.memory_space<hbm>>
      %dma_start3A_1903 = tpu.memref_squeeze %dma_start3A_1902 : memref<1x50x64xf32, #tpu.memory_space<hbm>> -> memref<50x64xf32, #tpu.memory_space<hbm>>
      %dma_start3A_1904 = arith.constant 600 : i32
      %dma_start3A_1905 = arith.constant 0 : i32
      %dma_start3A_1906 = tpu.memref_slice %arg6[%dma_start3A_1891, %dma_start3A_1904, %dma_start3A_1905] : memref<2x800x64xf32, #tpu.memory_space<vmem>> -> memref<1x50x64xf32, #tpu.memory_space<vmem>>
      %dma_start3A_1907 = tpu.memref_squeeze %dma_start3A_1906 : memref<1x50x64xf32, #tpu.memory_space<vmem>> -> memref<50x64xf32, #tpu.memory_space<vmem>>
      tpu.enqueue_dma source(%dma_start3A_1907 : memref<50x64xf32, #tpu.memory_space<vmem>>) target(%dma_start3A_1903 : memref<50x64xf32, #tpu.memory_space<hbm>>) target_semaphore(%arg12 : memref<!tpu.dma_semaphore, #tpu.memory_space<semaphore_mem>>)
      %add3A_1908 = arith.constant 13 : i32
      %add3A_1909 = arith.addi %add3A_1660, %add3A_1908 : i32
      %dma_start3A_1910 = arith.constant 1 : i32
      %dma_start3A_1911 = arith.constant 650 : i32
      %dma_start3A_1912 = arith.constant 0 : i32
      %dma_start3A_1913 = tpu.memref_slice %arg6[%dma_start3A_1910, %dma_start3A_1911, %dma_start3A_1912] : memref<2x800x64xf32, #tpu.memory_space<vmem>> -> memref<1x50x64xf32, #tpu.memory_space<vmem>>
      %dma_start3A_1914 = tpu.memref_squeeze %dma_start3A_1913 : memref<1x50x64xf32, #tpu.memory_space<vmem>> -> memref<50x64xf32, #tpu.memory_space<vmem>>
      %dma_start3A_1915 = arith.constant 0 : i32
      %dma_start3A_1916 = arith.constant 0 : i32
      %dma_start3A_1917 = tpu.memref_slice %arg4[%add3A_1909, %dma_start3A_1915, %dma_start3A_1916] : memref<16384x56x128xf32, #tpu.memory_space<hbm>> -> memref<1x50x64xf32, #tpu.memory_space<hbm>>
      %dma_start3A_1918 = tpu.memref_squeeze %dma_start3A_1917 : memref<1x50x64xf32, #tpu.memory_space<hbm>> -> memref<50x64xf32, #tpu.memory_space<hbm>>
      %dma_start3A_1919 = arith.constant 0 : i32
      %dma_start3A_1920 = arith.constant 0 : i32
      %dma_start3A_1921 = tpu.memref_slice %arg4[%add3A_1909, %dma_start3A_1919, %dma_start3A_1920] : memref<16384x56x128xf32, #tpu.memory_space<hbm>> -> memref<1x50x64xf32, #tpu.memory_space<hbm>>
      %dma_start3A_1922 = tpu.memref_squeeze %dma_start3A_1921 : memref<1x50x64xf32, #tpu.memory_space<hbm>> -> memref<50x64xf32, #tpu.memory_space<hbm>>
      %dma_start3A_1923 = arith.constant 650 : i32
      %dma_start3A_1924 = arith.constant 0 : i32
      %dma_start3A_1925 = tpu.memref_slice %arg6[%dma_start3A_1910, %dma_start3A_1923, %dma_start3A_1924] : memref<2x800x64xf32, #tpu.memory_space<vmem>> -> memref<1x50x64xf32, #tpu.memory_space<vmem>>
      %dma_start3A_1926 = tpu.memref_squeeze %dma_start3A_1925 : memref<1x50x64xf32, #tpu.memory_space<vmem>> -> memref<50x64xf32, #tpu.memory_space<vmem>>
      tpu.enqueue_dma source(%dma_start3A_1926 : memref<50x64xf32, #tpu.memory_space<vmem>>) target(%dma_start3A_1922 : memref<50x64xf32, #tpu.memory_space<hbm>>) target_semaphore(%arg12 : memref<!tpu.dma_semaphore, #tpu.memory_space<semaphore_mem>>)
      %add3A_1927 = arith.constant 14 : i32
      %add3A_1928 = arith.addi %add3A_1660, %add3A_1927 : i32
      %dma_start3A_1929 = arith.constant 1 : i32
      %dma_start3A_1930 = arith.constant 700 : i32
      %dma_start3A_1931 = arith.constant 0 : i32
      %dma_start3A_1932 = tpu.memref_slice %arg6[%dma_start3A_1929, %dma_start3A_1930, %dma_start3A_1931] : memref<2x800x64xf32, #tpu.memory_space<vmem>> -> memref<1x50x64xf32, #tpu.memory_space<vmem>>
      %dma_start3A_1933 = tpu.memref_squeeze %dma_start3A_1932 : memref<1x50x64xf32, #tpu.memory_space<vmem>> -> memref<50x64xf32, #tpu.memory_space<vmem>>
      %dma_start3A_1934 = arith.constant 0 : i32
      %dma_start3A_1935 = arith.constant 0 : i32
      %dma_start3A_1936 = tpu.memref_slice %arg4[%add3A_1928, %dma_start3A_1934, %dma_start3A_1935] : memref<16384x56x128xf32, #tpu.memory_space<hbm>> -> memref<1x50x64xf32, #tpu.memory_space<hbm>>
      %dma_start3A_1937 = tpu.memref_squeeze %dma_start3A_1936 : memref<1x50x64xf32, #tpu.memory_space<hbm>> -> memref<50x64xf32, #tpu.memory_space<hbm>>
      %dma_start3A_1938 = arith.constant 0 : i32
      %dma_start3A_1939 = arith.constant 0 : i32
      %dma_start3A_1940 = tpu.memref_slice %arg4[%add3A_1928, %dma_start3A_1938, %dma_start3A_1939] : memref<16384x56x128xf32, #tpu.memory_space<hbm>> -> memref<1x50x64xf32, #tpu.memory_space<hbm>>
      %dma_start3A_1941 = tpu.memref_squeeze %dma_start3A_1940 : memref<1x50x64xf32, #tpu.memory_space<hbm>> -> memref<50x64xf32, #tpu.memory_space<hbm>>
      %dma_start3A_1942 = arith.constant 700 : i32
      %dma_start3A_1943 = arith.constant 0 : i32
      %dma_start3A_1944 = tpu.memref_slice %arg6[%dma_start3A_1929, %dma_start3A_1942, %dma_start3A_1943] : memref<2x800x64xf32, #tpu.memory_space<vmem>> -> memref<1x50x64xf32, #tpu.memory_space<vmem>>
      %dma_start3A_1945 = tpu.memref_squeeze %dma_start3A_1944 : memref<1x50x64xf32, #tpu.memory_space<vmem>> -> memref<50x64xf32, #tpu.memory_space<vmem>>
      tpu.enqueue_dma source(%dma_start3A_1945 : memref<50x64xf32, #tpu.memory_space<vmem>>) target(%dma_start3A_1941 : memref<50x64xf32, #tpu.memory_space<hbm>>) target_semaphore(%arg12 : memref<!tpu.dma_semaphore, #tpu.memory_space<semaphore_mem>>)
      %add3A_1946 = arith.constant 15 : i32
      %add3A_1947 = arith.addi %add3A_1660, %add3A_1946 : i32
      %dma_start3A_1948 = arith.constant 1 : i32
      %dma_start3A_1949 = arith.constant 750 : i32
      %dma_start3A_1950 = arith.constant 0 : i32
      %dma_start3A_1951 = tpu.memref_slice %arg6[%dma_start3A_1948, %dma_start3A_1949, %dma_start3A_1950] : memref<2x800x64xf32, #tpu.memory_space<vmem>> -> memref<1x50x64xf32, #tpu.memory_space<vmem>>
      %dma_start3A_1952 = tpu.memref_squeeze %dma_start3A_1951 : memref<1x50x64xf32, #tpu.memory_space<vmem>> -> memref<50x64xf32, #tpu.memory_space<vmem>>
      %dma_start3A_1953 = arith.constant 0 : i32
      %dma_start3A_1954 = arith.constant 0 : i32
      %dma_start3A_1955 = tpu.memref_slice %arg4[%add3A_1947, %dma_start3A_1953, %dma_start3A_1954] : memref<16384x56x128xf32, #tpu.memory_space<hbm>> -> memref<1x50x64xf32, #tpu.memory_space<hbm>>
      %dma_start3A_1956 = tpu.memref_squeeze %dma_start3A_1955 : memref<1x50x64xf32, #tpu.memory_space<hbm>> -> memref<50x64xf32, #tpu.memory_space<hbm>>
      %dma_start3A_1957 = arith.constant 0 : i32
      %dma_start3A_1958 = arith.constant 0 : i32
      %dma_start3A_1959 = tpu.memref_slice %arg4[%add3A_1947, %dma_start3A_1957, %dma_start3A_1958] : memref<16384x56x128xf32, #tpu.memory_space<hbm>> -> memref<1x50x64xf32, #tpu.memory_space<hbm>>
      %dma_start3A_1960 = tpu.memref_squeeze %dma_start3A_1959 : memref<1x50x64xf32, #tpu.memory_space<hbm>> -> memref<50x64xf32, #tpu.memory_space<hbm>>
      %dma_start3A_1961 = arith.constant 750 : i32
      %dma_start3A_1962 = arith.constant 0 : i32
      %dma_start3A_1963 = tpu.memref_slice %arg6[%dma_start3A_1948, %dma_start3A_1961, %dma_start3A_1962] : memref<2x800x64xf32, #tpu.memory_space<vmem>> -> memref<1x50x64xf32, #tpu.memory_space<vmem>>
      %dma_start3A_1964 = tpu.memref_squeeze %dma_start3A_1963 : memref<1x50x64xf32, #tpu.memory_space<vmem>> -> memref<50x64xf32, #tpu.memory_space<vmem>>
      tpu.enqueue_dma source(%dma_start3A_1964 : memref<50x64xf32, #tpu.memory_space<vmem>>) target(%dma_start3A_1960 : memref<50x64xf32, #tpu.memory_space<hbm>>) target_semaphore(%arg12 : memref<!tpu.dma_semaphore, #tpu.memory_space<semaphore_mem>>)
      %add3A_1965 = arith.constant 2 : i32
      %add3A_1966 = arith.addi %add3A_1331, %add3A_1965 : i32
      %mul3A_1967 = arith.constant 16 : i32
      %mul3A_1968 = arith.muli %add3A_1966, %mul3A_1967 : i32
      %add3A_1969 = arith.addi %mul3A_2, %mul3A_1968 : i32
      %mul3A_1970 = arith.constant 50 : i32
      %mul3A_1971 = arith.muli %add3A_1969, %mul3A_1970 : i32
      %min3A_1972 = arith.constant 818400 : i32
      %min3A_1973 = arith.minsi %mul3A_1971, %min3A_1972 : i32
      %multiple_of3A_1974 = tpu.assume_multiple %min3A_1973, 8 : i32
      %dma_start3A_1975 = arith.constant 1 : i32
      %dma_start3A_1976 = arith.constant 0 : i32
      %dma_start3A_1977 = tpu.memref_slice %arg5[%dma_start3A_1975, %dma_start3A_1976] : memref<2x800xi32, #tpu.memory_space<vmem>> -> memref<1x800xi32, #tpu.memory_space<vmem>>
      %dma_start3A_1978 = tpu.memref_squeeze %dma_start3A_1977 : memref<1x800xi32, #tpu.memory_space<vmem>> -> memref<800xi32, #tpu.memory_space<vmem>>
      %dma_start3A_1979 = tpu.memref_slice %arg3[%multiple_of3A_1974] : memref<819200xi32, #tpu.memory_space<hbm>> -> memref<800xi32, #tpu.memory_space<hbm>>
      %dma_start3A_1980 = arith.constant 0 : i32
      %dma_start3A_1981 = tpu.memref_slice %arg5[%dma_start3A_1975, %dma_start3A_1980] : memref<2x800xi32, #tpu.memory_space<vmem>> -> memref<1x800xi32, #tpu.memory_space<vmem>>
      %dma_start3A_1982 = tpu.memref_squeeze %dma_start3A_1981 : memref<1x800xi32, #tpu.memory_space<vmem>> -> memref<800xi32, #tpu.memory_space<vmem>>
      %dma_start3A_1983 = tpu.memref_slice %arg3[%multiple_of3A_1974] : memref<819200xi32, #tpu.memory_space<hbm>> -> memref<800xi32, #tpu.memory_space<hbm>>
      tpu.enqueue_dma source(%dma_start3A_1983 : memref<800xi32, #tpu.memory_space<hbm>>) target(%dma_start3A_1982 : memref<800xi32, #tpu.memory_space<vmem>>) target_semaphore(%arg8 : memref<!tpu.dma_semaphore, #tpu.memory_space<semaphore_mem>>)
      %mul3A_1984 = arith.constant 2 : i32
      %mul3A_1985 = arith.muli %mul3A_1984, %scan3A_1327 : i32
      %add3A_1986 = arith.constant 2 : i32
      %add3A_1987 = arith.addi %add3A_1986, %mul3A_1985 : i32
      %dma_wait3A_1988 = arith.constant 0 : i32
      %dma_wait3A_1989 = arith.constant 0 : i32
      %dma_wait3A_1990 = arith.constant 0 : i32
      %dma_wait3A_1991 = tpu.memref_slice %arg6[%dma_wait3A_1988, %dma_wait3A_1989, %dma_wait3A_1990] : memref<2x800x64xf32, #tpu.memory_space<vmem>> -> memref<1x800x64xf32, #tpu.memory_space<vmem>>
      %dma_wait3A_1992 = tpu.memref_squeeze %dma_wait3A_1991 : memref<1x800x64xf32, #tpu.memory_space<vmem>> -> memref<800x64xf32, #tpu.memory_space<vmem>>
      %dma_wait3A_1993 = arith.constant 0 : i32
      %dma_wait3A_1994 = arith.constant 0 : i32
      %dma_wait3A_1995 = tpu.memref_slice %arg2[%dma_wait3A_1993, %dma_wait3A_1994] : memref<1000000x64xf32, #tpu.memory_space<hbm>> -> memref<800x64xf32, #tpu.memory_space<hbm>>
      %dma_wait3A_1996 = arith.constant 0 : i32
      %dma_wait3A_1997 = arith.constant 0 : i32
      %dma_wait3A_1998 = tpu.memref_slice %arg6[%dma_wait3A_1988, %dma_wait3A_1996, %dma_wait3A_1997] : memref<2x800x64xf32, #tpu.memory_space<vmem>> -> memref<1x800x64xf32, #tpu.memory_space<vmem>>
      %dma_wait3A_1999 = tpu.memref_squeeze %dma_wait3A_1998 : memref<1x800x64xf32, #tpu.memory_space<vmem>> -> memref<800x64xf32, #tpu.memory_space<vmem>>
      %dma_wait3A_2000 = arith.constant 0 : i32
      %dma_wait3A_2001 = arith.constant 0 : i32
      %dma_wait3A_2002 = tpu.memref_slice %arg2[%dma_wait3A_2000, %dma_wait3A_2001] : memref<1000000x64xf32, #tpu.memory_space<hbm>> -> memref<800x64xf32, #tpu.memory_space<hbm>>
      tpu.wait_dma2 semaphore(%arg9 : memref<!tpu.dma_semaphore, #tpu.memory_space<semaphore_mem>>) src(%dma_wait3A_2002 : memref<800x64xf32, #tpu.memory_space<hbm>>) dst(%dma_wait3A_1999 : memref<800x64xf32, #tpu.memory_space<vmem>>)
      %dma_wait3A_2003 = arith.constant 1 : i32
      %dma_wait3A_2004 = arith.constant 0 : i32
      %dma_wait3A_2005 = tpu.memref_slice %arg5[%dma_wait3A_2003, %dma_wait3A_2004] : memref<2x800xi32, #tpu.memory_space<vmem>> -> memref<1x800xi32, #tpu.memory_space<vmem>>
      %dma_wait3A_2006 = tpu.memref_squeeze %dma_wait3A_2005 : memref<1x800xi32, #tpu.memory_space<vmem>> -> memref<800xi32, #tpu.memory_space<vmem>>
      %dma_wait3A_2007 = arith.constant 0 : i32
      %dma_wait3A_2008 = tpu.memref_slice %arg3[%dma_wait3A_2007] : memref<819200xi32, #tpu.memory_space<hbm>> -> memref<800xi32, #tpu.memory_space<hbm>>
      %dma_wait3A_2009 = arith.constant 0 : i32
      %dma_wait3A_2010 = tpu.memref_slice %arg5[%dma_wait3A_2003, %dma_wait3A_2009] : memref<2x800xi32, #tpu.memory_space<vmem>> -> memref<1x800xi32, #tpu.memory_space<vmem>>
      %dma_wait3A_2011 = tpu.memref_squeeze %dma_wait3A_2010 : memref<1x800xi32, #tpu.memory_space<vmem>> -> memref<800xi32, #tpu.memory_space<vmem>>
      %dma_wait3A_2012 = arith.constant 0 : i32
      %dma_wait3A_2013 = tpu.memref_slice %arg3[%dma_wait3A_2012] : memref<819200xi32, #tpu.memory_space<hbm>> -> memref<800xi32, #tpu.memory_space<hbm>>
      tpu.wait_dma2 semaphore(%arg8 : memref<!tpu.dma_semaphore, #tpu.memory_space<semaphore_mem>>) src(%dma_wait3A_2013 : memref<800xi32, #tpu.memory_space<hbm>>) dst(%dma_wait3A_2011 : memref<800xi32, #tpu.memory_space<vmem>>)
      %dma_wait3A_2014 = arith.constant 1 : i32
      %dma_wait3A_2015 = arith.constant 0 : i32
      %dma_wait3A_2016 = arith.constant 0 : i32
      %dma_wait3A_2017 = arith.constant 0 : i32
      %dma_wait3A_2018 = tpu.memref_slice %arg6[%dma_wait3A_2014, %dma_wait3A_2016, %dma_wait3A_2017] : memref<2x800x64xf32, #tpu.memory_space<vmem>> -> memref<1x50x64xf32, #tpu.memory_space<vmem>>
      %dma_wait3A_2019 = tpu.memref_squeeze %dma_wait3A_2018 : memref<1x50x64xf32, #tpu.memory_space<vmem>> -> memref<50x64xf32, #tpu.memory_space<vmem>>
      %dma_wait3A_2020 = arith.constant 0 : i32
      %dma_wait3A_2021 = arith.constant 0 : i32
      %dma_wait3A_2022 = tpu.memref_slice %arg4[%dma_wait3A_2015, %dma_wait3A_2020, %dma_wait3A_2021] : memref<16384x56x128xf32, #tpu.memory_space<hbm>> -> memref<1x50x64xf32, #tpu.memory_space<hbm>>
      %dma_wait3A_2023 = tpu.memref_squeeze %dma_wait3A_2022 : memref<1x50x64xf32, #tpu.memory_space<hbm>> -> memref<50x64xf32, #tpu.memory_space<hbm>>
      %dma_wait3A_2024 = arith.constant 0 : i32
      %dma_wait3A_2025 = arith.constant 0 : i32
      %dma_wait3A_2026 = tpu.memref_slice %arg4[%dma_wait3A_2015, %dma_wait3A_2024, %dma_wait3A_2025] : memref<16384x56x128xf32, #tpu.memory_space<hbm>> -> memref<1x50x64xf32, #tpu.memory_space<hbm>>
      %dma_wait3A_2027 = tpu.memref_squeeze %dma_wait3A_2026 : memref<1x50x64xf32, #tpu.memory_space<hbm>> -> memref<50x64xf32, #tpu.memory_space<hbm>>
      %dma_wait3A_2028 = arith.constant 0 : i32
      %dma_wait3A_2029 = arith.constant 0 : i32
      %dma_wait3A_2030 = tpu.memref_slice %arg6[%dma_wait3A_2014, %dma_wait3A_2028, %dma_wait3A_2029] : memref<2x800x64xf32, #tpu.memory_space<vmem>> -> memref<1x50x64xf32, #tpu.memory_space<vmem>>
      %dma_wait3A_2031 = tpu.memref_squeeze %dma_wait3A_2030 : memref<1x50x64xf32, #tpu.memory_space<vmem>> -> memref<50x64xf32, #tpu.memory_space<vmem>>
      tpu.wait_dma2 semaphore(%arg12 : memref<!tpu.dma_semaphore, #tpu.memory_space<semaphore_mem>>) src(%dma_wait3A_2031 : memref<50x64xf32, #tpu.memory_space<vmem>>) dst(%dma_wait3A_2027 : memref<50x64xf32, #tpu.memory_space<hbm>>)
      %dma_wait3A_2032 = arith.constant 1 : i32
      %dma_wait3A_2033 = arith.constant 0 : i32
      %dma_wait3A_2034 = arith.constant 0 : i32
      %dma_wait3A_2035 = arith.constant 0 : i32
      %dma_wait3A_2036 = tpu.memref_slice %arg6[%dma_wait3A_2032, %dma_wait3A_2034, %dma_wait3A_2035] : memref<2x800x64xf32, #tpu.memory_space<vmem>> -> memref<1x50x64xf32, #tpu.memory_space<vmem>>
      %dma_wait3A_2037 = tpu.memref_squeeze %dma_wait3A_2036 : memref<1x50x64xf32, #tpu.memory_space<vmem>> -> memref<50x64xf32, #tpu.memory_space<vmem>>
      %dma_wait3A_2038 = arith.constant 0 : i32
      %dma_wait3A_2039 = arith.constant 0 : i32
      %dma_wait3A_2040 = tpu.memref_slice %arg4[%dma_wait3A_2033, %dma_wait3A_2038, %dma_wait3A_2039] : memref<16384x56x128xf32, #tpu.memory_space<hbm>> -> memref<1x50x64xf32, #tpu.memory_space<hbm>>
      %dma_wait3A_2041 = tpu.memref_squeeze %dma_wait3A_2040 : memref<1x50x64xf32, #tpu.memory_space<hbm>> -> memref<50x64xf32, #tpu.memory_space<hbm>>
      %dma_wait3A_2042 = arith.constant 0 : i32
      %dma_wait3A_2043 = arith.constant 0 : i32
      %dma_wait3A_2044 = tpu.memref_slice %arg4[%dma_wait3A_2033, %dma_wait3A_2042, %dma_wait3A_2043] : memref<16384x56x128xf32, #tpu.memory_space<hbm>> -> memref<1x50x64xf32, #tpu.memory_space<hbm>>
      %dma_wait3A_2045 = tpu.memref_squeeze %dma_wait3A_2044 : memref<1x50x64xf32, #tpu.memory_space<hbm>> -> memref<50x64xf32, #tpu.memory_space<hbm>>
      %dma_wait3A_2046 = arith.constant 0 : i32
      %dma_wait3A_2047 = arith.constant 0 : i32
      %dma_wait3A_2048 = tpu.memref_slice %arg6[%dma_wait3A_2032, %dma_wait3A_2046, %dma_wait3A_2047] : memref<2x800x64xf32, #tpu.memory_space<vmem>> -> memref<1x50x64xf32, #tpu.memory_space<vmem>>
      %dma_wait3A_2049 = tpu.memref_squeeze %dma_wait3A_2048 : memref<1x50x64xf32, #tpu.memory_space<vmem>> -> memref<50x64xf32, #tpu.memory_space<vmem>>
      tpu.wait_dma2 semaphore(%arg12 : memref<!tpu.dma_semaphore, #tpu.memory_space<semaphore_mem>>) src(%dma_wait3A_2049 : memref<50x64xf32, #tpu.memory_space<vmem>>) dst(%dma_wait3A_2045 : memref<50x64xf32, #tpu.memory_space<hbm>>)
      %dma_wait3A_2050 = arith.constant 1 : i32
      %dma_wait3A_2051 = arith.constant 0 : i32
      %dma_wait3A_2052 = arith.constant 0 : i32
      %dma_wait3A_2053 = arith.constant 0 : i32
      %dma_wait3A_2054 = tpu.memref_slice %arg6[%dma_wait3A_2050, %dma_wait3A_2052, %dma_wait3A_2053] : memref<2x800x64xf32, #tpu.memory_space<vmem>> -> memref<1x50x64xf32, #tpu.memory_space<vmem>>
      %dma_wait3A_2055 = tpu.memref_squeeze %dma_wait3A_2054 : memref<1x50x64xf32, #tpu.memory_space<vmem>> -> memref<50x64xf32, #tpu.memory_space<vmem>>
      %dma_wait3A_2056 = arith.constant 0 : i32
      %dma_wait3A_2057 = arith.constant 0 : i32
      %dma_wait3A_2058 = tpu.memref_slice %arg4[%dma_wait3A_2051, %dma_wait3A_2056, %dma_wait3A_2057] : memref<16384x56x128xf32, #tpu.memory_space<hbm>> -> memref<1x50x64xf32, #tpu.memory_space<hbm>>
      %dma_wait3A_2059 = tpu.memref_squeeze %dma_wait3A_2058 : memref<1x50x64xf32, #tpu.memory_space<hbm>> -> memref<50x64xf32, #tpu.memory_space<hbm>>
      %dma_wait3A_2060 = arith.constant 0 : i32
      %dma_wait3A_2061 = arith.constant 0 : i32
      %dma_wait3A_2062 = tpu.memref_slice %arg4[%dma_wait3A_2051, %dma_wait3A_2060, %dma_wait3A_2061] : memref<16384x56x128xf32, #tpu.memory_space<hbm>> -> memref<1x50x64xf32, #tpu.memory_space<hbm>>
      %dma_wait3A_2063 = tpu.memref_squeeze %dma_wait3A_2062 : memref<1x50x64xf32, #tpu.memory_space<hbm>> -> memref<50x64xf32, #tpu.memory_space<hbm>>
      %dma_wait3A_2064 = arith.constant 0 : i32
      %dma_wait3A_2065 = arith.constant 0 : i32
      %dma_wait3A_2066 = tpu.memref_slice %arg6[%dma_wait3A_2050, %dma_wait3A_2064, %dma_wait3A_2065] : memref<2x800x64xf32, #tpu.memory_space<vmem>> -> memref<1x50x64xf32, #tpu.memory_space<vmem>>
      %dma_wait3A_2067 = tpu.memref_squeeze %dma_wait3A_2066 : memref<1x50x64xf32, #tpu.memory_space<vmem>> -> memref<50x64xf32, #tpu.memory_space<vmem>>
      tpu.wait_dma2 semaphore(%arg12 : memref<!tpu.dma_semaphore, #tpu.memory_space<semaphore_mem>>) src(%dma_wait3A_2067 : memref<50x64xf32, #tpu.memory_space<vmem>>) dst(%dma_wait3A_2063 : memref<50x64xf32, #tpu.memory_space<hbm>>)
      %dma_wait3A_2068 = arith.constant 1 : i32
      %dma_wait3A_2069 = arith.constant 0 : i32
      %dma_wait3A_2070 = arith.constant 0 : i32
      %dma_wait3A_2071 = arith.constant 0 : i32
      %dma_wait3A_2072 = tpu.memref_slice %arg6[%dma_wait3A_2068, %dma_wait3A_2070, %dma_wait3A_2071] : memref<2x800x64xf32, #tpu.memory_space<vmem>> -> memref<1x50x64xf32, #tpu.memory_space<vmem>>
      %dma_wait3A_2073 = tpu.memref_squeeze %dma_wait3A_2072 : memref<1x50x64xf32, #tpu.memory_space<vmem>> -> memref<50x64xf32, #tpu.memory_space<vmem>>
      %dma_wait3A_2074 = arith.constant 0 : i32
      %dma_wait3A_2075 = arith.constant 0 : i32
      %dma_wait3A_2076 = tpu.memref_slice %arg4[%dma_wait3A_2069, %dma_wait3A_2074, %dma_wait3A_2075] : memref<16384x56x128xf32, #tpu.memory_space<hbm>> -> memref<1x50x64xf32, #tpu.memory_space<hbm>>
      %dma_wait3A_2077 = tpu.memref_squeeze %dma_wait3A_2076 : memref<1x50x64xf32, #tpu.memory_space<hbm>> -> memref<50x64xf32, #tpu.memory_space<hbm>>
      %dma_wait3A_2078 = arith.constant 0 : i32
      %dma_wait3A_2079 = arith.constant 0 : i32
      %dma_wait3A_2080 = tpu.memref_slice %arg4[%dma_wait3A_2069, %dma_wait3A_2078, %dma_wait3A_2079] : memref<16384x56x128xf32, #tpu.memory_space<hbm>> -> memref<1x50x64xf32, #tpu.memory_space<hbm>>
      %dma_wait3A_2081 = tpu.memref_squeeze %dma_wait3A_2080 : memref<1x50x64xf32, #tpu.memory_space<hbm>> -> memref<50x64xf32, #tpu.memory_space<hbm>>
      %dma_wait3A_2082 = arith.constant 0 : i32
      %dma_wait3A_2083 = arith.constant 0 : i32
      %dma_wait3A_2084 = tpu.memref_slice %arg6[%dma_wait3A_2068, %dma_wait3A_2082, %dma_wait3A_2083] : memref<2x800x64xf32, #tpu.memory_space<vmem>> -> memref<1x50x64xf32, #tpu.memory_space<vmem>>
      %dma_wait3A_2085 = tpu.memref_squeeze %dma_wait3A_2084 : memref<1x50x64xf32, #tpu.memory_space<vmem>> -> memref<50x64xf32, #tpu.memory_space<vmem>>
      tpu.wait_dma2 semaphore(%arg12 : memref<!tpu.dma_semaphore, #tpu.memory_space<semaphore_mem>>) src(%dma_wait3A_2085 : memref<50x64xf32, #tpu.memory_space<vmem>>) dst(%dma_wait3A_2081 : memref<50x64xf32, #tpu.memory_space<hbm>>)
      %dma_wait3A_2086 = arith.constant 1 : i32
      %dma_wait3A_2087 = arith.constant 0 : i32
      %dma_wait3A_2088 = arith.constant 0 : i32
      %dma_wait3A_2089 = arith.constant 0 : i32
      %dma_wait3A_2090 = tpu.memref_slice %arg6[%dma_wait3A_2086, %dma_wait3A_2088, %dma_wait3A_2089] : memref<2x800x64xf32, #tpu.memory_space<vmem>> -> memref<1x50x64xf32, #tpu.memory_space<vmem>>
      %dma_wait3A_2091 = tpu.memref_squeeze %dma_wait3A_2090 : memref<1x50x64xf32, #tpu.memory_space<vmem>> -> memref<50x64xf32, #tpu.memory_space<vmem>>
      %dma_wait3A_2092 = arith.constant 0 : i32
      %dma_wait3A_2093 = arith.constant 0 : i32
      %dma_wait3A_2094 = tpu.memref_slice %arg4[%dma_wait3A_2087, %dma_wait3A_2092, %dma_wait3A_2093] : memref<16384x56x128xf32, #tpu.memory_space<hbm>> -> memref<1x50x64xf32, #tpu.memory_space<hbm>>
      %dma_wait3A_2095 = tpu.memref_squeeze %dma_wait3A_2094 : memref<1x50x64xf32, #tpu.memory_space<hbm>> -> memref<50x64xf32, #tpu.memory_space<hbm>>
      %dma_wait3A_2096 = arith.constant 0 : i32
      %dma_wait3A_2097 = arith.constant 0 : i32
      %dma_wait3A_2098 = tpu.memref_slice %arg4[%dma_wait3A_2087, %dma_wait3A_2096, %dma_wait3A_2097] : memref<16384x56x128xf32, #tpu.memory_space<hbm>> -> memref<1x50x64xf32, #tpu.memory_space<hbm>>
      %dma_wait3A_2099 = tpu.memref_squeeze %dma_wait3A_2098 : memref<1x50x64xf32, #tpu.memory_space<hbm>> -> memref<50x64xf32, #tpu.memory_space<hbm>>
      %dma_wait3A_2100 = arith.constant 0 : i32
      %dma_wait3A_2101 = arith.constant 0 : i32
      %dma_wait3A_2102 = tpu.memref_slice %arg6[%dma_wait3A_2086, %dma_wait3A_2100, %dma_wait3A_2101] : memref<2x800x64xf32, #tpu.memory_space<vmem>> -> memref<1x50x64xf32, #tpu.memory_space<vmem>>
      %dma_wait3A_2103 = tpu.memref_squeeze %dma_wait3A_2102 : memref<1x50x64xf32, #tpu.memory_space<vmem>> -> memref<50x64xf32, #tpu.memory_space<vmem>>
      tpu.wait_dma2 semaphore(%arg12 : memref<!tpu.dma_semaphore, #tpu.memory_space<semaphore_mem>>) src(%dma_wait3A_2103 : memref<50x64xf32, #tpu.memory_space<vmem>>) dst(%dma_wait3A_2099 : memref<50x64xf32, #tpu.memory_space<hbm>>)
      %dma_wait3A_2104 = arith.constant 1 : i32
      %dma_wait3A_2105 = arith.constant 0 : i32
      %dma_wait3A_2106 = arith.constant 0 : i32
      %dma_wait3A_2107 = arith.constant 0 : i32
      %dma_wait3A_2108 = tpu.memref_slice %arg6[%dma_wait3A_2104, %dma_wait3A_2106, %dma_wait3A_2107] : memref<2x800x64xf32, #tpu.memory_space<vmem>> -> memref<1x50x64xf32, #tpu.memory_space<vmem>>
      %dma_wait3A_2109 = tpu.memref_squeeze %dma_wait3A_2108 : memref<1x50x64xf32, #tpu.memory_space<vmem>> -> memref<50x64xf32, #tpu.memory_space<vmem>>
      %dma_wait3A_2110 = arith.constant 0 : i32
      %dma_wait3A_2111 = arith.constant 0 : i32
      %dma_wait3A_2112 = tpu.memref_slice %arg4[%dma_wait3A_2105, %dma_wait3A_2110, %dma_wait3A_2111] : memref<16384x56x128xf32, #tpu.memory_space<hbm>> -> memref<1x50x64xf32, #tpu.memory_space<hbm>>
      %dma_wait3A_2113 = tpu.memref_squeeze %dma_wait3A_2112 : memref<1x50x64xf32, #tpu.memory_space<hbm>> -> memref<50x64xf32, #tpu.memory_space<hbm>>
      %dma_wait3A_2114 = arith.constant 0 : i32
      %dma_wait3A_2115 = arith.constant 0 : i32
      %dma_wait3A_2116 = tpu.memref_slice %arg4[%dma_wait3A_2105, %dma_wait3A_2114, %dma_wait3A_2115] : memref<16384x56x128xf32, #tpu.memory_space<hbm>> -> memref<1x50x64xf32, #tpu.memory_space<hbm>>
      %dma_wait3A_2117 = tpu.memref_squeeze %dma_wait3A_2116 : memref<1x50x64xf32, #tpu.memory_space<hbm>> -> memref<50x64xf32, #tpu.memory_space<hbm>>
      %dma_wait3A_2118 = arith.constant 0 : i32
      %dma_wait3A_2119 = arith.constant 0 : i32
      %dma_wait3A_2120 = tpu.memref_slice %arg6[%dma_wait3A_2104, %dma_wait3A_2118, %dma_wait3A_2119] : memref<2x800x64xf32, #tpu.memory_space<vmem>> -> memref<1x50x64xf32, #tpu.memory_space<vmem>>
      %dma_wait3A_2121 = tpu.memref_squeeze %dma_wait3A_2120 : memref<1x50x64xf32, #tpu.memory_space<vmem>> -> memref<50x64xf32, #tpu.memory_space<vmem>>
      tpu.wait_dma2 semaphore(%arg12 : memref<!tpu.dma_semaphore, #tpu.memory_space<semaphore_mem>>) src(%dma_wait3A_2121 : memref<50x64xf32, #tpu.memory_space<vmem>>) dst(%dma_wait3A_2117 : memref<50x64xf32, #tpu.memory_space<hbm>>)
      %dma_wait3A_2122 = arith.constant 1 : i32
      %dma_wait3A_2123 = arith.constant 0 : i32
      %dma_wait3A_2124 = arith.constant 0 : i32
      %dma_wait3A_2125 = arith.constant 0 : i32
      %dma_wait3A_2126 = tpu.memref_slice %arg6[%dma_wait3A_2122, %dma_wait3A_2124, %dma_wait3A_2125] : memref<2x800x64xf32, #tpu.memory_space<vmem>> -> memref<1x50x64xf32, #tpu.memory_space<vmem>>
      %dma_wait3A_2127 = tpu.memref_squeeze %dma_wait3A_2126 : memref<1x50x64xf32, #tpu.memory_space<vmem>> -> memref<50x64xf32, #tpu.memory_space<vmem>>
      %dma_wait3A_2128 = arith.constant 0 : i32
      %dma_wait3A_2129 = arith.constant 0 : i32
      %dma_wait3A_2130 = tpu.memref_slice %arg4[%dma_wait3A_2123, %dma_wait3A_2128, %dma_wait3A_2129] : memref<16384x56x128xf32, #tpu.memory_space<hbm>> -> memref<1x50x64xf32, #tpu.memory_space<hbm>>
      %dma_wait3A_2131 = tpu.memref_squeeze %dma_wait3A_2130 : memref<1x50x64xf32, #tpu.memory_space<hbm>> -> memref<50x64xf32, #tpu.memory_space<hbm>>
      %dma_wait3A_2132 = arith.constant 0 : i32
      %dma_wait3A_2133 = arith.constant 0 : i32
      %dma_wait3A_2134 = tpu.memref_slice %arg4[%dma_wait3A_2123, %dma_wait3A_2132, %dma_wait3A_2133] : memref<16384x56x128xf32, #tpu.memory_space<hbm>> -> memref<1x50x64xf32, #tpu.memory_space<hbm>>
      %dma_wait3A_2135 = tpu.memref_squeeze %dma_wait3A_2134 : memref<1x50x64xf32, #tpu.memory_space<hbm>> -> memref<50x64xf32, #tpu.memory_space<hbm>>
      %dma_wait3A_2136 = arith.constant 0 : i32
      %dma_wait3A_2137 = arith.constant 0 : i32
      %dma_wait3A_2138 = tpu.memref_slice %arg6[%dma_wait3A_2122, %dma_wait3A_2136, %dma_wait3A_2137] : memref<2x800x64xf32, #tpu.memory_space<vmem>> -> memref<1x50x64xf32, #tpu.memory_space<vmem>>
      %dma_wait3A_2139 = tpu.memref_squeeze %dma_wait3A_2138 : memref<1x50x64xf32, #tpu.memory_space<vmem>> -> memref<50x64xf32, #tpu.memory_space<vmem>>
      tpu.wait_dma2 semaphore(%arg12 : memref<!tpu.dma_semaphore, #tpu.memory_space<semaphore_mem>>) src(%dma_wait3A_2139 : memref<50x64xf32, #tpu.memory_space<vmem>>) dst(%dma_wait3A_2135 : memref<50x64xf32, #tpu.memory_space<hbm>>)
      %dma_wait3A_2140 = arith.constant 1 : i32
      %dma_wait3A_2141 = arith.constant 0 : i32
      %dma_wait3A_2142 = arith.constant 0 : i32
      %dma_wait3A_2143 = arith.constant 0 : i32
      %dma_wait3A_2144 = tpu.memref_slice %arg6[%dma_wait3A_2140, %dma_wait3A_2142, %dma_wait3A_2143] : memref<2x800x64xf32, #tpu.memory_space<vmem>> -> memref<1x50x64xf32, #tpu.memory_space<vmem>>
      %dma_wait3A_2145 = tpu.memref_squeeze %dma_wait3A_2144 : memref<1x50x64xf32, #tpu.memory_space<vmem>> -> memref<50x64xf32, #tpu.memory_space<vmem>>
      %dma_wait3A_2146 = arith.constant 0 : i32
      %dma_wait3A_2147 = arith.constant 0 : i32
      %dma_wait3A_2148 = tpu.memref_slice %arg4[%dma_wait3A_2141, %dma_wait3A_2146, %dma_wait3A_2147] : memref<16384x56x128xf32, #tpu.memory_space<hbm>> -> memref<1x50x64xf32, #tpu.memory_space<hbm>>
      %dma_wait3A_2149 = tpu.memref_squeeze %dma_wait3A_2148 : memref<1x50x64xf32, #tpu.memory_space<hbm>> -> memref<50x64xf32, #tpu.memory_space<hbm>>
      %dma_wait3A_2150 = arith.constant 0 : i32
      %dma_wait3A_2151 = arith.constant 0 : i32
      %dma_wait3A_2152 = tpu.memref_slice %arg4[%dma_wait3A_2141, %dma_wait3A_2150, %dma_wait3A_2151] : memref<16384x56x128xf32, #tpu.memory_space<hbm>> -> memref<1x50x64xf32, #tpu.memory_space<hbm>>
      %dma_wait3A_2153 = tpu.memref_squeeze %dma_wait3A_2152 : memref<1x50x64xf32, #tpu.memory_space<hbm>> -> memref<50x64xf32, #tpu.memory_space<hbm>>
      %dma_wait3A_2154 = arith.constant 0 : i32
      %dma_wait3A_2155 = arith.constant 0 : i32
      %dma_wait3A_2156 = tpu.memref_slice %arg6[%dma_wait3A_2140, %dma_wait3A_2154, %dma_wait3A_2155] : memref<2x800x64xf32, #tpu.memory_space<vmem>> -> memref<1x50x64xf32, #tpu.memory_space<vmem>>
      %dma_wait3A_2157 = tpu.memref_squeeze %dma_wait3A_2156 : memref<1x50x64xf32, #tpu.memory_space<vmem>> -> memref<50x64xf32, #tpu.memory_space<vmem>>
      tpu.wait_dma2 semaphore(%arg12 : memref<!tpu.dma_semaphore, #tpu.memory_space<semaphore_mem>>) src(%dma_wait3A_2157 : memref<50x64xf32, #tpu.memory_space<vmem>>) dst(%dma_wait3A_2153 : memref<50x64xf32, #tpu.memory_space<hbm>>)
      %dma_wait3A_2158 = arith.constant 1 : i32
      %dma_wait3A_2159 = arith.constant 0 : i32
      %dma_wait3A_2160 = arith.constant 0 : i32
      %dma_wait3A_2161 = arith.constant 0 : i32
      %dma_wait3A_2162 = tpu.memref_slice %arg6[%dma_wait3A_2158, %dma_wait3A_2160, %dma_wait3A_2161] : memref<2x800x64xf32, #tpu.memory_space<vmem>> -> memref<1x50x64xf32, #tpu.memory_space<vmem>>
      %dma_wait3A_2163 = tpu.memref_squeeze %dma_wait3A_2162 : memref<1x50x64xf32, #tpu.memory_space<vmem>> -> memref<50x64xf32, #tpu.memory_space<vmem>>
      %dma_wait3A_2164 = arith.constant 0 : i32
      %dma_wait3A_2165 = arith.constant 0 : i32
      %dma_wait3A_2166 = tpu.memref_slice %arg4[%dma_wait3A_2159, %dma_wait3A_2164, %dma_wait3A_2165] : memref<16384x56x128xf32, #tpu.memory_space<hbm>> -> memref<1x50x64xf32, #tpu.memory_space<hbm>>
      %dma_wait3A_2167 = tpu.memref_squeeze %dma_wait3A_2166 : memref<1x50x64xf32, #tpu.memory_space<hbm>> -> memref<50x64xf32, #tpu.memory_space<hbm>>
      %dma_wait3A_2168 = arith.constant 0 : i32
      %dma_wait3A_2169 = arith.constant 0 : i32
      %dma_wait3A_2170 = tpu.memref_slice %arg4[%dma_wait3A_2159, %dma_wait3A_2168, %dma_wait3A_2169] : memref<16384x56x128xf32, #tpu.memory_space<hbm>> -> memref<1x50x64xf32, #tpu.memory_space<hbm>>
      %dma_wait3A_2171 = tpu.memref_squeeze %dma_wait3A_2170 : memref<1x50x64xf32, #tpu.memory_space<hbm>> -> memref<50x64xf32, #tpu.memory_space<hbm>>
      %dma_wait3A_2172 = arith.constant 0 : i32
      %dma_wait3A_2173 = arith.constant 0 : i32
      %dma_wait3A_2174 = tpu.memref_slice %arg6[%dma_wait3A_2158, %dma_wait3A_2172, %dma_wait3A_2173] : memref<2x800x64xf32, #tpu.memory_space<vmem>> -> memref<1x50x64xf32, #tpu.memory_space<vmem>>
      %dma_wait3A_2175 = tpu.memref_squeeze %dma_wait3A_2174 : memref<1x50x64xf32, #tpu.memory_space<vmem>> -> memref<50x64xf32, #tpu.memory_space<vmem>>
      tpu.wait_dma2 semaphore(%arg12 : memref<!tpu.dma_semaphore, #tpu.memory_space<semaphore_mem>>) src(%dma_wait3A_2175 : memref<50x64xf32, #tpu.memory_space<vmem>>) dst(%dma_wait3A_2171 : memref<50x64xf32, #tpu.memory_space<hbm>>)
      %dma_wait3A_2176 = arith.constant 1 : i32
      %dma_wait3A_2177 = arith.constant 0 : i32
      %dma_wait3A_2178 = arith.constant 0 : i32
      %dma_wait3A_2179 = arith.constant 0 : i32
      %dma_wait3A_2180 = tpu.memref_slice %arg6[%dma_wait3A_2176, %dma_wait3A_2178, %dma_wait3A_2179] : memref<2x800x64xf32, #tpu.memory_space<vmem>> -> memref<1x50x64xf32, #tpu.memory_space<vmem>>
      %dma_wait3A_2181 = tpu.memref_squeeze %dma_wait3A_2180 : memref<1x50x64xf32, #tpu.memory_space<vmem>> -> memref<50x64xf32, #tpu.memory_space<vmem>>
      %dma_wait3A_2182 = arith.constant 0 : i32
      %dma_wait3A_2183 = arith.constant 0 : i32
      %dma_wait3A_2184 = tpu.memref_slice %arg4[%dma_wait3A_2177, %dma_wait3A_2182, %dma_wait3A_2183] : memref<16384x56x128xf32, #tpu.memory_space<hbm>> -> memref<1x50x64xf32, #tpu.memory_space<hbm>>
      %dma_wait3A_2185 = tpu.memref_squeeze %dma_wait3A_2184 : memref<1x50x64xf32, #tpu.memory_space<hbm>> -> memref<50x64xf32, #tpu.memory_space<hbm>>
      %dma_wait3A_2186 = arith.constant 0 : i32
      %dma_wait3A_2187 = arith.constant 0 : i32
      %dma_wait3A_2188 = tpu.memref_slice %arg4[%dma_wait3A_2177, %dma_wait3A_2186, %dma_wait3A_2187] : memref<16384x56x128xf32, #tpu.memory_space<hbm>> -> memref<1x50x64xf32, #tpu.memory_space<hbm>>
      %dma_wait3A_2189 = tpu.memref_squeeze %dma_wait3A_2188 : memref<1x50x64xf32, #tpu.memory_space<hbm>> -> memref<50x64xf32, #tpu.memory_space<hbm>>
      %dma_wait3A_2190 = arith.constant 0 : i32
      %dma_wait3A_2191 = arith.constant 0 : i32
      %dma_wait3A_2192 = tpu.memref_slice %arg6[%dma_wait3A_2176, %dma_wait3A_2190, %dma_wait3A_2191] : memref<2x800x64xf32, #tpu.memory_space<vmem>> -> memref<1x50x64xf32, #tpu.memory_space<vmem>>
      %dma_wait3A_2193 = tpu.memref_squeeze %dma_wait3A_2192 : memref<1x50x64xf32, #tpu.memory_space<vmem>> -> memref<50x64xf32, #tpu.memory_space<vmem>>
      tpu.wait_dma2 semaphore(%arg12 : memref<!tpu.dma_semaphore, #tpu.memory_space<semaphore_mem>>) src(%dma_wait3A_2193 : memref<50x64xf32, #tpu.memory_space<vmem>>) dst(%dma_wait3A_2189 : memref<50x64xf32, #tpu.memory_space<hbm>>)
      %dma_wait3A_2194 = arith.constant 1 : i32
      %dma_wait3A_2195 = arith.constant 0 : i32
      %dma_wait3A_2196 = arith.constant 0 : i32
      %dma_wait3A_2197 = arith.constant 0 : i32
      %dma_wait3A_2198 = tpu.memref_slice %arg6[%dma_wait3A_2194, %dma_wait3A_2196, %dma_wait3A_2197] : memref<2x800x64xf32, #tpu.memory_space<vmem>> -> memref<1x50x64xf32, #tpu.memory_space<vmem>>
      %dma_wait3A_2199 = tpu.memref_squeeze %dma_wait3A_2198 : memref<1x50x64xf32, #tpu.memory_space<vmem>> -> memref<50x64xf32, #tpu.memory_space<vmem>>
      %dma_wait3A_2200 = arith.constant 0 : i32
      %dma_wait3A_2201 = arith.constant 0 : i32
      %dma_wait3A_2202 = tpu.memref_slice %arg4[%dma_wait3A_2195, %dma_wait3A_2200, %dma_wait3A_2201] : memref<16384x56x128xf32, #tpu.memory_space<hbm>> -> memref<1x50x64xf32, #tpu.memory_space<hbm>>
      %dma_wait3A_2203 = tpu.memref_squeeze %dma_wait3A_2202 : memref<1x50x64xf32, #tpu.memory_space<hbm>> -> memref<50x64xf32, #tpu.memory_space<hbm>>
      %dma_wait3A_2204 = arith.constant 0 : i32
      %dma_wait3A_2205 = arith.constant 0 : i32
      %dma_wait3A_2206 = tpu.memref_slice %arg4[%dma_wait3A_2195, %dma_wait3A_2204, %dma_wait3A_2205] : memref<16384x56x128xf32, #tpu.memory_space<hbm>> -> memref<1x50x64xf32, #tpu.memory_space<hbm>>
      %dma_wait3A_2207 = tpu.memref_squeeze %dma_wait3A_2206 : memref<1x50x64xf32, #tpu.memory_space<hbm>> -> memref<50x64xf32, #tpu.memory_space<hbm>>
      %dma_wait3A_2208 = arith.constant 0 : i32
      %dma_wait3A_2209 = arith.constant 0 : i32
      %dma_wait3A_2210 = tpu.memref_slice %arg6[%dma_wait3A_2194, %dma_wait3A_2208, %dma_wait3A_2209] : memref<2x800x64xf32, #tpu.memory_space<vmem>> -> memref<1x50x64xf32, #tpu.memory_space<vmem>>
      %dma_wait3A_2211 = tpu.memref_squeeze %dma_wait3A_2210 : memref<1x50x64xf32, #tpu.memory_space<vmem>> -> memref<50x64xf32, #tpu.memory_space<vmem>>
      tpu.wait_dma2 semaphore(%arg12 : memref<!tpu.dma_semaphore, #tpu.memory_space<semaphore_mem>>) src(%dma_wait3A_2211 : memref<50x64xf32, #tpu.memory_space<vmem>>) dst(%dma_wait3A_2207 : memref<50x64xf32, #tpu.memory_space<hbm>>)
      %dma_wait3A_2212 = arith.constant 1 : i32
      %dma_wait3A_2213 = arith.constant 0 : i32
      %dma_wait3A_2214 = arith.constant 0 : i32
      %dma_wait3A_2215 = arith.constant 0 : i32
      %dma_wait3A_2216 = tpu.memref_slice %arg6[%dma_wait3A_2212, %dma_wait3A_2214, %dma_wait3A_2215] : memref<2x800x64xf32, #tpu.memory_space<vmem>> -> memref<1x50x64xf32, #tpu.memory_space<vmem>>
      %dma_wait3A_2217 = tpu.memref_squeeze %dma_wait3A_2216 : memref<1x50x64xf32, #tpu.memory_space<vmem>> -> memref<50x64xf32, #tpu.memory_space<vmem>>
      %dma_wait3A_2218 = arith.constant 0 : i32
      %dma_wait3A_2219 = arith.constant 0 : i32
      %dma_wait3A_2220 = tpu.memref_slice %arg4[%dma_wait3A_2213, %dma_wait3A_2218, %dma_wait3A_2219] : memref<16384x56x128xf32, #tpu.memory_space<hbm>> -> memref<1x50x64xf32, #tpu.memory_space<hbm>>
      %dma_wait3A_2221 = tpu.memref_squeeze %dma_wait3A_2220 : memref<1x50x64xf32, #tpu.memory_space<hbm>> -> memref<50x64xf32, #tpu.memory_space<hbm>>
      %dma_wait3A_2222 = arith.constant 0 : i32
      %dma_wait3A_2223 = arith.constant 0 : i32
      %dma_wait3A_2224 = tpu.memref_slice %arg4[%dma_wait3A_2213, %dma_wait3A_2222, %dma_wait3A_2223] : memref<16384x56x128xf32, #tpu.memory_space<hbm>> -> memref<1x50x64xf32, #tpu.memory_space<hbm>>
      %dma_wait3A_2225 = tpu.memref_squeeze %dma_wait3A_2224 : memref<1x50x64xf32, #tpu.memory_space<hbm>> -> memref<50x64xf32, #tpu.memory_space<hbm>>
      %dma_wait3A_2226 = arith.constant 0 : i32
      %dma_wait3A_2227 = arith.constant 0 : i32
      %dma_wait3A_2228 = tpu.memref_slice %arg6[%dma_wait3A_2212, %dma_wait3A_2226, %dma_wait3A_2227] : memref<2x800x64xf32, #tpu.memory_space<vmem>> -> memref<1x50x64xf32, #tpu.memory_space<vmem>>
      %dma_wait3A_2229 = tpu.memref_squeeze %dma_wait3A_2228 : memref<1x50x64xf32, #tpu.memory_space<vmem>> -> memref<50x64xf32, #tpu.memory_space<vmem>>
      tpu.wait_dma2 semaphore(%arg12 : memref<!tpu.dma_semaphore, #tpu.memory_space<semaphore_mem>>) src(%dma_wait3A_2229 : memref<50x64xf32, #tpu.memory_space<vmem>>) dst(%dma_wait3A_2225 : memref<50x64xf32, #tpu.memory_space<hbm>>)
      %dma_wait3A_2230 = arith.constant 1 : i32
      %dma_wait3A_2231 = arith.constant 0 : i32
      %dma_wait3A_2232 = arith.constant 0 : i32
      %dma_wait3A_2233 = arith.constant 0 : i32
      %dma_wait3A_2234 = tpu.memref_slice %arg6[%dma_wait3A_2230, %dma_wait3A_2232, %dma_wait3A_2233] : memref<2x800x64xf32, #tpu.memory_space<vmem>> -> memref<1x50x64xf32, #tpu.memory_space<vmem>>
      %dma_wait3A_2235 = tpu.memref_squeeze %dma_wait3A_2234 : memref<1x50x64xf32, #tpu.memory_space<vmem>> -> memref<50x64xf32, #tpu.memory_space<vmem>>
      %dma_wait3A_2236 = arith.constant 0 : i32
      %dma_wait3A_2237 = arith.constant 0 : i32
      %dma_wait3A_2238 = tpu.memref_slice %arg4[%dma_wait3A_2231, %dma_wait3A_2236, %dma_wait3A_2237] : memref<16384x56x128xf32, #tpu.memory_space<hbm>> -> memref<1x50x64xf32, #tpu.memory_space<hbm>>
      %dma_wait3A_2239 = tpu.memref_squeeze %dma_wait3A_2238 : memref<1x50x64xf32, #tpu.memory_space<hbm>> -> memref<50x64xf32, #tpu.memory_space<hbm>>
      %dma_wait3A_2240 = arith.constant 0 : i32
      %dma_wait3A_2241 = arith.constant 0 : i32
      %dma_wait3A_2242 = tpu.memref_slice %arg4[%dma_wait3A_2231, %dma_wait3A_2240, %dma_wait3A_2241] : memref<16384x56x128xf32, #tpu.memory_space<hbm>> -> memref<1x50x64xf32, #tpu.memory_space<hbm>>
      %dma_wait3A_2243 = tpu.memref_squeeze %dma_wait3A_2242 : memref<1x50x64xf32, #tpu.memory_space<hbm>> -> memref<50x64xf32, #tpu.memory_space<hbm>>
      %dma_wait3A_2244 = arith.constant 0 : i32
      %dma_wait3A_2245 = arith.constant 0 : i32
      %dma_wait3A_2246 = tpu.memref_slice %arg6[%dma_wait3A_2230, %dma_wait3A_2244, %dma_wait3A_2245] : memref<2x800x64xf32, #tpu.memory_space<vmem>> -> memref<1x50x64xf32, #tpu.memory_space<vmem>>
      %dma_wait3A_2247 = tpu.memref_squeeze %dma_wait3A_2246 : memref<1x50x64xf32, #tpu.memory_space<vmem>> -> memref<50x64xf32, #tpu.memory_space<vmem>>
      tpu.wait_dma2 semaphore(%arg12 : memref<!tpu.dma_semaphore, #tpu.memory_space<semaphore_mem>>) src(%dma_wait3A_2247 : memref<50x64xf32, #tpu.memory_space<vmem>>) dst(%dma_wait3A_2243 : memref<50x64xf32, #tpu.memory_space<hbm>>)
      %dma_wait3A_2248 = arith.constant 1 : i32
      %dma_wait3A_2249 = arith.constant 0 : i32
      %dma_wait3A_2250 = arith.constant 0 : i32
      %dma_wait3A_2251 = arith.constant 0 : i32
      %dma_wait3A_2252 = tpu.memref_slice %arg6[%dma_wait3A_2248, %dma_wait3A_2250, %dma_wait3A_2251] : memref<2x800x64xf32, #tpu.memory_space<vmem>> -> memref<1x50x64xf32, #tpu.memory_space<vmem>>
      %dma_wait3A_2253 = tpu.memref_squeeze %dma_wait3A_2252 : memref<1x50x64xf32, #tpu.memory_space<vmem>> -> memref<50x64xf32, #tpu.memory_space<vmem>>
      %dma_wait3A_2254 = arith.constant 0 : i32
      %dma_wait3A_2255 = arith.constant 0 : i32
      %dma_wait3A_2256 = tpu.memref_slice %arg4[%dma_wait3A_2249, %dma_wait3A_2254, %dma_wait3A_2255] : memref<16384x56x128xf32, #tpu.memory_space<hbm>> -> memref<1x50x64xf32, #tpu.memory_space<hbm>>
      %dma_wait3A_2257 = tpu.memref_squeeze %dma_wait3A_2256 : memref<1x50x64xf32, #tpu.memory_space<hbm>> -> memref<50x64xf32, #tpu.memory_space<hbm>>
      %dma_wait3A_2258 = arith.constant 0 : i32
      %dma_wait3A_2259 = arith.constant 0 : i32
      %dma_wait3A_2260 = tpu.memref_slice %arg4[%dma_wait3A_2249, %dma_wait3A_2258, %dma_wait3A_2259] : memref<16384x56x128xf32, #tpu.memory_space<hbm>> -> memref<1x50x64xf32, #tpu.memory_space<hbm>>
      %dma_wait3A_2261 = tpu.memref_squeeze %dma_wait3A_2260 : memref<1x50x64xf32, #tpu.memory_space<hbm>> -> memref<50x64xf32, #tpu.memory_space<hbm>>
      %dma_wait3A_2262 = arith.constant 0 : i32
      %dma_wait3A_2263 = arith.constant 0 : i32
      %dma_wait3A_2264 = tpu.memref_slice %arg6[%dma_wait3A_2248, %dma_wait3A_2262, %dma_wait3A_2263] : memref<2x800x64xf32, #tpu.memory_space<vmem>> -> memref<1x50x64xf32, #tpu.memory_space<vmem>>
      %dma_wait3A_2265 = tpu.memref_squeeze %dma_wait3A_2264 : memref<1x50x64xf32, #tpu.memory_space<vmem>> -> memref<50x64xf32, #tpu.memory_space<vmem>>
      tpu.wait_dma2 semaphore(%arg12 : memref<!tpu.dma_semaphore, #tpu.memory_space<semaphore_mem>>) src(%dma_wait3A_2265 : memref<50x64xf32, #tpu.memory_space<vmem>>) dst(%dma_wait3A_2261 : memref<50x64xf32, #tpu.memory_space<hbm>>)
      %dma_wait3A_2266 = arith.constant 1 : i32
      %dma_wait3A_2267 = arith.constant 0 : i32
      %dma_wait3A_2268 = arith.constant 0 : i32
      %dma_wait3A_2269 = arith.constant 0 : i32
      %dma_wait3A_2270 = tpu.memref_slice %arg6[%dma_wait3A_2266, %dma_wait3A_2268, %dma_wait3A_2269] : memref<2x800x64xf32, #tpu.memory_space<vmem>> -> memref<1x50x64xf32, #tpu.memory_space<vmem>>
      %dma_wait3A_2271 = tpu.memref_squeeze %dma_wait3A_2270 : memref<1x50x64xf32, #tpu.memory_space<vmem>> -> memref<50x64xf32, #tpu.memory_space<vmem>>
      %dma_wait3A_2272 = arith.constant 0 : i32
      %dma_wait3A_2273 = arith.constant 0 : i32
      %dma_wait3A_2274 = tpu.memref_slice %arg4[%dma_wait3A_2267, %dma_wait3A_2272, %dma_wait3A_2273] : memref<16384x56x128xf32, #tpu.memory_space<hbm>> -> memref<1x50x64xf32, #tpu.memory_space<hbm>>
      %dma_wait3A_2275 = tpu.memref_squeeze %dma_wait3A_2274 : memref<1x50x64xf32, #tpu.memory_space<hbm>> -> memref<50x64xf32, #tpu.memory_space<hbm>>
      %dma_wait3A_2276 = arith.constant 0 : i32
      %dma_wait3A_2277 = arith.constant 0 : i32
      %dma_wait3A_2278 = tpu.memref_slice %arg4[%dma_wait3A_2267, %dma_wait3A_2276, %dma_wait3A_2277] : memref<16384x56x128xf32, #tpu.memory_space<hbm>> -> memref<1x50x64xf32, #tpu.memory_space<hbm>>
      %dma_wait3A_2279 = tpu.memref_squeeze %dma_wait3A_2278 : memref<1x50x64xf32, #tpu.memory_space<hbm>> -> memref<50x64xf32, #tpu.memory_space<hbm>>
      %dma_wait3A_2280 = arith.constant 0 : i32
      %dma_wait3A_2281 = arith.constant 0 : i32
      %dma_wait3A_2282 = tpu.memref_slice %arg6[%dma_wait3A_2266, %dma_wait3A_2280, %dma_wait3A_2281] : memref<2x800x64xf32, #tpu.memory_space<vmem>> -> memref<1x50x64xf32, #tpu.memory_space<vmem>>
      %dma_wait3A_2283 = tpu.memref_squeeze %dma_wait3A_2282 : memref<1x50x64xf32, #tpu.memory_space<vmem>> -> memref<50x64xf32, #tpu.memory_space<vmem>>
      tpu.wait_dma2 semaphore(%arg12 : memref<!tpu.dma_semaphore, #tpu.memory_space<semaphore_mem>>) src(%dma_wait3A_2283 : memref<50x64xf32, #tpu.memory_space<vmem>>) dst(%dma_wait3A_2279 : memref<50x64xf32, #tpu.memory_space<hbm>>)
      %dma_wait3A_2284 = arith.constant 1 : i32
      %dma_wait3A_2285 = arith.constant 0 : i32
      %dma_wait3A_2286 = arith.constant 0 : i32
      %dma_wait3A_2287 = arith.constant 0 : i32
      %dma_wait3A_2288 = tpu.memref_slice %arg6[%dma_wait3A_2284, %dma_wait3A_2286, %dma_wait3A_2287] : memref<2x800x64xf32, #tpu.memory_space<vmem>> -> memref<1x50x64xf32, #tpu.memory_space<vmem>>
      %dma_wait3A_2289 = tpu.memref_squeeze %dma_wait3A_2288 : memref<1x50x64xf32, #tpu.memory_space<vmem>> -> memref<50x64xf32, #tpu.memory_space<vmem>>
      %dma_wait3A_2290 = arith.constant 0 : i32
      %dma_wait3A_2291 = arith.constant 0 : i32
      %dma_wait3A_2292 = tpu.memref_slice %arg4[%dma_wait3A_2285, %dma_wait3A_2290, %dma_wait3A_2291] : memref<16384x56x128xf32, #tpu.memory_space<hbm>> -> memref<1x50x64xf32, #tpu.memory_space<hbm>>
      %dma_wait3A_2293 = tpu.memref_squeeze %dma_wait3A_2292 : memref<1x50x64xf32, #tpu.memory_space<hbm>> -> memref<50x64xf32, #tpu.memory_space<hbm>>
      %dma_wait3A_2294 = arith.constant 0 : i32
      %dma_wait3A_2295 = arith.constant 0 : i32
      %dma_wait3A_2296 = tpu.memref_slice %arg4[%dma_wait3A_2285, %dma_wait3A_2294, %dma_wait3A_2295] : memref<16384x56x128xf32, #tpu.memory_space<hbm>> -> memref<1x50x64xf32, #tpu.memory_space<hbm>>
      %dma_wait3A_2297 = tpu.memref_squeeze %dma_wait3A_2296 : memref<1x50x64xf32, #tpu.memory_space<hbm>> -> memref<50x64xf32, #tpu.memory_space<hbm>>
      %dma_wait3A_2298 = arith.constant 0 : i32
      %dma_wait3A_2299 = arith.constant 0 : i32
      %dma_wait3A_2300 = tpu.memref_slice %arg6[%dma_wait3A_2284, %dma_wait3A_2298, %dma_wait3A_2299] : memref<2x800x64xf32, #tpu.memory_space<vmem>> -> memref<1x50x64xf32, #tpu.memory_space<vmem>>
      %dma_wait3A_2301 = tpu.memref_squeeze %dma_wait3A_2300 : memref<1x50x64xf32, #tpu.memory_space<vmem>> -> memref<50x64xf32, #tpu.memory_space<vmem>>
      tpu.wait_dma2 semaphore(%arg12 : memref<!tpu.dma_semaphore, #tpu.memory_space<semaphore_mem>>) src(%dma_wait3A_2301 : memref<50x64xf32, #tpu.memory_space<vmem>>) dst(%dma_wait3A_2297 : memref<50x64xf32, #tpu.memory_space<hbm>>)
      %dma_start3A_2302 = arith.constant 1 : i32
      %dma_start3A_2303 = arith.constant 1 : i32
      %dma_start3A_2304 = arith.constant 0 : i32
      %dma_start3A_2305 = arith.constant 0 : i32
      %dma_start3A_2306 = tpu.memref_slice %arg6[%dma_start3A_2303, %dma_start3A_2304, %dma_start3A_2305] : memref<2x800x64xf32, #tpu.memory_space<vmem>> -> memref<1x800x64xf32, #tpu.memory_space<vmem>>
      %dma_start3A_2307 = tpu.memref_squeeze %dma_start3A_2306 : memref<1x800x64xf32, #tpu.memory_space<vmem>> -> memref<800x64xf32, #tpu.memory_space<vmem>>
      %dma_start3A_2308 = arith.constant 0 : i32
      %dma_start3A_2309 = tpu.memref_slice %arg5[%dma_start3A_2302, %dma_start3A_2308] : memref<2x800xi32, #tpu.memory_space<vmem>> -> memref<1x800xi32, #tpu.memory_space<vmem>>
      %dma_start3A_2310 = tpu.memref_squeeze %dma_start3A_2309 : memref<1x800xi32, #tpu.memory_space<vmem>> -> memref<800xi32, #tpu.memory_space<vmem>>
      %dma_start3A_2311 = arith.constant 0 : i32
      %dma_start3A_2312 = arith.constant 0 : i32
      %dma_start3A_2313 = tpu.memref_slice %arg2[%dma_start3A_2311, %dma_start3A_2312] : memref<1000000x64xf32, #tpu.memory_space<hbm>> -> memref<1000000x64xf32, #tpu.memory_space<hbm>>
      tpu.enqueue_indirect_dma source(%dma_start3A_2313 : memref<1000000x64xf32, #tpu.memory_space<hbm>>) target(%dma_start3A_2307 : memref<800x64xf32, #tpu.memory_space<vmem>>) offsets(%dma_start3A_2310 : memref<800xi32, #tpu.memory_space<vmem>>) semaphore(%arg10 : memref<!tpu.dma_semaphore, #tpu.memory_space<semaphore_mem>>)
      %mul3A_2314 = arith.constant 16 : i32
      %mul3A_2315 = arith.muli %add3A_1987, %mul3A_2314 : i32
      %add3A_2316 = arith.addi %mul3A_2, %mul3A_2315 : i32
      %add3A_2317 = arith.constant 0 : i32
      %add3A_2318 = arith.addi %add3A_2316, %add3A_2317 : i32
      %dma_start3A_2319 = arith.constant 0 : i32
      %dma_start3A_2320 = arith.constant 0 : i32
      %dma_start3A_2321 = arith.constant 0 : i32
      %dma_start3A_2322 = tpu.memref_slice %arg6[%dma_start3A_2319, %dma_start3A_2320, %dma_start3A_2321] : memref<2x800x64xf32, #tpu.memory_space<vmem>> -> memref<1x50x64xf32, #tpu.memory_space<vmem>>
      %dma_start3A_2323 = tpu.memref_squeeze %dma_start3A_2322 : memref<1x50x64xf32, #tpu.memory_space<vmem>> -> memref<50x64xf32, #tpu.memory_space<vmem>>
      %dma_start3A_2324 = arith.constant 0 : i32
      %dma_start3A_2325 = arith.constant 0 : i32
      %dma_start3A_2326 = tpu.memref_slice %arg4[%add3A_2318, %dma_start3A_2324, %dma_start3A_2325] : memref<16384x56x128xf32, #tpu.memory_space<hbm>> -> memref<1x50x64xf32, #tpu.memory_space<hbm>>
      %dma_start3A_2327 = tpu.memref_squeeze %dma_start3A_2326 : memref<1x50x64xf32, #tpu.memory_space<hbm>> -> memref<50x64xf32, #tpu.memory_space<hbm>>
      %dma_start3A_2328 = arith.constant 0 : i32
      %dma_start3A_2329 = arith.constant 0 : i32
      %dma_start3A_2330 = tpu.memref_slice %arg4[%add3A_2318, %dma_start3A_2328, %dma_start3A_2329] : memref<16384x56x128xf32, #tpu.memory_space<hbm>> -> memref<1x50x64xf32, #tpu.memory_space<hbm>>
      %dma_start3A_2331 = tpu.memref_squeeze %dma_start3A_2330 : memref<1x50x64xf32, #tpu.memory_space<hbm>> -> memref<50x64xf32, #tpu.memory_space<hbm>>
      %dma_start3A_2332 = arith.constant 0 : i32
      %dma_start3A_2333 = arith.constant 0 : i32
      %dma_start3A_2334 = tpu.memref_slice %arg6[%dma_start3A_2319, %dma_start3A_2332, %dma_start3A_2333] : memref<2x800x64xf32, #tpu.memory_space<vmem>> -> memref<1x50x64xf32, #tpu.memory_space<vmem>>
      %dma_start3A_2335 = tpu.memref_squeeze %dma_start3A_2334 : memref<1x50x64xf32, #tpu.memory_space<vmem>> -> memref<50x64xf32, #tpu.memory_space<vmem>>
      tpu.enqueue_dma source(%dma_start3A_2335 : memref<50x64xf32, #tpu.memory_space<vmem>>) target(%dma_start3A_2331 : memref<50x64xf32, #tpu.memory_space<hbm>>) target_semaphore(%arg11 : memref<!tpu.dma_semaphore, #tpu.memory_space<semaphore_mem>>)
      %add3A_2336 = arith.constant 1 : i32
      %add3A_2337 = arith.addi %add3A_2316, %add3A_2336 : i32
      %dma_start3A_2338 = arith.constant 0 : i32
      %dma_start3A_2339 = arith.constant 50 : i32
      %dma_start3A_2340 = arith.constant 0 : i32
      %dma_start3A_2341 = tpu.memref_slice %arg6[%dma_start3A_2338, %dma_start3A_2339, %dma_start3A_2340] : memref<2x800x64xf32, #tpu.memory_space<vmem>> -> memref<1x50x64xf32, #tpu.memory_space<vmem>>
      %dma_start3A_2342 = tpu.memref_squeeze %dma_start3A_2341 : memref<1x50x64xf32, #tpu.memory_space<vmem>> -> memref<50x64xf32, #tpu.memory_space<vmem>>
      %dma_start3A_2343 = arith.constant 0 : i32
      %dma_start3A_2344 = arith.constant 0 : i32
      %dma_start3A_2345 = tpu.memref_slice %arg4[%add3A_2337, %dma_start3A_2343, %dma_start3A_2344] : memref<16384x56x128xf32, #tpu.memory_space<hbm>> -> memref<1x50x64xf32, #tpu.memory_space<hbm>>
      %dma_start3A_2346 = tpu.memref_squeeze %dma_start3A_2345 : memref<1x50x64xf32, #tpu.memory_space<hbm>> -> memref<50x64xf32, #tpu.memory_space<hbm>>
      %dma_start3A_2347 = arith.constant 0 : i32
      %dma_start3A_2348 = arith.constant 0 : i32
      %dma_start3A_2349 = tpu.memref_slice %arg4[%add3A_2337, %dma_start3A_2347, %dma_start3A_2348] : memref<16384x56x128xf32, #tpu.memory_space<hbm>> -> memref<1x50x64xf32, #tpu.memory_space<hbm>>
      %dma_start3A_2350 = tpu.memref_squeeze %dma_start3A_2349 : memref<1x50x64xf32, #tpu.memory_space<hbm>> -> memref<50x64xf32, #tpu.memory_space<hbm>>
      %dma_start3A_2351 = arith.constant 50 : i32
      %dma_start3A_2352 = arith.constant 0 : i32
      %dma_start3A_2353 = tpu.memref_slice %arg6[%dma_start3A_2338, %dma_start3A_2351, %dma_start3A_2352] : memref<2x800x64xf32, #tpu.memory_space<vmem>> -> memref<1x50x64xf32, #tpu.memory_space<vmem>>
      %dma_start3A_2354 = tpu.memref_squeeze %dma_start3A_2353 : memref<1x50x64xf32, #tpu.memory_space<vmem>> -> memref<50x64xf32, #tpu.memory_space<vmem>>
      tpu.enqueue_dma source(%dma_start3A_2354 : memref<50x64xf32, #tpu.memory_space<vmem>>) target(%dma_start3A_2350 : memref<50x64xf32, #tpu.memory_space<hbm>>) target_semaphore(%arg11 : memref<!tpu.dma_semaphore, #tpu.memory_space<semaphore_mem>>)
      %add3A_2355 = arith.constant 2 : i32
      %add3A_2356 = arith.addi %add3A_2316, %add3A_2355 : i32
      %dma_start3A_2357 = arith.constant 0 : i32
      %dma_start3A_2358 = arith.constant 100 : i32
      %dma_start3A_2359 = arith.constant 0 : i32
      %dma_start3A_2360 = tpu.memref_slice %arg6[%dma_start3A_2357, %dma_start3A_2358, %dma_start3A_2359] : memref<2x800x64xf32, #tpu.memory_space<vmem>> -> memref<1x50x64xf32, #tpu.memory_space<vmem>>
      %dma_start3A_2361 = tpu.memref_squeeze %dma_start3A_2360 : memref<1x50x64xf32, #tpu.memory_space<vmem>> -> memref<50x64xf32, #tpu.memory_space<vmem>>
      %dma_start3A_2362 = arith.constant 0 : i32
      %dma_start3A_2363 = arith.constant 0 : i32
      %dma_start3A_2364 = tpu.memref_slice %arg4[%add3A_2356, %dma_start3A_2362, %dma_start3A_2363] : memref<16384x56x128xf32, #tpu.memory_space<hbm>> -> memref<1x50x64xf32, #tpu.memory_space<hbm>>
      %dma_start3A_2365 = tpu.memref_squeeze %dma_start3A_2364 : memref<1x50x64xf32, #tpu.memory_space<hbm>> -> memref<50x64xf32, #tpu.memory_space<hbm>>
      %dma_start3A_2366 = arith.constant 0 : i32
      %dma_start3A_2367 = arith.constant 0 : i32
      %dma_start3A_2368 = tpu.memref_slice %arg4[%add3A_2356, %dma_start3A_2366, %dma_start3A_2367] : memref<16384x56x128xf32, #tpu.memory_space<hbm>> -> memref<1x50x64xf32, #tpu.memory_space<hbm>>
      %dma_start3A_2369 = tpu.memref_squeeze %dma_start3A_2368 : memref<1x50x64xf32, #tpu.memory_space<hbm>> -> memref<50x64xf32, #tpu.memory_space<hbm>>
      %dma_start3A_2370 = arith.constant 100 : i32
      %dma_start3A_2371 = arith.constant 0 : i32
      %dma_start3A_2372 = tpu.memref_slice %arg6[%dma_start3A_2357, %dma_start3A_2370, %dma_start3A_2371] : memref<2x800x64xf32, #tpu.memory_space<vmem>> -> memref<1x50x64xf32, #tpu.memory_space<vmem>>
      %dma_start3A_2373 = tpu.memref_squeeze %dma_start3A_2372 : memref<1x50x64xf32, #tpu.memory_space<vmem>> -> memref<50x64xf32, #tpu.memory_space<vmem>>
      tpu.enqueue_dma source(%dma_start3A_2373 : memref<50x64xf32, #tpu.memory_space<vmem>>) target(%dma_start3A_2369 : memref<50x64xf32, #tpu.memory_space<hbm>>) target_semaphore(%arg11 : memref<!tpu.dma_semaphore, #tpu.memory_space<semaphore_mem>>)
      %add3A_2374 = arith.constant 3 : i32
      %add3A_2375 = arith.addi %add3A_2316, %add3A_2374 : i32
      %dma_start3A_2376 = arith.constant 0 : i32
      %dma_start3A_2377 = arith.constant 150 : i32
      %dma_start3A_2378 = arith.constant 0 : i32
      %dma_start3A_2379 = tpu.memref_slice %arg6[%dma_start3A_2376, %dma_start3A_2377, %dma_start3A_2378] : memref<2x800x64xf32, #tpu.memory_space<vmem>> -> memref<1x50x64xf32, #tpu.memory_space<vmem>>
      %dma_start3A_2380 = tpu.memref_squeeze %dma_start3A_2379 : memref<1x50x64xf32, #tpu.memory_space<vmem>> -> memref<50x64xf32, #tpu.memory_space<vmem>>
      %dma_start3A_2381 = arith.constant 0 : i32
      %dma_start3A_2382 = arith.constant 0 : i32
      %dma_start3A_2383 = tpu.memref_slice %arg4[%add3A_2375, %dma_start3A_2381, %dma_start3A_2382] : memref<16384x56x128xf32, #tpu.memory_space<hbm>> -> memref<1x50x64xf32, #tpu.memory_space<hbm>>
      %dma_start3A_2384 = tpu.memref_squeeze %dma_start3A_2383 : memref<1x50x64xf32, #tpu.memory_space<hbm>> -> memref<50x64xf32, #tpu.memory_space<hbm>>
      %dma_start3A_2385 = arith.constant 0 : i32
      %dma_start3A_2386 = arith.constant 0 : i32
      %dma_start3A_2387 = tpu.memref_slice %arg4[%add3A_2375, %dma_start3A_2385, %dma_start3A_2386] : memref<16384x56x128xf32, #tpu.memory_space<hbm>> -> memref<1x50x64xf32, #tpu.memory_space<hbm>>
      %dma_start3A_2388 = tpu.memref_squeeze %dma_start3A_2387 : memref<1x50x64xf32, #tpu.memory_space<hbm>> -> memref<50x64xf32, #tpu.memory_space<hbm>>
      %dma_start3A_2389 = arith.constant 150 : i32
      %dma_start3A_2390 = arith.constant 0 : i32
      %dma_start3A_2391 = tpu.memref_slice %arg6[%dma_start3A_2376, %dma_start3A_2389, %dma_start3A_2390] : memref<2x800x64xf32, #tpu.memory_space<vmem>> -> memref<1x50x64xf32, #tpu.memory_space<vmem>>
      %dma_start3A_2392 = tpu.memref_squeeze %dma_start3A_2391 : memref<1x50x64xf32, #tpu.memory_space<vmem>> -> memref<50x64xf32, #tpu.memory_space<vmem>>
      tpu.enqueue_dma source(%dma_start3A_2392 : memref<50x64xf32, #tpu.memory_space<vmem>>) target(%dma_start3A_2388 : memref<50x64xf32, #tpu.memory_space<hbm>>) target_semaphore(%arg11 : memref<!tpu.dma_semaphore, #tpu.memory_space<semaphore_mem>>)
      %add3A_2393 = arith.constant 4 : i32
      %add3A_2394 = arith.addi %add3A_2316, %add3A_2393 : i32
      %dma_start3A_2395 = arith.constant 0 : i32
      %dma_start3A_2396 = arith.constant 200 : i32
      %dma_start3A_2397 = arith.constant 0 : i32
      %dma_start3A_2398 = tpu.memref_slice %arg6[%dma_start3A_2395, %dma_start3A_2396, %dma_start3A_2397] : memref<2x800x64xf32, #tpu.memory_space<vmem>> -> memref<1x50x64xf32, #tpu.memory_space<vmem>>
      %dma_start3A_2399 = tpu.memref_squeeze %dma_start3A_2398 : memref<1x50x64xf32, #tpu.memory_space<vmem>> -> memref<50x64xf32, #tpu.memory_space<vmem>>
      %dma_start3A_2400 = arith.constant 0 : i32
      %dma_start3A_2401 = arith.constant 0 : i32
      %dma_start3A_2402 = tpu.memref_slice %arg4[%add3A_2394, %dma_start3A_2400, %dma_start3A_2401] : memref<16384x56x128xf32, #tpu.memory_space<hbm>> -> memref<1x50x64xf32, #tpu.memory_space<hbm>>
      %dma_start3A_2403 = tpu.memref_squeeze %dma_start3A_2402 : memref<1x50x64xf32, #tpu.memory_space<hbm>> -> memref<50x64xf32, #tpu.memory_space<hbm>>
      %dma_start3A_2404 = arith.constant 0 : i32
      %dma_start3A_2405 = arith.constant 0 : i32
      %dma_start3A_2406 = tpu.memref_slice %arg4[%add3A_2394, %dma_start3A_2404, %dma_start3A_2405] : memref<16384x56x128xf32, #tpu.memory_space<hbm>> -> memref<1x50x64xf32, #tpu.memory_space<hbm>>
      %dma_start3A_2407 = tpu.memref_squeeze %dma_start3A_2406 : memref<1x50x64xf32, #tpu.memory_space<hbm>> -> memref<50x64xf32, #tpu.memory_space<hbm>>
      %dma_start3A_2408 = arith.constant 200 : i32
      %dma_start3A_2409 = arith.constant 0 : i32
      %dma_start3A_2410 = tpu.memref_slice %arg6[%dma_start3A_2395, %dma_start3A_2408, %dma_start3A_2409] : memref<2x800x64xf32, #tpu.memory_space<vmem>> -> memref<1x50x64xf32, #tpu.memory_space<vmem>>
      %dma_start3A_2411 = tpu.memref_squeeze %dma_start3A_2410 : memref<1x50x64xf32, #tpu.memory_space<vmem>> -> memref<50x64xf32, #tpu.memory_space<vmem>>
      tpu.enqueue_dma source(%dma_start3A_2411 : memref<50x64xf32, #tpu.memory_space<vmem>>) target(%dma_start3A_2407 : memref<50x64xf32, #tpu.memory_space<hbm>>) target_semaphore(%arg11 : memref<!tpu.dma_semaphore, #tpu.memory_space<semaphore_mem>>)
      %add3A_2412 = arith.constant 5 : i32
      %add3A_2413 = arith.addi %add3A_2316, %add3A_2412 : i32
      %dma_start3A_2414 = arith.constant 0 : i32
      %dma_start3A_2415 = arith.constant 250 : i32
      %dma_start3A_2416 = arith.constant 0 : i32
      %dma_start3A_2417 = tpu.memref_slice %arg6[%dma_start3A_2414, %dma_start3A_2415, %dma_start3A_2416] : memref<2x800x64xf32, #tpu.memory_space<vmem>> -> memref<1x50x64xf32, #tpu.memory_space<vmem>>
      %dma_start3A_2418 = tpu.memref_squeeze %dma_start3A_2417 : memref<1x50x64xf32, #tpu.memory_space<vmem>> -> memref<50x64xf32, #tpu.memory_space<vmem>>
      %dma_start3A_2419 = arith.constant 0 : i32
      %dma_start3A_2420 = arith.constant 0 : i32
      %dma_start3A_2421 = tpu.memref_slice %arg4[%add3A_2413, %dma_start3A_2419, %dma_start3A_2420] : memref<16384x56x128xf32, #tpu.memory_space<hbm>> -> memref<1x50x64xf32, #tpu.memory_space<hbm>>
      %dma_start3A_2422 = tpu.memref_squeeze %dma_start3A_2421 : memref<1x50x64xf32, #tpu.memory_space<hbm>> -> memref<50x64xf32, #tpu.memory_space<hbm>>
      %dma_start3A_2423 = arith.constant 0 : i32
      %dma_start3A_2424 = arith.constant 0 : i32
      %dma_start3A_2425 = tpu.memref_slice %arg4[%add3A_2413, %dma_start3A_2423, %dma_start3A_2424] : memref<16384x56x128xf32, #tpu.memory_space<hbm>> -> memref<1x50x64xf32, #tpu.memory_space<hbm>>
      %dma_start3A_2426 = tpu.memref_squeeze %dma_start3A_2425 : memref<1x50x64xf32, #tpu.memory_space<hbm>> -> memref<50x64xf32, #tpu.memory_space<hbm>>
      %dma_start3A_2427 = arith.constant 250 : i32
      %dma_start3A_2428 = arith.constant 0 : i32
      %dma_start3A_2429 = tpu.memref_slice %arg6[%dma_start3A_2414, %dma_start3A_2427, %dma_start3A_2428] : memref<2x800x64xf32, #tpu.memory_space<vmem>> -> memref<1x50x64xf32, #tpu.memory_space<vmem>>
      %dma_start3A_2430 = tpu.memref_squeeze %dma_start3A_2429 : memref<1x50x64xf32, #tpu.memory_space<vmem>> -> memref<50x64xf32, #tpu.memory_space<vmem>>
      tpu.enqueue_dma source(%dma_start3A_2430 : memref<50x64xf32, #tpu.memory_space<vmem>>) target(%dma_start3A_2426 : memref<50x64xf32, #tpu.memory_space<hbm>>) target_semaphore(%arg11 : memref<!tpu.dma_semaphore, #tpu.memory_space<semaphore_mem>>)
      %add3A_2431 = arith.constant 6 : i32
      %add3A_2432 = arith.addi %add3A_2316, %add3A_2431 : i32
      %dma_start3A_2433 = arith.constant 0 : i32
      %dma_start3A_2434 = arith.constant 300 : i32
      %dma_start3A_2435 = arith.constant 0 : i32
      %dma_start3A_2436 = tpu.memref_slice %arg6[%dma_start3A_2433, %dma_start3A_2434, %dma_start3A_2435] : memref<2x800x64xf32, #tpu.memory_space<vmem>> -> memref<1x50x64xf32, #tpu.memory_space<vmem>>
      %dma_start3A_2437 = tpu.memref_squeeze %dma_start3A_2436 : memref<1x50x64xf32, #tpu.memory_space<vmem>> -> memref<50x64xf32, #tpu.memory_space<vmem>>
      %dma_start3A_2438 = arith.constant 0 : i32
      %dma_start3A_2439 = arith.constant 0 : i32
      %dma_start3A_2440 = tpu.memref_slice %arg4[%add3A_2432, %dma_start3A_2438, %dma_start3A_2439] : memref<16384x56x128xf32, #tpu.memory_space<hbm>> -> memref<1x50x64xf32, #tpu.memory_space<hbm>>
      %dma_start3A_2441 = tpu.memref_squeeze %dma_start3A_2440 : memref<1x50x64xf32, #tpu.memory_space<hbm>> -> memref<50x64xf32, #tpu.memory_space<hbm>>
      %dma_start3A_2442 = arith.constant 0 : i32
      %dma_start3A_2443 = arith.constant 0 : i32
      %dma_start3A_2444 = tpu.memref_slice %arg4[%add3A_2432, %dma_start3A_2442, %dma_start3A_2443] : memref<16384x56x128xf32, #tpu.memory_space<hbm>> -> memref<1x50x64xf32, #tpu.memory_space<hbm>>
      %dma_start3A_2445 = tpu.memref_squeeze %dma_start3A_2444 : memref<1x50x64xf32, #tpu.memory_space<hbm>> -> memref<50x64xf32, #tpu.memory_space<hbm>>
      %dma_start3A_2446 = arith.constant 300 : i32
      %dma_start3A_2447 = arith.constant 0 : i32
      %dma_start3A_2448 = tpu.memref_slice %arg6[%dma_start3A_2433, %dma_start3A_2446, %dma_start3A_2447] : memref<2x800x64xf32, #tpu.memory_space<vmem>> -> memref<1x50x64xf32, #tpu.memory_space<vmem>>
      %dma_start3A_2449 = tpu.memref_squeeze %dma_start3A_2448 : memref<1x50x64xf32, #tpu.memory_space<vmem>> -> memref<50x64xf32, #tpu.memory_space<vmem>>
      tpu.enqueue_dma source(%dma_start3A_2449 : memref<50x64xf32, #tpu.memory_space<vmem>>) target(%dma_start3A_2445 : memref<50x64xf32, #tpu.memory_space<hbm>>) target_semaphore(%arg11 : memref<!tpu.dma_semaphore, #tpu.memory_space<semaphore_mem>>)
      %add3A_2450 = arith.constant 7 : i32
      %add3A_2451 = arith.addi %add3A_2316, %add3A_2450 : i32
      %dma_start3A_2452 = arith.constant 0 : i32
      %dma_start3A_2453 = arith.constant 350 : i32
      %dma_start3A_2454 = arith.constant 0 : i32
      %dma_start3A_2455 = tpu.memref_slice %arg6[%dma_start3A_2452, %dma_start3A_2453, %dma_start3A_2454] : memref<2x800x64xf32, #tpu.memory_space<vmem>> -> memref<1x50x64xf32, #tpu.memory_space<vmem>>
      %dma_start3A_2456 = tpu.memref_squeeze %dma_start3A_2455 : memref<1x50x64xf32, #tpu.memory_space<vmem>> -> memref<50x64xf32, #tpu.memory_space<vmem>>
      %dma_start3A_2457 = arith.constant 0 : i32
      %dma_start3A_2458 = arith.constant 0 : i32
      %dma_start3A_2459 = tpu.memref_slice %arg4[%add3A_2451, %dma_start3A_2457, %dma_start3A_2458] : memref<16384x56x128xf32, #tpu.memory_space<hbm>> -> memref<1x50x64xf32, #tpu.memory_space<hbm>>
      %dma_start3A_2460 = tpu.memref_squeeze %dma_start3A_2459 : memref<1x50x64xf32, #tpu.memory_space<hbm>> -> memref<50x64xf32, #tpu.memory_space<hbm>>
      %dma_start3A_2461 = arith.constant 0 : i32
      %dma_start3A_2462 = arith.constant 0 : i32
      %dma_start3A_2463 = tpu.memref_slice %arg4[%add3A_2451, %dma_start3A_2461, %dma_start3A_2462] : memref<16384x56x128xf32, #tpu.memory_space<hbm>> -> memref<1x50x64xf32, #tpu.memory_space<hbm>>
      %dma_start3A_2464 = tpu.memref_squeeze %dma_start3A_2463 : memref<1x50x64xf32, #tpu.memory_space<hbm>> -> memref<50x64xf32, #tpu.memory_space<hbm>>
      %dma_start3A_2465 = arith.constant 350 : i32
      %dma_start3A_2466 = arith.constant 0 : i32
      %dma_start3A_2467 = tpu.memref_slice %arg6[%dma_start3A_2452, %dma_start3A_2465, %dma_start3A_2466] : memref<2x800x64xf32, #tpu.memory_space<vmem>> -> memref<1x50x64xf32, #tpu.memory_space<vmem>>
      %dma_start3A_2468 = tpu.memref_squeeze %dma_start3A_2467 : memref<1x50x64xf32, #tpu.memory_space<vmem>> -> memref<50x64xf32, #tpu.memory_space<vmem>>
      tpu.enqueue_dma source(%dma_start3A_2468 : memref<50x64xf32, #tpu.memory_space<vmem>>) target(%dma_start3A_2464 : memref<50x64xf32, #tpu.memory_space<hbm>>) target_semaphore(%arg11 : memref<!tpu.dma_semaphore, #tpu.memory_space<semaphore_mem>>)
      %add3A_2469 = arith.constant 8 : i32
      %add3A_2470 = arith.addi %add3A_2316, %add3A_2469 : i32
      %dma_start3A_2471 = arith.constant 0 : i32
      %dma_start3A_2472 = arith.constant 400 : i32
      %dma_start3A_2473 = arith.constant 0 : i32
      %dma_start3A_2474 = tpu.memref_slice %arg6[%dma_start3A_2471, %dma_start3A_2472, %dma_start3A_2473] : memref<2x800x64xf32, #tpu.memory_space<vmem>> -> memref<1x50x64xf32, #tpu.memory_space<vmem>>
      %dma_start3A_2475 = tpu.memref_squeeze %dma_start3A_2474 : memref<1x50x64xf32, #tpu.memory_space<vmem>> -> memref<50x64xf32, #tpu.memory_space<vmem>>
      %dma_start3A_2476 = arith.constant 0 : i32
      %dma_start3A_2477 = arith.constant 0 : i32
      %dma_start3A_2478 = tpu.memref_slice %arg4[%add3A_2470, %dma_start3A_2476, %dma_start3A_2477] : memref<16384x56x128xf32, #tpu.memory_space<hbm>> -> memref<1x50x64xf32, #tpu.memory_space<hbm>>
      %dma_start3A_2479 = tpu.memref_squeeze %dma_start3A_2478 : memref<1x50x64xf32, #tpu.memory_space<hbm>> -> memref<50x64xf32, #tpu.memory_space<hbm>>
      %dma_start3A_2480 = arith.constant 0 : i32
      %dma_start3A_2481 = arith.constant 0 : i32
      %dma_start3A_2482 = tpu.memref_slice %arg4[%add3A_2470, %dma_start3A_2480, %dma_start3A_2481] : memref<16384x56x128xf32, #tpu.memory_space<hbm>> -> memref<1x50x64xf32, #tpu.memory_space<hbm>>
      %dma_start3A_2483 = tpu.memref_squeeze %dma_start3A_2482 : memref<1x50x64xf32, #tpu.memory_space<hbm>> -> memref<50x64xf32, #tpu.memory_space<hbm>>
      %dma_start3A_2484 = arith.constant 400 : i32
      %dma_start3A_2485 = arith.constant 0 : i32
      %dma_start3A_2486 = tpu.memref_slice %arg6[%dma_start3A_2471, %dma_start3A_2484, %dma_start3A_2485] : memref<2x800x64xf32, #tpu.memory_space<vmem>> -> memref<1x50x64xf32, #tpu.memory_space<vmem>>
      %dma_start3A_2487 = tpu.memref_squeeze %dma_start3A_2486 : memref<1x50x64xf32, #tpu.memory_space<vmem>> -> memref<50x64xf32, #tpu.memory_space<vmem>>
      tpu.enqueue_dma source(%dma_start3A_2487 : memref<50x64xf32, #tpu.memory_space<vmem>>) target(%dma_start3A_2483 : memref<50x64xf32, #tpu.memory_space<hbm>>) target_semaphore(%arg11 : memref<!tpu.dma_semaphore, #tpu.memory_space<semaphore_mem>>)
      %add3A_2488 = arith.constant 9 : i32
      %add3A_2489 = arith.addi %add3A_2316, %add3A_2488 : i32
      %dma_start3A_2490 = arith.constant 0 : i32
      %dma_start3A_2491 = arith.constant 450 : i32
      %dma_start3A_2492 = arith.constant 0 : i32
      %dma_start3A_2493 = tpu.memref_slice %arg6[%dma_start3A_2490, %dma_start3A_2491, %dma_start3A_2492] : memref<2x800x64xf32, #tpu.memory_space<vmem>> -> memref<1x50x64xf32, #tpu.memory_space<vmem>>
      %dma_start3A_2494 = tpu.memref_squeeze %dma_start3A_2493 : memref<1x50x64xf32, #tpu.memory_space<vmem>> -> memref<50x64xf32, #tpu.memory_space<vmem>>
      %dma_start3A_2495 = arith.constant 0 : i32
      %dma_start3A_2496 = arith.constant 0 : i32
      %dma_start3A_2497 = tpu.memref_slice %arg4[%add3A_2489, %dma_start3A_2495, %dma_start3A_2496] : memref<16384x56x128xf32, #tpu.memory_space<hbm>> -> memref<1x50x64xf32, #tpu.memory_space<hbm>>
      %dma_start3A_2498 = tpu.memref_squeeze %dma_start3A_2497 : memref<1x50x64xf32, #tpu.memory_space<hbm>> -> memref<50x64xf32, #tpu.memory_space<hbm>>
      %dma_start3A_2499 = arith.constant 0 : i32
      %dma_start3A_2500 = arith.constant 0 : i32
      %dma_start3A_2501 = tpu.memref_slice %arg4[%add3A_2489, %dma_start3A_2499, %dma_start3A_2500] : memref<16384x56x128xf32, #tpu.memory_space<hbm>> -> memref<1x50x64xf32, #tpu.memory_space<hbm>>
      %dma_start3A_2502 = tpu.memref_squeeze %dma_start3A_2501 : memref<1x50x64xf32, #tpu.memory_space<hbm>> -> memref<50x64xf32, #tpu.memory_space<hbm>>
      %dma_start3A_2503 = arith.constant 450 : i32
      %dma_start3A_2504 = arith.constant 0 : i32
      %dma_start3A_2505 = tpu.memref_slice %arg6[%dma_start3A_2490, %dma_start3A_2503, %dma_start3A_2504] : memref<2x800x64xf32, #tpu.memory_space<vmem>> -> memref<1x50x64xf32, #tpu.memory_space<vmem>>
      %dma_start3A_2506 = tpu.memref_squeeze %dma_start3A_2505 : memref<1x50x64xf32, #tpu.memory_space<vmem>> -> memref<50x64xf32, #tpu.memory_space<vmem>>
      tpu.enqueue_dma source(%dma_start3A_2506 : memref<50x64xf32, #tpu.memory_space<vmem>>) target(%dma_start3A_2502 : memref<50x64xf32, #tpu.memory_space<hbm>>) target_semaphore(%arg11 : memref<!tpu.dma_semaphore, #tpu.memory_space<semaphore_mem>>)
      %add3A_2507 = arith.constant 10 : i32
      %add3A_2508 = arith.addi %add3A_2316, %add3A_2507 : i32
      %dma_start3A_2509 = arith.constant 0 : i32
      %dma_start3A_2510 = arith.constant 500 : i32
      %dma_start3A_2511 = arith.constant 0 : i32
      %dma_start3A_2512 = tpu.memref_slice %arg6[%dma_start3A_2509, %dma_start3A_2510, %dma_start3A_2511] : memref<2x800x64xf32, #tpu.memory_space<vmem>> -> memref<1x50x64xf32, #tpu.memory_space<vmem>>
      %dma_start3A_2513 = tpu.memref_squeeze %dma_start3A_2512 : memref<1x50x64xf32, #tpu.memory_space<vmem>> -> memref<50x64xf32, #tpu.memory_space<vmem>>
      %dma_start3A_2514 = arith.constant 0 : i32
      %dma_start3A_2515 = arith.constant 0 : i32
      %dma_start3A_2516 = tpu.memref_slice %arg4[%add3A_2508, %dma_start3A_2514, %dma_start3A_2515] : memref<16384x56x128xf32, #tpu.memory_space<hbm>> -> memref<1x50x64xf32, #tpu.memory_space<hbm>>
      %dma_start3A_2517 = tpu.memref_squeeze %dma_start3A_2516 : memref<1x50x64xf32, #tpu.memory_space<hbm>> -> memref<50x64xf32, #tpu.memory_space<hbm>>
      %dma_start3A_2518 = arith.constant 0 : i32
      %dma_start3A_2519 = arith.constant 0 : i32
      %dma_start3A_2520 = tpu.memref_slice %arg4[%add3A_2508, %dma_start3A_2518, %dma_start3A_2519] : memref<16384x56x128xf32, #tpu.memory_space<hbm>> -> memref<1x50x64xf32, #tpu.memory_space<hbm>>
      %dma_start3A_2521 = tpu.memref_squeeze %dma_start3A_2520 : memref<1x50x64xf32, #tpu.memory_space<hbm>> -> memref<50x64xf32, #tpu.memory_space<hbm>>
      %dma_start3A_2522 = arith.constant 500 : i32
      %dma_start3A_2523 = arith.constant 0 : i32
      %dma_start3A_2524 = tpu.memref_slice %arg6[%dma_start3A_2509, %dma_start3A_2522, %dma_start3A_2523] : memref<2x800x64xf32, #tpu.memory_space<vmem>> -> memref<1x50x64xf32, #tpu.memory_space<vmem>>
      %dma_start3A_2525 = tpu.memref_squeeze %dma_start3A_2524 : memref<1x50x64xf32, #tpu.memory_space<vmem>> -> memref<50x64xf32, #tpu.memory_space<vmem>>
      tpu.enqueue_dma source(%dma_start3A_2525 : memref<50x64xf32, #tpu.memory_space<vmem>>) target(%dma_start3A_2521 : memref<50x64xf32, #tpu.memory_space<hbm>>) target_semaphore(%arg11 : memref<!tpu.dma_semaphore, #tpu.memory_space<semaphore_mem>>)
      %add3A_2526 = arith.constant 11 : i32
      %add3A_2527 = arith.addi %add3A_2316, %add3A_2526 : i32
      %dma_start3A_2528 = arith.constant 0 : i32
      %dma_start3A_2529 = arith.constant 550 : i32
      %dma_start3A_2530 = arith.constant 0 : i32
      %dma_start3A_2531 = tpu.memref_slice %arg6[%dma_start3A_2528, %dma_start3A_2529, %dma_start3A_2530] : memref<2x800x64xf32, #tpu.memory_space<vmem>> -> memref<1x50x64xf32, #tpu.memory_space<vmem>>
      %dma_start3A_2532 = tpu.memref_squeeze %dma_start3A_2531 : memref<1x50x64xf32, #tpu.memory_space<vmem>> -> memref<50x64xf32, #tpu.memory_space<vmem>>
      %dma_start3A_2533 = arith.constant 0 : i32
      %dma_start3A_2534 = arith.constant 0 : i32
      %dma_start3A_2535 = tpu.memref_slice %arg4[%add3A_2527, %dma_start3A_2533, %dma_start3A_2534] : memref<16384x56x128xf32, #tpu.memory_space<hbm>> -> memref<1x50x64xf32, #tpu.memory_space<hbm>>
      %dma_start3A_2536 = tpu.memref_squeeze %dma_start3A_2535 : memref<1x50x64xf32, #tpu.memory_space<hbm>> -> memref<50x64xf32, #tpu.memory_space<hbm>>
      %dma_start3A_2537 = arith.constant 0 : i32
      %dma_start3A_2538 = arith.constant 0 : i32
      %dma_start3A_2539 = tpu.memref_slice %arg4[%add3A_2527, %dma_start3A_2537, %dma_start3A_2538] : memref<16384x56x128xf32, #tpu.memory_space<hbm>> -> memref<1x50x64xf32, #tpu.memory_space<hbm>>
      %dma_start3A_2540 = tpu.memref_squeeze %dma_start3A_2539 : memref<1x50x64xf32, #tpu.memory_space<hbm>> -> memref<50x64xf32, #tpu.memory_space<hbm>>
      %dma_start3A_2541 = arith.constant 550 : i32
      %dma_start3A_2542 = arith.constant 0 : i32
      %dma_start3A_2543 = tpu.memref_slice %arg6[%dma_start3A_2528, %dma_start3A_2541, %dma_start3A_2542] : memref<2x800x64xf32, #tpu.memory_space<vmem>> -> memref<1x50x64xf32, #tpu.memory_space<vmem>>
      %dma_start3A_2544 = tpu.memref_squeeze %dma_start3A_2543 : memref<1x50x64xf32, #tpu.memory_space<vmem>> -> memref<50x64xf32, #tpu.memory_space<vmem>>
      tpu.enqueue_dma source(%dma_start3A_2544 : memref<50x64xf32, #tpu.memory_space<vmem>>) target(%dma_start3A_2540 : memref<50x64xf32, #tpu.memory_space<hbm>>) target_semaphore(%arg11 : memref<!tpu.dma_semaphore, #tpu.memory_space<semaphore_mem>>)
      %add3A_2545 = arith.constant 12 : i32
      %add3A_2546 = arith.addi %add3A_2316, %add3A_2545 : i32
      %dma_start3A_2547 = arith.constant 0 : i32
      %dma_start3A_2548 = arith.constant 600 : i32
      %dma_start3A_2549 = arith.constant 0 : i32
      %dma_start3A_2550 = tpu.memref_slice %arg6[%dma_start3A_2547, %dma_start3A_2548, %dma_start3A_2549] : memref<2x800x64xf32, #tpu.memory_space<vmem>> -> memref<1x50x64xf32, #tpu.memory_space<vmem>>
      %dma_start3A_2551 = tpu.memref_squeeze %dma_start3A_2550 : memref<1x50x64xf32, #tpu.memory_space<vmem>> -> memref<50x64xf32, #tpu.memory_space<vmem>>
      %dma_start3A_2552 = arith.constant 0 : i32
      %dma_start3A_2553 = arith.constant 0 : i32
      %dma_start3A_2554 = tpu.memref_slice %arg4[%add3A_2546, %dma_start3A_2552, %dma_start3A_2553] : memref<16384x56x128xf32, #tpu.memory_space<hbm>> -> memref<1x50x64xf32, #tpu.memory_space<hbm>>
      %dma_start3A_2555 = tpu.memref_squeeze %dma_start3A_2554 : memref<1x50x64xf32, #tpu.memory_space<hbm>> -> memref<50x64xf32, #tpu.memory_space<hbm>>
      %dma_start3A_2556 = arith.constant 0 : i32
      %dma_start3A_2557 = arith.constant 0 : i32
      %dma_start3A_2558 = tpu.memref_slice %arg4[%add3A_2546, %dma_start3A_2556, %dma_start3A_2557] : memref<16384x56x128xf32, #tpu.memory_space<hbm>> -> memref<1x50x64xf32, #tpu.memory_space<hbm>>
      %dma_start3A_2559 = tpu.memref_squeeze %dma_start3A_2558 : memref<1x50x64xf32, #tpu.memory_space<hbm>> -> memref<50x64xf32, #tpu.memory_space<hbm>>
      %dma_start3A_2560 = arith.constant 600 : i32
      %dma_start3A_2561 = arith.constant 0 : i32
      %dma_start3A_2562 = tpu.memref_slice %arg6[%dma_start3A_2547, %dma_start3A_2560, %dma_start3A_2561] : memref<2x800x64xf32, #tpu.memory_space<vmem>> -> memref<1x50x64xf32, #tpu.memory_space<vmem>>
      %dma_start3A_2563 = tpu.memref_squeeze %dma_start3A_2562 : memref<1x50x64xf32, #tpu.memory_space<vmem>> -> memref<50x64xf32, #tpu.memory_space<vmem>>
      tpu.enqueue_dma source(%dma_start3A_2563 : memref<50x64xf32, #tpu.memory_space<vmem>>) target(%dma_start3A_2559 : memref<50x64xf32, #tpu.memory_space<hbm>>) target_semaphore(%arg11 : memref<!tpu.dma_semaphore, #tpu.memory_space<semaphore_mem>>)
      %add3A_2564 = arith.constant 13 : i32
      %add3A_2565 = arith.addi %add3A_2316, %add3A_2564 : i32
      %dma_start3A_2566 = arith.constant 0 : i32
      %dma_start3A_2567 = arith.constant 650 : i32
      %dma_start3A_2568 = arith.constant 0 : i32
      %dma_start3A_2569 = tpu.memref_slice %arg6[%dma_start3A_2566, %dma_start3A_2567, %dma_start3A_2568] : memref<2x800x64xf32, #tpu.memory_space<vmem>> -> memref<1x50x64xf32, #tpu.memory_space<vmem>>
      %dma_start3A_2570 = tpu.memref_squeeze %dma_start3A_2569 : memref<1x50x64xf32, #tpu.memory_space<vmem>> -> memref<50x64xf32, #tpu.memory_space<vmem>>
      %dma_start3A_2571 = arith.constant 0 : i32
      %dma_start3A_2572 = arith.constant 0 : i32
      %dma_start3A_2573 = tpu.memref_slice %arg4[%add3A_2565, %dma_start3A_2571, %dma_start3A_2572] : memref<16384x56x128xf32, #tpu.memory_space<hbm>> -> memref<1x50x64xf32, #tpu.memory_space<hbm>>
      %dma_start3A_2574 = tpu.memref_squeeze %dma_start3A_2573 : memref<1x50x64xf32, #tpu.memory_space<hbm>> -> memref<50x64xf32, #tpu.memory_space<hbm>>
      %dma_start3A_2575 = arith.constant 0 : i32
      %dma_start3A_2576 = arith.constant 0 : i32
      %dma_start3A_2577 = tpu.memref_slice %arg4[%add3A_2565, %dma_start3A_2575, %dma_start3A_2576] : memref<16384x56x128xf32, #tpu.memory_space<hbm>> -> memref<1x50x64xf32, #tpu.memory_space<hbm>>
      %dma_start3A_2578 = tpu.memref_squeeze %dma_start3A_2577 : memref<1x50x64xf32, #tpu.memory_space<hbm>> -> memref<50x64xf32, #tpu.memory_space<hbm>>
      %dma_start3A_2579 = arith.constant 650 : i32
      %dma_start3A_2580 = arith.constant 0 : i32
      %dma_start3A_2581 = tpu.memref_slice %arg6[%dma_start3A_2566, %dma_start3A_2579, %dma_start3A_2580] : memref<2x800x64xf32, #tpu.memory_space<vmem>> -> memref<1x50x64xf32, #tpu.memory_space<vmem>>
      %dma_start3A_2582 = tpu.memref_squeeze %dma_start3A_2581 : memref<1x50x64xf32, #tpu.memory_space<vmem>> -> memref<50x64xf32, #tpu.memory_space<vmem>>
      tpu.enqueue_dma source(%dma_start3A_2582 : memref<50x64xf32, #tpu.memory_space<vmem>>) target(%dma_start3A_2578 : memref<50x64xf32, #tpu.memory_space<hbm>>) target_semaphore(%arg11 : memref<!tpu.dma_semaphore, #tpu.memory_space<semaphore_mem>>)
      %add3A_2583 = arith.constant 14 : i32
      %add3A_2584 = arith.addi %add3A_2316, %add3A_2583 : i32
      %dma_start3A_2585 = arith.constant 0 : i32
      %dma_start3A_2586 = arith.constant 700 : i32
      %dma_start3A_2587 = arith.constant 0 : i32
      %dma_start3A_2588 = tpu.memref_slice %arg6[%dma_start3A_2585, %dma_start3A_2586, %dma_start3A_2587] : memref<2x800x64xf32, #tpu.memory_space<vmem>> -> memref<1x50x64xf32, #tpu.memory_space<vmem>>
      %dma_start3A_2589 = tpu.memref_squeeze %dma_start3A_2588 : memref<1x50x64xf32, #tpu.memory_space<vmem>> -> memref<50x64xf32, #tpu.memory_space<vmem>>
      %dma_start3A_2590 = arith.constant 0 : i32
      %dma_start3A_2591 = arith.constant 0 : i32
      %dma_start3A_2592 = tpu.memref_slice %arg4[%add3A_2584, %dma_start3A_2590, %dma_start3A_2591] : memref<16384x56x128xf32, #tpu.memory_space<hbm>> -> memref<1x50x64xf32, #tpu.memory_space<hbm>>
      %dma_start3A_2593 = tpu.memref_squeeze %dma_start3A_2592 : memref<1x50x64xf32, #tpu.memory_space<hbm>> -> memref<50x64xf32, #tpu.memory_space<hbm>>
      %dma_start3A_2594 = arith.constant 0 : i32
      %dma_start3A_2595 = arith.constant 0 : i32
      %dma_start3A_2596 = tpu.memref_slice %arg4[%add3A_2584, %dma_start3A_2594, %dma_start3A_2595] : memref<16384x56x128xf32, #tpu.memory_space<hbm>> -> memref<1x50x64xf32, #tpu.memory_space<hbm>>
      %dma_start3A_2597 = tpu.memref_squeeze %dma_start3A_2596 : memref<1x50x64xf32, #tpu.memory_space<hbm>> -> memref<50x64xf32, #tpu.memory_space<hbm>>
      %dma_start3A_2598 = arith.constant 700 : i32
      %dma_start3A_2599 = arith.constant 0 : i32
      %dma_start3A_2600 = tpu.memref_slice %arg6[%dma_start3A_2585, %dma_start3A_2598, %dma_start3A_2599] : memref<2x800x64xf32, #tpu.memory_space<vmem>> -> memref<1x50x64xf32, #tpu.memory_space<vmem>>
      %dma_start3A_2601 = tpu.memref_squeeze %dma_start3A_2600 : memref<1x50x64xf32, #tpu.memory_space<vmem>> -> memref<50x64xf32, #tpu.memory_space<vmem>>
      tpu.enqueue_dma source(%dma_start3A_2601 : memref<50x64xf32, #tpu.memory_space<vmem>>) target(%dma_start3A_2597 : memref<50x64xf32, #tpu.memory_space<hbm>>) target_semaphore(%arg11 : memref<!tpu.dma_semaphore, #tpu.memory_space<semaphore_mem>>)
      %add3A_2602 = arith.constant 15 : i32
      %add3A_2603 = arith.addi %add3A_2316, %add3A_2602 : i32
      %dma_start3A_2604 = arith.constant 0 : i32
      %dma_start3A_2605 = arith.constant 750 : i32
      %dma_start3A_2606 = arith.constant 0 : i32
      %dma_start3A_2607 = tpu.memref_slice %arg6[%dma_start3A_2604, %dma_start3A_2605, %dma_start3A_2606] : memref<2x800x64xf32, #tpu.memory_space<vmem>> -> memref<1x50x64xf32, #tpu.memory_space<vmem>>
      %dma_start3A_2608 = tpu.memref_squeeze %dma_start3A_2607 : memref<1x50x64xf32, #tpu.memory_space<vmem>> -> memref<50x64xf32, #tpu.memory_space<vmem>>
      %dma_start3A_2609 = arith.constant 0 : i32
      %dma_start3A_2610 = arith.constant 0 : i32
      %dma_start3A_2611 = tpu.memref_slice %arg4[%add3A_2603, %dma_start3A_2609, %dma_start3A_2610] : memref<16384x56x128xf32, #tpu.memory_space<hbm>> -> memref<1x50x64xf32, #tpu.memory_space<hbm>>
      %dma_start3A_2612 = tpu.memref_squeeze %dma_start3A_2611 : memref<1x50x64xf32, #tpu.memory_space<hbm>> -> memref<50x64xf32, #tpu.memory_space<hbm>>
      %dma_start3A_2613 = arith.constant 0 : i32
      %dma_start3A_2614 = arith.constant 0 : i32
      %dma_start3A_2615 = tpu.memref_slice %arg4[%add3A_2603, %dma_start3A_2613, %dma_start3A_2614] : memref<16384x56x128xf32, #tpu.memory_space<hbm>> -> memref<1x50x64xf32, #tpu.memory_space<hbm>>
      %dma_start3A_2616 = tpu.memref_squeeze %dma_start3A_2615 : memref<1x50x64xf32, #tpu.memory_space<hbm>> -> memref<50x64xf32, #tpu.memory_space<hbm>>
      %dma_start3A_2617 = arith.constant 750 : i32
      %dma_start3A_2618 = arith.constant 0 : i32
      %dma_start3A_2619 = tpu.memref_slice %arg6[%dma_start3A_2604, %dma_start3A_2617, %dma_start3A_2618] : memref<2x800x64xf32, #tpu.memory_space<vmem>> -> memref<1x50x64xf32, #tpu.memory_space<vmem>>
      %dma_start3A_2620 = tpu.memref_squeeze %dma_start3A_2619 : memref<1x50x64xf32, #tpu.memory_space<vmem>> -> memref<50x64xf32, #tpu.memory_space<vmem>>
      tpu.enqueue_dma source(%dma_start3A_2620 : memref<50x64xf32, #tpu.memory_space<vmem>>) target(%dma_start3A_2616 : memref<50x64xf32, #tpu.memory_space<hbm>>) target_semaphore(%arg11 : memref<!tpu.dma_semaphore, #tpu.memory_space<semaphore_mem>>)
      %add3A_2621 = arith.constant 2 : i32
      %add3A_2622 = arith.addi %add3A_1987, %add3A_2621 : i32
      %mul3A_2623 = arith.constant 16 : i32
      %mul3A_2624 = arith.muli %add3A_2622, %mul3A_2623 : i32
      %add3A_2625 = arith.addi %mul3A_2, %mul3A_2624 : i32
      %mul3A_2626 = arith.constant 50 : i32
      %mul3A_2627 = arith.muli %add3A_2625, %mul3A_2626 : i32
      %min3A_2628 = arith.constant 818400 : i32
      %min3A_2629 = arith.minsi %mul3A_2627, %min3A_2628 : i32
      %multiple_of3A_2630 = tpu.assume_multiple %min3A_2629, 8 : i32
      %dma_start3A_2631 = arith.constant 0 : i32
      %dma_start3A_2632 = arith.constant 0 : i32
      %dma_start3A_2633 = tpu.memref_slice %arg5[%dma_start3A_2631, %dma_start3A_2632] : memref<2x800xi32, #tpu.memory_space<vmem>> -> memref<1x800xi32, #tpu.memory_space<vmem>>
      %dma_start3A_2634 = tpu.memref_squeeze %dma_start3A_2633 : memref<1x800xi32, #tpu.memory_space<vmem>> -> memref<800xi32, #tpu.memory_space<vmem>>
      %dma_start3A_2635 = tpu.memref_slice %arg3[%multiple_of3A_2630] : memref<819200xi32, #tpu.memory_space<hbm>> -> memref<800xi32, #tpu.memory_space<hbm>>
      %dma_start3A_2636 = arith.constant 0 : i32
      %dma_start3A_2637 = tpu.memref_slice %arg5[%dma_start3A_2631, %dma_start3A_2636] : memref<2x800xi32, #tpu.memory_space<vmem>> -> memref<1x800xi32, #tpu.memory_space<vmem>>
      %dma_start3A_2638 = tpu.memref_squeeze %dma_start3A_2637 : memref<1x800xi32, #tpu.memory_space<vmem>> -> memref<800xi32, #tpu.memory_space<vmem>>
      %dma_start3A_2639 = tpu.memref_slice %arg3[%multiple_of3A_2630] : memref<819200xi32, #tpu.memory_space<hbm>> -> memref<800xi32, #tpu.memory_space<hbm>>
      tpu.enqueue_dma source(%dma_start3A_2639 : memref<800xi32, #tpu.memory_space<hbm>>) target(%dma_start3A_2638 : memref<800xi32, #tpu.memory_space<vmem>>) target_semaphore(%arg7 : memref<!tpu.dma_semaphore, #tpu.memory_space<semaphore_mem>>)
    }
    %scan3A_418 = arith.constant 15 : i32
    %dma_wait3A_419 = arith.constant 1 : i32
    %dma_wait3A_420 = arith.constant 0 : i32
    %dma_wait3A_421 = arith.constant 0 : i32
    %dma_wait3A_422 = tpu.memref_slice %arg6[%dma_wait3A_419, %dma_wait3A_420, %dma_wait3A_421] : memref<2x800x64xf32, #tpu.memory_space<vmem>> -> memref<1x800x64xf32, #tpu.memory_space<vmem>>
    %dma_wait3A_423 = tpu.memref_squeeze %dma_wait3A_422 : memref<1x800x64xf32, #tpu.memory_space<vmem>> -> memref<800x64xf32, #tpu.memory_space<vmem>>
    %dma_wait3A_424 = arith.constant 0 : i32
    %dma_wait3A_425 = arith.constant 0 : i32
    %dma_wait3A_426 = tpu.memref_slice %arg2[%dma_wait3A_424, %dma_wait3A_425] : memref<1000000x64xf32, #tpu.memory_space<hbm>> -> memref<800x64xf32, #tpu.memory_space<hbm>>
    %dma_wait3A_427 = arith.constant 0 : i32
    %dma_wait3A_428 = arith.constant 0 : i32
    %dma_wait3A_429 = tpu.memref_slice %arg6[%dma_wait3A_419, %dma_wait3A_427, %dma_wait3A_428] : memref<2x800x64xf32, #tpu.memory_space<vmem>> -> memref<1x800x64xf32, #tpu.memory_space<vmem>>
    %dma_wait3A_430 = tpu.memref_squeeze %dma_wait3A_429 : memref<1x800x64xf32, #tpu.memory_space<vmem>> -> memref<800x64xf32, #tpu.memory_space<vmem>>
    %dma_wait3A_431 = arith.constant 0 : i32
    %dma_wait3A_432 = arith.constant 0 : i32
    %dma_wait3A_433 = tpu.memref_slice %arg2[%dma_wait3A_431, %dma_wait3A_432] : memref<1000000x64xf32, #tpu.memory_space<hbm>> -> memref<800x64xf32, #tpu.memory_space<hbm>>
    tpu.wait_dma2 semaphore(%arg10 : memref<!tpu.dma_semaphore, #tpu.memory_space<semaphore_mem>>) src(%dma_wait3A_433 : memref<800x64xf32, #tpu.memory_space<hbm>>) dst(%dma_wait3A_430 : memref<800x64xf32, #tpu.memory_space<vmem>>)
    %add3A_434 = arith.constant 496 : i32
    %add3A_435 = arith.addi %mul3A_2, %add3A_434 : i32
    %add3A_436 = arith.constant 0 : i32
    %add3A_437 = arith.addi %add3A_435, %add3A_436 : i32
    %dma_start3A_438 = arith.constant 1 : i32
    %dma_start3A_439 = arith.constant 0 : i32
    %dma_start3A_440 = arith.constant 0 : i32
    %dma_start3A_441 = tpu.memref_slice %arg6[%dma_start3A_438, %dma_start3A_439, %dma_start3A_440] : memref<2x800x64xf32, #tpu.memory_space<vmem>> -> memref<1x50x64xf32, #tpu.memory_space<vmem>>
    %dma_start3A_442 = tpu.memref_squeeze %dma_start3A_441 : memref<1x50x64xf32, #tpu.memory_space<vmem>> -> memref<50x64xf32, #tpu.memory_space<vmem>>
    %dma_start3A_443 = arith.constant 0 : i32
    %dma_start3A_444 = arith.constant 0 : i32
    %dma_start3A_445 = tpu.memref_slice %arg4[%add3A_437, %dma_start3A_443, %dma_start3A_444] : memref<16384x56x128xf32, #tpu.memory_space<hbm>> -> memref<1x50x64xf32, #tpu.memory_space<hbm>>
    %dma_start3A_446 = tpu.memref_squeeze %dma_start3A_445 : memref<1x50x64xf32, #tpu.memory_space<hbm>> -> memref<50x64xf32, #tpu.memory_space<hbm>>
    %dma_start3A_447 = arith.constant 0 : i32
    %dma_start3A_448 = arith.constant 0 : i32
    %dma_start3A_449 = tpu.memref_slice %arg4[%add3A_437, %dma_start3A_447, %dma_start3A_448] : memref<16384x56x128xf32, #tpu.memory_space<hbm>> -> memref<1x50x64xf32, #tpu.memory_space<hbm>>
    %dma_start3A_450 = tpu.memref_squeeze %dma_start3A_449 : memref<1x50x64xf32, #tpu.memory_space<hbm>> -> memref<50x64xf32, #tpu.memory_space<hbm>>
    %dma_start3A_451 = arith.constant 0 : i32
    %dma_start3A_452 = arith.constant 0 : i32
    %dma_start3A_453 = tpu.memref_slice %arg6[%dma_start3A_438, %dma_start3A_451, %dma_start3A_452] : memref<2x800x64xf32, #tpu.memory_space<vmem>> -> memref<1x50x64xf32, #tpu.memory_space<vmem>>
    %dma_start3A_454 = tpu.memref_squeeze %dma_start3A_453 : memref<1x50x64xf32, #tpu.memory_space<vmem>> -> memref<50x64xf32, #tpu.memory_space<vmem>>
    tpu.enqueue_dma source(%dma_start3A_454 : memref<50x64xf32, #tpu.memory_space<vmem>>) target(%dma_start3A_450 : memref<50x64xf32, #tpu.memory_space<hbm>>) target_semaphore(%arg12 : memref<!tpu.dma_semaphore, #tpu.memory_space<semaphore_mem>>)
    %add3A_455 = arith.constant 1 : i32
    %add3A_456 = arith.addi %add3A_435, %add3A_455 : i32
    %dma_start3A_457 = arith.constant 1 : i32
    %dma_start3A_458 = arith.constant 50 : i32
    %dma_start3A_459 = arith.constant 0 : i32
    %dma_start3A_460 = tpu.memref_slice %arg6[%dma_start3A_457, %dma_start3A_458, %dma_start3A_459] : memref<2x800x64xf32, #tpu.memory_space<vmem>> -> memref<1x50x64xf32, #tpu.memory_space<vmem>>
    %dma_start3A_461 = tpu.memref_squeeze %dma_start3A_460 : memref<1x50x64xf32, #tpu.memory_space<vmem>> -> memref<50x64xf32, #tpu.memory_space<vmem>>
    %dma_start3A_462 = arith.constant 0 : i32
    %dma_start3A_463 = arith.constant 0 : i32
    %dma_start3A_464 = tpu.memref_slice %arg4[%add3A_456, %dma_start3A_462, %dma_start3A_463] : memref<16384x56x128xf32, #tpu.memory_space<hbm>> -> memref<1x50x64xf32, #tpu.memory_space<hbm>>
    %dma_start3A_465 = tpu.memref_squeeze %dma_start3A_464 : memref<1x50x64xf32, #tpu.memory_space<hbm>> -> memref<50x64xf32, #tpu.memory_space<hbm>>
    %dma_start3A_466 = arith.constant 0 : i32
    %dma_start3A_467 = arith.constant 0 : i32
    %dma_start3A_468 = tpu.memref_slice %arg4[%add3A_456, %dma_start3A_466, %dma_start3A_467] : memref<16384x56x128xf32, #tpu.memory_space<hbm>> -> memref<1x50x64xf32, #tpu.memory_space<hbm>>
    %dma_start3A_469 = tpu.memref_squeeze %dma_start3A_468 : memref<1x50x64xf32, #tpu.memory_space<hbm>> -> memref<50x64xf32, #tpu.memory_space<hbm>>
    %dma_start3A_470 = arith.constant 50 : i32
    %dma_start3A_471 = arith.constant 0 : i32
    %dma_start3A_472 = tpu.memref_slice %arg6[%dma_start3A_457, %dma_start3A_470, %dma_start3A_471] : memref<2x800x64xf32, #tpu.memory_space<vmem>> -> memref<1x50x64xf32, #tpu.memory_space<vmem>>
    %dma_start3A_473 = tpu.memref_squeeze %dma_start3A_472 : memref<1x50x64xf32, #tpu.memory_space<vmem>> -> memref<50x64xf32, #tpu.memory_space<vmem>>
    tpu.enqueue_dma source(%dma_start3A_473 : memref<50x64xf32, #tpu.memory_space<vmem>>) target(%dma_start3A_469 : memref<50x64xf32, #tpu.memory_space<hbm>>) target_semaphore(%arg12 : memref<!tpu.dma_semaphore, #tpu.memory_space<semaphore_mem>>)
    %add3A_474 = arith.constant 2 : i32
    %add3A_475 = arith.addi %add3A_435, %add3A_474 : i32
    %dma_start3A_476 = arith.constant 1 : i32
    %dma_start3A_477 = arith.constant 100 : i32
    %dma_start3A_478 = arith.constant 0 : i32
    %dma_start3A_479 = tpu.memref_slice %arg6[%dma_start3A_476, %dma_start3A_477, %dma_start3A_478] : memref<2x800x64xf32, #tpu.memory_space<vmem>> -> memref<1x50x64xf32, #tpu.memory_space<vmem>>
    %dma_start3A_480 = tpu.memref_squeeze %dma_start3A_479 : memref<1x50x64xf32, #tpu.memory_space<vmem>> -> memref<50x64xf32, #tpu.memory_space<vmem>>
    %dma_start3A_481 = arith.constant 0 : i32
    %dma_start3A_482 = arith.constant 0 : i32
    %dma_start3A_483 = tpu.memref_slice %arg4[%add3A_475, %dma_start3A_481, %dma_start3A_482] : memref<16384x56x128xf32, #tpu.memory_space<hbm>> -> memref<1x50x64xf32, #tpu.memory_space<hbm>>
    %dma_start3A_484 = tpu.memref_squeeze %dma_start3A_483 : memref<1x50x64xf32, #tpu.memory_space<hbm>> -> memref<50x64xf32, #tpu.memory_space<hbm>>
    %dma_start3A_485 = arith.constant 0 : i32
    %dma_start3A_486 = arith.constant 0 : i32
    %dma_start3A_487 = tpu.memref_slice %arg4[%add3A_475, %dma_start3A_485, %dma_start3A_486] : memref<16384x56x128xf32, #tpu.memory_space<hbm>> -> memref<1x50x64xf32, #tpu.memory_space<hbm>>
    %dma_start3A_488 = tpu.memref_squeeze %dma_start3A_487 : memref<1x50x64xf32, #tpu.memory_space<hbm>> -> memref<50x64xf32, #tpu.memory_space<hbm>>
    %dma_start3A_489 = arith.constant 100 : i32
    %dma_start3A_490 = arith.constant 0 : i32
    %dma_start3A_491 = tpu.memref_slice %arg6[%dma_start3A_476, %dma_start3A_489, %dma_start3A_490] : memref<2x800x64xf32, #tpu.memory_space<vmem>> -> memref<1x50x64xf32, #tpu.memory_space<vmem>>
    %dma_start3A_492 = tpu.memref_squeeze %dma_start3A_491 : memref<1x50x64xf32, #tpu.memory_space<vmem>> -> memref<50x64xf32, #tpu.memory_space<vmem>>
    tpu.enqueue_dma source(%dma_start3A_492 : memref<50x64xf32, #tpu.memory_space<vmem>>) target(%dma_start3A_488 : memref<50x64xf32, #tpu.memory_space<hbm>>) target_semaphore(%arg12 : memref<!tpu.dma_semaphore, #tpu.memory_space<semaphore_mem>>)
    %add3A_493 = arith.constant 3 : i32
    %add3A_494 = arith.addi %add3A_435, %add3A_493 : i32
    %dma_start3A_495 = arith.constant 1 : i32
    %dma_start3A_496 = arith.constant 150 : i32
    %dma_start3A_497 = arith.constant 0 : i32
    %dma_start3A_498 = tpu.memref_slice %arg6[%dma_start3A_495, %dma_start3A_496, %dma_start3A_497] : memref<2x800x64xf32, #tpu.memory_space<vmem>> -> memref<1x50x64xf32, #tpu.memory_space<vmem>>
    %dma_start3A_499 = tpu.memref_squeeze %dma_start3A_498 : memref<1x50x64xf32, #tpu.memory_space<vmem>> -> memref<50x64xf32, #tpu.memory_space<vmem>>
    %dma_start3A_500 = arith.constant 0 : i32
    %dma_start3A_501 = arith.constant 0 : i32
    %dma_start3A_502 = tpu.memref_slice %arg4[%add3A_494, %dma_start3A_500, %dma_start3A_501] : memref<16384x56x128xf32, #tpu.memory_space<hbm>> -> memref<1x50x64xf32, #tpu.memory_space<hbm>>
    %dma_start3A_503 = tpu.memref_squeeze %dma_start3A_502 : memref<1x50x64xf32, #tpu.memory_space<hbm>> -> memref<50x64xf32, #tpu.memory_space<hbm>>
    %dma_start3A_504 = arith.constant 0 : i32
    %dma_start3A_505 = arith.constant 0 : i32
    %dma_start3A_506 = tpu.memref_slice %arg4[%add3A_494, %dma_start3A_504, %dma_start3A_505] : memref<16384x56x128xf32, #tpu.memory_space<hbm>> -> memref<1x50x64xf32, #tpu.memory_space<hbm>>
    %dma_start3A_507 = tpu.memref_squeeze %dma_start3A_506 : memref<1x50x64xf32, #tpu.memory_space<hbm>> -> memref<50x64xf32, #tpu.memory_space<hbm>>
    %dma_start3A_508 = arith.constant 150 : i32
    %dma_start3A_509 = arith.constant 0 : i32
    %dma_start3A_510 = tpu.memref_slice %arg6[%dma_start3A_495, %dma_start3A_508, %dma_start3A_509] : memref<2x800x64xf32, #tpu.memory_space<vmem>> -> memref<1x50x64xf32, #tpu.memory_space<vmem>>
    %dma_start3A_511 = tpu.memref_squeeze %dma_start3A_510 : memref<1x50x64xf32, #tpu.memory_space<vmem>> -> memref<50x64xf32, #tpu.memory_space<vmem>>
    tpu.enqueue_dma source(%dma_start3A_511 : memref<50x64xf32, #tpu.memory_space<vmem>>) target(%dma_start3A_507 : memref<50x64xf32, #tpu.memory_space<hbm>>) target_semaphore(%arg12 : memref<!tpu.dma_semaphore, #tpu.memory_space<semaphore_mem>>)
    %add3A_512 = arith.constant 4 : i32
    %add3A_513 = arith.addi %add3A_435, %add3A_512 : i32
    %dma_start3A_514 = arith.constant 1 : i32
    %dma_start3A_515 = arith.constant 200 : i32
    %dma_start3A_516 = arith.constant 0 : i32
    %dma_start3A_517 = tpu.memref_slice %arg6[%dma_start3A_514, %dma_start3A_515, %dma_start3A_516] : memref<2x800x64xf32, #tpu.memory_space<vmem>> -> memref<1x50x64xf32, #tpu.memory_space<vmem>>
    %dma_start3A_518 = tpu.memref_squeeze %dma_start3A_517 : memref<1x50x64xf32, #tpu.memory_space<vmem>> -> memref<50x64xf32, #tpu.memory_space<vmem>>
    %dma_start3A_519 = arith.constant 0 : i32
    %dma_start3A_520 = arith.constant 0 : i32
    %dma_start3A_521 = tpu.memref_slice %arg4[%add3A_513, %dma_start3A_519, %dma_start3A_520] : memref<16384x56x128xf32, #tpu.memory_space<hbm>> -> memref<1x50x64xf32, #tpu.memory_space<hbm>>
    %dma_start3A_522 = tpu.memref_squeeze %dma_start3A_521 : memref<1x50x64xf32, #tpu.memory_space<hbm>> -> memref<50x64xf32, #tpu.memory_space<hbm>>
    %dma_start3A_523 = arith.constant 0 : i32
    %dma_start3A_524 = arith.constant 0 : i32
    %dma_start3A_525 = tpu.memref_slice %arg4[%add3A_513, %dma_start3A_523, %dma_start3A_524] : memref<16384x56x128xf32, #tpu.memory_space<hbm>> -> memref<1x50x64xf32, #tpu.memory_space<hbm>>
    %dma_start3A_526 = tpu.memref_squeeze %dma_start3A_525 : memref<1x50x64xf32, #tpu.memory_space<hbm>> -> memref<50x64xf32, #tpu.memory_space<hbm>>
    %dma_start3A_527 = arith.constant 200 : i32
    %dma_start3A_528 = arith.constant 0 : i32
    %dma_start3A_529 = tpu.memref_slice %arg6[%dma_start3A_514, %dma_start3A_527, %dma_start3A_528] : memref<2x800x64xf32, #tpu.memory_space<vmem>> -> memref<1x50x64xf32, #tpu.memory_space<vmem>>
    %dma_start3A_530 = tpu.memref_squeeze %dma_start3A_529 : memref<1x50x64xf32, #tpu.memory_space<vmem>> -> memref<50x64xf32, #tpu.memory_space<vmem>>
    tpu.enqueue_dma source(%dma_start3A_530 : memref<50x64xf32, #tpu.memory_space<vmem>>) target(%dma_start3A_526 : memref<50x64xf32, #tpu.memory_space<hbm>>) target_semaphore(%arg12 : memref<!tpu.dma_semaphore, #tpu.memory_space<semaphore_mem>>)
    %add3A_531 = arith.constant 5 : i32
    %add3A_532 = arith.addi %add3A_435, %add3A_531 : i32
    %dma_start3A_533 = arith.constant 1 : i32
    %dma_start3A_534 = arith.constant 250 : i32
    %dma_start3A_535 = arith.constant 0 : i32
    %dma_start3A_536 = tpu.memref_slice %arg6[%dma_start3A_533, %dma_start3A_534, %dma_start3A_535] : memref<2x800x64xf32, #tpu.memory_space<vmem>> -> memref<1x50x64xf32, #tpu.memory_space<vmem>>
    %dma_start3A_537 = tpu.memref_squeeze %dma_start3A_536 : memref<1x50x64xf32, #tpu.memory_space<vmem>> -> memref<50x64xf32, #tpu.memory_space<vmem>>
    %dma_start3A_538 = arith.constant 0 : i32
    %dma_start3A_539 = arith.constant 0 : i32
    %dma_start3A_540 = tpu.memref_slice %arg4[%add3A_532, %dma_start3A_538, %dma_start3A_539] : memref<16384x56x128xf32, #tpu.memory_space<hbm>> -> memref<1x50x64xf32, #tpu.memory_space<hbm>>
    %dma_start3A_541 = tpu.memref_squeeze %dma_start3A_540 : memref<1x50x64xf32, #tpu.memory_space<hbm>> -> memref<50x64xf32, #tpu.memory_space<hbm>>
    %dma_start3A_542 = arith.constant 0 : i32
    %dma_start3A_543 = arith.constant 0 : i32
    %dma_start3A_544 = tpu.memref_slice %arg4[%add3A_532, %dma_start3A_542, %dma_start3A_543] : memref<16384x56x128xf32, #tpu.memory_space<hbm>> -> memref<1x50x64xf32, #tpu.memory_space<hbm>>
    %dma_start3A_545 = tpu.memref_squeeze %dma_start3A_544 : memref<1x50x64xf32, #tpu.memory_space<hbm>> -> memref<50x64xf32, #tpu.memory_space<hbm>>
    %dma_start3A_546 = arith.constant 250 : i32
    %dma_start3A_547 = arith.constant 0 : i32
    %dma_start3A_548 = tpu.memref_slice %arg6[%dma_start3A_533, %dma_start3A_546, %dma_start3A_547] : memref<2x800x64xf32, #tpu.memory_space<vmem>> -> memref<1x50x64xf32, #tpu.memory_space<vmem>>
    %dma_start3A_549 = tpu.memref_squeeze %dma_start3A_548 : memref<1x50x64xf32, #tpu.memory_space<vmem>> -> memref<50x64xf32, #tpu.memory_space<vmem>>
    tpu.enqueue_dma source(%dma_start3A_549 : memref<50x64xf32, #tpu.memory_space<vmem>>) target(%dma_start3A_545 : memref<50x64xf32, #tpu.memory_space<hbm>>) target_semaphore(%arg12 : memref<!tpu.dma_semaphore, #tpu.memory_space<semaphore_mem>>)
    %add3A_550 = arith.constant 6 : i32
    %add3A_551 = arith.addi %add3A_435, %add3A_550 : i32
    %dma_start3A_552 = arith.constant 1 : i32
    %dma_start3A_553 = arith.constant 300 : i32
    %dma_start3A_554 = arith.constant 0 : i32
    %dma_start3A_555 = tpu.memref_slice %arg6[%dma_start3A_552, %dma_start3A_553, %dma_start3A_554] : memref<2x800x64xf32, #tpu.memory_space<vmem>> -> memref<1x50x64xf32, #tpu.memory_space<vmem>>
    %dma_start3A_556 = tpu.memref_squeeze %dma_start3A_555 : memref<1x50x64xf32, #tpu.memory_space<vmem>> -> memref<50x64xf32, #tpu.memory_space<vmem>>
    %dma_start3A_557 = arith.constant 0 : i32
    %dma_start3A_558 = arith.constant 0 : i32
    %dma_start3A_559 = tpu.memref_slice %arg4[%add3A_551, %dma_start3A_557, %dma_start3A_558] : memref<16384x56x128xf32, #tpu.memory_space<hbm>> -> memref<1x50x64xf32, #tpu.memory_space<hbm>>
    %dma_start3A_560 = tpu.memref_squeeze %dma_start3A_559 : memref<1x50x64xf32, #tpu.memory_space<hbm>> -> memref<50x64xf32, #tpu.memory_space<hbm>>
    %dma_start3A_561 = arith.constant 0 : i32
    %dma_start3A_562 = arith.constant 0 : i32
    %dma_start3A_563 = tpu.memref_slice %arg4[%add3A_551, %dma_start3A_561, %dma_start3A_562] : memref<16384x56x128xf32, #tpu.memory_space<hbm>> -> memref<1x50x64xf32, #tpu.memory_space<hbm>>
    %dma_start3A_564 = tpu.memref_squeeze %dma_start3A_563 : memref<1x50x64xf32, #tpu.memory_space<hbm>> -> memref<50x64xf32, #tpu.memory_space<hbm>>
    %dma_start3A_565 = arith.constant 300 : i32
    %dma_start3A_566 = arith.constant 0 : i32
    %dma_start3A_567 = tpu.memref_slice %arg6[%dma_start3A_552, %dma_start3A_565, %dma_start3A_566] : memref<2x800x64xf32, #tpu.memory_space<vmem>> -> memref<1x50x64xf32, #tpu.memory_space<vmem>>
    %dma_start3A_568 = tpu.memref_squeeze %dma_start3A_567 : memref<1x50x64xf32, #tpu.memory_space<vmem>> -> memref<50x64xf32, #tpu.memory_space<vmem>>
    tpu.enqueue_dma source(%dma_start3A_568 : memref<50x64xf32, #tpu.memory_space<vmem>>) target(%dma_start3A_564 : memref<50x64xf32, #tpu.memory_space<hbm>>) target_semaphore(%arg12 : memref<!tpu.dma_semaphore, #tpu.memory_space<semaphore_mem>>)
    %add3A_569 = arith.constant 7 : i32
    %add3A_570 = arith.addi %add3A_435, %add3A_569 : i32
    %dma_start3A_571 = arith.constant 1 : i32
    %dma_start3A_572 = arith.constant 350 : i32
    %dma_start3A_573 = arith.constant 0 : i32
    %dma_start3A_574 = tpu.memref_slice %arg6[%dma_start3A_571, %dma_start3A_572, %dma_start3A_573] : memref<2x800x64xf32, #tpu.memory_space<vmem>> -> memref<1x50x64xf32, #tpu.memory_space<vmem>>
    %dma_start3A_575 = tpu.memref_squeeze %dma_start3A_574 : memref<1x50x64xf32, #tpu.memory_space<vmem>> -> memref<50x64xf32, #tpu.memory_space<vmem>>
    %dma_start3A_576 = arith.constant 0 : i32
    %dma_start3A_577 = arith.constant 0 : i32
    %dma_start3A_578 = tpu.memref_slice %arg4[%add3A_570, %dma_start3A_576, %dma_start3A_577] : memref<16384x56x128xf32, #tpu.memory_space<hbm>> -> memref<1x50x64xf32, #tpu.memory_space<hbm>>
    %dma_start3A_579 = tpu.memref_squeeze %dma_start3A_578 : memref<1x50x64xf32, #tpu.memory_space<hbm>> -> memref<50x64xf32, #tpu.memory_space<hbm>>
    %dma_start3A_580 = arith.constant 0 : i32
    %dma_start3A_581 = arith.constant 0 : i32
    %dma_start3A_582 = tpu.memref_slice %arg4[%add3A_570, %dma_start3A_580, %dma_start3A_581] : memref<16384x56x128xf32, #tpu.memory_space<hbm>> -> memref<1x50x64xf32, #tpu.memory_space<hbm>>
    %dma_start3A_583 = tpu.memref_squeeze %dma_start3A_582 : memref<1x50x64xf32, #tpu.memory_space<hbm>> -> memref<50x64xf32, #tpu.memory_space<hbm>>
    %dma_start3A_584 = arith.constant 350 : i32
    %dma_start3A_585 = arith.constant 0 : i32
    %dma_start3A_586 = tpu.memref_slice %arg6[%dma_start3A_571, %dma_start3A_584, %dma_start3A_585] : memref<2x800x64xf32, #tpu.memory_space<vmem>> -> memref<1x50x64xf32, #tpu.memory_space<vmem>>
    %dma_start3A_587 = tpu.memref_squeeze %dma_start3A_586 : memref<1x50x64xf32, #tpu.memory_space<vmem>> -> memref<50x64xf32, #tpu.memory_space<vmem>>
    tpu.enqueue_dma source(%dma_start3A_587 : memref<50x64xf32, #tpu.memory_space<vmem>>) target(%dma_start3A_583 : memref<50x64xf32, #tpu.memory_space<hbm>>) target_semaphore(%arg12 : memref<!tpu.dma_semaphore, #tpu.memory_space<semaphore_mem>>)
    %add3A_588 = arith.constant 8 : i32
    %add3A_589 = arith.addi %add3A_435, %add3A_588 : i32
    %dma_start3A_590 = arith.constant 1 : i32
    %dma_start3A_591 = arith.constant 400 : i32
    %dma_start3A_592 = arith.constant 0 : i32
    %dma_start3A_593 = tpu.memref_slice %arg6[%dma_start3A_590, %dma_start3A_591, %dma_start3A_592] : memref<2x800x64xf32, #tpu.memory_space<vmem>> -> memref<1x50x64xf32, #tpu.memory_space<vmem>>
    %dma_start3A_594 = tpu.memref_squeeze %dma_start3A_593 : memref<1x50x64xf32, #tpu.memory_space<vmem>> -> memref<50x64xf32, #tpu.memory_space<vmem>>
    %dma_start3A_595 = arith.constant 0 : i32
    %dma_start3A_596 = arith.constant 0 : i32
    %dma_start3A_597 = tpu.memref_slice %arg4[%add3A_589, %dma_start3A_595, %dma_start3A_596] : memref<16384x56x128xf32, #tpu.memory_space<hbm>> -> memref<1x50x64xf32, #tpu.memory_space<hbm>>
    %dma_start3A_598 = tpu.memref_squeeze %dma_start3A_597 : memref<1x50x64xf32, #tpu.memory_space<hbm>> -> memref<50x64xf32, #tpu.memory_space<hbm>>
    %dma_start3A_599 = arith.constant 0 : i32
    %dma_start3A_600 = arith.constant 0 : i32
    %dma_start3A_601 = tpu.memref_slice %arg4[%add3A_589, %dma_start3A_599, %dma_start3A_600] : memref<16384x56x128xf32, #tpu.memory_space<hbm>> -> memref<1x50x64xf32, #tpu.memory_space<hbm>>
    %dma_start3A_602 = tpu.memref_squeeze %dma_start3A_601 : memref<1x50x64xf32, #tpu.memory_space<hbm>> -> memref<50x64xf32, #tpu.memory_space<hbm>>
    %dma_start3A_603 = arith.constant 400 : i32
    %dma_start3A_604 = arith.constant 0 : i32
    %dma_start3A_605 = tpu.memref_slice %arg6[%dma_start3A_590, %dma_start3A_603, %dma_start3A_604] : memref<2x800x64xf32, #tpu.memory_space<vmem>> -> memref<1x50x64xf32, #tpu.memory_space<vmem>>
    %dma_start3A_606 = tpu.memref_squeeze %dma_start3A_605 : memref<1x50x64xf32, #tpu.memory_space<vmem>> -> memref<50x64xf32, #tpu.memory_space<vmem>>
    tpu.enqueue_dma source(%dma_start3A_606 : memref<50x64xf32, #tpu.memory_space<vmem>>) target(%dma_start3A_602 : memref<50x64xf32, #tpu.memory_space<hbm>>) target_semaphore(%arg12 : memref<!tpu.dma_semaphore, #tpu.memory_space<semaphore_mem>>)
    %add3A_607 = arith.constant 9 : i32
    %add3A_608 = arith.addi %add3A_435, %add3A_607 : i32
    %dma_start3A_609 = arith.constant 1 : i32
    %dma_start3A_610 = arith.constant 450 : i32
    %dma_start3A_611 = arith.constant 0 : i32
    %dma_start3A_612 = tpu.memref_slice %arg6[%dma_start3A_609, %dma_start3A_610, %dma_start3A_611] : memref<2x800x64xf32, #tpu.memory_space<vmem>> -> memref<1x50x64xf32, #tpu.memory_space<vmem>>
    %dma_start3A_613 = tpu.memref_squeeze %dma_start3A_612 : memref<1x50x64xf32, #tpu.memory_space<vmem>> -> memref<50x64xf32, #tpu.memory_space<vmem>>
    %dma_start3A_614 = arith.constant 0 : i32
    %dma_start3A_615 = arith.constant 0 : i32
    %dma_start3A_616 = tpu.memref_slice %arg4[%add3A_608, %dma_start3A_614, %dma_start3A_615] : memref<16384x56x128xf32, #tpu.memory_space<hbm>> -> memref<1x50x64xf32, #tpu.memory_space<hbm>>
    %dma_start3A_617 = tpu.memref_squeeze %dma_start3A_616 : memref<1x50x64xf32, #tpu.memory_space<hbm>> -> memref<50x64xf32, #tpu.memory_space<hbm>>
    %dma_start3A_618 = arith.constant 0 : i32
    %dma_start3A_619 = arith.constant 0 : i32
    %dma_start3A_620 = tpu.memref_slice %arg4[%add3A_608, %dma_start3A_618, %dma_start3A_619] : memref<16384x56x128xf32, #tpu.memory_space<hbm>> -> memref<1x50x64xf32, #tpu.memory_space<hbm>>
    %dma_start3A_621 = tpu.memref_squeeze %dma_start3A_620 : memref<1x50x64xf32, #tpu.memory_space<hbm>> -> memref<50x64xf32, #tpu.memory_space<hbm>>
    %dma_start3A_622 = arith.constant 450 : i32
    %dma_start3A_623 = arith.constant 0 : i32
    %dma_start3A_624 = tpu.memref_slice %arg6[%dma_start3A_609, %dma_start3A_622, %dma_start3A_623] : memref<2x800x64xf32, #tpu.memory_space<vmem>> -> memref<1x50x64xf32, #tpu.memory_space<vmem>>
    %dma_start3A_625 = tpu.memref_squeeze %dma_start3A_624 : memref<1x50x64xf32, #tpu.memory_space<vmem>> -> memref<50x64xf32, #tpu.memory_space<vmem>>
    tpu.enqueue_dma source(%dma_start3A_625 : memref<50x64xf32, #tpu.memory_space<vmem>>) target(%dma_start3A_621 : memref<50x64xf32, #tpu.memory_space<hbm>>) target_semaphore(%arg12 : memref<!tpu.dma_semaphore, #tpu.memory_space<semaphore_mem>>)
    %add3A_626 = arith.constant 10 : i32
    %add3A_627 = arith.addi %add3A_435, %add3A_626 : i32
    %dma_start3A_628 = arith.constant 1 : i32
    %dma_start3A_629 = arith.constant 500 : i32
    %dma_start3A_630 = arith.constant 0 : i32
    %dma_start3A_631 = tpu.memref_slice %arg6[%dma_start3A_628, %dma_start3A_629, %dma_start3A_630] : memref<2x800x64xf32, #tpu.memory_space<vmem>> -> memref<1x50x64xf32, #tpu.memory_space<vmem>>
    %dma_start3A_632 = tpu.memref_squeeze %dma_start3A_631 : memref<1x50x64xf32, #tpu.memory_space<vmem>> -> memref<50x64xf32, #tpu.memory_space<vmem>>
    %dma_start3A_633 = arith.constant 0 : i32
    %dma_start3A_634 = arith.constant 0 : i32
    %dma_start3A_635 = tpu.memref_slice %arg4[%add3A_627, %dma_start3A_633, %dma_start3A_634] : memref<16384x56x128xf32, #tpu.memory_space<hbm>> -> memref<1x50x64xf32, #tpu.memory_space<hbm>>
    %dma_start3A_636 = tpu.memref_squeeze %dma_start3A_635 : memref<1x50x64xf32, #tpu.memory_space<hbm>> -> memref<50x64xf32, #tpu.memory_space<hbm>>
    %dma_start3A_637 = arith.constant 0 : i32
    %dma_start3A_638 = arith.constant 0 : i32
    %dma_start3A_639 = tpu.memref_slice %arg4[%add3A_627, %dma_start3A_637, %dma_start3A_638] : memref<16384x56x128xf32, #tpu.memory_space<hbm>> -> memref<1x50x64xf32, #tpu.memory_space<hbm>>
    %dma_start3A_640 = tpu.memref_squeeze %dma_start3A_639 : memref<1x50x64xf32, #tpu.memory_space<hbm>> -> memref<50x64xf32, #tpu.memory_space<hbm>>
    %dma_start3A_641 = arith.constant 500 : i32
    %dma_start3A_642 = arith.constant 0 : i32
    %dma_start3A_643 = tpu.memref_slice %arg6[%dma_start3A_628, %dma_start3A_641, %dma_start3A_642] : memref<2x800x64xf32, #tpu.memory_space<vmem>> -> memref<1x50x64xf32, #tpu.memory_space<vmem>>
    %dma_start3A_644 = tpu.memref_squeeze %dma_start3A_643 : memref<1x50x64xf32, #tpu.memory_space<vmem>> -> memref<50x64xf32, #tpu.memory_space<vmem>>
    tpu.enqueue_dma source(%dma_start3A_644 : memref<50x64xf32, #tpu.memory_space<vmem>>) target(%dma_start3A_640 : memref<50x64xf32, #tpu.memory_space<hbm>>) target_semaphore(%arg12 : memref<!tpu.dma_semaphore, #tpu.memory_space<semaphore_mem>>)
    %add3A_645 = arith.constant 11 : i32
    %add3A_646 = arith.addi %add3A_435, %add3A_645 : i32
    %dma_start3A_647 = arith.constant 1 : i32
    %dma_start3A_648 = arith.constant 550 : i32
    %dma_start3A_649 = arith.constant 0 : i32
    %dma_start3A_650 = tpu.memref_slice %arg6[%dma_start3A_647, %dma_start3A_648, %dma_start3A_649] : memref<2x800x64xf32, #tpu.memory_space<vmem>> -> memref<1x50x64xf32, #tpu.memory_space<vmem>>
    %dma_start3A_651 = tpu.memref_squeeze %dma_start3A_650 : memref<1x50x64xf32, #tpu.memory_space<vmem>> -> memref<50x64xf32, #tpu.memory_space<vmem>>
    %dma_start3A_652 = arith.constant 0 : i32
    %dma_start3A_653 = arith.constant 0 : i32
    %dma_start3A_654 = tpu.memref_slice %arg4[%add3A_646, %dma_start3A_652, %dma_start3A_653] : memref<16384x56x128xf32, #tpu.memory_space<hbm>> -> memref<1x50x64xf32, #tpu.memory_space<hbm>>
    %dma_start3A_655 = tpu.memref_squeeze %dma_start3A_654 : memref<1x50x64xf32, #tpu.memory_space<hbm>> -> memref<50x64xf32, #tpu.memory_space<hbm>>
    %dma_start3A_656 = arith.constant 0 : i32
    %dma_start3A_657 = arith.constant 0 : i32
    %dma_start3A_658 = tpu.memref_slice %arg4[%add3A_646, %dma_start3A_656, %dma_start3A_657] : memref<16384x56x128xf32, #tpu.memory_space<hbm>> -> memref<1x50x64xf32, #tpu.memory_space<hbm>>
    %dma_start3A_659 = tpu.memref_squeeze %dma_start3A_658 : memref<1x50x64xf32, #tpu.memory_space<hbm>> -> memref<50x64xf32, #tpu.memory_space<hbm>>
    %dma_start3A_660 = arith.constant 550 : i32
    %dma_start3A_661 = arith.constant 0 : i32
    %dma_start3A_662 = tpu.memref_slice %arg6[%dma_start3A_647, %dma_start3A_660, %dma_start3A_661] : memref<2x800x64xf32, #tpu.memory_space<vmem>> -> memref<1x50x64xf32, #tpu.memory_space<vmem>>
    %dma_start3A_663 = tpu.memref_squeeze %dma_start3A_662 : memref<1x50x64xf32, #tpu.memory_space<vmem>> -> memref<50x64xf32, #tpu.memory_space<vmem>>
    tpu.enqueue_dma source(%dma_start3A_663 : memref<50x64xf32, #tpu.memory_space<vmem>>) target(%dma_start3A_659 : memref<50x64xf32, #tpu.memory_space<hbm>>) target_semaphore(%arg12 : memref<!tpu.dma_semaphore, #tpu.memory_space<semaphore_mem>>)
    %add3A_664 = arith.constant 12 : i32
    %add3A_665 = arith.addi %add3A_435, %add3A_664 : i32
    %dma_start3A_666 = arith.constant 1 : i32
    %dma_start3A_667 = arith.constant 600 : i32
    %dma_start3A_668 = arith.constant 0 : i32
    %dma_start3A_669 = tpu.memref_slice %arg6[%dma_start3A_666, %dma_start3A_667, %dma_start3A_668] : memref<2x800x64xf32, #tpu.memory_space<vmem>> -> memref<1x50x64xf32, #tpu.memory_space<vmem>>
    %dma_start3A_670 = tpu.memref_squeeze %dma_start3A_669 : memref<1x50x64xf32, #tpu.memory_space<vmem>> -> memref<50x64xf32, #tpu.memory_space<vmem>>
    %dma_start3A_671 = arith.constant 0 : i32
    %dma_start3A_672 = arith.constant 0 : i32
    %dma_start3A_673 = tpu.memref_slice %arg4[%add3A_665, %dma_start3A_671, %dma_start3A_672] : memref<16384x56x128xf32, #tpu.memory_space<hbm>> -> memref<1x50x64xf32, #tpu.memory_space<hbm>>
    %dma_start3A_674 = tpu.memref_squeeze %dma_start3A_673 : memref<1x50x64xf32, #tpu.memory_space<hbm>> -> memref<50x64xf32, #tpu.memory_space<hbm>>
    %dma_start3A_675 = arith.constant 0 : i32
    %dma_start3A_676 = arith.constant 0 : i32
    %dma_start3A_677 = tpu.memref_slice %arg4[%add3A_665, %dma_start3A_675, %dma_start3A_676] : memref<16384x56x128xf32, #tpu.memory_space<hbm>> -> memref<1x50x64xf32, #tpu.memory_space<hbm>>
    %dma_start3A_678 = tpu.memref_squeeze %dma_start3A_677 : memref<1x50x64xf32, #tpu.memory_space<hbm>> -> memref<50x64xf32, #tpu.memory_space<hbm>>
    %dma_start3A_679 = arith.constant 600 : i32
    %dma_start3A_680 = arith.constant 0 : i32
    %dma_start3A_681 = tpu.memref_slice %arg6[%dma_start3A_666, %dma_start3A_679, %dma_start3A_680] : memref<2x800x64xf32, #tpu.memory_space<vmem>> -> memref<1x50x64xf32, #tpu.memory_space<vmem>>
    %dma_start3A_682 = tpu.memref_squeeze %dma_start3A_681 : memref<1x50x64xf32, #tpu.memory_space<vmem>> -> memref<50x64xf32, #tpu.memory_space<vmem>>
    tpu.enqueue_dma source(%dma_start3A_682 : memref<50x64xf32, #tpu.memory_space<vmem>>) target(%dma_start3A_678 : memref<50x64xf32, #tpu.memory_space<hbm>>) target_semaphore(%arg12 : memref<!tpu.dma_semaphore, #tpu.memory_space<semaphore_mem>>)
    %add3A_683 = arith.constant 13 : i32
    %add3A_684 = arith.addi %add3A_435, %add3A_683 : i32
    %dma_start3A_685 = arith.constant 1 : i32
    %dma_start3A_686 = arith.constant 650 : i32
    %dma_start3A_687 = arith.constant 0 : i32
    %dma_start3A_688 = tpu.memref_slice %arg6[%dma_start3A_685, %dma_start3A_686, %dma_start3A_687] : memref<2x800x64xf32, #tpu.memory_space<vmem>> -> memref<1x50x64xf32, #tpu.memory_space<vmem>>
    %dma_start3A_689 = tpu.memref_squeeze %dma_start3A_688 : memref<1x50x64xf32, #tpu.memory_space<vmem>> -> memref<50x64xf32, #tpu.memory_space<vmem>>
    %dma_start3A_690 = arith.constant 0 : i32
    %dma_start3A_691 = arith.constant 0 : i32
    %dma_start3A_692 = tpu.memref_slice %arg4[%add3A_684, %dma_start3A_690, %dma_start3A_691] : memref<16384x56x128xf32, #tpu.memory_space<hbm>> -> memref<1x50x64xf32, #tpu.memory_space<hbm>>
    %dma_start3A_693 = tpu.memref_squeeze %dma_start3A_692 : memref<1x50x64xf32, #tpu.memory_space<hbm>> -> memref<50x64xf32, #tpu.memory_space<hbm>>
    %dma_start3A_694 = arith.constant 0 : i32
    %dma_start3A_695 = arith.constant 0 : i32
    %dma_start3A_696 = tpu.memref_slice %arg4[%add3A_684, %dma_start3A_694, %dma_start3A_695] : memref<16384x56x128xf32, #tpu.memory_space<hbm>> -> memref<1x50x64xf32, #tpu.memory_space<hbm>>
    %dma_start3A_697 = tpu.memref_squeeze %dma_start3A_696 : memref<1x50x64xf32, #tpu.memory_space<hbm>> -> memref<50x64xf32, #tpu.memory_space<hbm>>
    %dma_start3A_698 = arith.constant 650 : i32
    %dma_start3A_699 = arith.constant 0 : i32
    %dma_start3A_700 = tpu.memref_slice %arg6[%dma_start3A_685, %dma_start3A_698, %dma_start3A_699] : memref<2x800x64xf32, #tpu.memory_space<vmem>> -> memref<1x50x64xf32, #tpu.memory_space<vmem>>
    %dma_start3A_701 = tpu.memref_squeeze %dma_start3A_700 : memref<1x50x64xf32, #tpu.memory_space<vmem>> -> memref<50x64xf32, #tpu.memory_space<vmem>>
    tpu.enqueue_dma source(%dma_start3A_701 : memref<50x64xf32, #tpu.memory_space<vmem>>) target(%dma_start3A_697 : memref<50x64xf32, #tpu.memory_space<hbm>>) target_semaphore(%arg12 : memref<!tpu.dma_semaphore, #tpu.memory_space<semaphore_mem>>)
    %add3A_702 = arith.constant 14 : i32
    %add3A_703 = arith.addi %add3A_435, %add3A_702 : i32
    %dma_start3A_704 = arith.constant 1 : i32
    %dma_start3A_705 = arith.constant 700 : i32
    %dma_start3A_706 = arith.constant 0 : i32
    %dma_start3A_707 = tpu.memref_slice %arg6[%dma_start3A_704, %dma_start3A_705, %dma_start3A_706] : memref<2x800x64xf32, #tpu.memory_space<vmem>> -> memref<1x50x64xf32, #tpu.memory_space<vmem>>
    %dma_start3A_708 = tpu.memref_squeeze %dma_start3A_707 : memref<1x50x64xf32, #tpu.memory_space<vmem>> -> memref<50x64xf32, #tpu.memory_space<vmem>>
    %dma_start3A_709 = arith.constant 0 : i32
    %dma_start3A_710 = arith.constant 0 : i32
    %dma_start3A_711 = tpu.memref_slice %arg4[%add3A_703, %dma_start3A_709, %dma_start3A_710] : memref<16384x56x128xf32, #tpu.memory_space<hbm>> -> memref<1x50x64xf32, #tpu.memory_space<hbm>>
    %dma_start3A_712 = tpu.memref_squeeze %dma_start3A_711 : memref<1x50x64xf32, #tpu.memory_space<hbm>> -> memref<50x64xf32, #tpu.memory_space<hbm>>
    %dma_start3A_713 = arith.constant 0 : i32
    %dma_start3A_714 = arith.constant 0 : i32
    %dma_start3A_715 = tpu.memref_slice %arg4[%add3A_703, %dma_start3A_713, %dma_start3A_714] : memref<16384x56x128xf32, #tpu.memory_space<hbm>> -> memref<1x50x64xf32, #tpu.memory_space<hbm>>
    %dma_start3A_716 = tpu.memref_squeeze %dma_start3A_715 : memref<1x50x64xf32, #tpu.memory_space<hbm>> -> memref<50x64xf32, #tpu.memory_space<hbm>>
    %dma_start3A_717 = arith.constant 700 : i32
    %dma_start3A_718 = arith.constant 0 : i32
    %dma_start3A_719 = tpu.memref_slice %arg6[%dma_start3A_704, %dma_start3A_717, %dma_start3A_718] : memref<2x800x64xf32, #tpu.memory_space<vmem>> -> memref<1x50x64xf32, #tpu.memory_space<vmem>>
    %dma_start3A_720 = tpu.memref_squeeze %dma_start3A_719 : memref<1x50x64xf32, #tpu.memory_space<vmem>> -> memref<50x64xf32, #tpu.memory_space<vmem>>
    tpu.enqueue_dma source(%dma_start3A_720 : memref<50x64xf32, #tpu.memory_space<vmem>>) target(%dma_start3A_716 : memref<50x64xf32, #tpu.memory_space<hbm>>) target_semaphore(%arg12 : memref<!tpu.dma_semaphore, #tpu.memory_space<semaphore_mem>>)
    %add3A_721 = arith.constant 15 : i32
    %add3A_722 = arith.addi %add3A_435, %add3A_721 : i32
    %dma_start3A_723 = arith.constant 1 : i32
    %dma_start3A_724 = arith.constant 750 : i32
    %dma_start3A_725 = arith.constant 0 : i32
    %dma_start3A_726 = tpu.memref_slice %arg6[%dma_start3A_723, %dma_start3A_724, %dma_start3A_725] : memref<2x800x64xf32, #tpu.memory_space<vmem>> -> memref<1x50x64xf32, #tpu.memory_space<vmem>>
    %dma_start3A_727 = tpu.memref_squeeze %dma_start3A_726 : memref<1x50x64xf32, #tpu.memory_space<vmem>> -> memref<50x64xf32, #tpu.memory_space<vmem>>
    %dma_start3A_728 = arith.constant 0 : i32
    %dma_start3A_729 = arith.constant 0 : i32
    %dma_start3A_730 = tpu.memref_slice %arg4[%add3A_722, %dma_start3A_728, %dma_start3A_729] : memref<16384x56x128xf32, #tpu.memory_space<hbm>> -> memref<1x50x64xf32, #tpu.memory_space<hbm>>
    %dma_start3A_731 = tpu.memref_squeeze %dma_start3A_730 : memref<1x50x64xf32, #tpu.memory_space<hbm>> -> memref<50x64xf32, #tpu.memory_space<hbm>>
    %dma_start3A_732 = arith.constant 0 : i32
    %dma_start3A_733 = arith.constant 0 : i32
    %dma_start3A_734 = tpu.memref_slice %arg4[%add3A_722, %dma_start3A_732, %dma_start3A_733] : memref<16384x56x128xf32, #tpu.memory_space<hbm>> -> memref<1x50x64xf32, #tpu.memory_space<hbm>>
    %dma_start3A_735 = tpu.memref_squeeze %dma_start3A_734 : memref<1x50x64xf32, #tpu.memory_space<hbm>> -> memref<50x64xf32, #tpu.memory_space<hbm>>
    %dma_start3A_736 = arith.constant 750 : i32
    %dma_start3A_737 = arith.constant 0 : i32
    %dma_start3A_738 = tpu.memref_slice %arg6[%dma_start3A_723, %dma_start3A_736, %dma_start3A_737] : memref<2x800x64xf32, #tpu.memory_space<vmem>> -> memref<1x50x64xf32, #tpu.memory_space<vmem>>
    %dma_start3A_739 = tpu.memref_squeeze %dma_start3A_738 : memref<1x50x64xf32, #tpu.memory_space<vmem>> -> memref<50x64xf32, #tpu.memory_space<vmem>>
    tpu.enqueue_dma source(%dma_start3A_739 : memref<50x64xf32, #tpu.memory_space<vmem>>) target(%dma_start3A_735 : memref<50x64xf32, #tpu.memory_space<hbm>>) target_semaphore(%arg12 : memref<!tpu.dma_semaphore, #tpu.memory_space<semaphore_mem>>)
    %dma_wait3A_740 = arith.constant 0 : i32
    %dma_wait3A_741 = arith.constant 0 : i32
    %dma_wait3A_742 = arith.constant 0 : i32
    %dma_wait3A_743 = arith.constant 0 : i32
    %dma_wait3A_744 = tpu.memref_slice %arg6[%dma_wait3A_740, %dma_wait3A_742, %dma_wait3A_743] : memref<2x800x64xf32, #tpu.memory_space<vmem>> -> memref<1x50x64xf32, #tpu.memory_space<vmem>>
    %dma_wait3A_745 = tpu.memref_squeeze %dma_wait3A_744 : memref<1x50x64xf32, #tpu.memory_space<vmem>> -> memref<50x64xf32, #tpu.memory_space<vmem>>
    %dma_wait3A_746 = arith.constant 0 : i32
    %dma_wait3A_747 = arith.constant 0 : i32
    %dma_wait3A_748 = tpu.memref_slice %arg4[%dma_wait3A_741, %dma_wait3A_746, %dma_wait3A_747] : memref<16384x56x128xf32, #tpu.memory_space<hbm>> -> memref<1x50x64xf32, #tpu.memory_space<hbm>>
    %dma_wait3A_749 = tpu.memref_squeeze %dma_wait3A_748 : memref<1x50x64xf32, #tpu.memory_space<hbm>> -> memref<50x64xf32, #tpu.memory_space<hbm>>
    %dma_wait3A_750 = arith.constant 0 : i32
    %dma_wait3A_751 = arith.constant 0 : i32
    %dma_wait3A_752 = tpu.memref_slice %arg4[%dma_wait3A_741, %dma_wait3A_750, %dma_wait3A_751] : memref<16384x56x128xf32, #tpu.memory_space<hbm>> -> memref<1x50x64xf32, #tpu.memory_space<hbm>>
    %dma_wait3A_753 = tpu.memref_squeeze %dma_wait3A_752 : memref<1x50x64xf32, #tpu.memory_space<hbm>> -> memref<50x64xf32, #tpu.memory_space<hbm>>
    %dma_wait3A_754 = arith.constant 0 : i32
    %dma_wait3A_755 = arith.constant 0 : i32
    %dma_wait3A_756 = tpu.memref_slice %arg6[%dma_wait3A_740, %dma_wait3A_754, %dma_wait3A_755] : memref<2x800x64xf32, #tpu.memory_space<vmem>> -> memref<1x50x64xf32, #tpu.memory_space<vmem>>
    %dma_wait3A_757 = tpu.memref_squeeze %dma_wait3A_756 : memref<1x50x64xf32, #tpu.memory_space<vmem>> -> memref<50x64xf32, #tpu.memory_space<vmem>>
    tpu.wait_dma2 semaphore(%arg11 : memref<!tpu.dma_semaphore, #tpu.memory_space<semaphore_mem>>) src(%dma_wait3A_757 : memref<50x64xf32, #tpu.memory_space<vmem>>) dst(%dma_wait3A_753 : memref<50x64xf32, #tpu.memory_space<hbm>>)
    %dma_wait3A_758 = arith.constant 0 : i32
    %dma_wait3A_759 = arith.constant 0 : i32
    %dma_wait3A_760 = arith.constant 0 : i32
    %dma_wait3A_761 = arith.constant 0 : i32
    %dma_wait3A_762 = tpu.memref_slice %arg6[%dma_wait3A_758, %dma_wait3A_760, %dma_wait3A_761] : memref<2x800x64xf32, #tpu.memory_space<vmem>> -> memref<1x50x64xf32, #tpu.memory_space<vmem>>
    %dma_wait3A_763 = tpu.memref_squeeze %dma_wait3A_762 : memref<1x50x64xf32, #tpu.memory_space<vmem>> -> memref<50x64xf32, #tpu.memory_space<vmem>>
    %dma_wait3A_764 = arith.constant 0 : i32
    %dma_wait3A_765 = arith.constant 0 : i32
    %dma_wait3A_766 = tpu.memref_slice %arg4[%dma_wait3A_759, %dma_wait3A_764, %dma_wait3A_765] : memref<16384x56x128xf32, #tpu.memory_space<hbm>> -> memref<1x50x64xf32, #tpu.memory_space<hbm>>
    %dma_wait3A_767 = tpu.memref_squeeze %dma_wait3A_766 : memref<1x50x64xf32, #tpu.memory_space<hbm>> -> memref<50x64xf32, #tpu.memory_space<hbm>>
    %dma_wait3A_768 = arith.constant 0 : i32
    %dma_wait3A_769 = arith.constant 0 : i32
    %dma_wait3A_770 = tpu.memref_slice %arg4[%dma_wait3A_759, %dma_wait3A_768, %dma_wait3A_769] : memref<16384x56x128xf32, #tpu.memory_space<hbm>> -> memref<1x50x64xf32, #tpu.memory_space<hbm>>
    %dma_wait3A_771 = tpu.memref_squeeze %dma_wait3A_770 : memref<1x50x64xf32, #tpu.memory_space<hbm>> -> memref<50x64xf32, #tpu.memory_space<hbm>>
    %dma_wait3A_772 = arith.constant 0 : i32
    %dma_wait3A_773 = arith.constant 0 : i32
    %dma_wait3A_774 = tpu.memref_slice %arg6[%dma_wait3A_758, %dma_wait3A_772, %dma_wait3A_773] : memref<2x800x64xf32, #tpu.memory_space<vmem>> -> memref<1x50x64xf32, #tpu.memory_space<vmem>>
    %dma_wait3A_775 = tpu.memref_squeeze %dma_wait3A_774 : memref<1x50x64xf32, #tpu.memory_space<vmem>> -> memref<50x64xf32, #tpu.memory_space<vmem>>
    tpu.wait_dma2 semaphore(%arg11 : memref<!tpu.dma_semaphore, #tpu.memory_space<semaphore_mem>>) src(%dma_wait3A_775 : memref<50x64xf32, #tpu.memory_space<vmem>>) dst(%dma_wait3A_771 : memref<50x64xf32, #tpu.memory_space<hbm>>)
    %dma_wait3A_776 = arith.constant 0 : i32
    %dma_wait3A_777 = arith.constant 0 : i32
    %dma_wait3A_778 = arith.constant 0 : i32
    %dma_wait3A_779 = arith.constant 0 : i32
    %dma_wait3A_780 = tpu.memref_slice %arg6[%dma_wait3A_776, %dma_wait3A_778, %dma_wait3A_779] : memref<2x800x64xf32, #tpu.memory_space<vmem>> -> memref<1x50x64xf32, #tpu.memory_space<vmem>>
    %dma_wait3A_781 = tpu.memref_squeeze %dma_wait3A_780 : memref<1x50x64xf32, #tpu.memory_space<vmem>> -> memref<50x64xf32, #tpu.memory_space<vmem>>
    %dma_wait3A_782 = arith.constant 0 : i32
    %dma_wait3A_783 = arith.constant 0 : i32
    %dma_wait3A_784 = tpu.memref_slice %arg4[%dma_wait3A_777, %dma_wait3A_782, %dma_wait3A_783] : memref<16384x56x128xf32, #tpu.memory_space<hbm>> -> memref<1x50x64xf32, #tpu.memory_space<hbm>>
    %dma_wait3A_785 = tpu.memref_squeeze %dma_wait3A_784 : memref<1x50x64xf32, #tpu.memory_space<hbm>> -> memref<50x64xf32, #tpu.memory_space<hbm>>
    %dma_wait3A_786 = arith.constant 0 : i32
    %dma_wait3A_787 = arith.constant 0 : i32
    %dma_wait3A_788 = tpu.memref_slice %arg4[%dma_wait3A_777, %dma_wait3A_786, %dma_wait3A_787] : memref<16384x56x128xf32, #tpu.memory_space<hbm>> -> memref<1x50x64xf32, #tpu.memory_space<hbm>>
    %dma_wait3A_789 = tpu.memref_squeeze %dma_wait3A_788 : memref<1x50x64xf32, #tpu.memory_space<hbm>> -> memref<50x64xf32, #tpu.memory_space<hbm>>
    %dma_wait3A_790 = arith.constant 0 : i32
    %dma_wait3A_791 = arith.constant 0 : i32
    %dma_wait3A_792 = tpu.memref_slice %arg6[%dma_wait3A_776, %dma_wait3A_790, %dma_wait3A_791] : memref<2x800x64xf32, #tpu.memory_space<vmem>> -> memref<1x50x64xf32, #tpu.memory_space<vmem>>
    %dma_wait3A_793 = tpu.memref_squeeze %dma_wait3A_792 : memref<1x50x64xf32, #tpu.memory_space<vmem>> -> memref<50x64xf32, #tpu.memory_space<vmem>>
    tpu.wait_dma2 semaphore(%arg11 : memref<!tpu.dma_semaphore, #tpu.memory_space<semaphore_mem>>) src(%dma_wait3A_793 : memref<50x64xf32, #tpu.memory_space<vmem>>) dst(%dma_wait3A_789 : memref<50x64xf32, #tpu.memory_space<hbm>>)
    %dma_wait3A_794 = arith.constant 0 : i32
    %dma_wait3A_795 = arith.constant 0 : i32
    %dma_wait3A_796 = arith.constant 0 : i32
    %dma_wait3A_797 = arith.constant 0 : i32
    %dma_wait3A_798 = tpu.memref_slice %arg6[%dma_wait3A_794, %dma_wait3A_796, %dma_wait3A_797] : memref<2x800x64xf32, #tpu.memory_space<vmem>> -> memref<1x50x64xf32, #tpu.memory_space<vmem>>
    %dma_wait3A_799 = tpu.memref_squeeze %dma_wait3A_798 : memref<1x50x64xf32, #tpu.memory_space<vmem>> -> memref<50x64xf32, #tpu.memory_space<vmem>>
    %dma_wait3A_800 = arith.constant 0 : i32
    %dma_wait3A_801 = arith.constant 0 : i32
    %dma_wait3A_802 = tpu.memref_slice %arg4[%dma_wait3A_795, %dma_wait3A_800, %dma_wait3A_801] : memref<16384x56x128xf32, #tpu.memory_space<hbm>> -> memref<1x50x64xf32, #tpu.memory_space<hbm>>
    %dma_wait3A_803 = tpu.memref_squeeze %dma_wait3A_802 : memref<1x50x64xf32, #tpu.memory_space<hbm>> -> memref<50x64xf32, #tpu.memory_space<hbm>>
    %dma_wait3A_804 = arith.constant 0 : i32
    %dma_wait3A_805 = arith.constant 0 : i32
    %dma_wait3A_806 = tpu.memref_slice %arg4[%dma_wait3A_795, %dma_wait3A_804, %dma_wait3A_805] : memref<16384x56x128xf32, #tpu.memory_space<hbm>> -> memref<1x50x64xf32, #tpu.memory_space<hbm>>
    %dma_wait3A_807 = tpu.memref_squeeze %dma_wait3A_806 : memref<1x50x64xf32, #tpu.memory_space<hbm>> -> memref<50x64xf32, #tpu.memory_space<hbm>>
    %dma_wait3A_808 = arith.constant 0 : i32
    %dma_wait3A_809 = arith.constant 0 : i32
    %dma_wait3A_810 = tpu.memref_slice %arg6[%dma_wait3A_794, %dma_wait3A_808, %dma_wait3A_809] : memref<2x800x64xf32, #tpu.memory_space<vmem>> -> memref<1x50x64xf32, #tpu.memory_space<vmem>>
    %dma_wait3A_811 = tpu.memref_squeeze %dma_wait3A_810 : memref<1x50x64xf32, #tpu.memory_space<vmem>> -> memref<50x64xf32, #tpu.memory_space<vmem>>
    tpu.wait_dma2 semaphore(%arg11 : memref<!tpu.dma_semaphore, #tpu.memory_space<semaphore_mem>>) src(%dma_wait3A_811 : memref<50x64xf32, #tpu.memory_space<vmem>>) dst(%dma_wait3A_807 : memref<50x64xf32, #tpu.memory_space<hbm>>)
    %dma_wait3A_812 = arith.constant 0 : i32
    %dma_wait3A_813 = arith.constant 0 : i32
    %dma_wait3A_814 = arith.constant 0 : i32
    %dma_wait3A_815 = arith.constant 0 : i32
    %dma_wait3A_816 = tpu.memref_slice %arg6[%dma_wait3A_812, %dma_wait3A_814, %dma_wait3A_815] : memref<2x800x64xf32, #tpu.memory_space<vmem>> -> memref<1x50x64xf32, #tpu.memory_space<vmem>>
    %dma_wait3A_817 = tpu.memref_squeeze %dma_wait3A_816 : memref<1x50x64xf32, #tpu.memory_space<vmem>> -> memref<50x64xf32, #tpu.memory_space<vmem>>
    %dma_wait3A_818 = arith.constant 0 : i32
    %dma_wait3A_819 = arith.constant 0 : i32
    %dma_wait3A_820 = tpu.memref_slice %arg4[%dma_wait3A_813, %dma_wait3A_818, %dma_wait3A_819] : memref<16384x56x128xf32, #tpu.memory_space<hbm>> -> memref<1x50x64xf32, #tpu.memory_space<hbm>>
    %dma_wait3A_821 = tpu.memref_squeeze %dma_wait3A_820 : memref<1x50x64xf32, #tpu.memory_space<hbm>> -> memref<50x64xf32, #tpu.memory_space<hbm>>
    %dma_wait3A_822 = arith.constant 0 : i32
    %dma_wait3A_823 = arith.constant 0 : i32
    %dma_wait3A_824 = tpu.memref_slice %arg4[%dma_wait3A_813, %dma_wait3A_822, %dma_wait3A_823] : memref<16384x56x128xf32, #tpu.memory_space<hbm>> -> memref<1x50x64xf32, #tpu.memory_space<hbm>>
    %dma_wait3A_825 = tpu.memref_squeeze %dma_wait3A_824 : memref<1x50x64xf32, #tpu.memory_space<hbm>> -> memref<50x64xf32, #tpu.memory_space<hbm>>
    %dma_wait3A_826 = arith.constant 0 : i32
    %dma_wait3A_827 = arith.constant 0 : i32
    %dma_wait3A_828 = tpu.memref_slice %arg6[%dma_wait3A_812, %dma_wait3A_826, %dma_wait3A_827] : memref<2x800x64xf32, #tpu.memory_space<vmem>> -> memref<1x50x64xf32, #tpu.memory_space<vmem>>
    %dma_wait3A_829 = tpu.memref_squeeze %dma_wait3A_828 : memref<1x50x64xf32, #tpu.memory_space<vmem>> -> memref<50x64xf32, #tpu.memory_space<vmem>>
    tpu.wait_dma2 semaphore(%arg11 : memref<!tpu.dma_semaphore, #tpu.memory_space<semaphore_mem>>) src(%dma_wait3A_829 : memref<50x64xf32, #tpu.memory_space<vmem>>) dst(%dma_wait3A_825 : memref<50x64xf32, #tpu.memory_space<hbm>>)
    %dma_wait3A_830 = arith.constant 0 : i32
    %dma_wait3A_831 = arith.constant 0 : i32
    %dma_wait3A_832 = arith.constant 0 : i32
    %dma_wait3A_833 = arith.constant 0 : i32
    %dma_wait3A_834 = tpu.memref_slice %arg6[%dma_wait3A_830, %dma_wait3A_832, %dma_wait3A_833] : memref<2x800x64xf32, #tpu.memory_space<vmem>> -> memref<1x50x64xf32, #tpu.memory_space<vmem>>
    %dma_wait3A_835 = tpu.memref_squeeze %dma_wait3A_834 : memref<1x50x64xf32, #tpu.memory_space<vmem>> -> memref<50x64xf32, #tpu.memory_space<vmem>>
    %dma_wait3A_836 = arith.constant 0 : i32
    %dma_wait3A_837 = arith.constant 0 : i32
    %dma_wait3A_838 = tpu.memref_slice %arg4[%dma_wait3A_831, %dma_wait3A_836, %dma_wait3A_837] : memref<16384x56x128xf32, #tpu.memory_space<hbm>> -> memref<1x50x64xf32, #tpu.memory_space<hbm>>
    %dma_wait3A_839 = tpu.memref_squeeze %dma_wait3A_838 : memref<1x50x64xf32, #tpu.memory_space<hbm>> -> memref<50x64xf32, #tpu.memory_space<hbm>>
    %dma_wait3A_840 = arith.constant 0 : i32
    %dma_wait3A_841 = arith.constant 0 : i32
    %dma_wait3A_842 = tpu.memref_slice %arg4[%dma_wait3A_831, %dma_wait3A_840, %dma_wait3A_841] : memref<16384x56x128xf32, #tpu.memory_space<hbm>> -> memref<1x50x64xf32, #tpu.memory_space<hbm>>
    %dma_wait3A_843 = tpu.memref_squeeze %dma_wait3A_842 : memref<1x50x64xf32, #tpu.memory_space<hbm>> -> memref<50x64xf32, #tpu.memory_space<hbm>>
    %dma_wait3A_844 = arith.constant 0 : i32
    %dma_wait3A_845 = arith.constant 0 : i32
    %dma_wait3A_846 = tpu.memref_slice %arg6[%dma_wait3A_830, %dma_wait3A_844, %dma_wait3A_845] : memref<2x800x64xf32, #tpu.memory_space<vmem>> -> memref<1x50x64xf32, #tpu.memory_space<vmem>>
    %dma_wait3A_847 = tpu.memref_squeeze %dma_wait3A_846 : memref<1x50x64xf32, #tpu.memory_space<vmem>> -> memref<50x64xf32, #tpu.memory_space<vmem>>
    tpu.wait_dma2 semaphore(%arg11 : memref<!tpu.dma_semaphore, #tpu.memory_space<semaphore_mem>>) src(%dma_wait3A_847 : memref<50x64xf32, #tpu.memory_space<vmem>>) dst(%dma_wait3A_843 : memref<50x64xf32, #tpu.memory_space<hbm>>)
    %dma_wait3A_848 = arith.constant 0 : i32
    %dma_wait3A_849 = arith.constant 0 : i32
    %dma_wait3A_850 = arith.constant 0 : i32
    %dma_wait3A_851 = arith.constant 0 : i32
    %dma_wait3A_852 = tpu.memref_slice %arg6[%dma_wait3A_848, %dma_wait3A_850, %dma_wait3A_851] : memref<2x800x64xf32, #tpu.memory_space<vmem>> -> memref<1x50x64xf32, #tpu.memory_space<vmem>>
    %dma_wait3A_853 = tpu.memref_squeeze %dma_wait3A_852 : memref<1x50x64xf32, #tpu.memory_space<vmem>> -> memref<50x64xf32, #tpu.memory_space<vmem>>
    %dma_wait3A_854 = arith.constant 0 : i32
    %dma_wait3A_855 = arith.constant 0 : i32
    %dma_wait3A_856 = tpu.memref_slice %arg4[%dma_wait3A_849, %dma_wait3A_854, %dma_wait3A_855] : memref<16384x56x128xf32, #tpu.memory_space<hbm>> -> memref<1x50x64xf32, #tpu.memory_space<hbm>>
    %dma_wait3A_857 = tpu.memref_squeeze %dma_wait3A_856 : memref<1x50x64xf32, #tpu.memory_space<hbm>> -> memref<50x64xf32, #tpu.memory_space<hbm>>
    %dma_wait3A_858 = arith.constant 0 : i32
    %dma_wait3A_859 = arith.constant 0 : i32
    %dma_wait3A_860 = tpu.memref_slice %arg4[%dma_wait3A_849, %dma_wait3A_858, %dma_wait3A_859] : memref<16384x56x128xf32, #tpu.memory_space<hbm>> -> memref<1x50x64xf32, #tpu.memory_space<hbm>>
    %dma_wait3A_861 = tpu.memref_squeeze %dma_wait3A_860 : memref<1x50x64xf32, #tpu.memory_space<hbm>> -> memref<50x64xf32, #tpu.memory_space<hbm>>
    %dma_wait3A_862 = arith.constant 0 : i32
    %dma_wait3A_863 = arith.constant 0 : i32
    %dma_wait3A_864 = tpu.memref_slice %arg6[%dma_wait3A_848, %dma_wait3A_862, %dma_wait3A_863] : memref<2x800x64xf32, #tpu.memory_space<vmem>> -> memref<1x50x64xf32, #tpu.memory_space<vmem>>
    %dma_wait3A_865 = tpu.memref_squeeze %dma_wait3A_864 : memref<1x50x64xf32, #tpu.memory_space<vmem>> -> memref<50x64xf32, #tpu.memory_space<vmem>>
    tpu.wait_dma2 semaphore(%arg11 : memref<!tpu.dma_semaphore, #tpu.memory_space<semaphore_mem>>) src(%dma_wait3A_865 : memref<50x64xf32, #tpu.memory_space<vmem>>) dst(%dma_wait3A_861 : memref<50x64xf32, #tpu.memory_space<hbm>>)
    %dma_wait3A_866 = arith.constant 0 : i32
    %dma_wait3A_867 = arith.constant 0 : i32
    %dma_wait3A_868 = arith.constant 0 : i32
    %dma_wait3A_869 = arith.constant 0 : i32
    %dma_wait3A_870 = tpu.memref_slice %arg6[%dma_wait3A_866, %dma_wait3A_868, %dma_wait3A_869] : memref<2x800x64xf32, #tpu.memory_space<vmem>> -> memref<1x50x64xf32, #tpu.memory_space<vmem>>
    %dma_wait3A_871 = tpu.memref_squeeze %dma_wait3A_870 : memref<1x50x64xf32, #tpu.memory_space<vmem>> -> memref<50x64xf32, #tpu.memory_space<vmem>>
    %dma_wait3A_872 = arith.constant 0 : i32
    %dma_wait3A_873 = arith.constant 0 : i32
    %dma_wait3A_874 = tpu.memref_slice %arg4[%dma_wait3A_867, %dma_wait3A_872, %dma_wait3A_873] : memref<16384x56x128xf32, #tpu.memory_space<hbm>> -> memref<1x50x64xf32, #tpu.memory_space<hbm>>
    %dma_wait3A_875 = tpu.memref_squeeze %dma_wait3A_874 : memref<1x50x64xf32, #tpu.memory_space<hbm>> -> memref<50x64xf32, #tpu.memory_space<hbm>>
    %dma_wait3A_876 = arith.constant 0 : i32
    %dma_wait3A_877 = arith.constant 0 : i32
    %dma_wait3A_878 = tpu.memref_slice %arg4[%dma_wait3A_867, %dma_wait3A_876, %dma_wait3A_877] : memref<16384x56x128xf32, #tpu.memory_space<hbm>> -> memref<1x50x64xf32, #tpu.memory_space<hbm>>
    %dma_wait3A_879 = tpu.memref_squeeze %dma_wait3A_878 : memref<1x50x64xf32, #tpu.memory_space<hbm>> -> memref<50x64xf32, #tpu.memory_space<hbm>>
    %dma_wait3A_880 = arith.constant 0 : i32
    %dma_wait3A_881 = arith.constant 0 : i32
    %dma_wait3A_882 = tpu.memref_slice %arg6[%dma_wait3A_866, %dma_wait3A_880, %dma_wait3A_881] : memref<2x800x64xf32, #tpu.memory_space<vmem>> -> memref<1x50x64xf32, #tpu.memory_space<vmem>>
    %dma_wait3A_883 = tpu.memref_squeeze %dma_wait3A_882 : memref<1x50x64xf32, #tpu.memory_space<vmem>> -> memref<50x64xf32, #tpu.memory_space<vmem>>
    tpu.wait_dma2 semaphore(%arg11 : memref<!tpu.dma_semaphore, #tpu.memory_space<semaphore_mem>>) src(%dma_wait3A_883 : memref<50x64xf32, #tpu.memory_space<vmem>>) dst(%dma_wait3A_879 : memref<50x64xf32, #tpu.memory_space<hbm>>)
    %dma_wait3A_884 = arith.constant 0 : i32
    %dma_wait3A_885 = arith.constant 0 : i32
    %dma_wait3A_886 = arith.constant 0 : i32
    %dma_wait3A_887 = arith.constant 0 : i32
    %dma_wait3A_888 = tpu.memref_slice %arg6[%dma_wait3A_884, %dma_wait3A_886, %dma_wait3A_887] : memref<2x800x64xf32, #tpu.memory_space<vmem>> -> memref<1x50x64xf32, #tpu.memory_space<vmem>>
    %dma_wait3A_889 = tpu.memref_squeeze %dma_wait3A_888 : memref<1x50x64xf32, #tpu.memory_space<vmem>> -> memref<50x64xf32, #tpu.memory_space<vmem>>
    %dma_wait3A_890 = arith.constant 0 : i32
    %dma_wait3A_891 = arith.constant 0 : i32
    %dma_wait3A_892 = tpu.memref_slice %arg4[%dma_wait3A_885, %dma_wait3A_890, %dma_wait3A_891] : memref<16384x56x128xf32, #tpu.memory_space<hbm>> -> memref<1x50x64xf32, #tpu.memory_space<hbm>>
    %dma_wait3A_893 = tpu.memref_squeeze %dma_wait3A_892 : memref<1x50x64xf32, #tpu.memory_space<hbm>> -> memref<50x64xf32, #tpu.memory_space<hbm>>
    %dma_wait3A_894 = arith.constant 0 : i32
    %dma_wait3A_895 = arith.constant 0 : i32
    %dma_wait3A_896 = tpu.memref_slice %arg4[%dma_wait3A_885, %dma_wait3A_894, %dma_wait3A_895] : memref<16384x56x128xf32, #tpu.memory_space<hbm>> -> memref<1x50x64xf32, #tpu.memory_space<hbm>>
    %dma_wait3A_897 = tpu.memref_squeeze %dma_wait3A_896 : memref<1x50x64xf32, #tpu.memory_space<hbm>> -> memref<50x64xf32, #tpu.memory_space<hbm>>
    %dma_wait3A_898 = arith.constant 0 : i32
    %dma_wait3A_899 = arith.constant 0 : i32
    %dma_wait3A_900 = tpu.memref_slice %arg6[%dma_wait3A_884, %dma_wait3A_898, %dma_wait3A_899] : memref<2x800x64xf32, #tpu.memory_space<vmem>> -> memref<1x50x64xf32, #tpu.memory_space<vmem>>
    %dma_wait3A_901 = tpu.memref_squeeze %dma_wait3A_900 : memref<1x50x64xf32, #tpu.memory_space<vmem>> -> memref<50x64xf32, #tpu.memory_space<vmem>>
    tpu.wait_dma2 semaphore(%arg11 : memref<!tpu.dma_semaphore, #tpu.memory_space<semaphore_mem>>) src(%dma_wait3A_901 : memref<50x64xf32, #tpu.memory_space<vmem>>) dst(%dma_wait3A_897 : memref<50x64xf32, #tpu.memory_space<hbm>>)
    %dma_wait3A_902 = arith.constant 0 : i32
    %dma_wait3A_903 = arith.constant 0 : i32
    %dma_wait3A_904 = arith.constant 0 : i32
    %dma_wait3A_905 = arith.constant 0 : i32
    %dma_wait3A_906 = tpu.memref_slice %arg6[%dma_wait3A_902, %dma_wait3A_904, %dma_wait3A_905] : memref<2x800x64xf32, #tpu.memory_space<vmem>> -> memref<1x50x64xf32, #tpu.memory_space<vmem>>
    %dma_wait3A_907 = tpu.memref_squeeze %dma_wait3A_906 : memref<1x50x64xf32, #tpu.memory_space<vmem>> -> memref<50x64xf32, #tpu.memory_space<vmem>>
    %dma_wait3A_908 = arith.constant 0 : i32
    %dma_wait3A_909 = arith.constant 0 : i32
    %dma_wait3A_910 = tpu.memref_slice %arg4[%dma_wait3A_903, %dma_wait3A_908, %dma_wait3A_909] : memref<16384x56x128xf32, #tpu.memory_space<hbm>> -> memref<1x50x64xf32, #tpu.memory_space<hbm>>
    %dma_wait3A_911 = tpu.memref_squeeze %dma_wait3A_910 : memref<1x50x64xf32, #tpu.memory_space<hbm>> -> memref<50x64xf32, #tpu.memory_space<hbm>>
    %dma_wait3A_912 = arith.constant 0 : i32
    %dma_wait3A_913 = arith.constant 0 : i32
    %dma_wait3A_914 = tpu.memref_slice %arg4[%dma_wait3A_903, %dma_wait3A_912, %dma_wait3A_913] : memref<16384x56x128xf32, #tpu.memory_space<hbm>> -> memref<1x50x64xf32, #tpu.memory_space<hbm>>
    %dma_wait3A_915 = tpu.memref_squeeze %dma_wait3A_914 : memref<1x50x64xf32, #tpu.memory_space<hbm>> -> memref<50x64xf32, #tpu.memory_space<hbm>>
    %dma_wait3A_916 = arith.constant 0 : i32
    %dma_wait3A_917 = arith.constant 0 : i32
    %dma_wait3A_918 = tpu.memref_slice %arg6[%dma_wait3A_902, %dma_wait3A_916, %dma_wait3A_917] : memref<2x800x64xf32, #tpu.memory_space<vmem>> -> memref<1x50x64xf32, #tpu.memory_space<vmem>>
    %dma_wait3A_919 = tpu.memref_squeeze %dma_wait3A_918 : memref<1x50x64xf32, #tpu.memory_space<vmem>> -> memref<50x64xf32, #tpu.memory_space<vmem>>
    tpu.wait_dma2 semaphore(%arg11 : memref<!tpu.dma_semaphore, #tpu.memory_space<semaphore_mem>>) src(%dma_wait3A_919 : memref<50x64xf32, #tpu.memory_space<vmem>>) dst(%dma_wait3A_915 : memref<50x64xf32, #tpu.memory_space<hbm>>)
    %dma_wait3A_920 = arith.constant 0 : i32
    %dma_wait3A_921 = arith.constant 0 : i32
    %dma_wait3A_922 = arith.constant 0 : i32
    %dma_wait3A_923 = arith.constant 0 : i32
    %dma_wait3A_924 = tpu.memref_slice %arg6[%dma_wait3A_920, %dma_wait3A_922, %dma_wait3A_923] : memref<2x800x64xf32, #tpu.memory_space<vmem>> -> memref<1x50x64xf32, #tpu.memory_space<vmem>>
    %dma_wait3A_925 = tpu.memref_squeeze %dma_wait3A_924 : memref<1x50x64xf32, #tpu.memory_space<vmem>> -> memref<50x64xf32, #tpu.memory_space<vmem>>
    %dma_wait3A_926 = arith.constant 0 : i32
    %dma_wait3A_927 = arith.constant 0 : i32
    %dma_wait3A_928 = tpu.memref_slice %arg4[%dma_wait3A_921, %dma_wait3A_926, %dma_wait3A_927] : memref<16384x56x128xf32, #tpu.memory_space<hbm>> -> memref<1x50x64xf32, #tpu.memory_space<hbm>>
    %dma_wait3A_929 = tpu.memref_squeeze %dma_wait3A_928 : memref<1x50x64xf32, #tpu.memory_space<hbm>> -> memref<50x64xf32, #tpu.memory_space<hbm>>
    %dma_wait3A_930 = arith.constant 0 : i32
    %dma_wait3A_931 = arith.constant 0 : i32
    %dma_wait3A_932 = tpu.memref_slice %arg4[%dma_wait3A_921, %dma_wait3A_930, %dma_wait3A_931] : memref<16384x56x128xf32, #tpu.memory_space<hbm>> -> memref<1x50x64xf32, #tpu.memory_space<hbm>>
    %dma_wait3A_933 = tpu.memref_squeeze %dma_wait3A_932 : memref<1x50x64xf32, #tpu.memory_space<hbm>> -> memref<50x64xf32, #tpu.memory_space<hbm>>
    %dma_wait3A_934 = arith.constant 0 : i32
    %dma_wait3A_935 = arith.constant 0 : i32
    %dma_wait3A_936 = tpu.memref_slice %arg6[%dma_wait3A_920, %dma_wait3A_934, %dma_wait3A_935] : memref<2x800x64xf32, #tpu.memory_space<vmem>> -> memref<1x50x64xf32, #tpu.memory_space<vmem>>
    %dma_wait3A_937 = tpu.memref_squeeze %dma_wait3A_936 : memref<1x50x64xf32, #tpu.memory_space<vmem>> -> memref<50x64xf32, #tpu.memory_space<vmem>>
    tpu.wait_dma2 semaphore(%arg11 : memref<!tpu.dma_semaphore, #tpu.memory_space<semaphore_mem>>) src(%dma_wait3A_937 : memref<50x64xf32, #tpu.memory_space<vmem>>) dst(%dma_wait3A_933 : memref<50x64xf32, #tpu.memory_space<hbm>>)
    %dma_wait3A_938 = arith.constant 0 : i32
    %dma_wait3A_939 = arith.constant 0 : i32
    %dma_wait3A_940 = arith.constant 0 : i32
    %dma_wait3A_941 = arith.constant 0 : i32
    %dma_wait3A_942 = tpu.memref_slice %arg6[%dma_wait3A_938, %dma_wait3A_940, %dma_wait3A_941] : memref<2x800x64xf32, #tpu.memory_space<vmem>> -> memref<1x50x64xf32, #tpu.memory_space<vmem>>
    %dma_wait3A_943 = tpu.memref_squeeze %dma_wait3A_942 : memref<1x50x64xf32, #tpu.memory_space<vmem>> -> memref<50x64xf32, #tpu.memory_space<vmem>>
    %dma_wait3A_944 = arith.constant 0 : i32
    %dma_wait3A_945 = arith.constant 0 : i32
    %dma_wait3A_946 = tpu.memref_slice %arg4[%dma_wait3A_939, %dma_wait3A_944, %dma_wait3A_945] : memref<16384x56x128xf32, #tpu.memory_space<hbm>> -> memref<1x50x64xf32, #tpu.memory_space<hbm>>
    %dma_wait3A_947 = tpu.memref_squeeze %dma_wait3A_946 : memref<1x50x64xf32, #tpu.memory_space<hbm>> -> memref<50x64xf32, #tpu.memory_space<hbm>>
    %dma_wait3A_948 = arith.constant 0 : i32
    %dma_wait3A_949 = arith.constant 0 : i32
    %dma_wait3A_950 = tpu.memref_slice %arg4[%dma_wait3A_939, %dma_wait3A_948, %dma_wait3A_949] : memref<16384x56x128xf32, #tpu.memory_space<hbm>> -> memref<1x50x64xf32, #tpu.memory_space<hbm>>
    %dma_wait3A_951 = tpu.memref_squeeze %dma_wait3A_950 : memref<1x50x64xf32, #tpu.memory_space<hbm>> -> memref<50x64xf32, #tpu.memory_space<hbm>>
    %dma_wait3A_952 = arith.constant 0 : i32
    %dma_wait3A_953 = arith.constant 0 : i32
    %dma_wait3A_954 = tpu.memref_slice %arg6[%dma_wait3A_938, %dma_wait3A_952, %dma_wait3A_953] : memref<2x800x64xf32, #tpu.memory_space<vmem>> -> memref<1x50x64xf32, #tpu.memory_space<vmem>>
    %dma_wait3A_955 = tpu.memref_squeeze %dma_wait3A_954 : memref<1x50x64xf32, #tpu.memory_space<vmem>> -> memref<50x64xf32, #tpu.memory_space<vmem>>
    tpu.wait_dma2 semaphore(%arg11 : memref<!tpu.dma_semaphore, #tpu.memory_space<semaphore_mem>>) src(%dma_wait3A_955 : memref<50x64xf32, #tpu.memory_space<vmem>>) dst(%dma_wait3A_951 : memref<50x64xf32, #tpu.memory_space<hbm>>)
    %dma_wait3A_956 = arith.constant 0 : i32
    %dma_wait3A_957 = arith.constant 0 : i32
    %dma_wait3A_958 = arith.constant 0 : i32
    %dma_wait3A_959 = arith.constant 0 : i32
    %dma_wait3A_960 = tpu.memref_slice %arg6[%dma_wait3A_956, %dma_wait3A_958, %dma_wait3A_959] : memref<2x800x64xf32, #tpu.memory_space<vmem>> -> memref<1x50x64xf32, #tpu.memory_space<vmem>>
    %dma_wait3A_961 = tpu.memref_squeeze %dma_wait3A_960 : memref<1x50x64xf32, #tpu.memory_space<vmem>> -> memref<50x64xf32, #tpu.memory_space<vmem>>
    %dma_wait3A_962 = arith.constant 0 : i32
    %dma_wait3A_963 = arith.constant 0 : i32
    %dma_wait3A_964 = tpu.memref_slice %arg4[%dma_wait3A_957, %dma_wait3A_962, %dma_wait3A_963] : memref<16384x56x128xf32, #tpu.memory_space<hbm>> -> memref<1x50x64xf32, #tpu.memory_space<hbm>>
    %dma_wait3A_965 = tpu.memref_squeeze %dma_wait3A_964 : memref<1x50x64xf32, #tpu.memory_space<hbm>> -> memref<50x64xf32, #tpu.memory_space<hbm>>
    %dma_wait3A_966 = arith.constant 0 : i32
    %dma_wait3A_967 = arith.constant 0 : i32
    %dma_wait3A_968 = tpu.memref_slice %arg4[%dma_wait3A_957, %dma_wait3A_966, %dma_wait3A_967] : memref<16384x56x128xf32, #tpu.memory_space<hbm>> -> memref<1x50x64xf32, #tpu.memory_space<hbm>>
    %dma_wait3A_969 = tpu.memref_squeeze %dma_wait3A_968 : memref<1x50x64xf32, #tpu.memory_space<hbm>> -> memref<50x64xf32, #tpu.memory_space<hbm>>
    %dma_wait3A_970 = arith.constant 0 : i32
    %dma_wait3A_971 = arith.constant 0 : i32
    %dma_wait3A_972 = tpu.memref_slice %arg6[%dma_wait3A_956, %dma_wait3A_970, %dma_wait3A_971] : memref<2x800x64xf32, #tpu.memory_space<vmem>> -> memref<1x50x64xf32, #tpu.memory_space<vmem>>
    %dma_wait3A_973 = tpu.memref_squeeze %dma_wait3A_972 : memref<1x50x64xf32, #tpu.memory_space<vmem>> -> memref<50x64xf32, #tpu.memory_space<vmem>>
    tpu.wait_dma2 semaphore(%arg11 : memref<!tpu.dma_semaphore, #tpu.memory_space<semaphore_mem>>) src(%dma_wait3A_973 : memref<50x64xf32, #tpu.memory_space<vmem>>) dst(%dma_wait3A_969 : memref<50x64xf32, #tpu.memory_space<hbm>>)
    %dma_wait3A_974 = arith.constant 0 : i32
    %dma_wait3A_975 = arith.constant 0 : i32
    %dma_wait3A_976 = arith.constant 0 : i32
    %dma_wait3A_977 = arith.constant 0 : i32
    %dma_wait3A_978 = tpu.memref_slice %arg6[%dma_wait3A_974, %dma_wait3A_976, %dma_wait3A_977] : memref<2x800x64xf32, #tpu.memory_space<vmem>> -> memref<1x50x64xf32, #tpu.memory_space<vmem>>
    %dma_wait3A_979 = tpu.memref_squeeze %dma_wait3A_978 : memref<1x50x64xf32, #tpu.memory_space<vmem>> -> memref<50x64xf32, #tpu.memory_space<vmem>>
    %dma_wait3A_980 = arith.constant 0 : i32
    %dma_wait3A_981 = arith.constant 0 : i32
    %dma_wait3A_982 = tpu.memref_slice %arg4[%dma_wait3A_975, %dma_wait3A_980, %dma_wait3A_981] : memref<16384x56x128xf32, #tpu.memory_space<hbm>> -> memref<1x50x64xf32, #tpu.memory_space<hbm>>
    %dma_wait3A_983 = tpu.memref_squeeze %dma_wait3A_982 : memref<1x50x64xf32, #tpu.memory_space<hbm>> -> memref<50x64xf32, #tpu.memory_space<hbm>>
    %dma_wait3A_984 = arith.constant 0 : i32
    %dma_wait3A_985 = arith.constant 0 : i32
    %dma_wait3A_986 = tpu.memref_slice %arg4[%dma_wait3A_975, %dma_wait3A_984, %dma_wait3A_985] : memref<16384x56x128xf32, #tpu.memory_space<hbm>> -> memref<1x50x64xf32, #tpu.memory_space<hbm>>
    %dma_wait3A_987 = tpu.memref_squeeze %dma_wait3A_986 : memref<1x50x64xf32, #tpu.memory_space<hbm>> -> memref<50x64xf32, #tpu.memory_space<hbm>>
    %dma_wait3A_988 = arith.constant 0 : i32
    %dma_wait3A_989 = arith.constant 0 : i32
    %dma_wait3A_990 = tpu.memref_slice %arg6[%dma_wait3A_974, %dma_wait3A_988, %dma_wait3A_989] : memref<2x800x64xf32, #tpu.memory_space<vmem>> -> memref<1x50x64xf32, #tpu.memory_space<vmem>>
    %dma_wait3A_991 = tpu.memref_squeeze %dma_wait3A_990 : memref<1x50x64xf32, #tpu.memory_space<vmem>> -> memref<50x64xf32, #tpu.memory_space<vmem>>
    tpu.wait_dma2 semaphore(%arg11 : memref<!tpu.dma_semaphore, #tpu.memory_space<semaphore_mem>>) src(%dma_wait3A_991 : memref<50x64xf32, #tpu.memory_space<vmem>>) dst(%dma_wait3A_987 : memref<50x64xf32, #tpu.memory_space<hbm>>)
    %dma_wait3A_992 = arith.constant 0 : i32
    %dma_wait3A_993 = arith.constant 0 : i32
    %dma_wait3A_994 = arith.constant 0 : i32
    %dma_wait3A_995 = arith.constant 0 : i32
    %dma_wait3A_996 = tpu.memref_slice %arg6[%dma_wait3A_992, %dma_wait3A_994, %dma_wait3A_995] : memref<2x800x64xf32, #tpu.memory_space<vmem>> -> memref<1x50x64xf32, #tpu.memory_space<vmem>>
    %dma_wait3A_997 = tpu.memref_squeeze %dma_wait3A_996 : memref<1x50x64xf32, #tpu.memory_space<vmem>> -> memref<50x64xf32, #tpu.memory_space<vmem>>
    %dma_wait3A_998 = arith.constant 0 : i32
    %dma_wait3A_999 = arith.constant 0 : i32
    %dma_wait3A_1000 = tpu.memref_slice %arg4[%dma_wait3A_993, %dma_wait3A_998, %dma_wait3A_999] : memref<16384x56x128xf32, #tpu.memory_space<hbm>> -> memref<1x50x64xf32, #tpu.memory_space<hbm>>
    %dma_wait3A_1001 = tpu.memref_squeeze %dma_wait3A_1000 : memref<1x50x64xf32, #tpu.memory_space<hbm>> -> memref<50x64xf32, #tpu.memory_space<hbm>>
    %dma_wait3A_1002 = arith.constant 0 : i32
    %dma_wait3A_1003 = arith.constant 0 : i32
    %dma_wait3A_1004 = tpu.memref_slice %arg4[%dma_wait3A_993, %dma_wait3A_1002, %dma_wait3A_1003] : memref<16384x56x128xf32, #tpu.memory_space<hbm>> -> memref<1x50x64xf32, #tpu.memory_space<hbm>>
    %dma_wait3A_1005 = tpu.memref_squeeze %dma_wait3A_1004 : memref<1x50x64xf32, #tpu.memory_space<hbm>> -> memref<50x64xf32, #tpu.memory_space<hbm>>
    %dma_wait3A_1006 = arith.constant 0 : i32
    %dma_wait3A_1007 = arith.constant 0 : i32
    %dma_wait3A_1008 = tpu.memref_slice %arg6[%dma_wait3A_992, %dma_wait3A_1006, %dma_wait3A_1007] : memref<2x800x64xf32, #tpu.memory_space<vmem>> -> memref<1x50x64xf32, #tpu.memory_space<vmem>>
    %dma_wait3A_1009 = tpu.memref_squeeze %dma_wait3A_1008 : memref<1x50x64xf32, #tpu.memory_space<vmem>> -> memref<50x64xf32, #tpu.memory_space<vmem>>
    tpu.wait_dma2 semaphore(%arg11 : memref<!tpu.dma_semaphore, #tpu.memory_space<semaphore_mem>>) src(%dma_wait3A_1009 : memref<50x64xf32, #tpu.memory_space<vmem>>) dst(%dma_wait3A_1005 : memref<50x64xf32, #tpu.memory_space<hbm>>)
    %dma_wait3A_1010 = arith.constant 0 : i32
    %dma_wait3A_1011 = arith.constant 0 : i32
    %dma_wait3A_1012 = arith.constant 0 : i32
    %dma_wait3A_1013 = arith.constant 0 : i32
    %dma_wait3A_1014 = tpu.memref_slice %arg6[%dma_wait3A_1010, %dma_wait3A_1012, %dma_wait3A_1013] : memref<2x800x64xf32, #tpu.memory_space<vmem>> -> memref<1x50x64xf32, #tpu.memory_space<vmem>>
    %dma_wait3A_1015 = tpu.memref_squeeze %dma_wait3A_1014 : memref<1x50x64xf32, #tpu.memory_space<vmem>> -> memref<50x64xf32, #tpu.memory_space<vmem>>
    %dma_wait3A_1016 = arith.constant 0 : i32
    %dma_wait3A_1017 = arith.constant 0 : i32
    %dma_wait3A_1018 = tpu.memref_slice %arg4[%dma_wait3A_1011, %dma_wait3A_1016, %dma_wait3A_1017] : memref<16384x56x128xf32, #tpu.memory_space<hbm>> -> memref<1x50x64xf32, #tpu.memory_space<hbm>>
    %dma_wait3A_1019 = tpu.memref_squeeze %dma_wait3A_1018 : memref<1x50x64xf32, #tpu.memory_space<hbm>> -> memref<50x64xf32, #tpu.memory_space<hbm>>
    %dma_wait3A_1020 = arith.constant 0 : i32
    %dma_wait3A_1021 = arith.constant 0 : i32
    %dma_wait3A_1022 = tpu.memref_slice %arg4[%dma_wait3A_1011, %dma_wait3A_1020, %dma_wait3A_1021] : memref<16384x56x128xf32, #tpu.memory_space<hbm>> -> memref<1x50x64xf32, #tpu.memory_space<hbm>>
    %dma_wait3A_1023 = tpu.memref_squeeze %dma_wait3A_1022 : memref<1x50x64xf32, #tpu.memory_space<hbm>> -> memref<50x64xf32, #tpu.memory_space<hbm>>
    %dma_wait3A_1024 = arith.constant 0 : i32
    %dma_wait3A_1025 = arith.constant 0 : i32
    %dma_wait3A_1026 = tpu.memref_slice %arg6[%dma_wait3A_1010, %dma_wait3A_1024, %dma_wait3A_1025] : memref<2x800x64xf32, #tpu.memory_space<vmem>> -> memref<1x50x64xf32, #tpu.memory_space<vmem>>
    %dma_wait3A_1027 = tpu.memref_squeeze %dma_wait3A_1026 : memref<1x50x64xf32, #tpu.memory_space<vmem>> -> memref<50x64xf32, #tpu.memory_space<vmem>>
    tpu.wait_dma2 semaphore(%arg11 : memref<!tpu.dma_semaphore, #tpu.memory_space<semaphore_mem>>) src(%dma_wait3A_1027 : memref<50x64xf32, #tpu.memory_space<vmem>>) dst(%dma_wait3A_1023 : memref<50x64xf32, #tpu.memory_space<hbm>>)
    %dma_wait3A_1028 = arith.constant 1 : i32
    %dma_wait3A_1029 = arith.constant 0 : i32
    %dma_wait3A_1030 = arith.constant 0 : i32
    %dma_wait3A_1031 = arith.constant 0 : i32
    %dma_wait3A_1032 = tpu.memref_slice %arg6[%dma_wait3A_1028, %dma_wait3A_1030, %dma_wait3A_1031] : memref<2x800x64xf32, #tpu.memory_space<vmem>> -> memref<1x50x64xf32, #tpu.memory_space<vmem>>
    %dma_wait3A_1033 = tpu.memref_squeeze %dma_wait3A_1032 : memref<1x50x64xf32, #tpu.memory_space<vmem>> -> memref<50x64xf32, #tpu.memory_space<vmem>>
    %dma_wait3A_1034 = arith.constant 0 : i32
    %dma_wait3A_1035 = arith.constant 0 : i32
    %dma_wait3A_1036 = tpu.memref_slice %arg4[%dma_wait3A_1029, %dma_wait3A_1034, %dma_wait3A_1035] : memref<16384x56x128xf32, #tpu.memory_space<hbm>> -> memref<1x50x64xf32, #tpu.memory_space<hbm>>
    %dma_wait3A_1037 = tpu.memref_squeeze %dma_wait3A_1036 : memref<1x50x64xf32, #tpu.memory_space<hbm>> -> memref<50x64xf32, #tpu.memory_space<hbm>>
    %dma_wait3A_1038 = arith.constant 0 : i32
    %dma_wait3A_1039 = arith.constant 0 : i32
    %dma_wait3A_1040 = tpu.memref_slice %arg4[%dma_wait3A_1029, %dma_wait3A_1038, %dma_wait3A_1039] : memref<16384x56x128xf32, #tpu.memory_space<hbm>> -> memref<1x50x64xf32, #tpu.memory_space<hbm>>
    %dma_wait3A_1041 = tpu.memref_squeeze %dma_wait3A_1040 : memref<1x50x64xf32, #tpu.memory_space<hbm>> -> memref<50x64xf32, #tpu.memory_space<hbm>>
    %dma_wait3A_1042 = arith.constant 0 : i32
    %dma_wait3A_1043 = arith.constant 0 : i32
    %dma_wait3A_1044 = tpu.memref_slice %arg6[%dma_wait3A_1028, %dma_wait3A_1042, %dma_wait3A_1043] : memref<2x800x64xf32, #tpu.memory_space<vmem>> -> memref<1x50x64xf32, #tpu.memory_space<vmem>>
    %dma_wait3A_1045 = tpu.memref_squeeze %dma_wait3A_1044 : memref<1x50x64xf32, #tpu.memory_space<vmem>> -> memref<50x64xf32, #tpu.memory_space<vmem>>
    tpu.wait_dma2 semaphore(%arg12 : memref<!tpu.dma_semaphore, #tpu.memory_space<semaphore_mem>>) src(%dma_wait3A_1045 : memref<50x64xf32, #tpu.memory_space<vmem>>) dst(%dma_wait3A_1041 : memref<50x64xf32, #tpu.memory_space<hbm>>)
    %dma_wait3A_1046 = arith.constant 1 : i32
    %dma_wait3A_1047 = arith.constant 0 : i32
    %dma_wait3A_1048 = arith.constant 0 : i32
    %dma_wait3A_1049 = arith.constant 0 : i32
    %dma_wait3A_1050 = tpu.memref_slice %arg6[%dma_wait3A_1046, %dma_wait3A_1048, %dma_wait3A_1049] : memref<2x800x64xf32, #tpu.memory_space<vmem>> -> memref<1x50x64xf32, #tpu.memory_space<vmem>>
    %dma_wait3A_1051 = tpu.memref_squeeze %dma_wait3A_1050 : memref<1x50x64xf32, #tpu.memory_space<vmem>> -> memref<50x64xf32, #tpu.memory_space<vmem>>
    %dma_wait3A_1052 = arith.constant 0 : i32
    %dma_wait3A_1053 = arith.constant 0 : i32
    %dma_wait3A_1054 = tpu.memref_slice %arg4[%dma_wait3A_1047, %dma_wait3A_1052, %dma_wait3A_1053] : memref<16384x56x128xf32, #tpu.memory_space<hbm>> -> memref<1x50x64xf32, #tpu.memory_space<hbm>>
    %dma_wait3A_1055 = tpu.memref_squeeze %dma_wait3A_1054 : memref<1x50x64xf32, #tpu.memory_space<hbm>> -> memref<50x64xf32, #tpu.memory_space<hbm>>
    %dma_wait3A_1056 = arith.constant 0 : i32
    %dma_wait3A_1057 = arith.constant 0 : i32
    %dma_wait3A_1058 = tpu.memref_slice %arg4[%dma_wait3A_1047, %dma_wait3A_1056, %dma_wait3A_1057] : memref<16384x56x128xf32, #tpu.memory_space<hbm>> -> memref<1x50x64xf32, #tpu.memory_space<hbm>>
    %dma_wait3A_1059 = tpu.memref_squeeze %dma_wait3A_1058 : memref<1x50x64xf32, #tpu.memory_space<hbm>> -> memref<50x64xf32, #tpu.memory_space<hbm>>
    %dma_wait3A_1060 = arith.constant 0 : i32
    %dma_wait3A_1061 = arith.constant 0 : i32
    %dma_wait3A_1062 = tpu.memref_slice %arg6[%dma_wait3A_1046, %dma_wait3A_1060, %dma_wait3A_1061] : memref<2x800x64xf32, #tpu.memory_space<vmem>> -> memref<1x50x64xf32, #tpu.memory_space<vmem>>
    %dma_wait3A_1063 = tpu.memref_squeeze %dma_wait3A_1062 : memref<1x50x64xf32, #tpu.memory_space<vmem>> -> memref<50x64xf32, #tpu.memory_space<vmem>>
    tpu.wait_dma2 semaphore(%arg12 : memref<!tpu.dma_semaphore, #tpu.memory_space<semaphore_mem>>) src(%dma_wait3A_1063 : memref<50x64xf32, #tpu.memory_space<vmem>>) dst(%dma_wait3A_1059 : memref<50x64xf32, #tpu.memory_space<hbm>>)
    %dma_wait3A_1064 = arith.constant 1 : i32
    %dma_wait3A_1065 = arith.constant 0 : i32
    %dma_wait3A_1066 = arith.constant 0 : i32
    %dma_wait3A_1067 = arith.constant 0 : i32
    %dma_wait3A_1068 = tpu.memref_slice %arg6[%dma_wait3A_1064, %dma_wait3A_1066, %dma_wait3A_1067] : memref<2x800x64xf32, #tpu.memory_space<vmem>> -> memref<1x50x64xf32, #tpu.memory_space<vmem>>
    %dma_wait3A_1069 = tpu.memref_squeeze %dma_wait3A_1068 : memref<1x50x64xf32, #tpu.memory_space<vmem>> -> memref<50x64xf32, #tpu.memory_space<vmem>>
    %dma_wait3A_1070 = arith.constant 0 : i32
    %dma_wait3A_1071 = arith.constant 0 : i32
    %dma_wait3A_1072 = tpu.memref_slice %arg4[%dma_wait3A_1065, %dma_wait3A_1070, %dma_wait3A_1071] : memref<16384x56x128xf32, #tpu.memory_space<hbm>> -> memref<1x50x64xf32, #tpu.memory_space<hbm>>
    %dma_wait3A_1073 = tpu.memref_squeeze %dma_wait3A_1072 : memref<1x50x64xf32, #tpu.memory_space<hbm>> -> memref<50x64xf32, #tpu.memory_space<hbm>>
    %dma_wait3A_1074 = arith.constant 0 : i32
    %dma_wait3A_1075 = arith.constant 0 : i32
    %dma_wait3A_1076 = tpu.memref_slice %arg4[%dma_wait3A_1065, %dma_wait3A_1074, %dma_wait3A_1075] : memref<16384x56x128xf32, #tpu.memory_space<hbm>> -> memref<1x50x64xf32, #tpu.memory_space<hbm>>
    %dma_wait3A_1077 = tpu.memref_squeeze %dma_wait3A_1076 : memref<1x50x64xf32, #tpu.memory_space<hbm>> -> memref<50x64xf32, #tpu.memory_space<hbm>>
    %dma_wait3A_1078 = arith.constant 0 : i32
    %dma_wait3A_1079 = arith.constant 0 : i32
    %dma_wait3A_1080 = tpu.memref_slice %arg6[%dma_wait3A_1064, %dma_wait3A_1078, %dma_wait3A_1079] : memref<2x800x64xf32, #tpu.memory_space<vmem>> -> memref<1x50x64xf32, #tpu.memory_space<vmem>>
    %dma_wait3A_1081 = tpu.memref_squeeze %dma_wait3A_1080 : memref<1x50x64xf32, #tpu.memory_space<vmem>> -> memref<50x64xf32, #tpu.memory_space<vmem>>
    tpu.wait_dma2 semaphore(%arg12 : memref<!tpu.dma_semaphore, #tpu.memory_space<semaphore_mem>>) src(%dma_wait3A_1081 : memref<50x64xf32, #tpu.memory_space<vmem>>) dst(%dma_wait3A_1077 : memref<50x64xf32, #tpu.memory_space<hbm>>)
    %dma_wait3A_1082 = arith.constant 1 : i32
    %dma_wait3A_1083 = arith.constant 0 : i32
    %dma_wait3A_1084 = arith.constant 0 : i32
    %dma_wait3A_1085 = arith.constant 0 : i32
    %dma_wait3A_1086 = tpu.memref_slice %arg6[%dma_wait3A_1082, %dma_wait3A_1084, %dma_wait3A_1085] : memref<2x800x64xf32, #tpu.memory_space<vmem>> -> memref<1x50x64xf32, #tpu.memory_space<vmem>>
    %dma_wait3A_1087 = tpu.memref_squeeze %dma_wait3A_1086 : memref<1x50x64xf32, #tpu.memory_space<vmem>> -> memref<50x64xf32, #tpu.memory_space<vmem>>
    %dma_wait3A_1088 = arith.constant 0 : i32
    %dma_wait3A_1089 = arith.constant 0 : i32
    %dma_wait3A_1090 = tpu.memref_slice %arg4[%dma_wait3A_1083, %dma_wait3A_1088, %dma_wait3A_1089] : memref<16384x56x128xf32, #tpu.memory_space<hbm>> -> memref<1x50x64xf32, #tpu.memory_space<hbm>>
    %dma_wait3A_1091 = tpu.memref_squeeze %dma_wait3A_1090 : memref<1x50x64xf32, #tpu.memory_space<hbm>> -> memref<50x64xf32, #tpu.memory_space<hbm>>
    %dma_wait3A_1092 = arith.constant 0 : i32
    %dma_wait3A_1093 = arith.constant 0 : i32
    %dma_wait3A_1094 = tpu.memref_slice %arg4[%dma_wait3A_1083, %dma_wait3A_1092, %dma_wait3A_1093] : memref<16384x56x128xf32, #tpu.memory_space<hbm>> -> memref<1x50x64xf32, #tpu.memory_space<hbm>>
    %dma_wait3A_1095 = tpu.memref_squeeze %dma_wait3A_1094 : memref<1x50x64xf32, #tpu.memory_space<hbm>> -> memref<50x64xf32, #tpu.memory_space<hbm>>
    %dma_wait3A_1096 = arith.constant 0 : i32
    %dma_wait3A_1097 = arith.constant 0 : i32
    %dma_wait3A_1098 = tpu.memref_slice %arg6[%dma_wait3A_1082, %dma_wait3A_1096, %dma_wait3A_1097] : memref<2x800x64xf32, #tpu.memory_space<vmem>> -> memref<1x50x64xf32, #tpu.memory_space<vmem>>
    %dma_wait3A_1099 = tpu.memref_squeeze %dma_wait3A_1098 : memref<1x50x64xf32, #tpu.memory_space<vmem>> -> memref<50x64xf32, #tpu.memory_space<vmem>>
    tpu.wait_dma2 semaphore(%arg12 : memref<!tpu.dma_semaphore, #tpu.memory_space<semaphore_mem>>) src(%dma_wait3A_1099 : memref<50x64xf32, #tpu.memory_space<vmem>>) dst(%dma_wait3A_1095 : memref<50x64xf32, #tpu.memory_space<hbm>>)
    %dma_wait3A_1100 = arith.constant 1 : i32
    %dma_wait3A_1101 = arith.constant 0 : i32
    %dma_wait3A_1102 = arith.constant 0 : i32
    %dma_wait3A_1103 = arith.constant 0 : i32
    %dma_wait3A_1104 = tpu.memref_slice %arg6[%dma_wait3A_1100, %dma_wait3A_1102, %dma_wait3A_1103] : memref<2x800x64xf32, #tpu.memory_space<vmem>> -> memref<1x50x64xf32, #tpu.memory_space<vmem>>
    %dma_wait3A_1105 = tpu.memref_squeeze %dma_wait3A_1104 : memref<1x50x64xf32, #tpu.memory_space<vmem>> -> memref<50x64xf32, #tpu.memory_space<vmem>>
    %dma_wait3A_1106 = arith.constant 0 : i32
    %dma_wait3A_1107 = arith.constant 0 : i32
    %dma_wait3A_1108 = tpu.memref_slice %arg4[%dma_wait3A_1101, %dma_wait3A_1106, %dma_wait3A_1107] : memref<16384x56x128xf32, #tpu.memory_space<hbm>> -> memref<1x50x64xf32, #tpu.memory_space<hbm>>
    %dma_wait3A_1109 = tpu.memref_squeeze %dma_wait3A_1108 : memref<1x50x64xf32, #tpu.memory_space<hbm>> -> memref<50x64xf32, #tpu.memory_space<hbm>>
    %dma_wait3A_1110 = arith.constant 0 : i32
    %dma_wait3A_1111 = arith.constant 0 : i32
    %dma_wait3A_1112 = tpu.memref_slice %arg4[%dma_wait3A_1101, %dma_wait3A_1110, %dma_wait3A_1111] : memref<16384x56x128xf32, #tpu.memory_space<hbm>> -> memref<1x50x64xf32, #tpu.memory_space<hbm>>
    %dma_wait3A_1113 = tpu.memref_squeeze %dma_wait3A_1112 : memref<1x50x64xf32, #tpu.memory_space<hbm>> -> memref<50x64xf32, #tpu.memory_space<hbm>>
    %dma_wait3A_1114 = arith.constant 0 : i32
    %dma_wait3A_1115 = arith.constant 0 : i32
    %dma_wait3A_1116 = tpu.memref_slice %arg6[%dma_wait3A_1100, %dma_wait3A_1114, %dma_wait3A_1115] : memref<2x800x64xf32, #tpu.memory_space<vmem>> -> memref<1x50x64xf32, #tpu.memory_space<vmem>>
    %dma_wait3A_1117 = tpu.memref_squeeze %dma_wait3A_1116 : memref<1x50x64xf32, #tpu.memory_space<vmem>> -> memref<50x64xf32, #tpu.memory_space<vmem>>
    tpu.wait_dma2 semaphore(%arg12 : memref<!tpu.dma_semaphore, #tpu.memory_space<semaphore_mem>>) src(%dma_wait3A_1117 : memref<50x64xf32, #tpu.memory_space<vmem>>) dst(%dma_wait3A_1113 : memref<50x64xf32, #tpu.memory_space<hbm>>)
    %dma_wait3A_1118 = arith.constant 1 : i32
    %dma_wait3A_1119 = arith.constant 0 : i32
    %dma_wait3A_1120 = arith.constant 0 : i32
    %dma_wait3A_1121 = arith.constant 0 : i32
    %dma_wait3A_1122 = tpu.memref_slice %arg6[%dma_wait3A_1118, %dma_wait3A_1120, %dma_wait3A_1121] : memref<2x800x64xf32, #tpu.memory_space<vmem>> -> memref<1x50x64xf32, #tpu.memory_space<vmem>>
    %dma_wait3A_1123 = tpu.memref_squeeze %dma_wait3A_1122 : memref<1x50x64xf32, #tpu.memory_space<vmem>> -> memref<50x64xf32, #tpu.memory_space<vmem>>
    %dma_wait3A_1124 = arith.constant 0 : i32
    %dma_wait3A_1125 = arith.constant 0 : i32
    %dma_wait3A_1126 = tpu.memref_slice %arg4[%dma_wait3A_1119, %dma_wait3A_1124, %dma_wait3A_1125] : memref<16384x56x128xf32, #tpu.memory_space<hbm>> -> memref<1x50x64xf32, #tpu.memory_space<hbm>>
    %dma_wait3A_1127 = tpu.memref_squeeze %dma_wait3A_1126 : memref<1x50x64xf32, #tpu.memory_space<hbm>> -> memref<50x64xf32, #tpu.memory_space<hbm>>
    %dma_wait3A_1128 = arith.constant 0 : i32
    %dma_wait3A_1129 = arith.constant 0 : i32
    %dma_wait3A_1130 = tpu.memref_slice %arg4[%dma_wait3A_1119, %dma_wait3A_1128, %dma_wait3A_1129] : memref<16384x56x128xf32, #tpu.memory_space<hbm>> -> memref<1x50x64xf32, #tpu.memory_space<hbm>>
    %dma_wait3A_1131 = tpu.memref_squeeze %dma_wait3A_1130 : memref<1x50x64xf32, #tpu.memory_space<hbm>> -> memref<50x64xf32, #tpu.memory_space<hbm>>
    %dma_wait3A_1132 = arith.constant 0 : i32
    %dma_wait3A_1133 = arith.constant 0 : i32
    %dma_wait3A_1134 = tpu.memref_slice %arg6[%dma_wait3A_1118, %dma_wait3A_1132, %dma_wait3A_1133] : memref<2x800x64xf32, #tpu.memory_space<vmem>> -> memref<1x50x64xf32, #tpu.memory_space<vmem>>
    %dma_wait3A_1135 = tpu.memref_squeeze %dma_wait3A_1134 : memref<1x50x64xf32, #tpu.memory_space<vmem>> -> memref<50x64xf32, #tpu.memory_space<vmem>>
    tpu.wait_dma2 semaphore(%arg12 : memref<!tpu.dma_semaphore, #tpu.memory_space<semaphore_mem>>) src(%dma_wait3A_1135 : memref<50x64xf32, #tpu.memory_space<vmem>>) dst(%dma_wait3A_1131 : memref<50x64xf32, #tpu.memory_space<hbm>>)
    %dma_wait3A_1136 = arith.constant 1 : i32
    %dma_wait3A_1137 = arith.constant 0 : i32
    %dma_wait3A_1138 = arith.constant 0 : i32
    %dma_wait3A_1139 = arith.constant 0 : i32
    %dma_wait3A_1140 = tpu.memref_slice %arg6[%dma_wait3A_1136, %dma_wait3A_1138, %dma_wait3A_1139] : memref<2x800x64xf32, #tpu.memory_space<vmem>> -> memref<1x50x64xf32, #tpu.memory_space<vmem>>
    %dma_wait3A_1141 = tpu.memref_squeeze %dma_wait3A_1140 : memref<1x50x64xf32, #tpu.memory_space<vmem>> -> memref<50x64xf32, #tpu.memory_space<vmem>>
    %dma_wait3A_1142 = arith.constant 0 : i32
    %dma_wait3A_1143 = arith.constant 0 : i32
    %dma_wait3A_1144 = tpu.memref_slice %arg4[%dma_wait3A_1137, %dma_wait3A_1142, %dma_wait3A_1143] : memref<16384x56x128xf32, #tpu.memory_space<hbm>> -> memref<1x50x64xf32, #tpu.memory_space<hbm>>
    %dma_wait3A_1145 = tpu.memref_squeeze %dma_wait3A_1144 : memref<1x50x64xf32, #tpu.memory_space<hbm>> -> memref<50x64xf32, #tpu.memory_space<hbm>>
    %dma_wait3A_1146 = arith.constant 0 : i32
    %dma_wait3A_1147 = arith.constant 0 : i32
    %dma_wait3A_1148 = tpu.memref_slice %arg4[%dma_wait3A_1137, %dma_wait3A_1146, %dma_wait3A_1147] : memref<16384x56x128xf32, #tpu.memory_space<hbm>> -> memref<1x50x64xf32, #tpu.memory_space<hbm>>
    %dma_wait3A_1149 = tpu.memref_squeeze %dma_wait3A_1148 : memref<1x50x64xf32, #tpu.memory_space<hbm>> -> memref<50x64xf32, #tpu.memory_space<hbm>>
    %dma_wait3A_1150 = arith.constant 0 : i32
    %dma_wait3A_1151 = arith.constant 0 : i32
    %dma_wait3A_1152 = tpu.memref_slice %arg6[%dma_wait3A_1136, %dma_wait3A_1150, %dma_wait3A_1151] : memref<2x800x64xf32, #tpu.memory_space<vmem>> -> memref<1x50x64xf32, #tpu.memory_space<vmem>>
    %dma_wait3A_1153 = tpu.memref_squeeze %dma_wait3A_1152 : memref<1x50x64xf32, #tpu.memory_space<vmem>> -> memref<50x64xf32, #tpu.memory_space<vmem>>
    tpu.wait_dma2 semaphore(%arg12 : memref<!tpu.dma_semaphore, #tpu.memory_space<semaphore_mem>>) src(%dma_wait3A_1153 : memref<50x64xf32, #tpu.memory_space<vmem>>) dst(%dma_wait3A_1149 : memref<50x64xf32, #tpu.memory_space<hbm>>)
    %dma_wait3A_1154 = arith.constant 1 : i32
    %dma_wait3A_1155 = arith.constant 0 : i32
    %dma_wait3A_1156 = arith.constant 0 : i32
    %dma_wait3A_1157 = arith.constant 0 : i32
    %dma_wait3A_1158 = tpu.memref_slice %arg6[%dma_wait3A_1154, %dma_wait3A_1156, %dma_wait3A_1157] : memref<2x800x64xf32, #tpu.memory_space<vmem>> -> memref<1x50x64xf32, #tpu.memory_space<vmem>>
    %dma_wait3A_1159 = tpu.memref_squeeze %dma_wait3A_1158 : memref<1x50x64xf32, #tpu.memory_space<vmem>> -> memref<50x64xf32, #tpu.memory_space<vmem>>
    %dma_wait3A_1160 = arith.constant 0 : i32
    %dma_wait3A_1161 = arith.constant 0 : i32
    %dma_wait3A_1162 = tpu.memref_slice %arg4[%dma_wait3A_1155, %dma_wait3A_1160, %dma_wait3A_1161] : memref<16384x56x128xf32, #tpu.memory_space<hbm>> -> memref<1x50x64xf32, #tpu.memory_space<hbm>>
    %dma_wait3A_1163 = tpu.memref_squeeze %dma_wait3A_1162 : memref<1x50x64xf32, #tpu.memory_space<hbm>> -> memref<50x64xf32, #tpu.memory_space<hbm>>
    %dma_wait3A_1164 = arith.constant 0 : i32
    %dma_wait3A_1165 = arith.constant 0 : i32
    %dma_wait3A_1166 = tpu.memref_slice %arg4[%dma_wait3A_1155, %dma_wait3A_1164, %dma_wait3A_1165] : memref<16384x56x128xf32, #tpu.memory_space<hbm>> -> memref<1x50x64xf32, #tpu.memory_space<hbm>>
    %dma_wait3A_1167 = tpu.memref_squeeze %dma_wait3A_1166 : memref<1x50x64xf32, #tpu.memory_space<hbm>> -> memref<50x64xf32, #tpu.memory_space<hbm>>
    %dma_wait3A_1168 = arith.constant 0 : i32
    %dma_wait3A_1169 = arith.constant 0 : i32
    %dma_wait3A_1170 = tpu.memref_slice %arg6[%dma_wait3A_1154, %dma_wait3A_1168, %dma_wait3A_1169] : memref<2x800x64xf32, #tpu.memory_space<vmem>> -> memref<1x50x64xf32, #tpu.memory_space<vmem>>
    %dma_wait3A_1171 = tpu.memref_squeeze %dma_wait3A_1170 : memref<1x50x64xf32, #tpu.memory_space<vmem>> -> memref<50x64xf32, #tpu.memory_space<vmem>>
    tpu.wait_dma2 semaphore(%arg12 : memref<!tpu.dma_semaphore, #tpu.memory_space<semaphore_mem>>) src(%dma_wait3A_1171 : memref<50x64xf32, #tpu.memory_space<vmem>>) dst(%dma_wait3A_1167 : memref<50x64xf32, #tpu.memory_space<hbm>>)
    %dma_wait3A_1172 = arith.constant 1 : i32
    %dma_wait3A_1173 = arith.constant 0 : i32
    %dma_wait3A_1174 = arith.constant 0 : i32
    %dma_wait3A_1175 = arith.constant 0 : i32
    %dma_wait3A_1176 = tpu.memref_slice %arg6[%dma_wait3A_1172, %dma_wait3A_1174, %dma_wait3A_1175] : memref<2x800x64xf32, #tpu.memory_space<vmem>> -> memref<1x50x64xf32, #tpu.memory_space<vmem>>
    %dma_wait3A_1177 = tpu.memref_squeeze %dma_wait3A_1176 : memref<1x50x64xf32, #tpu.memory_space<vmem>> -> memref<50x64xf32, #tpu.memory_space<vmem>>
    %dma_wait3A_1178 = arith.constant 0 : i32
    %dma_wait3A_1179 = arith.constant 0 : i32
    %dma_wait3A_1180 = tpu.memref_slice %arg4[%dma_wait3A_1173, %dma_wait3A_1178, %dma_wait3A_1179] : memref<16384x56x128xf32, #tpu.memory_space<hbm>> -> memref<1x50x64xf32, #tpu.memory_space<hbm>>
    %dma_wait3A_1181 = tpu.memref_squeeze %dma_wait3A_1180 : memref<1x50x64xf32, #tpu.memory_space<hbm>> -> memref<50x64xf32, #tpu.memory_space<hbm>>
    %dma_wait3A_1182 = arith.constant 0 : i32
    %dma_wait3A_1183 = arith.constant 0 : i32
    %dma_wait3A_1184 = tpu.memref_slice %arg4[%dma_wait3A_1173, %dma_wait3A_1182, %dma_wait3A_1183] : memref<16384x56x128xf32, #tpu.memory_space<hbm>> -> memref<1x50x64xf32, #tpu.memory_space<hbm>>
    %dma_wait3A_1185 = tpu.memref_squeeze %dma_wait3A_1184 : memref<1x50x64xf32, #tpu.memory_space<hbm>> -> memref<50x64xf32, #tpu.memory_space<hbm>>
    %dma_wait3A_1186 = arith.constant 0 : i32
    %dma_wait3A_1187 = arith.constant 0 : i32
    %dma_wait3A_1188 = tpu.memref_slice %arg6[%dma_wait3A_1172, %dma_wait3A_1186, %dma_wait3A_1187] : memref<2x800x64xf32, #tpu.memory_space<vmem>> -> memref<1x50x64xf32, #tpu.memory_space<vmem>>
    %dma_wait3A_1189 = tpu.memref_squeeze %dma_wait3A_1188 : memref<1x50x64xf32, #tpu.memory_space<vmem>> -> memref<50x64xf32, #tpu.memory_space<vmem>>
    tpu.wait_dma2 semaphore(%arg12 : memref<!tpu.dma_semaphore, #tpu.memory_space<semaphore_mem>>) src(%dma_wait3A_1189 : memref<50x64xf32, #tpu.memory_space<vmem>>) dst(%dma_wait3A_1185 : memref<50x64xf32, #tpu.memory_space<hbm>>)
    %dma_wait3A_1190 = arith.constant 1 : i32
    %dma_wait3A_1191 = arith.constant 0 : i32
    %dma_wait3A_1192 = arith.constant 0 : i32
    %dma_wait3A_1193 = arith.constant 0 : i32
    %dma_wait3A_1194 = tpu.memref_slice %arg6[%dma_wait3A_1190, %dma_wait3A_1192, %dma_wait3A_1193] : memref<2x800x64xf32, #tpu.memory_space<vmem>> -> memref<1x50x64xf32, #tpu.memory_space<vmem>>
    %dma_wait3A_1195 = tpu.memref_squeeze %dma_wait3A_1194 : memref<1x50x64xf32, #tpu.memory_space<vmem>> -> memref<50x64xf32, #tpu.memory_space<vmem>>
    %dma_wait3A_1196 = arith.constant 0 : i32
    %dma_wait3A_1197 = arith.constant 0 : i32
    %dma_wait3A_1198 = tpu.memref_slice %arg4[%dma_wait3A_1191, %dma_wait3A_1196, %dma_wait3A_1197] : memref<16384x56x128xf32, #tpu.memory_space<hbm>> -> memref<1x50x64xf32, #tpu.memory_space<hbm>>
    %dma_wait3A_1199 = tpu.memref_squeeze %dma_wait3A_1198 : memref<1x50x64xf32, #tpu.memory_space<hbm>> -> memref<50x64xf32, #tpu.memory_space<hbm>>
    %dma_wait3A_1200 = arith.constant 0 : i32
    %dma_wait3A_1201 = arith.constant 0 : i32
    %dma_wait3A_1202 = tpu.memref_slice %arg4[%dma_wait3A_1191, %dma_wait3A_1200, %dma_wait3A_1201] : memref<16384x56x128xf32, #tpu.memory_space<hbm>> -> memref<1x50x64xf32, #tpu.memory_space<hbm>>
    %dma_wait3A_1203 = tpu.memref_squeeze %dma_wait3A_1202 : memref<1x50x64xf32, #tpu.memory_space<hbm>> -> memref<50x64xf32, #tpu.memory_space<hbm>>
    %dma_wait3A_1204 = arith.constant 0 : i32
    %dma_wait3A_1205 = arith.constant 0 : i32
    %dma_wait3A_1206 = tpu.memref_slice %arg6[%dma_wait3A_1190, %dma_wait3A_1204, %dma_wait3A_1205] : memref<2x800x64xf32, #tpu.memory_space<vmem>> -> memref<1x50x64xf32, #tpu.memory_space<vmem>>
    %dma_wait3A_1207 = tpu.memref_squeeze %dma_wait3A_1206 : memref<1x50x64xf32, #tpu.memory_space<vmem>> -> memref<50x64xf32, #tpu.memory_space<vmem>>
    tpu.wait_dma2 semaphore(%arg12 : memref<!tpu.dma_semaphore, #tpu.memory_space<semaphore_mem>>) src(%dma_wait3A_1207 : memref<50x64xf32, #tpu.memory_space<vmem>>) dst(%dma_wait3A_1203 : memref<50x64xf32, #tpu.memory_space<hbm>>)
    %dma_wait3A_1208 = arith.constant 1 : i32
    %dma_wait3A_1209 = arith.constant 0 : i32
    %dma_wait3A_1210 = arith.constant 0 : i32
    %dma_wait3A_1211 = arith.constant 0 : i32
    %dma_wait3A_1212 = tpu.memref_slice %arg6[%dma_wait3A_1208, %dma_wait3A_1210, %dma_wait3A_1211] : memref<2x800x64xf32, #tpu.memory_space<vmem>> -> memref<1x50x64xf32, #tpu.memory_space<vmem>>
    %dma_wait3A_1213 = tpu.memref_squeeze %dma_wait3A_1212 : memref<1x50x64xf32, #tpu.memory_space<vmem>> -> memref<50x64xf32, #tpu.memory_space<vmem>>
    %dma_wait3A_1214 = arith.constant 0 : i32
    %dma_wait3A_1215 = arith.constant 0 : i32
    %dma_wait3A_1216 = tpu.memref_slice %arg4[%dma_wait3A_1209, %dma_wait3A_1214, %dma_wait3A_1215] : memref<16384x56x128xf32, #tpu.memory_space<hbm>> -> memref<1x50x64xf32, #tpu.memory_space<hbm>>
    %dma_wait3A_1217 = tpu.memref_squeeze %dma_wait3A_1216 : memref<1x50x64xf32, #tpu.memory_space<hbm>> -> memref<50x64xf32, #tpu.memory_space<hbm>>
    %dma_wait3A_1218 = arith.constant 0 : i32
    %dma_wait3A_1219 = arith.constant 0 : i32
    %dma_wait3A_1220 = tpu.memref_slice %arg4[%dma_wait3A_1209, %dma_wait3A_1218, %dma_wait3A_1219] : memref<16384x56x128xf32, #tpu.memory_space<hbm>> -> memref<1x50x64xf32, #tpu.memory_space<hbm>>
    %dma_wait3A_1221 = tpu.memref_squeeze %dma_wait3A_1220 : memref<1x50x64xf32, #tpu.memory_space<hbm>> -> memref<50x64xf32, #tpu.memory_space<hbm>>
    %dma_wait3A_1222 = arith.constant 0 : i32
    %dma_wait3A_1223 = arith.constant 0 : i32
    %dma_wait3A_1224 = tpu.memref_slice %arg6[%dma_wait3A_1208, %dma_wait3A_1222, %dma_wait3A_1223] : memref<2x800x64xf32, #tpu.memory_space<vmem>> -> memref<1x50x64xf32, #tpu.memory_space<vmem>>
    %dma_wait3A_1225 = tpu.memref_squeeze %dma_wait3A_1224 : memref<1x50x64xf32, #tpu.memory_space<vmem>> -> memref<50x64xf32, #tpu.memory_space<vmem>>
    tpu.wait_dma2 semaphore(%arg12 : memref<!tpu.dma_semaphore, #tpu.memory_space<semaphore_mem>>) src(%dma_wait3A_1225 : memref<50x64xf32, #tpu.memory_space<vmem>>) dst(%dma_wait3A_1221 : memref<50x64xf32, #tpu.memory_space<hbm>>)
    %dma_wait3A_1226 = arith.constant 1 : i32
    %dma_wait3A_1227 = arith.constant 0 : i32
    %dma_wait3A_1228 = arith.constant 0 : i32
    %dma_wait3A_1229 = arith.constant 0 : i32
    %dma_wait3A_1230 = tpu.memref_slice %arg6[%dma_wait3A_1226, %dma_wait3A_1228, %dma_wait3A_1229] : memref<2x800x64xf32, #tpu.memory_space<vmem>> -> memref<1x50x64xf32, #tpu.memory_space<vmem>>
    %dma_wait3A_1231 = tpu.memref_squeeze %dma_wait3A_1230 : memref<1x50x64xf32, #tpu.memory_space<vmem>> -> memref<50x64xf32, #tpu.memory_space<vmem>>
    %dma_wait3A_1232 = arith.constant 0 : i32
    %dma_wait3A_1233 = arith.constant 0 : i32
    %dma_wait3A_1234 = tpu.memref_slice %arg4[%dma_wait3A_1227, %dma_wait3A_1232, %dma_wait3A_1233] : memref<16384x56x128xf32, #tpu.memory_space<hbm>> -> memref<1x50x64xf32, #tpu.memory_space<hbm>>
    %dma_wait3A_1235 = tpu.memref_squeeze %dma_wait3A_1234 : memref<1x50x64xf32, #tpu.memory_space<hbm>> -> memref<50x64xf32, #tpu.memory_space<hbm>>
    %dma_wait3A_1236 = arith.constant 0 : i32
    %dma_wait3A_1237 = arith.constant 0 : i32
    %dma_wait3A_1238 = tpu.memref_slice %arg4[%dma_wait3A_1227, %dma_wait3A_1236, %dma_wait3A_1237] : memref<16384x56x128xf32, #tpu.memory_space<hbm>> -> memref<1x50x64xf32, #tpu.memory_space<hbm>>
    %dma_wait3A_1239 = tpu.memref_squeeze %dma_wait3A_1238 : memref<1x50x64xf32, #tpu.memory_space<hbm>> -> memref<50x64xf32, #tpu.memory_space<hbm>>
    %dma_wait3A_1240 = arith.constant 0 : i32
    %dma_wait3A_1241 = arith.constant 0 : i32
    %dma_wait3A_1242 = tpu.memref_slice %arg6[%dma_wait3A_1226, %dma_wait3A_1240, %dma_wait3A_1241] : memref<2x800x64xf32, #tpu.memory_space<vmem>> -> memref<1x50x64xf32, #tpu.memory_space<vmem>>
    %dma_wait3A_1243 = tpu.memref_squeeze %dma_wait3A_1242 : memref<1x50x64xf32, #tpu.memory_space<vmem>> -> memref<50x64xf32, #tpu.memory_space<vmem>>
    tpu.wait_dma2 semaphore(%arg12 : memref<!tpu.dma_semaphore, #tpu.memory_space<semaphore_mem>>) src(%dma_wait3A_1243 : memref<50x64xf32, #tpu.memory_space<vmem>>) dst(%dma_wait3A_1239 : memref<50x64xf32, #tpu.memory_space<hbm>>)
    %dma_wait3A_1244 = arith.constant 1 : i32
    %dma_wait3A_1245 = arith.constant 0 : i32
    %dma_wait3A_1246 = arith.constant 0 : i32
    %dma_wait3A_1247 = arith.constant 0 : i32
    %dma_wait3A_1248 = tpu.memref_slice %arg6[%dma_wait3A_1244, %dma_wait3A_1246, %dma_wait3A_1247] : memref<2x800x64xf32, #tpu.memory_space<vmem>> -> memref<1x50x64xf32, #tpu.memory_space<vmem>>
    %dma_wait3A_1249 = tpu.memref_squeeze %dma_wait3A_1248 : memref<1x50x64xf32, #tpu.memory_space<vmem>> -> memref<50x64xf32, #tpu.memory_space<vmem>>
    %dma_wait3A_1250 = arith.constant 0 : i32
    %dma_wait3A_1251 = arith.constant 0 : i32
    %dma_wait3A_1252 = tpu.memref_slice %arg4[%dma_wait3A_1245, %dma_wait3A_1250, %dma_wait3A_1251] : memref<16384x56x128xf32, #tpu.memory_space<hbm>> -> memref<1x50x64xf32, #tpu.memory_space<hbm>>
    %dma_wait3A_1253 = tpu.memref_squeeze %dma_wait3A_1252 : memref<1x50x64xf32, #tpu.memory_space<hbm>> -> memref<50x64xf32, #tpu.memory_space<hbm>>
    %dma_wait3A_1254 = arith.constant 0 : i32
    %dma_wait3A_1255 = arith.constant 0 : i32
    %dma_wait3A_1256 = tpu.memref_slice %arg4[%dma_wait3A_1245, %dma_wait3A_1254, %dma_wait3A_1255] : memref<16384x56x128xf32, #tpu.memory_space<hbm>> -> memref<1x50x64xf32, #tpu.memory_space<hbm>>
    %dma_wait3A_1257 = tpu.memref_squeeze %dma_wait3A_1256 : memref<1x50x64xf32, #tpu.memory_space<hbm>> -> memref<50x64xf32, #tpu.memory_space<hbm>>
    %dma_wait3A_1258 = arith.constant 0 : i32
    %dma_wait3A_1259 = arith.constant 0 : i32
    %dma_wait3A_1260 = tpu.memref_slice %arg6[%dma_wait3A_1244, %dma_wait3A_1258, %dma_wait3A_1259] : memref<2x800x64xf32, #tpu.memory_space<vmem>> -> memref<1x50x64xf32, #tpu.memory_space<vmem>>
    %dma_wait3A_1261 = tpu.memref_squeeze %dma_wait3A_1260 : memref<1x50x64xf32, #tpu.memory_space<vmem>> -> memref<50x64xf32, #tpu.memory_space<vmem>>
    tpu.wait_dma2 semaphore(%arg12 : memref<!tpu.dma_semaphore, #tpu.memory_space<semaphore_mem>>) src(%dma_wait3A_1261 : memref<50x64xf32, #tpu.memory_space<vmem>>) dst(%dma_wait3A_1257 : memref<50x64xf32, #tpu.memory_space<hbm>>)
    %dma_wait3A_1262 = arith.constant 1 : i32
    %dma_wait3A_1263 = arith.constant 0 : i32
    %dma_wait3A_1264 = arith.constant 0 : i32
    %dma_wait3A_1265 = arith.constant 0 : i32
    %dma_wait3A_1266 = tpu.memref_slice %arg6[%dma_wait3A_1262, %dma_wait3A_1264, %dma_wait3A_1265] : memref<2x800x64xf32, #tpu.memory_space<vmem>> -> memref<1x50x64xf32, #tpu.memory_space<vmem>>
    %dma_wait3A_1267 = tpu.memref_squeeze %dma_wait3A_1266 : memref<1x50x64xf32, #tpu.memory_space<vmem>> -> memref<50x64xf32, #tpu.memory_space<vmem>>
    %dma_wait3A_1268 = arith.constant 0 : i32
    %dma_wait3A_1269 = arith.constant 0 : i32
    %dma_wait3A_1270 = tpu.memref_slice %arg4[%dma_wait3A_1263, %dma_wait3A_1268, %dma_wait3A_1269] : memref<16384x56x128xf32, #tpu.memory_space<hbm>> -> memref<1x50x64xf32, #tpu.memory_space<hbm>>
    %dma_wait3A_1271 = tpu.memref_squeeze %dma_wait3A_1270 : memref<1x50x64xf32, #tpu.memory_space<hbm>> -> memref<50x64xf32, #tpu.memory_space<hbm>>
    %dma_wait3A_1272 = arith.constant 0 : i32
    %dma_wait3A_1273 = arith.constant 0 : i32
    %dma_wait3A_1274 = tpu.memref_slice %arg4[%dma_wait3A_1263, %dma_wait3A_1272, %dma_wait3A_1273] : memref<16384x56x128xf32, #tpu.memory_space<hbm>> -> memref<1x50x64xf32, #tpu.memory_space<hbm>>
    %dma_wait3A_1275 = tpu.memref_squeeze %dma_wait3A_1274 : memref<1x50x64xf32, #tpu.memory_space<hbm>> -> memref<50x64xf32, #tpu.memory_space<hbm>>
    %dma_wait3A_1276 = arith.constant 0 : i32
    %dma_wait3A_1277 = arith.constant 0 : i32
    %dma_wait3A_1278 = tpu.memref_slice %arg6[%dma_wait3A_1262, %dma_wait3A_1276, %dma_wait3A_1277] : memref<2x800x64xf32, #tpu.memory_space<vmem>> -> memref<1x50x64xf32, #tpu.memory_space<vmem>>
    %dma_wait3A_1279 = tpu.memref_squeeze %dma_wait3A_1278 : memref<1x50x64xf32, #tpu.memory_space<vmem>> -> memref<50x64xf32, #tpu.memory_space<vmem>>
    tpu.wait_dma2 semaphore(%arg12 : memref<!tpu.dma_semaphore, #tpu.memory_space<semaphore_mem>>) src(%dma_wait3A_1279 : memref<50x64xf32, #tpu.memory_space<vmem>>) dst(%dma_wait3A_1275 : memref<50x64xf32, #tpu.memory_space<hbm>>)
    %dma_wait3A_1280 = arith.constant 1 : i32
    %dma_wait3A_1281 = arith.constant 0 : i32
    %dma_wait3A_1282 = arith.constant 0 : i32
    %dma_wait3A_1283 = arith.constant 0 : i32
    %dma_wait3A_1284 = tpu.memref_slice %arg6[%dma_wait3A_1280, %dma_wait3A_1282, %dma_wait3A_1283] : memref<2x800x64xf32, #tpu.memory_space<vmem>> -> memref<1x50x64xf32, #tpu.memory_space<vmem>>
    %dma_wait3A_1285 = tpu.memref_squeeze %dma_wait3A_1284 : memref<1x50x64xf32, #tpu.memory_space<vmem>> -> memref<50x64xf32, #tpu.memory_space<vmem>>
    %dma_wait3A_1286 = arith.constant 0 : i32
    %dma_wait3A_1287 = arith.constant 0 : i32
    %dma_wait3A_1288 = tpu.memref_slice %arg4[%dma_wait3A_1281, %dma_wait3A_1286, %dma_wait3A_1287] : memref<16384x56x128xf32, #tpu.memory_space<hbm>> -> memref<1x50x64xf32, #tpu.memory_space<hbm>>
    %dma_wait3A_1289 = tpu.memref_squeeze %dma_wait3A_1288 : memref<1x50x64xf32, #tpu.memory_space<hbm>> -> memref<50x64xf32, #tpu.memory_space<hbm>>
    %dma_wait3A_1290 = arith.constant 0 : i32
    %dma_wait3A_1291 = arith.constant 0 : i32
    %dma_wait3A_1292 = tpu.memref_slice %arg4[%dma_wait3A_1281, %dma_wait3A_1290, %dma_wait3A_1291] : memref<16384x56x128xf32, #tpu.memory_space<hbm>> -> memref<1x50x64xf32, #tpu.memory_space<hbm>>
    %dma_wait3A_1293 = tpu.memref_squeeze %dma_wait3A_1292 : memref<1x50x64xf32, #tpu.memory_space<hbm>> -> memref<50x64xf32, #tpu.memory_space<hbm>>
    %dma_wait3A_1294 = arith.constant 0 : i32
    %dma_wait3A_1295 = arith.constant 0 : i32
    %dma_wait3A_1296 = tpu.memref_slice %arg6[%dma_wait3A_1280, %dma_wait3A_1294, %dma_wait3A_1295] : memref<2x800x64xf32, #tpu.memory_space<vmem>> -> memref<1x50x64xf32, #tpu.memory_space<vmem>>
    %dma_wait3A_1297 = tpu.memref_squeeze %dma_wait3A_1296 : memref<1x50x64xf32, #tpu.memory_space<vmem>> -> memref<50x64xf32, #tpu.memory_space<vmem>>
    tpu.wait_dma2 semaphore(%arg12 : memref<!tpu.dma_semaphore, #tpu.memory_space<semaphore_mem>>) src(%dma_wait3A_1297 : memref<50x64xf32, #tpu.memory_space<vmem>>) dst(%dma_wait3A_1293 : memref<50x64xf32, #tpu.memory_space<hbm>>)
    %dma_wait3A_1298 = arith.constant 1 : i32
    %dma_wait3A_1299 = arith.constant 0 : i32
    %dma_wait3A_1300 = arith.constant 0 : i32
    %dma_wait3A_1301 = arith.constant 0 : i32
    %dma_wait3A_1302 = tpu.memref_slice %arg6[%dma_wait3A_1298, %dma_wait3A_1300, %dma_wait3A_1301] : memref<2x800x64xf32, #tpu.memory_space<vmem>> -> memref<1x50x64xf32, #tpu.memory_space<vmem>>
    %dma_wait3A_1303 = tpu.memref_squeeze %dma_wait3A_1302 : memref<1x50x64xf32, #tpu.memory_space<vmem>> -> memref<50x64xf32, #tpu.memory_space<vmem>>
    %dma_wait3A_1304 = arith.constant 0 : i32
    %dma_wait3A_1305 = arith.constant 0 : i32
    %dma_wait3A_1306 = tpu.memref_slice %arg4[%dma_wait3A_1299, %dma_wait3A_1304, %dma_wait3A_1305] : memref<16384x56x128xf32, #tpu.memory_space<hbm>> -> memref<1x50x64xf32, #tpu.memory_space<hbm>>
    %dma_wait3A_1307 = tpu.memref_squeeze %dma_wait3A_1306 : memref<1x50x64xf32, #tpu.memory_space<hbm>> -> memref<50x64xf32, #tpu.memory_space<hbm>>
    %dma_wait3A_1308 = arith.constant 0 : i32
    %dma_wait3A_1309 = arith.constant 0 : i32
    %dma_wait3A_1310 = tpu.memref_slice %arg4[%dma_wait3A_1299, %dma_wait3A_1308, %dma_wait3A_1309] : memref<16384x56x128xf32, #tpu.memory_space<hbm>> -> memref<1x50x64xf32, #tpu.memory_space<hbm>>
    %dma_wait3A_1311 = tpu.memref_squeeze %dma_wait3A_1310 : memref<1x50x64xf32, #tpu.memory_space<hbm>> -> memref<50x64xf32, #tpu.memory_space<hbm>>
    %dma_wait3A_1312 = arith.constant 0 : i32
    %dma_wait3A_1313 = arith.constant 0 : i32
    %dma_wait3A_1314 = tpu.memref_slice %arg6[%dma_wait3A_1298, %dma_wait3A_1312, %dma_wait3A_1313] : memref<2x800x64xf32, #tpu.memory_space<vmem>> -> memref<1x50x64xf32, #tpu.memory_space<vmem>>
    %dma_wait3A_1315 = tpu.memref_squeeze %dma_wait3A_1314 : memref<1x50x64xf32, #tpu.memory_space<vmem>> -> memref<50x64xf32, #tpu.memory_space<vmem>>
    tpu.wait_dma2 semaphore(%arg12 : memref<!tpu.dma_semaphore, #tpu.memory_space<semaphore_mem>>) src(%dma_wait3A_1315 : memref<50x64xf32, #tpu.memory_space<vmem>>) dst(%dma_wait3A_1311 : memref<50x64xf32, #tpu.memory_space<hbm>>)
    %dma_wait3A_1316 = arith.constant 0 : i32
    %dma_wait3A_1317 = arith.constant 0 : i32
    %dma_wait3A_1318 = tpu.memref_slice %arg5[%dma_wait3A_1316, %dma_wait3A_1317] : memref<2x800xi32, #tpu.memory_space<vmem>> -> memref<1x800xi32, #tpu.memory_space<vmem>>
    %dma_wait3A_1319 = tpu.memref_squeeze %dma_wait3A_1318 : memref<1x800xi32, #tpu.memory_space<vmem>> -> memref<800xi32, #tpu.memory_space<vmem>>
    %dma_wait3A_1320 = arith.constant 0 : i32
    %dma_wait3A_1321 = tpu.memref_slice %arg3[%dma_wait3A_1320] : memref<819200xi32, #tpu.memory_space<hbm>> -> memref<800xi32, #tpu.memory_space<hbm>>
    %dma_wait3A_1322 = arith.constant 0 : i32
    %dma_wait3A_1323 = tpu.memref_slice %arg5[%dma_wait3A_1316, %dma_wait3A_1322] : memref<2x800xi32, #tpu.memory_space<vmem>> -> memref<1x800xi32, #tpu.memory_space<vmem>>
    %dma_wait3A_1324 = tpu.memref_squeeze %dma_wait3A_1323 : memref<1x800xi32, #tpu.memory_space<vmem>> -> memref<800xi32, #tpu.memory_space<vmem>>
    %dma_wait3A_1325 = arith.constant 0 : i32
    %dma_wait3A_1326 = tpu.memref_slice %arg3[%dma_wait3A_1325] : memref<819200xi32, #tpu.memory_space<hbm>> -> memref<800xi32, #tpu.memory_space<hbm>>
    tpu.wait_dma2 semaphore(%arg7 : memref<!tpu.dma_semaphore, #tpu.memory_space<semaphore_mem>>) src(%dma_wait3A_1326 : memref<800xi32, #tpu.memory_space<hbm>>) dst(%dma_wait3A_1324 : memref<800xi32, #tpu.memory_space<vmem>>)
    return
  }
}

</mosaic_0001>

<sc_bundles>
// kernel: kernel.3.cloned.1.call-start
scs
__scs_entry_jumppad:
0x0: {  	(pc) =	sbr.rel $0x88, $3  }
0x1: {  	(tag) =	ssettag $0x0;
	lr =	simm.s32 $0x1  }
0x2: {  	[smem:$0x3F9F] =	sst lr;
	_ =	strace $0xD0000000  }
0x3: {  	_ = 	snop  }
0x4: {  	_ = 	snop  }
0x5: {  	_ = 	snop  }
0x6: {  	_ = 	snop  }
0x7: {  	_ = 	snop  }
__scs_overlays_trampoline_lowered:
0x8: {  	[smem:$0x3FAE] =	sst s0  }
0x9: {  	[smem:$0x3FAF] =	sst s1  }
0xa: {  	[smem:$0x3FB0] =	sst s2  }
0xb: {  	[smem:$0x3FB1] =	sst s3  }
0xc: {  	[smem:$0x3FB2] =	sst s4  }
0xd: {  	[smem:$0x3FB3] =	sst s5  }
0xe: {  	[smem:$0x3FB4] =	sst s6  }
0xf: {  	[smem:$0x3FB5] =	sst s7  }
0x10: {  	[smem:$0x3FB6] =	sst s8  }
0x11: {  	[smem:$0x3FB7] =	sst s9;
	s0 =	simm.s32 @!p0 $0x0  }
0x12: {  	s1 =	sld [smem:$0x3F9D];
	s0 =	simm.s32 @p0 $0x1  }
0x13: {  	[smem:$0x3FB8] =	sst s0;
	s0 =	simm.s32 @!p1 $0x0  }
0x14: {  	s2 =	sld [smem:$0x3F9C];
	s0 =	simm.s32 @p1 $0x1  }
0x15: {  	[smem:$0x3FB9] =	sst s0;
	s0 =	simm.s32 @!p2 $0x0  }
0x16: {  	s3 =	sld [smem:$0x3FDB];
	s0 =	simm.s32 @p2 $0x1  }
0x17: {  	s4 =	simm.s32 $0x1BF5;
	[smem:$0x3FBB] =	sst s0  }
0x18: {  	s0 =	sld [smem:$0x3F9E];
	_ =	swait.ge [sflag:s4], $0x0  }
0x19: {  	s7 =	sld [smem:$0x3F9F]  }
0x1a: {  	s8 =	sadd.s32 $0xFFFFE003, lr  }
0x1b: {  	s9 =	sadd.s32 $0xFFFFFEF7, lr;
	s5 =	simm.s32 $0xFFFFFFFF;
	p2 =	slt.u32 s8, $0xFFFFF086  }
0x1c: {  	p1 =	slt.u32 s9, $0xF7A;
	s5 =	simm.s32 @!p2 $0x0  }
0x1d: {  	s5 =	simm.s32 @p1 $0x1;
	p0 =	seq.s32 s7, s2  }
0x1e: {  	s7 =	smul.u32 @!p0 $0xF7A, s2;
	p2 =	seq.s32 @!p0 s5, $0x0  }
0x1f: {  	s9 =	smul.u32 $0xF7A, s1;
	s8 =	simm.s32 @!p0 $0x1BF5;
	p2 =	por !p2, p0  }
0x20: {  	[sflag:s8] =	ssyncset.s32 @!p0 $0xFFFFF086;
	s6 =	sadd.s32 @!p0 s3, s7;
	s7 =	simm.s32 @!p0 $0x108  }
0x21: {  	s3 =	sadd.s32 s3, s9;
	s6 =	sadd.s32 @!p0 $0x88, s6;
	s7 =	simm.s32 @p2 $0x1082  }
0x22: {  	[simem:s7], [sflag:s8] =	dma.local @!p0 [hbm:s6], $0xF7A  }
0x23: {  	s9 =	sor.u32 $0xD0000000, s2;
	s6 =	simm.s32 $0x108;
	_ =	swait.ge @!p0 [sflag:s8], $0x0  }
0x24: {  	s3 =	sadd.s32 $0x88, s3;
	s6 =	simm.s32 @!p1 $0x1082;
	[sflag:s4] =	ssyncset.s32 $0xFFFFF086  }
0x25: {  	[simem:s6], [sflag:s4] =	dma.local [hbm:s3], $0xF7A  }
0x26: {  	[smem:$0x3F9F] =	sst s1;
	(tag) =	ssettag s2;
	_ =	strace s9  }
0x27: {  	s1 =	sld [smem:$0x3FAF]  }
0x28: {  	s2 =	sld [smem:$0x3FB0]  }
0x29: {  	s4 =	sld [smem:$0x3FB2]  }
0x2a: {  	p0 =	seq.s32 s5, $0x0;
	s5 =	sld [smem:$0x3FB3]  }
0x2b: {  	s6 =	sld [smem:$0x3FB4]  }
0x2c: {  	s7 =	sld [smem:$0x3FB5]  }
0x2d: {  	s3 =	simm.s32 $0x108;
	s8 =	sld [smem:$0x3FB6]  }
0x2e: {  	s3 =	simm.s32 @!p0 $0x1082;
	s9 =	sld [smem:$0x3FB7]  }
0x2f: {  	lr =	sadd.s32 s0, s3;
	s0 =	sld [smem:$0x3FAE]  }
0x30: {  	s3 =	sld [smem:$0x3FB1]  }
0x31: {  	[smem:$0x3FBA] =	sst s10  }
0x32: {  	s10 =	sld [smem:$0x3FB8];
	_ =	sdelay $0x3  }
0x33: {  	p0 =	seq.s32 s10, $0x1;
	s10 =	sld [smem:$0x3FBA];
	_ =	sdelay $0x3  }
0x34: {  	[smem:$0x3FBA] =	sst s10  }
0x35: {  	s10 =	sld [smem:$0x3FB9];
	_ =	sdelay $0x3  }
0x36: {  	p1 =	seq.s32 s10, $0x1;
	s10 =	sld [smem:$0x3FBA];
	_ =	sdelay $0x3  }
0x37: {  	[smem:$0x3FBA] =	sst s10  }
0x38: {  	s10 =	sld [smem:$0x3FBB]  }
0x39: {  	_ = 	snop;
	(pc) =	sbr.ind lr, $3  }
0x3a: {  	_ = 	snop  }
0x3b: {  	_ = 	snop  }
0x3c: {  	p2 =	seq.s32 s10, $0x1;
	s10 =	sld [smem:$0x3FBA]  }
0x3d: {  	_ =	shalt  }
0x3e: {  	_ =	shalt  }
0x3f: {  	_ =	shalt  }
0x40: {  	_ =	shalt  }
0x41: {  	_ =	shalt  }
0x42: {  	_ =	shalt  }
0x43: {  	_ =	shalt  }
0x44: {  	_ =	shalt  }
0x45: {  	_ =	shalt  }
0x46: {  	_ =	shalt  }
0x47: {  	_ =	shalt  }
0x48: {  	_ =	shalt  }
0x49: {  	_ =	shalt  }
0x4a: {  	_ =	shalt  }
0x4b: {  	_ =	shalt  }
0x4c: {  	_ =	shalt  }
0x4d: {  	_ =	shalt  }
0x4e: {  	_ =	shalt  }
0x4f: {  	_ =	shalt  }
0x50: {  	_ =	shalt  }
0x51: {  	_ =	shalt  }
0x52: {  	_ =	shalt  }
0x53: {  	_ =	shalt  }
0x54: {  	_ =	shalt  }
0x55: {  	_ =	shalt  }
0x56: {  	_ =	shalt  }
0x57: {  	_ =	shalt  }
0x58: {  	_ =	shalt  }
0x59: {  	_ =	shalt  }
0x5a: {  	_ =	shalt  }
0x5b: {  	_ =	shalt  }
0x5c: {  	_ =	shalt  }
0x5d: {  	_ =	shalt  }
0x5e: {  	_ =	shalt  }
0x5f: {  	_ =	shalt  }
0x60: {  	_ =	shalt  }
0x61: {  	_ =	shalt  }
0x62: {  	_ =	shalt  }
0x63: {  	_ =	shalt  }
0x64: {  	_ =	shalt  }
0x65: {  	_ =	shalt  }
0x66: {  	_ =	shalt  }
0x67: {  	_ =	shalt  }
0x68: {  	_ =	shalt  }
0x69: {  	_ =	shalt  }
0x6a: {  	_ =	shalt  }
0x6b: {  	_ =	shalt  }
0x6c: {  	_ =	shalt  }
0x6d: {  	_ =	shalt  }
0x6e: {  	_ =	shalt  }
0x6f: {  	_ =	shalt  }
0x70: {  	_ =	shalt  }
0x71: {  	_ =	shalt  }
0x72: {  	_ =	shalt  }
0x73: {  	_ =	shalt  }
0x74: {  	_ =	shalt  }
0x75: {  	_ =	shalt  }
0x76: {  	_ =	shalt  }
0x77: {  	_ =	shalt  }
0x78: {  	_ =	shalt  }
0x79: {  	_ =	shalt  }
0x7a: {  	_ =	shalt  }
0x7b: {  	_ =	shalt  }
0x7c: {  	_ =	shalt  }
0x7d: {  	_ =	shalt  }
0x7e: {  	_ =	shalt  }
0x7f: {  	_ =	shalt  }
0x80: {  	_ =	shalt  }
0x81: {  	_ =	shalt  }
0x82: {  	_ =	shalt  }
0x83: {  	_ =	shalt  }
0x84: {  	_ =	shalt  }
0x85: {  	_ =	shalt  }
0x86: {  	_ =	shalt  }
0x87: {  	_ =	shalt  }
.Lfunc_end0:
.L_simem_size_0:
called_computation.1_lowered:
.L_overlay_start_0:
0x88: {  	s2 =	sld [smem:$0x3FD9]  }
0x89: {  	s3 =	sld [smem:$0x3FFE];
	_ =	sdelay $0x1  }
0x8a: {  	s1 =	srdreg.scid  }
0x8b: {  	s0 =	sand.u32 $0x1, s1  }
0x8c: {  	s17 =	sshll.u32 s0, $0xA;
	s2 =	sadd.s32 s3, s2  }
0x8d: {  	s2 =	sadd.s32 s2, s17  }
0x8e: {  	[smem:$0x3FC6] =	sst s2  }
0x8f: {  	_ = 	snop  }
0x90: {  	s2 =	sld [smem:$0x3FD0];
	(tm) =	ssettm $0x1  }
0x91: {  	s18 =	sld [smem:$0x3FFB];
	_ =	sdelay $0x3  }
0x92: {  	_ =	strace s18  }
0x93: {  	s3 =	sld [smem:$0x3FFC];
	_ =	sdelay $0x3  }
0x94: {  	_ =	strace s3  }
0x95: {  	s3 =	sld [smem:$0x3FFD];
	_ =	sdelay $0x3  }
0x96: {  	_ =	strace s3  }
0x97: {  	_ =	strace $0x8FFFFFFF  }
0x98: {  	s19 =	sld [smem:$0x3FDB];
	_ =	sdelay $0x1  }
0x99: {  	s4 =	simm.s32 $_scs_section_size  }
0x9a: {  	s5 =	simm.s32 $_size__tile_overlayer_lowered;
	s6 =	simm.s32 $_tile_overlayer_lowered  }
0x9b: {  	s22 =	simm.s32 $0x1BFF;
	s21 =	sshll.u32 s6, $0x1;
	s3 =	sadd.s32 s4, s19  }
0x9c: {  	s7 =	simm.s32 $0x0;
	s20 =	sshll.u32 s5, $0x1;
	s5 =	sadd.s32 s21, s3  }
0x9d: {  	[timem:s7], [sflag:s22] =	dma.local [hbm:s5], s20  }
0x9e: {  	_ =	swait.ge [sflag:s22], s20  }
0x9f: {  	s4 =	ssub.s32 $0x0, s20;
	[sflag:s22] =	ssyncset.done $0x0  }
0xa0: {  	[sflag:s22] =	ssyncadd.s32 s4;
	_ =	sdelay $0x1  }
0xa1: {  	s23 =	simm.s32 $0x1B8B  }
0xa2: {  	_ =	swait.ge [sflag:s23], $0x1  }
0xa3: {  	[sflag:s23] =	ssyncset.done $0x0  }
0xa4: {  	s25 =	simm.s32 $0x1B8E;
	s24 =	sld [smem:$0x3FFE];
	[sflag:s23] =	ssyncadd.s32 $0xFFFFFFFF  }
0xa5: {  	s26 =	simm.s32 $execute0_lowered;
	[smem:$0x3FD2] =	sst s25  }
0xa6: {  	s5 =	sshll.u32 s26, $0x1;
	_ =	strace $0x80000046;
	[dreg:$0x1] =	wrdreg $0xFFFFFFFF  }
0xa7: {  	s28 =	simm.s32 $_size_execute0_lowered;
	s3 =	sadd.s32 s3, s5;
	[dreg:$0x0] =	wrdreg $0x0  }
0xa8: {  	s5 =	sshll.u32 s28, $0x1;
	[dreg:$0x2] =	wrdreg s3  }
0xa9: {  	[dreg:$0x3] =	wrdreg s5  }
0xaa: {  	[dreg:$0x4] =	wrdreg $0xC0  }
0xab: {  	_ =	task [dreg:s7], $0x5FFFF  }
0xac: {  	[dreg:$0x1] =	wrdreg $0xFFFFFFFF  }
0xad: {  	[dreg:$0x0] =	wrdreg $0x60  }
0xae: {  	[dreg:$0x2] =	wrdreg s24  }
0xaf: {  	[dreg:$0x3] =	wrdreg s2  }
0xb0: {  	[dreg:$0x4] =	wrdreg $0x9  }
0xb1: {  	_ =	task.clear_ibuf [dreg:s7], $0x5FFFF;
	_ =	strace $0x90000046  }
0xb2: {  	s29 =	simm.s32 $0x9;
	_ =	strace $0x80000048  }
0xb3: {  	_ =	swait.ge [sflag:s29], $0x1  }
0xb4: {  	[sflag:s29] =	ssyncadd.s32 $0xFFFFFFFF  }
0xb5: {  	_ =	strace $0x90000048  }
0xb6: {  	_ =	sfence  }
0xb7: {  	s30 =	sld [smem:$0x0];
	_ =	sdelay $0x2  }
0xb8: {  	s31 =	sshll.u32 s1, $0xD;
	s1 =	sshrl.u32 s1, $0x2  }
0xb9: {  	s3 =	sand.u32 $0x4000, s31;
	s1 =	sadd.s32 s1, s30  }
0xba: {  	s0 =	sor.u32 s3, s0;
	s1 =	sshll.u32 s1, $0x11  }
0xbb: {  	s0 =	sor.u32 s1, s0  }
0xbc: {  	s0 =	sadd.s32 $0x8F2B, s0  }
0xbd: {  	[sflag:s0] =	ssyncadd.remote.s32 $0x1  }
0xbe: {  	_ =	sfence.sel $0xFFFF  }
0xbf: {  	[dreg:$0x0] =	wrdreg $0xFFFFFFFF;
	(pc) =	sbr.abs _section_cstart, $3  }
0xc0: {  	[dreg:$0x1] =	wrdreg $0xFFFFFFFF  }
0xc1: {  	_ =	task.clear_ibuf [dreg:s7], $0x2FFFF;
	_ =	strace $0x9FFFFFFF  }
0xc2: {  	(tm) =	ssettm $0x7FFFFFFF  }
0xc3: {  	_ =	shalt  }
tec
execute0_lowered:
.L_overlay_start_1:
0x0: {  	(tag) =	ssettag $0x1  }
0x1: {  	s0 =	rddreg [dreg:$0x0]  }
0x2: {  	s24 =	rddreg [dreg:$0x1]  }
0x3: {  	s1 =	srdreg.scid;
	s10 =	stileid.u32  }
0x4: {  	s3 =	simm.s32 $0x0;
	s31 =	simm.s32 $0x12C0;
	s28 =	simm.s32 $0x8340  }
0x5: {  	s29 =	simm.s32 $0x8FC0;
	s30 =	simm.s32 $0x9C40;
	s14 =	smul.u32 $0x700000, s10  }
0x6: {  	s6 =	sand.u32 $0x1, s1;
	s25 =	sshll.u32 s10, $0x1;
	s19 =	smul.u32 $0xE0000, s10  }
0x7: {  	[smem:$0x7FF] =	sst s3;
	s2 =	sor.u32 s6, s25;
	s16 =	smul.u32 $0x380000, s6  }
0x8: {  	s4 =	sadd.s32 $0xF42E00, s0;
	s7 =	ssub.s32 $0x2, s6;
	s5 =	smul.u32 $0x6400, s2  }
0x9: {  	s1 =	sadd.s32 $0xA00, s0;
	s8 =	smul.u32 $0x380000, s2;
	s26 =	sshrl.u32 s7, $0x1  }
0xa: {  	_ =	strace $0x80000047;
	s2 =	smul.u32 $0x70000, s2;
	s0 =	ssub.s32 s7, s26  }
0xb: {  	s20 =	smul.u32 $0x70000, s6;
	s5 =	sshrl.u32 s5, $0x3;
	s0 =	smax.u32 s0, $0x1  }
0xc: {  	s8 =	sshrl.u32 s8, $0x3;
	s12 =	sadd.s32 s1, s2;
	[smem:$0x7EA] =	sst s0  }
0xd: {  	s11 =	sadd.s32 s24, s5;
	s2 =	sadd.s32 s1, s8;
	[dreg:$0x1d] =	wrdreg s12  }
0xe: {  	s6 =	sshll.u32 s6, $0x9;
	s9 =	sadd.s32 $0x6C800, s2;
	[dreg:$0x1c] =	wrdreg s11  }
0xf: {  	s22 =	sadd.s32 s19, s1;
	s13 =	sadd.s32 $0x6CB80, s2;
	[dreg:$0x1e] =	wrdreg s9  }
0x10: {  	s5 =	sadd.s32 s16, s14;
	s7 =	sadd.s32 $0x6CF00, s2;
	[dreg:$0x1f] =	wrdreg s13  }
0x11: {  	s15 =	sadd.s32 $0x6D280, s2;
	s17 =	sadd.s32 $0x6D600, s2;
	[smem:$0x7DC] =	sst s7  }
0x12: {  	s18 =	sadd.s32 $0x6D980, s2;
	s21 =	sadd.s32 $0x6E080, s2;
	[smem:$0x7DD] =	sst s15  }
0x13: {  	s23 =	sor.u32 $0x36400, s5;
	s26 =	sor.u32 $0x34800, s5;
	[smem:$0x7DE] =	sst s17  }
0x14: {  	s14 =	sor.u32 $0x31000, s5;
	[smem:$0x7DF] =	sst s18;
	s9 =	sadd.s32 $0x6DD00, s2  }
0x15: {  	[smem:$0x7E1] =	sst s21;
	s13 =	sadd.s32 $0x6E400, s2;
	s7 =	sadd.s32 s20, s22  }
0x16: {  	s8 =	sshrl.u32 s23, $0x3;
	s16 =	sshrl.u32 s14, $0x3;
	[smem:$0x7E0] =	sst s9  }
0x17: {  	s18 =	sor.u32 $0x2F400, s5;
	s20 =	sor.u32 $0x2D800, s5;
	[smem:$0x7E2] =	sst s13  }
0x18: {  	s21 =	sor.u32 $0x2BC00, s5;
	s14 =	sor.u32 $0x26800, s5;
	[dreg:$0x3] =	wrdreg s7  }
0x19: {  	s25 =	sadd.s32 s8, s1;
	s9 =	sshrl.u32 s26, $0x3;
	s13 =	sor.u32 $0x32C00, s5  }
0x1a: {  	s17 =	sadd.s32 s16, s1;
	s19 =	sshrl.u32 s18, $0x3;
	s23 =	sshrl.u32 s21, $0x3  }
0x1b: {  	s26 =	sor.u32 $0x2A000, s5;
	s16 =	sshrl.u32 s14, $0x3;
	s18 =	sor.u32 $0x24C00, s5  }
0x1c: {  	s21 =	sor.u32 $0x21400, s5;
	s14 =	sshll.u32 s10, $0xA;
	[dreg:$0x4] =	wrdreg s25  }
0x1d: {  	s7 =	sadd.s32 s9, s1;
	s8 =	sshrl.u32 s13, $0x3;
	[dreg:$0x7] =	wrdreg s17  }
0x1e: {  	s25 =	sadd.s32 s23, s1;
	s9 =	sshrl.u32 s26, $0x3;
	s13 =	sor.u32 $0x28400, s5  }
0x1f: {  	s17 =	sadd.s32 s16, s1;
	s23 =	sshrl.u32 s21, $0x3;
	s6 =	sor.u32 s6, s14  }
0x20: {  	s14 =	sor.u32 $0x46000, s5;
	[dreg:$0x5] =	wrdreg s7;
	s15 =	sadd.s32 s8, s1  }
0x21: {  	s7 =	sadd.s32 s19, s1;
	s8 =	sshrl.u32 s20, $0x3;
	[dreg:$0xa] =	wrdreg s25  }
0x22: {  	[dreg:$0xd] =	wrdreg s17;
	s19 =	sshrl.u32 s18, $0x3;
	s20 =	sor.u32 $0x23000, s5  }
0x23: {  	s25 =	sadd.s32 $0x6E780, s2;
	s26 =	sadd.s32 s23, s1;
	[dreg:$0x6] =	wrdreg s15  }
0x24: {  	s17 =	sor.u32 $0x4EC00, s5;
	s18 =	sor.u32 $0x4D000, s5;
	[dreg:$0x8] =	wrdreg s7  }
0x25: {  	s22 =	sadd.s32 s8, s1;
	s7 =	sadd.s32 s9, s1;
	[smem:$0x7E3] =	sst s25  }
0x26: {  	s8 =	sshrl.u32 s13, $0x3;
	s9 =	sadd.s32 $0x6EB00, s2;
	[dreg:$0x10] =	wrdreg s26  }
0x27: {  	s13 =	sor.u32 $0x52400, s5;
	s25 =	sor.u32 $0x49800, s5;
	[dreg:$0x9] =	wrdreg s22  }
0x28: {  	s26 =	sor.u32 $0x47C00, s5;
	[dreg:$0xb] =	wrdreg s7;
	s15 =	sadd.s32 s8, s1  }
0x29: {  	s7 =	sadd.s32 s19, s1;
	s8 =	sshrl.u32 s20, $0x3;
	[smem:$0x7E4] =	sst s9  }
0x2a: {  	s20 =	sshrl.u32 s18, $0x3;
	s10 =	sshrl.u32 s26, $0x3;
	[dreg:$0xc] =	wrdreg s15  }
0x2b: {  	s26 =	sadd.s32 $0x6FC80, s2;
	s9 =	sadd.s32 $0x700, s12;
	[dreg:$0xe] =	wrdreg s7  }
0x2c: {  	s22 =	sadd.s32 s8, s1;
	s7 =	sshrl.u32 s13, $0x3;
	[smem:$0x7E9] =	sst s26  }
0x2d: {  	s15 =	sor.u32 $0x50800, s5;
	s8 =	sshrl.u32 s17, $0x3;
	[smem:$0x7EF] =	sst s9  }
0x2e: {  	s21 =	sadd.s32 s20, s1;
	s13 =	sadd.s32 s10, s1;
	[dreg:$0xf] =	wrdreg s22  }
0x2f: {  	s17 =	sadd.s32 $0x6EE80, s2;
	s10 =	sadd.s32 $0xA80, s12;
	[dreg:$0x14] =	wrdreg s21  }
0x30: {  	s26 =	sadd.s32 $0xC8, s11;
	s9 =	simm.s32 $0x5140;
	[dreg:$0x17] =	wrdreg s13  }
0x31: {  	s7 =	sadd.s32 s7, s1;
	s16 =	sshrl.u32 s15, $0x3;
	[smem:$0x7E5] =	sst s17  }
0x32: {  	s19 =	sadd.s32 s8, s1;
	s22 =	sor.u32 $0x4B400, s5;
	[smem:$0x7F0] =	sst s10  }
0x33: {  	s8 =	sshrl.u32 s25, $0x3;
	s15 =	sshrl.u32 s14, $0x3;
	[smem:$0x7FD] =	sst s26  }
0x34: {  	s21 =	sadd.s32 $0x6F200, s2;
	s25 =	sadd.s32 $0x6F900, s2;
	[dreg:$0x11] =	wrdreg s7  }
0x35: {  	s13 =	sadd.s32 $0xE00, s12;
	s14 =	sadd.s32 $0x1180, s12;
	[dreg:$0x13] =	wrdreg s19  }
0x36: {  	s17 =	sadd.s32 $0x1C00, s12;
	s10 =	simm.s32 $0x5DC0;
	[smem:$0x7E6] =	sst s21  }
0x37: {  	s26 =	simm.s32 $0x76C0;
	s7 =	sadd.s32 s16, s1;
	[smem:$0x7E8] =	sst s25  }
0x38: {  	s23 =	sshrl.u32 s22, $0x3;
	s8 =	sadd.s32 s8, s1;
	[smem:$0x7F1] =	sst s13  }
0x39: {  	s16 =	sor.u32 $0x44400, s5;
	s19 =	sor.u32 $0x42800, s5;
	[smem:$0x7F2] =	sst s14  }
0x3a: {  	s5 =	sor.u32 $0x40C00, s5;
	s22 =	smul.u32 $0x19, s6;
	[smem:$0x7F5] =	sst s17  }
0x3b: {  	s6 =	smul.u32 $0x32, s6;
	s21 =	sadd.s32 $0x2A00, s12;
	[dreg:$0x12] =	wrdreg s7  }
0x3c: {  	s25 =	sadd.s32 $0x3480, s12;
	s17 =	simm.s32 $0x320;
	[dreg:$0x16] =	wrdreg s8  }
0x3d: {  	s13 =	simm.s32 $0xC1C0;
	s14 =	simm.s32 $0x0;
	[smem:$0x7F9] =	sst s21  }
0x3e: {  	s7 =	sadd.s32 s23, s1;
	s8 =	sshrl.u32 s16, $0x3;
	[smem:$0x7FC] =	sst s25  }
0x3f: {  	s20 =	sshrl.u32 s19, $0x3;
	s23 =	sadd.s32 $0x6F580, s2;
	[dreg:$0x15] =	wrdreg s7  }
0x40: {  	s5 =	sshrl.u32 s5, $0x3;
	s16 =	sadd.s32 $0x1880, s12;
	[smem:$0x7E7] =	sst s23  }
0x41: {  	s19 =	sadd.s32 $0x2300, s12;
	s21 =	simm.s32 $0xCE40;
	[smem:$0x7F4] =	sst s16  }
0x42: {  	s25 =	simm.s32 $0x6A40;
	s7 =	sadd.s32 s15, s1;
	[smem:$0x7F7] =	sst s19  }
0x43: {  	s18 =	sadd.s32 s8, s1;
	s2 =	sadd.s32 $0x4B0, s22;
	[dreg:$0x18] =	wrdreg s7  }
0x44: {  	s8 =	sadd.s32 $0x380, s12;
	s15 =	sadd.s32 $0x1500, s12;
	[dreg:$0x19] =	wrdreg s18  }
0x45: {  	s22 =	sadd.s32 $0x2D80, s12;
	s23 =	sadd.s32 $0x3100, s12;
	[smem:$0x7EE] =	sst s8  }
0x46: {  	s16 =	simm.s32 $0x1;
	s19 =	simm.s32 $0x3;
	[smem:$0x7F3] =	sst s15  }
0x47: {  	s7 =	sadd.s32 s20, s1;
	s1 =	sadd.s32 s5, s1;
	[smem:$0x7FA] =	sst s22  }
0x48: {  	s5 =	sadd.s32 $0xC80, s6;
	s6 =	sshrl.u32 s2, $0x2;
	[smem:$0x7FB] =	sst s23  }
0x49: {  	s18 =	sadd.s32 $0x1F80, s12;
	s20 =	sadd.s32 $0x2680, s12;
	[dreg:$0x1a] =	wrdreg s7  }
0x4a: {  	s22 =	simm.s32 $0x40;
	s23 =	simm.s32 $0x80;
	[dreg:$0x1b] =	wrdreg s1  }
0x4b: {  	s2 =	simm.s32 $0x2BC0;
	s8 =	simm.s32 $0x44C0;
	[smem:$0x7EB] =	sst s5  }
0x4c: {  	s12 =	simm.s32 $0xB540;
	s15 =	simm.s32 $0x4;
	[smem:$0x7F6] =	sst s18  }
0x4d: {  	s0 =	sadd.s32 s6, s24;
	s7 =	sadd.s32 $0x64, s11;
	[smem:$0x7F8] =	sst s20  }
0x4e: {  	s18 =	simm.s32 $0x640;
	s20 =	simm.s32 $0x2;
	s1 =	simm.s32 $0x1F40  }
0x4f: {  	s6 =	simm.s32 $0xA8C0;
	s5 =	simm.s32 $0x5;
	[smem:$0x7EC] =	sst s0  }
0x50: {  	s11 =	simm.s32 $0x6;
	[smem:$0x7ED] =	sst s7;
	s7 =	simm.s32 $0x3840  }
.LBB2_1:
0x51: {  	[smem:$0x7DB] =	sst s14  }
0x52: {  	s0 =	rddreg [dreg:$0x1c]  }
0x53: {  	[tilespmem:s3], [sflag:$0x1] =	stream.linear.gather [hbm4b:s0+s3], $0x320, $0x38;
	[tilespmem:$0x19640] =	vst v63  }
0x54: {  	_ =	swait.ge [sflag:s16], $0x320  }
0x55: {  	[sflag:s16] =	ssyncset.done $0x0  }
0x56: {  	s14 =	sld [smem:$0x7ED];
	[sflag:s16] =	ssyncadd.s32 $0xFFFFFCE0  }
0x57: {  	[tilespmem:s18], [sflag:$0x3] =	stream.indirect.gather [hbm4b:s4+s17], $0x40, s3, s17, $0xb8;
	[tilespmem:$0x19640] =	vst v63  }
0x58: {  	_ = 	snop  }
0x59: {  	[tilespmem:s17], [sflag:$0x2] =	stream.linear.gather [hbm4b:s14+s3], $0x320, $0x38;
	[tilespmem:$0x19640] =	vst v63  }
0x5a: {  	_ =	swait.ge [sflag:s19], $0xC800  }
0x5b: {  	[sflag:s19] =	ssyncset.done $0x0  }
0x5c: {  	[sflag:s19] =	ssyncadd.s32 $0xFFFF3800  }
0x5d: {  	_ =	swait.ge [sflag:s20], $0x320  }
0x5e: {  	[sflag:s20] =	ssyncset.done $0x0  }
0x5f: {  	[sflag:s20] =	ssyncadd.s32 $0xFFFFFCE0  }
0x60: {  	[tilespmem:s21], [sflag:$0x4] =	stream.indirect.gather [hbm4b:s4+s17], $0x40, s17, s17, $0xb8;
	[tilespmem:$0x19640] =	vst v63  }
0x61: {  	s14 =	rddreg [dreg:$0x1d]  }
0x62: {  	[hbm4b:s14+s22] =	stream.strided.scatter [tilespmem:s18], [sflag:$0x5], $0xC80, s23, s22, $0x38;
	[tilespmem:$0x19640] =	vst v63  }
0x63: {  	s14 =	sld [smem:$0x7EE];
	_ =	sdelay $0x2  }
0x64: {  	[hbm4b:s14+s22] =	stream.strided.scatter [tilespmem:s31], [sflag:$0x5], $0xC80, s23, s22, $0x38;
	[tilespmem:$0x19640] =	vst v63  }
0x65: {  	s14 =	sld [smem:$0x7EF];
	_ =	sdelay $0x2  }
0x66: {  	[hbm4b:s14+s22] =	stream.strided.scatter [tilespmem:s1], [sflag:$0x5], $0xC80, s23, s22, $0x38;
	[tilespmem:$0x19640] =	vst v63  }
0x67: {  	s14 =	sld [smem:$0x7F0];
	_ =	sdelay $0x2  }
0x68: {  	[hbm4b:s14+s22] =	stream.strided.scatter [tilespmem:s2], [sflag:$0x5], $0xC80, s23, s22, $0x38;
	[tilespmem:$0x19640] =	vst v63  }
0x69: {  	s14 =	sld [smem:$0x7F1];
	_ =	sdelay $0x2  }
0x6a: {  	[hbm4b:s14+s22] =	stream.strided.scatter [tilespmem:s7], [sflag:$0x5], $0xC80, s23, s22, $0x38;
	[tilespmem:$0x19640] =	vst v63  }
0x6b: {  	s14 =	sld [smem:$0x7F2];
	_ =	sdelay $0x2  }
0x6c: {  	[hbm4b:s14+s22] =	stream.strided.scatter [tilespmem:s8], [sflag:$0x5], $0xC80, s23, s22, $0x38;
	[tilespmem:$0x19640] =	vst v63  }
0x6d: {  	s14 =	sld [smem:$0x7F3];
	_ =	sdelay $0x2  }
0x6e: {  	[hbm4b:s14+s22] =	stream.strided.scatter [tilespmem:s9], [sflag:$0x5], $0xC80, s23, s22, $0x38;
	[tilespmem:$0x19640] =	vst v63  }
0x6f: {  	s14 =	sld [smem:$0x7F4];
	_ =	sdelay $0x2  }
0x70: {  	[hbm4b:s14+s22] =	stream.strided.scatter [tilespmem:s10], [sflag:$0x5], $0xC80, s23, s22, $0x38;
	[tilespmem:$0x19640] =	vst v63  }
0x71: {  	s14 =	sld [smem:$0x7F5];
	_ =	sdelay $0x2  }
0x72: {  	[hbm4b:s14+s22] =	stream.strided.scatter [tilespmem:s25], [sflag:$0x5], $0xC80, s23, s22, $0x38;
	[tilespmem:$0x19640] =	vst v63  }
0x73: {  	s14 =	sld [smem:$0x7F6];
	_ =	sdelay $0x2  }
0x74: {  	[hbm4b:s14+s22] =	stream.strided.scatter [tilespmem:s26], [sflag:$0x5], $0xC80, s23, s22, $0x38;
	[tilespmem:$0x19640] =	vst v63  }
0x75: {  	s14 =	sld [smem:$0x7F7];
	_ =	sdelay $0x2  }
0x76: {  	[hbm4b:s14+s22] =	stream.strided.scatter [tilespmem:s28], [sflag:$0x5], $0xC80, s23, s22, $0x38;
	[tilespmem:$0x19640] =	vst v63  }
0x77: {  	s14 =	sld [smem:$0x7F8];
	_ =	sdelay $0x2  }
0x78: {  	[hbm4b:s14+s22] =	stream.strided.scatter [tilespmem:s29], [sflag:$0x5], $0xC80, s23, s22, $0x38;
	[tilespmem:$0x19640] =	vst v63  }
0x79: {  	s14 =	sld [smem:$0x7F9];
	_ =	sdelay $0x2  }
0x7a: {  	[hbm4b:s14+s22] =	stream.strided.scatter [tilespmem:s30], [sflag:$0x5], $0xC80, s23, s22, $0x38;
	[tilespmem:$0x19640] =	vst v63  }
0x7b: {  	s14 =	sld [smem:$0x7FA];
	_ =	sdelay $0x2  }
0x7c: {  	[hbm4b:s14+s22] =	stream.strided.scatter [tilespmem:s6], [sflag:$0x5], $0xC80, s23, s22, $0x38;
	[tilespmem:$0x19640] =	vst v63  }
0x7d: {  	s14 =	sld [smem:$0x7FB];
	_ =	sdelay $0x1  }
0x7e: {  	s6 =	sld [smem:$0x7FC]  }
0x7f: {  	[hbm4b:s14+s22] =	stream.strided.scatter [tilespmem:s12], [sflag:$0x5], $0xC80, s23, s22, $0x38;
	[tilespmem:$0x19640] =	vst v63  }
0x80: {  	s12 =	sld [smem:$0x7FD]  }
0x81: {  	[hbm4b:s6+s22] =	stream.strided.scatter [tilespmem:s13], [sflag:$0x5], $0xC80, s23, s22, $0x38;
	[tilespmem:$0x19640] =	vst v63  }
0x82: {  	_ = 	snop  }
0x83: {  	[tilespmem:s3], [sflag:$0x1] =	stream.linear.gather [hbm4b:s12+s3], $0x320, $0x38;
	[tilespmem:$0x19640] =	vst v63  }
0x84: {  	_ =	swait.ge [sflag:s15], $0xC800  }
0x85: {  	[sflag:s15] =	ssyncset.done $0x0  }
0x86: {  	[sflag:s15] =	ssyncadd.s32 $0xFFFF3800  }
0x87: {  	_ =	swait.ge [sflag:s16], $0x320  }
0x88: {  	[sflag:s16] =	ssyncset.done $0x0  }
0x89: {  	[sflag:s16] =	ssyncadd.s32 $0xFFFFFCE0  }
0x8a: {  	_ =	swait.ge [sflag:s5], $0xC80  }
0x8b: {  	[sflag:s5] =	ssyncset.done $0x0  }
0x8c: {  	[sflag:s5] =	ssyncadd.s32 $0xFFFFF380  }
0x8d: {  	_ =	swait.ge [sflag:s5], $0xC80  }
0x8e: {  	[sflag:s5] =	ssyncset.done $0x0  }
0x8f: {  	[sflag:s5] =	ssyncadd.s32 $0xFFFFF380  }
0x90: {  	_ =	swait.ge [sflag:s5], $0xC80  }
0x91: {  	[sflag:s5] =	ssyncset.done $0x0  }
0x92: {  	[sflag:s5] =	ssyncadd.s32 $0xFFFFF380  }
0x93: {  	_ =	swait.ge [sflag:s5], $0xC80  }
0x94: {  	[sflag:s5] =	ssyncset.done $0x0  }
0x95: {  	[sflag:s5] =	ssyncadd.s32 $0xFFFFF380  }
0x96: {  	_ =	swait.ge [sflag:s5], $0xC80  }
0x97: {  	[sflag:s5] =	ssyncset.done $0x0  }
0x98: {  	[sflag:s5] =	ssyncadd.s32 $0xFFFFF380  }
0x99: {  	_ =	swait.ge [sflag:s5], $0xC80  }
0x9a: {  	[sflag:s5] =	ssyncset.done $0x0  }
0x9b: {  	[sflag:s5] =	ssyncadd.s32 $0xFFFFF380  }
0x9c: {  	_ =	swait.ge [sflag:s5], $0xC80  }
0x9d: {  	[sflag:s5] =	ssyncset.done $0x0  }
0x9e: {  	[sflag:s5] =	ssyncadd.s32 $0xFFFFF380  }
0x9f: {  	_ =	swait.ge [sflag:s5], $0xC80  }
0xa0: {  	[sflag:s5] =	ssyncset.done $0x0  }
0xa1: {  	[sflag:s5] =	ssyncadd.s32 $0xFFFFF380  }
0xa2: {  	_ =	swait.ge [sflag:s5], $0xC80  }
0xa3: {  	[sflag:s5] =	ssyncset.done $0x0  }
0xa4: {  	[sflag:s5] =	ssyncadd.s32 $0xFFFFF380  }
0xa5: {  	_ =	swait.ge [sflag:s5], $0xC80  }
0xa6: {  	[sflag:s5] =	ssyncset.done $0x0  }
0xa7: {  	[sflag:s5] =	ssyncadd.s32 $0xFFFFF380  }
0xa8: {  	_ =	swait.ge [sflag:s5], $0xC80  }
0xa9: {  	[sflag:s5] =	ssyncset.done $0x0  }
0xaa: {  	[sflag:s5] =	ssyncadd.s32 $0xFFFFF380  }
0xab: {  	_ =	swait.ge [sflag:s5], $0xC80  }
0xac: {  	[sflag:s5] =	ssyncset.done $0x0  }
0xad: {  	[sflag:s5] =	ssyncadd.s32 $0xFFFFF380  }
0xae: {  	_ =	swait.ge [sflag:s5], $0xC80  }
0xaf: {  	[sflag:s5] =	ssyncset.done $0x0  }
0xb0: {  	[sflag:s5] =	ssyncadd.s32 $0xFFFFF380  }
0xb1: {  	_ =	swait.ge [sflag:s5], $0xC80  }
0xb2: {  	[sflag:s5] =	ssyncset.done $0x0  }
0xb3: {  	[sflag:s5] =	ssyncadd.s32 $0xFFFFF380  }
0xb4: {  	_ =	swait.ge [sflag:s5], $0xC80  }
0xb5: {  	[sflag:s5] =	ssyncset.done $0x0  }
0xb6: {  	[sflag:s5] =	ssyncadd.s32 $0xFFFFF380  }
0xb7: {  	_ =	swait.ge [sflag:s5], $0xC80  }
0xb8: {  	[sflag:s5] =	ssyncset.done $0x0;
	s13 =	rddreg [dreg:$0x3]  }
0xb9: {  	[sflag:s5] =	ssyncadd.s32 $0xFFFFF380;
	s6 =	sadd.s32 $0x0, s13  }
0xba: {  	[tilespmem:s18], [sflag:$0x3] =	stream.indirect.gather [hbm4b:s4+s17], $0x40, s3, s17, $0xb8;
	[tilespmem:$0x19640] =	vst v63  }
0xbb: {  	s14 =	sadd.s32 $0x3800, s6  }
0xbc: {  	[hbm4b:s14+s22] =	stream.strided.scatter [tilespmem:s21], [sflag:$0x6], $0xC80, s23, s22, $0x38;
	[tilespmem:$0x19640] =	vst v63  }
0xbd: {  	s0 =	sadd.s32 $0x3B80, s6;
	s14 =	simm.s32 $0xDAC0  }
0xbe: {  	[hbm4b:s0+s22] =	stream.strided.scatter [tilespmem:s14], [sflag:$0x6], $0xC80, s23, s22, $0x38;
	[tilespmem:$0x19640] =	vst v63  }
0xbf: {  	s13 =	rddreg [dreg:$0x10];
	s12 =	sadd.s32 $0x3F00, s6;
	s0 =	simm.s32 $0xE740  }
0xc0: {  	[hbm4b:s12+s22] =	stream.strided.scatter [tilespmem:s0], [sflag:$0x6], $0xC80, s23, s22, $0x38;
	[tilespmem:$0x19640] =	vst v63  }
0xc1: {  	s14 =	rddreg [dreg:$0xf];
	s12 =	sadd.s32 $0x0, s13;
	s0 =	simm.s32 $0xF3C0  }
0xc2: {  	[hbm4b:s12+s22] =	stream.strided.scatter [tilespmem:s0], [sflag:$0x6], $0xC80, s23, s22, $0x38;
	[tilespmem:$0x19640] =	vst v63  }
0xc3: {  	s13 =	rddreg [dreg:$0xe];
	s12 =	sadd.s32 $0x0, s14;
	s0 =	simm.s32 $0x10040  }
0xc4: {  	[hbm4b:s12+s22] =	stream.strided.scatter [tilespmem:s0], [sflag:$0x6], $0xC80, s23, s22, $0x38;
	[tilespmem:$0x19640] =	vst v63  }
0xc5: {  	s14 =	rddreg [dreg:$0xd];
	s12 =	sadd.s32 $0x0, s13;
	s0 =	simm.s32 $0x10CC0  }
0xc6: {  	[hbm4b:s12+s22] =	stream.strided.scatter [tilespmem:s0], [sflag:$0x6], $0xC80, s23, s22, $0x38;
	[tilespmem:$0x19640] =	vst v63  }
0xc7: {  	s13 =	rddreg [dreg:$0xc];
	s12 =	sadd.s32 $0x0, s14;
	s0 =	simm.s32 $0x11940  }
0xc8: {  	[hbm4b:s12+s22] =	stream.strided.scatter [tilespmem:s0], [sflag:$0x6], $0xC80, s23, s22, $0x38;
	[tilespmem:$0x19640] =	vst v63  }
0xc9: {  	s14 =	rddreg [dreg:$0xb];
	s12 =	sadd.s32 $0x0, s13;
	s0 =	simm.s32 $0x125C0  }
0xca: {  	[hbm4b:s12+s22] =	stream.strided.scatter [tilespmem:s0], [sflag:$0x6], $0xC80, s23, s22, $0x38;
	[tilespmem:$0x19640] =	vst v63  }
0xcb: {  	s13 =	rddreg [dreg:$0xa];
	s12 =	sadd.s32 $0x0, s14;
	s0 =	simm.s32 $0x13240  }
0xcc: {  	[hbm4b:s12+s22] =	stream.strided.scatter [tilespmem:s0], [sflag:$0x6], $0xC80, s23, s22, $0x38;
	[tilespmem:$0x19640] =	vst v63  }
0xcd: {  	s14 =	rddreg [dreg:$0x9];
	s12 =	sadd.s32 $0x0, s13;
	s0 =	simm.s32 $0x13EC0  }
0xce: {  	[hbm4b:s12+s22] =	stream.strided.scatter [tilespmem:s0], [sflag:$0x6], $0xC80, s23, s22, $0x38;
	[tilespmem:$0x19640] =	vst v63  }
0xcf: {  	s13 =	rddreg [dreg:$0x8];
	s12 =	sadd.s32 $0x0, s14;
	s0 =	simm.s32 $0x14B40  }
0xd0: {  	[hbm4b:s12+s22] =	stream.strided.scatter [tilespmem:s0], [sflag:$0x6], $0xC80, s23, s22, $0x38;
	[tilespmem:$0x19640] =	vst v63  }
0xd1: {  	s14 =	rddreg [dreg:$0x7];
	s12 =	sadd.s32 $0x0, s13;
	s0 =	simm.s32 $0x157C0  }
0xd2: {  	[hbm4b:s12+s22] =	stream.strided.scatter [tilespmem:s0], [sflag:$0x6], $0xC80, s23, s22, $0x38;
	[tilespmem:$0x19640] =	vst v63  }
0xd3: {  	s13 =	rddreg [dreg:$0x6];
	s12 =	sadd.s32 $0x0, s14;
	s0 =	simm.s32 $0x16440  }
0xd4: {  	[hbm4b:s12+s22] =	stream.strided.scatter [tilespmem:s0], [sflag:$0x6], $0xC80, s23, s22, $0x38;
	[tilespmem:$0x19640] =	vst v63  }
0xd5: {  	s14 =	rddreg [dreg:$0x5];
	s12 =	sadd.s32 $0x0, s13;
	s0 =	simm.s32 $0x170C0  }
0xd6: {  	[hbm4b:s12+s22] =	stream.strided.scatter [tilespmem:s0], [sflag:$0x6], $0xC80, s23, s22, $0x38;
	[tilespmem:$0x19640] =	vst v63  }
0xd7: {  	s13 =	rddreg [dreg:$0x4];
	s0 =	sadd.s32 $0x0, s14;
	s14 =	simm.s32 $0x17D40  }
0xd8: {  	[hbm4b:s0+s22] =	stream.strided.scatter [tilespmem:s14], [sflag:$0x6], $0xC80, s23, s22, $0x38;
	[tilespmem:$0x19640] =	vst v63  }
0xd9: {  	s13 =	sadd.s32 $0x0, s13;
	s14 =	simm.s32 $0x189C0  }
0xda: {  	[hbm4b:s13+s22] =	stream.strided.scatter [tilespmem:s14], [sflag:$0x6], $0xC80, s23, s22, $0x38;
	[tilespmem:$0x19640] =	vst v63  }
0xdb: {  	s14 =	sld [smem:$0x7EC];
	_ =	sdelay $0x2  }
0xdc: {  	[tilespmem:s17], [sflag:$0x2] =	stream.linear.gather [hbm4b:s14+s3], $0x320, $0x38;
	[tilespmem:$0x19640] =	vst v63  }
0xdd: {  	_ =	swait.ge [sflag:s19], $0xC800  }
0xde: {  	[sflag:s19] =	ssyncset.done $0x0  }
0xdf: {  	[sflag:s19] =	ssyncadd.s32 $0xFFFF3800  }
0xe0: {  	_ =	swait.ge [sflag:s20], $0x320  }
0xe1: {  	[sflag:s20] =	ssyncset.done $0x0  }
0xe2: {  	[sflag:s20] =	ssyncadd.s32 $0xFFFFFCE0  }
0xe3: {  	_ =	swait.ge [sflag:s11], $0xC80  }
0xe4: {  	[sflag:s11] =	ssyncset.done $0x0  }
0xe5: {  	[sflag:s11] =	ssyncadd.s32 $0xFFFFF380  }
0xe6: {  	_ =	swait.ge [sflag:s11], $0xC80  }
0xe7: {  	[sflag:s11] =	ssyncset.done $0x0  }
0xe8: {  	[sflag:s11] =	ssyncadd.s32 $0xFFFFF380  }
0xe9: {  	_ =	swait.ge [sflag:s11], $0xC80  }
0xea: {  	[sflag:s11] =	ssyncset.done $0x0  }
0xeb: {  	[sflag:s11] =	ssyncadd.s32 $0xFFFFF380  }
0xec: {  	_ =	swait.ge [sflag:s11], $0xC80  }
0xed: {  	[sflag:s11] =	ssyncset.done $0x0  }
0xee: {  	[sflag:s11] =	ssyncadd.s32 $0xFFFFF380  }
0xef: {  	_ =	swait.ge [sflag:s11], $0xC80  }
0xf0: {  	[sflag:s11] =	ssyncset.done $0x0  }
0xf1: {  	[sflag:s11] =	ssyncadd.s32 $0xFFFFF380  }
0xf2: {  	_ =	swait.ge [sflag:s11], $0xC80  }
0xf3: {  	[sflag:s11] =	ssyncset.done $0x0  }
0xf4: {  	[sflag:s11] =	ssyncadd.s32 $0xFFFFF380  }
0xf5: {  	_ =	swait.ge [sflag:s11], $0xC80  }
0xf6: {  	[sflag:s11] =	ssyncset.done $0x0  }
0xf7: {  	[sflag:s11] =	ssyncadd.s32 $0xFFFFF380  }
0xf8: {  	_ =	swait.ge [sflag:s11], $0xC80  }
0xf9: {  	[sflag:s11] =	ssyncset.done $0x0  }
0xfa: {  	[sflag:s11] =	ssyncadd.s32 $0xFFFFF380  }
0xfb: {  	_ =	swait.ge [sflag:s11], $0xC80  }
0xfc: {  	[sflag:s11] =	ssyncset.done $0x0  }
0xfd: {  	[sflag:s11] =	ssyncadd.s32 $0xFFFFF380  }
0xfe: {  	_ =	swait.ge [sflag:s11], $0xC80  }
0xff: {  	[sflag:s11] =	ssyncset.done $0x0  }
0x100: {  	[sflag:s11] =	ssyncadd.s32 $0xFFFFF380  }
0x101: {  	_ =	swait.ge [sflag:s11], $0xC80  }
0x102: {  	[sflag:s11] =	ssyncset.done $0x0  }
0x103: {  	[sflag:s11] =	ssyncadd.s32 $0xFFFFF380  }
0x104: {  	_ =	swait.ge [sflag:s11], $0xC80  }
0x105: {  	[sflag:s11] =	ssyncset.done $0x0  }
0x106: {  	[sflag:s11] =	ssyncadd.s32 $0xFFFFF380  }
0x107: {  	_ =	swait.ge [sflag:s11], $0xC80  }
0x108: {  	[sflag:s11] =	ssyncset.done $0x0  }
0x109: {  	[sflag:s11] =	ssyncadd.s32 $0xFFFFF380  }
0x10a: {  	_ =	swait.ge [sflag:s11], $0xC80  }
0x10b: {  	[sflag:s11] =	ssyncset.done $0x0  }
0x10c: {  	[sflag:s11] =	ssyncadd.s32 $0xFFFFF380  }
0x10d: {  	_ =	swait.ge [sflag:s11], $0xC80  }
0x10e: {  	[sflag:s11] =	ssyncset.done $0x0  }
0x10f: {  	[sflag:s11] =	ssyncadd.s32 $0xFFFFF380  }
0x110: {  	_ =	swait.ge [sflag:s11], $0xC80  }
0x111: {  	[sflag:s11] =	ssyncset.done $0x0  }
0x112: {  	[sflag:s11] =	ssyncadd.s32 $0xFFFFF380  }
0x113: {  	[tilespmem:s21], [sflag:$0x4] =	stream.indirect.gather [hbm4b:s4+s17], $0x40, s17, s17, $0xb8;
	[tilespmem:$0x19640] =	vst v63  }
0x114: {  	s13 =	sadd.s32 $0x7000, s6  }
0x115: {  	[hbm4b:s13+s22] =	stream.strided.scatter [tilespmem:s18], [sflag:$0x5], $0xC80, s23, s22, $0x38;
	[tilespmem:$0x19640] =	vst v63  }
0x116: {  	s0 =	sadd.s32 $0x7380, s6  }
0x117: {  	[hbm4b:s0+s22] =	stream.strided.scatter [tilespmem:s31], [sflag:$0x5], $0xC80, s23, s22, $0x38;
	[tilespmem:$0x19640] =	vst v63  }
0x118: {  	s13 =	sadd.s32 $0x7700, s6;
	s0 =	rddreg [dreg:$0x1b]  }
0x119: {  	[hbm4b:s13+s22] =	stream.strided.scatter [tilespmem:s1], [sflag:$0x5], $0xC80, s23, s22, $0x38;
	[tilespmem:$0x19640] =	vst v63  }
0x11a: {  	s12 =	sadd.s32 $0x0, s0;
	s0 =	rddreg [dreg:$0x16];
	s1 =	sadd.s32 $0x7A80, s6  }
0x11b: {  	[hbm4b:s1+s22] =	stream.strided.scatter [tilespmem:s2], [sflag:$0x5], $0xC80, s23, s22, $0x38;
	[tilespmem:$0x19640] =	vst v63  }
0x11c: {  	s2 =	rddreg [dreg:$0x1a]  }
0x11d: {  	s6 =	sadd.s32 $0x7E00, s6;
	s1 =	rddreg [dreg:$0x15]  }
0x11e: {  	[hbm4b:s6+s22] =	stream.strided.scatter [tilespmem:s7], [sflag:$0x5], $0xC80, s23, s22, $0x38;
	[tilespmem:$0x19640] =	vst v63  }
0x11f: {  	s13 =	sadd.s32 $0x0, s2;
	s2 =	rddreg [dreg:$0x14]  }
0x120: {  	[hbm4b:s12+s22] =	stream.strided.scatter [tilespmem:s8], [sflag:$0x5], $0xC80, s23, s22, $0x38;
	[tilespmem:$0x19640] =	vst v63  }
0x121: {  	s7 =	rddreg [dreg:$0x19]  }
0x122: {  	[hbm4b:s13+s22] =	stream.strided.scatter [tilespmem:s9], [sflag:$0x5], $0xC80, s23, s22, $0x38;
	[tilespmem:$0x19640] =	vst v63  }
0x123: {  	s6 =	sadd.s32 $0x0, s7;
	s8 =	rddreg [dreg:$0x18]  }
0x124: {  	[hbm4b:s6+s22] =	stream.strided.scatter [tilespmem:s10], [sflag:$0x5], $0xC80, s23, s22, $0x38;
	[tilespmem:$0x19640] =	vst v63  }
0x125: {  	s12 =	sadd.s32 $0x0, s8;
	s9 =	rddreg [dreg:$0x17]  }
0x126: {  	[hbm4b:s12+s22] =	stream.strided.scatter [tilespmem:s25], [sflag:$0x5], $0xC80, s23, s22, $0x38;
	[tilespmem:$0x19640] =	vst v63  }
0x127: {  	s7 =	rddreg [dreg:$0x13];
	s13 =	sadd.s32 $0x0, s9  }
0x128: {  	[hbm4b:s13+s22] =	stream.strided.scatter [tilespmem:s26], [sflag:$0x5], $0xC80, s23, s22, $0x38;
	[tilespmem:$0x19640] =	vst v63  }
0x129: {  	s8 =	rddreg [dreg:$0x12];
	s6 =	sadd.s32 $0x0, s0  }
0x12a: {  	[hbm4b:s6+s22] =	stream.strided.scatter [tilespmem:s28], [sflag:$0x5], $0xC80, s23, s22, $0x38;
	[tilespmem:$0x19640] =	vst v63  }
0x12b: {  	s9 =	rddreg [dreg:$0x11];
	s12 =	sadd.s32 $0x0, s1  }
0x12c: {  	[hbm4b:s12+s22] =	stream.strided.scatter [tilespmem:s29], [sflag:$0x5], $0xC80, s23, s22, $0x38;
	[tilespmem:$0x19640] =	vst v63  }
0x12d: {  	s10 =	simm.s32 $0xA8C0;
	s25 =	sadd.s32 $0x0, s8;
	s13 =	sadd.s32 $0x0, s2  }
0x12e: {  	[hbm4b:s13+s22] =	stream.strided.scatter [tilespmem:s30], [sflag:$0x5], $0xC80, s23, s22, $0x38;
	[tilespmem:$0x19640] =	vst v63  }
0x12f: {  	s1 =	simm.s32 $0x6A40;
	s8 =	simm.s32 $0x9C40;
	s13 =	sld [smem:$0x7EB]  }
0x130: {  	s26 =	simm.s32 $0xB540;
	s6 =	sadd.s32 $0x0, s7;
	s28 =	sadd.s32 $0x0, s9  }
0x131: {  	[hbm4b:s6+s22] =	stream.strided.scatter [tilespmem:s10], [sflag:$0x5], $0xC80, s23, s22, $0x38;
	[tilespmem:$0x19640] =	vst v63  }
0x132: {  	s7 =	simm.s32 $0x76C0;
	s9 =	simm.s32 $0x8FC0;
	s30 =	smin.u32 s13, $0xC7CE0  }
0x133: {  	[hbm4b:s25+s22] =	stream.strided.scatter [tilespmem:s26], [sflag:$0x5], $0xC80, s23, s22, $0x38;
	[tilespmem:$0x19640] =	vst v63  }
0x134: {  	s29 =	simm.s32 $0xC1C0;
	s12 =	simm.s32 $0x7000;
	s6 =	sshrl.u32 s30, $0x3  }
0x135: {  	[hbm4b:s28+s22] =	stream.strided.scatter [tilespmem:s29], [sflag:$0x5], $0xC80, s23, s22, $0x38;
	[tilespmem:$0x19640] =	vst v63  }
.LBB2_2:
0x136: {  	s6 =	sadd.s32 s24, s6  }
0x137: {  	[tilespmem:s3], [sflag:$0x1] =	stream.linear.gather [hbm4b:s6+s3], $0x320, $0x38;
	[tilespmem:$0x19640] =	vst v63  }
0x138: {  	_ =	swait.ge [sflag:s15], $0xC800  }
0x139: {  	[sflag:s15] =	ssyncset.done $0x0  }
0x13a: {  	[sflag:s15] =	ssyncadd.s32 $0xFFFF3800  }
0x13b: {  	_ =	swait.ge [sflag:s16], $0x320  }
0x13c: {  	[sflag:s16] =	ssyncset.done $0x0  }
0x13d: {  	[sflag:s16] =	ssyncadd.s32 $0xFFFFFCE0  }
0x13e: {  	_ =	swait.ge [sflag:s5], $0xC80  }
0x13f: {  	[sflag:s5] =	ssyncset.done $0x0  }
0x140: {  	[sflag:s5] =	ssyncadd.s32 $0xFFFFF380  }
0x141: {  	_ =	swait.ge [sflag:s5], $0xC80  }
0x142: {  	[sflag:s5] =	ssyncset.done $0x0  }
0x143: {  	[sflag:s5] =	ssyncadd.s32 $0xFFFFF380  }
0x144: {  	_ =	swait.ge [sflag:s5], $0xC80  }
0x145: {  	[sflag:s5] =	ssyncset.done $0x0  }
0x146: {  	[sflag:s5] =	ssyncadd.s32 $0xFFFFF380  }
0x147: {  	_ =	swait.ge [sflag:s5], $0xC80  }
0x148: {  	[sflag:s5] =	ssyncset.done $0x0  }
0x149: {  	[sflag:s5] =	ssyncadd.s32 $0xFFFFF380  }
0x14a: {  	_ =	swait.ge [sflag:s5], $0xC80  }
0x14b: {  	[sflag:s5] =	ssyncset.done $0x0  }
0x14c: {  	[sflag:s5] =	ssyncadd.s32 $0xFFFFF380  }
0x14d: {  	_ =	swait.ge [sflag:s5], $0xC80  }
0x14e: {  	[sflag:s5] =	ssyncset.done $0x0  }
0x14f: {  	[sflag:s5] =	ssyncadd.s32 $0xFFFFF380  }
0x150: {  	_ =	swait.ge [sflag:s5], $0xC80  }
0x151: {  	[sflag:s5] =	ssyncset.done $0x0  }
0x152: {  	[sflag:s5] =	ssyncadd.s32 $0xFFFFF380  }
0x153: {  	_ =	swait.ge [sflag:s5], $0xC80  }
0x154: {  	[sflag:s5] =	ssyncset.done $0x0  }
0x155: {  	[sflag:s5] =	ssyncadd.s32 $0xFFFFF380  }
0x156: {  	_ =	swait.ge [sflag:s5], $0xC80  }
0x157: {  	[sflag:s5] =	ssyncset.done $0x0  }
0x158: {  	[sflag:s5] =	ssyncadd.s32 $0xFFFFF380  }
0x159: {  	_ =	swait.ge [sflag:s5], $0xC80  }
0x15a: {  	[sflag:s5] =	ssyncset.done $0x0  }
0x15b: {  	[sflag:s5] =	ssyncadd.s32 $0xFFFFF380  }
0x15c: {  	_ =	swait.ge [sflag:s5], $0xC80  }
0x15d: {  	[sflag:s5] =	ssyncset.done $0x0  }
0x15e: {  	[sflag:s5] =	ssyncadd.s32 $0xFFFFF380  }
0x15f: {  	_ =	swait.ge [sflag:s5], $0xC80  }
0x160: {  	[sflag:s5] =	ssyncset.done $0x0  }
0x161: {  	[sflag:s5] =	ssyncadd.s32 $0xFFFFF380  }
0x162: {  	_ =	swait.ge [sflag:s5], $0xC80  }
0x163: {  	[sflag:s5] =	ssyncset.done $0x0  }
0x164: {  	[sflag:s5] =	ssyncadd.s32 $0xFFFFF380  }
0x165: {  	_ =	swait.ge [sflag:s5], $0xC80  }
0x166: {  	[sflag:s5] =	ssyncset.done $0x0  }
0x167: {  	[sflag:s5] =	ssyncadd.s32 $0xFFFFF380  }
0x168: {  	_ =	swait.ge [sflag:s5], $0xC80  }
0x169: {  	[sflag:s5] =	ssyncset.done $0x0  }
0x16a: {  	[sflag:s5] =	ssyncadd.s32 $0xFFFFF380  }
0x16b: {  	_ =	swait.ge [sflag:s5], $0xC80  }
0x16c: {  	s6 =	smov.u32 s12;
	[sflag:s5] =	ssyncset.done $0x0;
	s29 =	rddreg [dreg:$0x3]  }
0x16d: {  	s0 =	smov.u32 s24;
	[sflag:s5] =	ssyncadd.s32 $0xFFFFF380;
	s24 =	sadd.s32 s6, s29  }
0x16e: {  	[tilespmem:s18], [sflag:$0x3] =	stream.indirect.gather [hbm4b:s4+s17], $0x40, s3, s17, $0xb8;
	[tilespmem:$0x19640] =	vst v63  }
0x16f: {  	s25 =	sadd.s32 $0x3800, s24  }
0x170: {  	[hbm4b:s25+s22] =	stream.strided.scatter [tilespmem:s21], [sflag:$0x6], $0xC80, s23, s22, $0x38;
	[tilespmem:$0x19640] =	vst v63  }
0x171: {  	s28 =	simm.s32 $0xDAC0;
	s2 =	sadd.s32 $0x3B80, s24  }
0x172: {  	[hbm4b:s2+s22] =	stream.strided.scatter [tilespmem:s28], [sflag:$0x6], $0xC80, s23, s22, $0x38;
	[tilespmem:$0x19640] =	vst v63  }
0x173: {  	s26 =	rddreg [dreg:$0x10];
	s30 =	sadd.s32 $0x3F00, s24;
	s28 =	simm.s32 $0xE740  }
0x174: {  	[hbm4b:s30+s22] =	stream.strided.scatter [tilespmem:s28], [sflag:$0x6], $0xC80, s23, s22, $0x38;
	[tilespmem:$0x19640] =	vst v63  }
0x175: {  	s10 =	rddreg [dreg:$0xf];
	s29 =	sadd.s32 s6, s26;
	s28 =	simm.s32 $0xF3C0  }
0x176: {  	[hbm4b:s29+s22] =	stream.strided.scatter [tilespmem:s28], [sflag:$0x6], $0xC80, s23, s22, $0x38;
	[tilespmem:$0x19640] =	vst v63  }
0x177: {  	s2 =	sadd.s32 s6, s10;
	s30 =	rddreg [dreg:$0xe];
	s28 =	simm.s32 $0x10040  }
0x178: {  	[hbm4b:s2+s22] =	stream.strided.scatter [tilespmem:s28], [sflag:$0x6], $0xC80, s23, s22, $0x38;
	[tilespmem:$0x19640] =	vst v63  }
0x179: {  	s10 =	rddreg [dreg:$0xd];
	s26 =	sadd.s32 s6, s30;
	s28 =	simm.s32 $0x10CC0  }
0x17a: {  	[hbm4b:s26+s22] =	stream.strided.scatter [tilespmem:s28], [sflag:$0x6], $0xC80, s23, s22, $0x38;
	[tilespmem:$0x19640] =	vst v63  }
0x17b: {  	s30 =	sadd.s32 s6, s10;
	s29 =	rddreg [dreg:$0xc];
	s28 =	simm.s32 $0x11940  }
0x17c: {  	[hbm4b:s30+s22] =	stream.strided.scatter [tilespmem:s28], [sflag:$0x6], $0xC80, s23, s22, $0x38;
	[tilespmem:$0x19640] =	vst v63  }
0x17d: {  	s10 =	rddreg [dreg:$0xb];
	s26 =	sadd.s32 s6, s29;
	s28 =	simm.s32 $0x125C0  }
0x17e: {  	[hbm4b:s26+s22] =	stream.strided.scatter [tilespmem:s28], [sflag:$0x6], $0xC80, s23, s22, $0x38;
	[tilespmem:$0x19640] =	vst v63  }
0x17f: {  	s29 =	rddreg [dreg:$0xa];
	s30 =	sadd.s32 s6, s10;
	s28 =	simm.s32 $0x13240  }
0x180: {  	[hbm4b:s30+s22] =	stream.strided.scatter [tilespmem:s28], [sflag:$0x6], $0xC80, s23, s22, $0x38;
	[tilespmem:$0x19640] =	vst v63  }
0x181: {  	s10 =	rddreg [dreg:$0x9];
	s26 =	sadd.s32 s6, s29;
	s28 =	simm.s32 $0x13EC0  }
0x182: {  	[hbm4b:s26+s22] =	stream.strided.scatter [tilespmem:s28], [sflag:$0x6], $0xC80, s23, s22, $0x38;
	[tilespmem:$0x19640] =	vst v63  }
0x183: {  	s29 =	rddreg [dreg:$0x8];
	s30 =	sadd.s32 s6, s10;
	s28 =	simm.s32 $0x14B40  }
0x184: {  	[hbm4b:s30+s22] =	stream.strided.scatter [tilespmem:s28], [sflag:$0x6], $0xC80, s23, s22, $0x38;
	[tilespmem:$0x19640] =	vst v63  }
0x185: {  	s10 =	rddreg [dreg:$0x7];
	s26 =	sadd.s32 s6, s29;
	s28 =	simm.s32 $0x157C0  }
0x186: {  	[hbm4b:s26+s22] =	stream.strided.scatter [tilespmem:s28], [sflag:$0x6], $0xC80, s23, s22, $0x38;
	[tilespmem:$0x19640] =	vst v63  }
0x187: {  	s29 =	rddreg [dreg:$0x6];
	s30 =	sadd.s32 s6, s10;
	s28 =	simm.s32 $0x16440  }
0x188: {  	[hbm4b:s30+s22] =	stream.strided.scatter [tilespmem:s28], [sflag:$0x6], $0xC80, s23, s22, $0x38;
	[tilespmem:$0x19640] =	vst v63  }
0x189: {  	s10 =	rddreg [dreg:$0x5];
	s26 =	sadd.s32 s6, s29;
	s28 =	simm.s32 $0x170C0  }
0x18a: {  	[hbm4b:s26+s22] =	stream.strided.scatter [tilespmem:s28], [sflag:$0x6], $0xC80, s23, s22, $0x38;
	[tilespmem:$0x19640] =	vst v63  }
0x18b: {  	s29 =	rddreg [dreg:$0x4];
	s30 =	sadd.s32 s6, s10;
	s10 =	simm.s32 $0x17D40  }
0x18c: {  	[hbm4b:s30+s22] =	stream.strided.scatter [tilespmem:s10], [sflag:$0x6], $0xC80, s23, s22, $0x38;
	[tilespmem:$0x19640] =	vst v63  }
0x18d: {  	s26 =	sadd.s32 s6, s29;
	s29 =	simm.s32 $0x189C0  }
0x18e: {  	[hbm4b:s26+s22] =	stream.strided.scatter [tilespmem:s29], [sflag:$0x6], $0xC80, s23, s22, $0x38;
	[tilespmem:$0x19640] =	vst v63  }
0x18f: {  	s14 =	sadd.s32 $0xC8, s14  }
0x190: {  	[tilespmem:s17], [sflag:$0x2] =	stream.linear.gather [hbm4b:s14+s3], $0x320, $0x38;
	[tilespmem:$0x19640] =	vst v63  }
0x191: {  	_ =	swait.ge [sflag:s19], $0xC800  }
0x192: {  	[sflag:s19] =	ssyncset.done $0x0  }
0x193: {  	[sflag:s19] =	ssyncadd.s32 $0xFFFF3800  }
0x194: {  	_ =	swait.ge [sflag:s20], $0x320  }
0x195: {  	[sflag:s20] =	ssyncset.done $0x0  }
0x196: {  	[sflag:s20] =	ssyncadd.s32 $0xFFFFFCE0  }
0x197: {  	_ =	swait.ge [sflag:s11], $0xC80  }
0x198: {  	[sflag:s11] =	ssyncset.done $0x0  }
0x199: {  	[sflag:s11] =	ssyncadd.s32 $0xFFFFF380  }
0x19a: {  	_ =	swait.ge [sflag:s11], $0xC80  }
0x19b: {  	[sflag:s11] =	ssyncset.done $0x0  }
0x19c: {  	[sflag:s11] =	ssyncadd.s32 $0xFFFFF380  }
0x19d: {  	_ =	swait.ge [sflag:s11], $0xC80  }
0x19e: {  	[sflag:s11] =	ssyncset.done $0x0  }
0x19f: {  	[sflag:s11] =	ssyncadd.s32 $0xFFFFF380  }
0x1a0: {  	_ =	swait.ge [sflag:s11], $0xC80  }
0x1a1: {  	[sflag:s11] =	ssyncset.done $0x0  }
0x1a2: {  	[sflag:s11] =	ssyncadd.s32 $0xFFFFF380  }
0x1a3: {  	_ =	swait.ge [sflag:s11], $0xC80  }
0x1a4: {  	[sflag:s11] =	ssyncset.done $0x0  }
0x1a5: {  	[sflag:s11] =	ssyncadd.s32 $0xFFFFF380  }
0x1a6: {  	_ =	swait.ge [sflag:s11], $0xC80  }
0x1a7: {  	[sflag:s11] =	ssyncset.done $0x0  }
0x1a8: {  	[sflag:s11] =	ssyncadd.s32 $0xFFFFF380  }
0x1a9: {  	_ =	swait.ge [sflag:s11], $0xC80  }
0x1aa: {  	[sflag:s11] =	ssyncset.done $0x0  }
0x1ab: {  	[sflag:s11] =	ssyncadd.s32 $0xFFFFF380  }
0x1ac: {  	_ =	swait.ge [sflag:s11], $0xC80  }
0x1ad: {  	[sflag:s11] =	ssyncset.done $0x0  }
0x1ae: {  	[sflag:s11] =	ssyncadd.s32 $0xFFFFF380  }
0x1af: {  	_ =	swait.ge [sflag:s11], $0xC80  }
0x1b0: {  	[sflag:s11] =	ssyncset.done $0x0  }
0x1b1: {  	[sflag:s11] =	ssyncadd.s32 $0xFFFFF380  }
0x1b2: {  	_ =	swait.ge [sflag:s11], $0xC80  }
0x1b3: {  	[sflag:s11] =	ssyncset.done $0x0  }
0x1b4: {  	[sflag:s11] =	ssyncadd.s32 $0xFFFFF380  }
0x1b5: {  	_ =	swait.ge [sflag:s11], $0xC80  }
0x1b6: {  	[sflag:s11] =	ssyncset.done $0x0  }
0x1b7: {  	[sflag:s11] =	ssyncadd.s32 $0xFFFFF380  }
0x1b8: {  	_ =	swait.ge [sflag:s11], $0xC80  }
0x1b9: {  	[sflag:s11] =	ssyncset.done $0x0  }
0x1ba: {  	[sflag:s11] =	ssyncadd.s32 $0xFFFFF380  }
0x1bb: {  	_ =	swait.ge [sflag:s11], $0xC80  }
0x1bc: {  	[sflag:s11] =	ssyncset.done $0x0  }
0x1bd: {  	[sflag:s11] =	ssyncadd.s32 $0xFFFFF380  }
0x1be: {  	_ =	swait.ge [sflag:s11], $0xC80  }
0x1bf: {  	[sflag:s11] =	ssyncset.done $0x0  }
0x1c0: {  	[sflag:s11] =	ssyncadd.s32 $0xFFFFF380  }
0x1c1: {  	_ =	swait.ge [sflag:s11], $0xC80  }
0x1c2: {  	[sflag:s11] =	ssyncset.done $0x0  }
0x1c3: {  	[sflag:s11] =	ssyncadd.s32 $0xFFFFF380  }
0x1c4: {  	_ =	swait.ge [sflag:s11], $0xC80  }
0x1c5: {  	[sflag:s11] =	ssyncset.done $0x0  }
0x1c6: {  	[sflag:s11] =	ssyncadd.s32 $0xFFFFF380  }
0x1c7: {  	[tilespmem:s21], [sflag:$0x4] =	stream.indirect.gather [hbm4b:s4+s17], $0x40, s17, s17, $0xb8;
	[tilespmem:$0x19640] =	vst v63  }
0x1c8: {  	s30 =	sadd.s32 $0x7000, s24  }
0x1c9: {  	[hbm4b:s30+s22] =	stream.strided.scatter [tilespmem:s18], [sflag:$0x5], $0xC80, s23, s22, $0x38;
	[tilespmem:$0x19640] =	vst v63  }
0x1ca: {  	s28 =	sadd.s32 $0x7380, s24  }
0x1cb: {  	[hbm4b:s28+s22] =	stream.strided.scatter [tilespmem:s31], [sflag:$0x5], $0xC80, s23, s22, $0x38;
	[tilespmem:$0x19640] =	vst v63  }
0x1cc: {  	s25 =	sadd.s32 $0x7700, s24;
	s10 =	simm.s32 $0x1F40;
	s2 =	rddreg [dreg:$0x1b]  }
0x1cd: {  	[hbm4b:s25+s22] =	stream.strided.scatter [tilespmem:s10], [sflag:$0x5], $0xC80, s23, s22, $0x38;
	[tilespmem:$0x19640] =	vst v63  }
0x1ce: {  	s26 =	rddreg [dreg:$0x1a];
	s28 =	sadd.s32 $0x7A80, s24;
	s10 =	simm.s32 $0x2BC0  }
0x1cf: {  	[hbm4b:s28+s22] =	stream.strided.scatter [tilespmem:s10], [sflag:$0x5], $0xC80, s23, s22, $0x38;
	[tilespmem:$0x19640] =	vst v63  }
0x1d0: {  	s29 =	rddreg [dreg:$0x19];
	s24 =	sadd.s32 $0x7E00, s24;
	s10 =	simm.s32 $0x3840  }
0x1d1: {  	[hbm4b:s24+s22] =	stream.strided.scatter [tilespmem:s10], [sflag:$0x5], $0xC80, s23, s22, $0x38;
	[tilespmem:$0x19640] =	vst v63  }
0x1d2: {  	s2 =	sadd.s32 s6, s2;
	s30 =	rddreg [dreg:$0x18];
	s10 =	simm.s32 $0x44C0  }
0x1d3: {  	[hbm4b:s2+s22] =	stream.strided.scatter [tilespmem:s10], [sflag:$0x5], $0xC80, s23, s22, $0x38;
	[tilespmem:$0x19640] =	vst v63  }
0x1d4: {  	s31 =	rddreg [dreg:$0x17];
	s24 =	sadd.s32 s6, s26;
	s10 =	simm.s32 $0x5140  }
0x1d5: {  	[hbm4b:s24+s22] =	stream.strided.scatter [tilespmem:s10], [sflag:$0x5], $0xC80, s23, s22, $0x38;
	[tilespmem:$0x19640] =	vst v63  }
0x1d6: {  	s25 =	rddreg [dreg:$0x16];
	s2 =	sadd.s32 s6, s29;
	s10 =	simm.s32 $0x5DC0  }
0x1d7: {  	[hbm4b:s2+s22] =	stream.strided.scatter [tilespmem:s10], [sflag:$0x5], $0xC80, s23, s22, $0x38;
	[tilespmem:$0x19640] =	vst v63  }
0x1d8: {  	s28 =	rddreg [dreg:$0x15];
	s24 =	sadd.s32 s6, s30  }
0x1d9: {  	[hbm4b:s24+s22] =	stream.strided.scatter [tilespmem:s1], [sflag:$0x5], $0xC80, s23, s22, $0x38;
	[tilespmem:$0x19640] =	vst v63  }
0x1da: {  	s26 =	rddreg [dreg:$0x14];
	s2 =	sadd.s32 s6, s31  }
0x1db: {  	[hbm4b:s2+s22] =	stream.strided.scatter [tilespmem:s7], [sflag:$0x5], $0xC80, s23, s22, $0x38;
	[tilespmem:$0x19640] =	vst v63  }
0x1dc: {  	s10 =	sadd.s32 s6, s25;
	s25 =	sadd.s32 s6, s28;
	s28 =	simm.s32 $0x8340  }
0x1dd: {  	[hbm4b:s10+s22] =	stream.strided.scatter [tilespmem:s28], [sflag:$0x5], $0xC80, s23, s22, $0x38;
	[tilespmem:$0x19640] =	vst v63  }
0x1de: {  	s13 =	sadd.s32 $0x640, s13;
	p0 =	sne.s32 s12, $0x62000;
	s29 =	rddreg [dreg:$0x13]  }
0x1df: {  	[hbm4b:s25+s22] =	stream.strided.scatter [tilespmem:s9], [sflag:$0x5], $0xC80, s23, s22, $0x38;
	[tilespmem:$0x19640] =	vst v63  }
0x1e0: {  	s26 =	sadd.s32 s6, s26;
	s29 =	sadd.s32 s6, s29;
	s30 =	rddreg [dreg:$0x12]  }
0x1e1: {  	[hbm4b:s26+s22] =	stream.strided.scatter [tilespmem:s8], [sflag:$0x5], $0xC80, s23, s22, $0x38;
	[tilespmem:$0x19640] =	vst v63  }
0x1e2: {  	s31 =	rddreg [dreg:$0x11];
	s24 =	sadd.s32 s6, s30;
	s30 =	simm.s32 $0xA8C0  }
0x1e3: {  	[hbm4b:s29+s22] =	stream.strided.scatter [tilespmem:s30], [sflag:$0x5], $0xC80, s23, s22, $0x38;
	[tilespmem:$0x19640] =	vst v63  }
.Ltmp0:
0x1e4: {  	s12 =	sadd.s32 $0x7000, s12;
	s10 =	sadd.s32 s6, s31;
	(pc) =	sbr.rel @p0 .LBB2_2-.Ltmp0, $4  }
0x1e5: {  	s31 =	simm.s32 $0x12C0;
	s26 =	smin.u32 s13, $0xC7CE0;
	s29 =	simm.s32 $0xB540  }
0x1e6: {  	[hbm4b:s24+s22] =	stream.strided.scatter [tilespmem:s29], [sflag:$0x5], $0xC80, s23, s22, $0x38;
	[tilespmem:$0x19640] =	vst v63  }
0x1e7: {  	s6 =	sshrl.u32 s26, $0x3;
	s30 =	simm.s32 $0xC1C0;
	s24 =	smov.u32 s0  }
0x1e8: {  	[hbm4b:s10+s22] =	stream.strided.scatter [tilespmem:s30], [sflag:$0x5], $0xC80, s23, s22, $0x38;
	[tilespmem:$0x19640] =	vst v63  }
0x1e9: {  	s2 =	sadd.s32 s24, s6  }
0x1ea: {  	[tilespmem:s3], [sflag:$0x1] =	stream.linear.gather [hbm4b:s2+s3], $0x320, $0x38;
	[tilespmem:$0x19640] =	vst v63  }
0x1eb: {  	_ =	swait.ge [sflag:s15], $0xC800  }
0x1ec: {  	[sflag:s15] =	ssyncset.done $0x0;
	s0 =	rddreg [dreg:$0x1e]  }
0x1ed: {  	s9 =	rddreg [dreg:$0x1f];
	[sflag:s15] =	ssyncadd.s32 $0xFFFF3800  }
0x1ee: {  	[hbm4b:s0+s22] =	stream.strided.scatter [tilespmem:s21], [sflag:$0x6], $0xC80, s23, s22, $0x38;
	[tilespmem:$0x19640] =	vst v63  }
0x1ef: {  	s1 =	simm.s32 $0xDAC0;
	s10 =	sld [smem:$0x7DC]  }
0x1f0: {  	[hbm4b:s9+s22] =	stream.strided.scatter [tilespmem:s1], [sflag:$0x6], $0xC80, s23, s22, $0x38;
	[tilespmem:$0x19640] =	vst v63  }
0x1f1: {  	s12 =	simm.s32 $0xE740;
	s13 =	sld [smem:$0x7DD]  }
0x1f2: {  	[hbm4b:s10+s22] =	stream.strided.scatter [tilespmem:s12], [sflag:$0x6], $0xC80, s23, s22, $0x38;
	[tilespmem:$0x19640] =	vst v63  }
0x1f3: {  	s14 =	simm.s32 $0xF3C0;
	s25 =	sld [smem:$0x7DE]  }
0x1f4: {  	[hbm4b:s13+s22] =	stream.strided.scatter [tilespmem:s14], [sflag:$0x6], $0xC80, s23, s22, $0x38;
	[tilespmem:$0x19640] =	vst v63  }
0x1f5: {  	s26 =	simm.s32 $0x10040;
	s1 =	sld [smem:$0x7DF]  }
0x1f6: {  	[hbm4b:s25+s22] =	stream.strided.scatter [tilespmem:s26], [sflag:$0x6], $0xC80, s23, s22, $0x38;
	[tilespmem:$0x19640] =	vst v63  }
0x1f7: {  	s2 =	simm.s32 $0x10CC0;
	s6 =	sld [smem:$0x7E0]  }
0x1f8: {  	[hbm4b:s1+s22] =	stream.strided.scatter [tilespmem:s2], [sflag:$0x6], $0xC80, s23, s22, $0x38;
	[tilespmem:$0x19640] =	vst v63  }
0x1f9: {  	s7 =	simm.s32 $0x11940;
	s8 =	sld [smem:$0x7E1]  }
0x1fa: {  	[hbm4b:s6+s22] =	stream.strided.scatter [tilespmem:s7], [sflag:$0x6], $0xC80, s23, s22, $0x38;
	[tilespmem:$0x19640] =	vst v63  }
0x1fb: {  	s9 =	simm.s32 $0x125C0;
	s10 =	sld [smem:$0x7E2]  }
0x1fc: {  	[hbm4b:s8+s22] =	stream.strided.scatter [tilespmem:s9], [sflag:$0x6], $0xC80, s23, s22, $0x38;
	[tilespmem:$0x19640] =	vst v63  }
0x1fd: {  	s12 =	simm.s32 $0x13240;
	s13 =	sld [smem:$0x7E3]  }
0x1fe: {  	[hbm4b:s10+s22] =	stream.strided.scatter [tilespmem:s12], [sflag:$0x6], $0xC80, s23, s22, $0x38;
	[tilespmem:$0x19640] =	vst v63  }
0x1ff: {  	s14 =	simm.s32 $0x13EC0;
	s25 =	sld [smem:$0x7E4]  }
0x200: {  	[hbm4b:s13+s22] =	stream.strided.scatter [tilespmem:s14], [sflag:$0x6], $0xC80, s23, s22, $0x38;
	[tilespmem:$0x19640] =	vst v63  }
0x201: {  	s26 =	simm.s32 $0x14B40;
	s2 =	sld [smem:$0x7E5]  }
0x202: {  	[hbm4b:s25+s22] =	stream.strided.scatter [tilespmem:s26], [sflag:$0x6], $0xC80, s23, s22, $0x38;
	[tilespmem:$0x19640] =	vst v63  }
0x203: {  	s6 =	simm.s32 $0x157C0;
	s7 =	sld [smem:$0x7E6]  }
0x204: {  	[hbm4b:s2+s22] =	stream.strided.scatter [tilespmem:s6], [sflag:$0x6], $0xC80, s23, s22, $0x38;
	[tilespmem:$0x19640] =	vst v63  }
0x205: {  	s8 =	simm.s32 $0x16440;
	s9 =	sld [smem:$0x7E7]  }
0x206: {  	[hbm4b:s7+s22] =	stream.strided.scatter [tilespmem:s8], [sflag:$0x6], $0xC80, s23, s22, $0x38;
	[tilespmem:$0x19640] =	vst v63  }
0x207: {  	s10 =	simm.s32 $0x170C0;
	s12 =	sld [smem:$0x7E8]  }
0x208: {  	[hbm4b:s9+s22] =	stream.strided.scatter [tilespmem:s10], [sflag:$0x6], $0xC80, s23, s22, $0x38;
	[tilespmem:$0x19640] =	vst v63  }
0x209: {  	s13 =	simm.s32 $0x17D40;
	s14 =	sld [smem:$0x7E9]  }
0x20a: {  	[hbm4b:s12+s22] =	stream.strided.scatter [tilespmem:s13], [sflag:$0x6], $0xC80, s23, s22, $0x38;
	[tilespmem:$0x19640] =	vst v63  }
0x20b: {  	s25 =	simm.s32 $0x189C0  }
0x20c: {  	[hbm4b:s14+s22] =	stream.strided.scatter [tilespmem:s25], [sflag:$0x6], $0xC80, s23, s22, $0x38;
	[tilespmem:$0x19640] =	vst v63  }
0x20d: {  	_ =	swait.ge [sflag:s5], $0xC80  }
0x20e: {  	[sflag:s5] =	ssyncset.done $0x0  }
0x20f: {  	[sflag:s5] =	ssyncadd.s32 $0xFFFFF380  }
0x210: {  	_ =	swait.ge [sflag:s5], $0xC80  }
0x211: {  	[sflag:s5] =	ssyncset.done $0x0  }
0x212: {  	[sflag:s5] =	ssyncadd.s32 $0xFFFFF380  }
0x213: {  	_ =	swait.ge [sflag:s5], $0xC80  }
0x214: {  	[sflag:s5] =	ssyncset.done $0x0  }
0x215: {  	[sflag:s5] =	ssyncadd.s32 $0xFFFFF380  }
0x216: {  	_ =	swait.ge [sflag:s5], $0xC80  }
0x217: {  	[sflag:s5] =	ssyncset.done $0x0  }
0x218: {  	[sflag:s5] =	ssyncadd.s32 $0xFFFFF380  }
0x219: {  	_ =	swait.ge [sflag:s5], $0xC80  }
0x21a: {  	[sflag:s5] =	ssyncset.done $0x0  }
0x21b: {  	[sflag:s5] =	ssyncadd.s32 $0xFFFFF380  }
0x21c: {  	_ =	swait.ge [sflag:s5], $0xC80  }
0x21d: {  	[sflag:s5] =	ssyncset.done $0x0  }
0x21e: {  	[sflag:s5] =	ssyncadd.s32 $0xFFFFF380  }
0x21f: {  	_ =	swait.ge [sflag:s5], $0xC80  }
0x220: {  	[sflag:s5] =	ssyncset.done $0x0  }
0x221: {  	[sflag:s5] =	ssyncadd.s32 $0xFFFFF380  }
0x222: {  	_ =	swait.ge [sflag:s5], $0xC80  }
0x223: {  	[sflag:s5] =	ssyncset.done $0x0  }
0x224: {  	[sflag:s5] =	ssyncadd.s32 $0xFFFFF380  }
0x225: {  	_ =	swait.ge [sflag:s5], $0xC80  }
0x226: {  	[sflag:s5] =	ssyncset.done $0x0  }
0x227: {  	[sflag:s5] =	ssyncadd.s32 $0xFFFFF380  }
0x228: {  	_ =	swait.ge [sflag:s5], $0xC80  }
0x229: {  	[sflag:s5] =	ssyncset.done $0x0  }
0x22a: {  	[sflag:s5] =	ssyncadd.s32 $0xFFFFF380  }
0x22b: {  	_ =	swait.ge [sflag:s5], $0xC80  }
0x22c: {  	[sflag:s5] =	ssyncset.done $0x0  }
0x22d: {  	[sflag:s5] =	ssyncadd.s32 $0xFFFFF380  }
0x22e: {  	_ =	swait.ge [sflag:s5], $0xC80  }
0x22f: {  	[sflag:s5] =	ssyncset.done $0x0  }
0x230: {  	[sflag:s5] =	ssyncadd.s32 $0xFFFFF380  }
0x231: {  	_ =	swait.ge [sflag:s5], $0xC80  }
0x232: {  	[sflag:s5] =	ssyncset.done $0x0  }
0x233: {  	[sflag:s5] =	ssyncadd.s32 $0xFFFFF380  }
0x234: {  	_ =	swait.ge [sflag:s5], $0xC80  }
0x235: {  	[sflag:s5] =	ssyncset.done $0x0  }
0x236: {  	[sflag:s5] =	ssyncadd.s32 $0xFFFFF380  }
0x237: {  	_ =	swait.ge [sflag:s5], $0xC80  }
0x238: {  	[sflag:s5] =	ssyncset.done $0x0  }
0x239: {  	[sflag:s5] =	ssyncadd.s32 $0xFFFFF380  }
0x23a: {  	_ =	swait.ge [sflag:s5], $0xC80  }
0x23b: {  	[sflag:s5] =	ssyncset.done $0x0  }
0x23c: {  	[sflag:s5] =	ssyncadd.s32 $0xFFFFF380  }
0x23d: {  	_ =	swait.ge [sflag:s11], $0xC80  }
0x23e: {  	[sflag:s11] =	ssyncset.done $0x0  }
0x23f: {  	[sflag:s11] =	ssyncadd.s32 $0xFFFFF380  }
0x240: {  	_ =	swait.ge [sflag:s11], $0xC80  }
0x241: {  	[sflag:s11] =	ssyncset.done $0x0  }
0x242: {  	[sflag:s11] =	ssyncadd.s32 $0xFFFFF380  }
0x243: {  	_ =	swait.ge [sflag:s11], $0xC80  }
0x244: {  	[sflag:s11] =	ssyncset.done $0x0  }
0x245: {  	[sflag:s11] =	ssyncadd.s32 $0xFFFFF380  }
0x246: {  	_ =	swait.ge [sflag:s11], $0xC80  }
0x247: {  	[sflag:s11] =	ssyncset.done $0x0  }
0x248: {  	[sflag:s11] =	ssyncadd.s32 $0xFFFFF380  }
0x249: {  	_ =	swait.ge [sflag:s11], $0xC80  }
0x24a: {  	[sflag:s11] =	ssyncset.done $0x0  }
0x24b: {  	[sflag:s11] =	ssyncadd.s32 $0xFFFFF380  }
0x24c: {  	_ =	swait.ge [sflag:s11], $0xC80  }
0x24d: {  	[sflag:s11] =	ssyncset.done $0x0  }
0x24e: {  	[sflag:s11] =	ssyncadd.s32 $0xFFFFF380  }
0x24f: {  	_ =	swait.ge [sflag:s11], $0xC80  }
0x250: {  	[sflag:s11] =	ssyncset.done $0x0  }
0x251: {  	[sflag:s11] =	ssyncadd.s32 $0xFFFFF380  }
0x252: {  	_ =	swait.ge [sflag:s11], $0xC80  }
0x253: {  	[sflag:s11] =	ssyncset.done $0x0  }
0x254: {  	[sflag:s11] =	ssyncadd.s32 $0xFFFFF380  }
0x255: {  	_ =	swait.ge [sflag:s11], $0xC80  }
0x256: {  	[sflag:s11] =	ssyncset.done $0x0  }
0x257: {  	[sflag:s11] =	ssyncadd.s32 $0xFFFFF380  }
0x258: {  	_ =	swait.ge [sflag:s11], $0xC80  }
0x259: {  	[sflag:s11] =	ssyncset.done $0x0  }
0x25a: {  	[sflag:s11] =	ssyncadd.s32 $0xFFFFF380  }
0x25b: {  	_ =	swait.ge [sflag:s11], $0xC80  }
0x25c: {  	[sflag:s11] =	ssyncset.done $0x0  }
0x25d: {  	[sflag:s11] =	ssyncadd.s32 $0xFFFFF380  }
0x25e: {  	_ =	swait.ge [sflag:s11], $0xC80  }
0x25f: {  	[sflag:s11] =	ssyncset.done $0x0  }
0x260: {  	[sflag:s11] =	ssyncadd.s32 $0xFFFFF380  }
0x261: {  	_ =	swait.ge [sflag:s11], $0xC80  }
0x262: {  	[sflag:s11] =	ssyncset.done $0x0  }
0x263: {  	[sflag:s11] =	ssyncadd.s32 $0xFFFFF380  }
0x264: {  	_ =	swait.ge [sflag:s11], $0xC80  }
0x265: {  	[sflag:s11] =	ssyncset.done $0x0  }
0x266: {  	[sflag:s11] =	ssyncadd.s32 $0xFFFFF380  }
0x267: {  	_ =	swait.ge [sflag:s11], $0xC80  }
0x268: {  	[sflag:s11] =	ssyncset.done $0x0  }
0x269: {  	[sflag:s11] =	ssyncadd.s32 $0xFFFFF380  }
0x26a: {  	_ =	swait.ge [sflag:s11], $0xC80  }
0x26b: {  	[sflag:s11] =	ssyncset.done $0x0  }
0x26c: {  	[sflag:s11] =	ssyncadd.s32 $0xFFFFF380  }
0x26d: {  	_ =	swait.ge [sflag:s16], $0x320  }
0x26e: {  	s14 =	sld [smem:$0x7DB]  }
0x26f: {  	s26 =	sld [smem:$0x7EA];
	_ =	sdelay $0x1  }
0x270: {  	s14 =	sadd.s32 $0x1, s14  }
0x271: {  	s29 =	simm.s32 $0x8FC0;
	p0 =	sne.s32 s14, s26  }
.Ltmp1:
0x272: {  	s30 =	simm.s32 $0x9C40;
	s1 =	simm.s32 $0x1F40;
	(pc) =	sbr.rel @p0 .LBB2_1-.Ltmp1, $4  }
0x273: {  	s2 =	simm.s32 $0x2BC0;
	s6 =	simm.s32 $0xA8C0;
	s7 =	simm.s32 $0x3840  }
0x274: {  	s8 =	simm.s32 $0x44C0;
	s9 =	simm.s32 $0x5140;
	s10 =	simm.s32 $0x5DC0  }
0x275: {  	s12 =	simm.s32 $0xB540;
	s13 =	simm.s32 $0xC1C0;
	[sflag:s16] =	ssyncset.done $0x0  }
0x276: {  	s25 =	simm.s32 $0x6A40;
	[sflag:s16] =	ssyncadd.s32 $0xFFFFFCE0;
	s26 =	simm.s32 $0x76C0  }
0x277: {  	_ =	sfence.sel $0x180000  }
0x278: {  	[bflag:$0x0] =	sbarrier.arrive $0xFFFF  }
0x279: {  	_ =	strace $0x90000047  }
0x27a: {  	s0 =	stileid.u32;
	[bflag:$0x2] =	sbarrier.arrive $0xFFFF  }
0x27b: {  	p0 =	sne.s32 s0, $0x0;
	s0 =	rddreg [dreg:$0x2]  }
0x27c: {  	s0 =	sadd.s32 @!p0 $0x100000, s0  }
0x27d: {  	[sflag:s0] =	ssyncadd.tile.s32 @!p0 $0x1;
	_ =	shalt  }
.Lfunc_end2:
_tile_overlayer_lowered:
.L_overlay_start_2:
0x27e: {  	(tag) =	ssettag $0x2  }
0x27f: {  	s0 =	rddreg [dreg:$0x0];
	s2 =	stileid.u32  }
0x280: {  	s1 =	rddreg [dreg:$0x1];
	p0 =	sne.s32 s2, $0x0  }
0x281: {  	s3 =	rddreg [dreg:$0x2];
	[bflag:$0x3] =	sbarrier.arrive $0xFFFF;
	s2 =	simm.s32 @!p0 $0x1C07  }
0x282: {  	[timem:s3], [sflag:s2] =	dma.local @!p0 [hbm:s0], s1  }
0x283: {  	s0 =	simm.s32 @!p0 $0x7  }
0x284: {  	_ =	swait.ge @!p0 [sflag:s0], s1  }
0x285: {  	s1 =	ssub.s32 @!p0 $0x0, s1;
	[sflag:s0] =	ssyncset.done @!p0 $0x0  }
0x286: {  	[sflag:s0] =	ssyncadd.s32 @!p0 s1  }
0x287: {  	[bflag:$0x3] =	sbarrier.arrive $0xFFFF  }
0x288: {  	_ =	shalt  }

// kernel: sparse-core-data-format-call.cloned.1.call-start
scs
called_computation_lowered:
.L_overlay_start_0:
0x0: {  	s2 =	sld [smem:$0x3FD9]  }
0x1: {  	s3 =	sld [smem:$0x3FFE];
	_ =	sdelay $0x1  }
0x2: {  	s1 =	srdreg.scid  }
0x3: {  	s0 =	sand.u32 $0x1, s1  }
0x4: {  	s18 =	sshll.u32 s0, $0xA;
	s2 =	sadd.s32 s3, s2  }
0x5: {  	s2 =	sadd.s32 s2, s18  }
0x6: {  	[smem:$0x3FC6] =	sst s2  }
0x7: {  	_ = 	snop  }
0x8: {  	s2 =	sld [smem:$0x3FD0];
	(tm) =	ssettm $0x1  }
0x9: {  	s19 =	sld [smem:$0x3FFB];
	_ =	sdelay $0x3  }
0xa: {  	_ =	strace s19  }
0xb: {  	s3 =	sld [smem:$0x3FFC];
	_ =	sdelay $0x3  }
0xc: {  	_ =	strace s3  }
0xd: {  	s3 =	sld [smem:$0x3FFD];
	_ =	sdelay $0x3  }
0xe: {  	_ =	strace s3  }
0xf: {  	_ =	strace $0x8FFFFFFF  }
0x10: {  	s20 =	sld [smem:$0x3FDB];
	_ =	sdelay $0x1  }
0x11: {  	s4 =	simm.s32 $_scs_section_size  }
0x12: {  	s5 =	simm.s32 $_size__tile_overlayer_lowered;
	s6 =	simm.s32 $_tile_overlayer_lowered  }
0x13: {  	s23 =	simm.s32 $0x1BFF;
	s22 =	sshll.u32 s6, $0x1;
	s3 =	sadd.s32 s4, s20  }
0x14: {  	s7 =	simm.s32 $0x0;
	s21 =	sshll.u32 s5, $0x1;
	s5 =	sadd.s32 s22, s3  }
0x15: {  	[timem:s7], [sflag:s23] =	dma.local [hbm:s5], s21  }
0x16: {  	_ =	swait.ge [sflag:s23], s21  }
0x17: {  	s4 =	ssub.s32 $0x0, s21;
	[sflag:s23] =	ssyncset.done $0x0  }
0x18: {  	[sflag:s23] =	ssyncadd.s32 s4;
	_ =	sdelay $0x1  }
0x19: {  	s24 =	simm.s32 $0x1B8B  }
0x1a: {  	_ =	swait.ge [sflag:s24], $0x1  }
0x1b: {  	[sflag:s24] =	ssyncset.done $0x0  }
0x1c: {  	s26 =	simm.s32 $0x1B8E;
	s25 =	sld [smem:$0x3FFE];
	[sflag:s24] =	ssyncadd.s32 $0xFFFFFFFF  }
0x1d: {  	s27 =	simm.s32 $execute0_lowered;
	[smem:$0x3FD2] =	sst s26  }
0x1e: {  	s5 =	sshll.u32 s27, $0x1;
	_ =	strace $0x80000049;
	[dreg:$0x1] =	wrdreg $0xFFFFFFFF  }
0x1f: {  	s28 =	simm.s32 $_size_execute0_lowered;
	s3 =	sadd.s32 s3, s5;
	[dreg:$0x0] =	wrdreg $0x0  }
0x20: {  	s5 =	sshll.u32 s28, $0x1;
	[dreg:$0x2] =	wrdreg s3  }
0x21: {  	[dreg:$0x3] =	wrdreg s5  }
0x22: {  	[dreg:$0x4] =	wrdreg $0xC0  }
0x23: {  	_ =	task [dreg:s7], $0x5FFFF  }
0x24: {  	[dreg:$0x1] =	wrdreg $0xFFFFFFFF  }
0x25: {  	[dreg:$0x0] =	wrdreg $0x60  }
0x26: {  	[dreg:$0x2] =	wrdreg s25  }
0x27: {  	[dreg:$0x3] =	wrdreg s2  }
0x28: {  	[dreg:$0x4] =	wrdreg $0x9  }
0x29: {  	_ =	task.clear_ibuf [dreg:s7], $0x5FFFF;
	_ =	strace $0x90000049  }
0x2a: {  	s29 =	simm.s32 $0x9;
	_ =	strace $0x8000004B  }
0x2b: {  	_ =	swait.ge [sflag:s29], $0x1  }
0x2c: {  	[sflag:s29] =	ssyncadd.s32 $0xFFFFFFFF  }
0x2d: {  	_ =	strace $0x9000004B  }
0x2e: {  	_ =	sfence  }
0x2f: {  	s30 =	sld [smem:$0x0];
	_ =	sdelay $0x2  }
0x30: {  	s31 =	sshll.u32 s1, $0xD;
	s1 =	sshrl.u32 s1, $0x2  }
0x31: {  	s3 =	sand.u32 $0x4000, s31;
	s1 =	sadd.s32 s1, s30  }
0x32: {  	s0 =	sor.u32 s3, s0;
	s1 =	sshll.u32 s1, $0x11  }
0x33: {  	s0 =	sor.u32 s1, s0  }
0x34: {  	s0 =	sadd.s32 $0x8F2B, s0  }
0x35: {  	[sflag:s0] =	ssyncadd.remote.s32 $0x1  }
0x36: {  	_ =	sfence.sel $0xFFFF  }
0x37: {  	[dreg:$0x0] =	wrdreg $0xFFFFFFFF;
	(pc) =	sbr.abs _section_cstart, $3  }
0x38: {  	[dreg:$0x1] =	wrdreg $0xFFFFFFFF  }
0x39: {  	_ =	task.clear_ibuf [dreg:s7], $0x2FFFF;
	_ =	strace $0x9FFFFFFF  }
0x3a: {  	(tm) =	ssettm $0x7FFFFFFF  }
0x3b: {  	_ =	shalt  }
tec
execute0_lowered:
.L_overlay_start_1:
0x0: {  	(tag) =	ssettag $0x1  }
0x1: {  	s0 =	srdreg.scid  }
0x2: {  	s1 =	sshll.u32 s0, $0x4  }
0x3: {  	s0 =	stileid.u32;
	s1 =	sand.u32 $0x10, s1  }
0x4: {  	s1 =	sor.u32 s0, s1  }
0x5: {  	s6 =	rddreg [dreg:$0x0];
	s4 =	simm.s32 $0x1;
	s2 =	sshll.u32 s1, $0x7  }
0x6: {  	s7 =	simm.s32 $0x2;
	s12 =	simm.s32 $0x0;
	s1 =	ssub.s32 $0x4000, s2  }
0x7: {  	s8 =	simm.s32 $0x20000;
	s13 =	simm.s32 $0x0;
	s3 =	sand.u32 $0xF80, s1  }
0x8: {  	s9 =	simm.s32 $0x0;
	s5 =	sshrl.u32 s1, $0xC;
	p0 =	sne.s32 s3, $0x0  }
.Ltmp0:
0x9: {  	s1 =	rddreg [dreg:$0x2];
	s4 =	simm.s32 @!p0 $0x0;
	(pc) =	sbr.rel .LBB1_1-.Ltmp0, $4  }
0xa: {  	s11 =	simm.s32 $0x0;
	s3 =	rddreg [dreg:$0x1];
	s5 =	sadd.s32 s4, s5  }
0xb: {  	_ =	strace $0x8000004A;
	s4 =	simm.s32 $0x1;
	s5 =	smul.u32 $0x32, s5  }
0xc: {  	s6 =	sadd.s32 $0xA00, s6;
	s10 =	smov.u32 s2;
	[sflag:s4] =	ssyncpa.u1 $0x0  }
0xd: {  	p0 =	por $0x0, $0x0;
	[sflag:s7] =	ssyncpa.u1 $0x0;
	s7 =	sor.u32 $0x1, s5  }
.LBB1_4:
0xe: {  	s16 =	sshll.u32 s13, $0x3;
	s17 =	sand.u32 $0x78, s13  }
0xf: {  	s30 =	sand.u32 $0x1F800, s13;
	s12 =	sshll.u32 s12, $0x11;
	s16 =	sand.u32 $0x3C00, s16  }
0x10: {  	[tilespmem:s15+$0x810 ss:$0x81] =	vst.msk $0xffff, v2;
	s31 =	sand.u32 $0x7, s13;
	s16 =	sor.u32 s17, s16;
	s17 =	sadd.s32 s3, s30  }
0x11: {  	[tilespmem:s15+$0x1020 ss:$0x81] =	vst.msk $0xffff, v0;
	s13 =	sshll.u32 s31, $0x12;
	s12 =	sadd.s32 s12, s17;
	s16 =	sshrl.u32 s16, $0x3  }
0x12: {  	[tilespmem:s15+$0x0 ss:$0x81] =	vst.msk $0xffff, v1;
	s13 =	sor.u32 $0x400, s13;
	s12 =	sadd.s32 s16, s12  }
0x13: {  	[hbm4b:s12+s13] =	stream.strided.scatter [tilespmem:s14], [sflag:$0x2], $0x2000, s8, s13, $0x20;
	[tilespmem:$0x8080] =	vst v63  }
.LBB1_5:
0x14: {  	s14 =	sadd.s32 $0x1, s9  }
0x15: {  	s12 =	sadd.s32 $0x1000, s10;
	s16 =	smov.u32 s10;
	p2 =	sgt.s32 s14, $0x31  }
0x16: {  	s16 =	smov.u32 @p2 s12  }
0x17: {  	s14 =	simm.s32 @p2 $0x0;
	p2 =	sgt.s32 s16, $0x3FFF  }
0x18: {  	s16 =	smov.u32 @p2 s2;
	p2 =	sne.s32 s11, s7  }
.Ltmp1:
0x19: {  	p1 =	slt.u32 s11, $0x2;
	(pc) =	sbr.rel @!p2 .LBB1_6-.Ltmp1, $4  }
0x1a: {  	s15 =	simm.s32 @!p1 $0x2  }
0x1b: {  	s13 =	smov.u32 s10;
	p0 =	por !p0, !p0;
	_ =	swait.ge @!p1 [sflag:s15], $0x2000  }
0x1c: {  	s12 =	smov.u32 s9;
	[sflag:s15] =	ssyncset.done @!p1 $0x0;
	s9 =	smov.u32 s14  }
0x1d: {  	s11 =	sadd.s32 $0x1, s11;
	[sflag:s15] =	ssyncadd.s32 @!p1 $0xFFFFE000;
	s10 =	smov.u32 s16  }
.LBB1_1:
0x1e: {  	p1 =	sge.u32 s11, s5  }
0x1f: {  	s14 =	sand.u32 @!p1 $0x1FFFFFF, s9  }
0x20: {  	s15 =	smulhi.u32 @!p1 $0x4924925, s14;
	_ =	sdelay $0x1  }
0x21: {  	s15 =	smul.u32 @!p1 $0x38, s15  }
0x22: {  	s16 =	sxor.u32 @!p1 $0xFFFFFFFF, s11;
	s17 =	smul.u32 @!p1 $0x380, s10  }
0x23: {  	s31 =	sadd.s32 $0xFFFFFFFF, s11;
	s16 =	sshll.u32 @!p1 s16, $0xD;
	s14 =	ssub.s32 @!p1 s14, s15  }
0x24: {  	s15 =	sand.u32 @!p1 $0x2000, s16;
	s16 =	sadd.s32 @!p1 s6, s17;
	s14 =	sshll.u32 @!p1 s14, $0x4  }
0x25: {  	s17 =	simm.s32 @!p1 $0x1C00;
	s14 =	sadd.s32 @!p1 s14, s16;
	s16 =	simm.s32 @!p1 $0x40  }
0x26: {  	[tilespmem:s15], [sflag:$0x1] =	stream.strided.gather @!p1 [hbm4b:s14+s16], $0x2000, s17, s16, $0x38;
	[tilespmem:$0x8080] =	vst v63  }
0x27: {  	p1 =	sge.u32 s31, s5  }
.Ltmp2:
0x28: {  	_ = 	snop;
	(pc) =	sbr.rel @p1 .LBB1_5-.Ltmp2, $1  }
0x29: {  	_ =	sdelay $0x3  }
0x2a: {  	s14 =	simm.s32 $0x1  }
0x2b: {  	_ =	swait.ge [sflag:s4], $0x2000;
	s14 =	simm.s32 @!p0 $0x0  }
0x2c: {  	[sflag:s4] =	ssyncset.done $0x0;
	s15 =	sshll.u32 s14, $0xD  }
0x2d: {  	[sflag:s4] =	ssyncadd.s32 $0xFFFFE000;
	s18 =	sor.u32 $0x20, s15  }
0x2e: {  	s14 =	smul.u32 $0x8100, s14;
	v3 =	vld [tilespmem:s18+$0x10]  }
0x2f: {  	s30 =	sand.u32 $0x1, s11;
	v2 =	vld [tilespmem:s18+$0xFFFFFFF0]  }
0x30: {  	s15 =	smul.u32 $0x8100, s30;
	s14 =	sshrl.u32 s14, $0x2;
	v0 =	vld [tilespmem:s18+$0x0]  }
0x31: {  	v1 =	vld [tilespmem:s18+$0xFFFFFFE0];
	s16 =	sor.u32 $0x4000, s14  }
0x32: {  	s31 =	sshrl.u32 s15, $0x2;
	s15 =	sadd.s32 $0x0, s16  }
0x33: {  	s17 =	simm.s32 $0x4;
	s18 =	sadd.s32 $0x40, s18;
	s14 =	sor.u32 $0x4000, s31;
	[tilespmem:s15+$0x1830 ss:$0x81] =	vst.msk $0xffff, v3  }
.LBB1_3:
0x34: {  	v3 =	vld [tilespmem:s18+$0x10];
	p1 =	sne.s32 s17, $0x1FC;
	[tilespmem:s15+$0x810 ss:$0x81] =	vst.msk $0xffff, v2;
	s19 =	smov.u32 s17;
	s17 =	sadd.s32 $0x4, s17  }
.Ltmp3:
0x35: {  	v2 =	vld [tilespmem:s18+$0xFFFFFFF0];
	[tilespmem:s15+$0x1020 ss:$0x81] =	vst.msk $0xffff, v0;
	(pc) =	sbr.rel @p1 .LBB1_3-.Ltmp3, $4  }
0x36: {  	v0 =	vld [tilespmem:s18+$0x0];
	[tilespmem:s15+$0x0 ss:$0x81] =	vst.msk $0xffff, v1  }
0x37: {  	s15 =	sshra.s32 s19, $0x2;
	v1 =	vld [tilespmem:s18+$0xFFFFFFE0]  }
0x38: {  	s15 =	sadd.s32 s15, s16  }
0x39: {  	s18 =	sadd.s32 $0x40, s18;
	[tilespmem:s15+$0x1830 ss:$0x81] =	vst.msk $0xffff, v3  }
.Ltmp4:
0x3a: {  	_ = 	snop;
	(pc) =	sbr.rel .LBB1_4-.Ltmp4, $1  }
0x3b: {  	_ =	sdelay $0x3  }
.LBB1_6:
0x3c: {  	_ =	sfence.sel $0x180000  }
0x3d: {  	s2 =	simm.s32 $0x1;
	[bflag:$0x0] =	sbarrier.arrive $0xFFFF  }
0x3e: {  	s31 =	simm.s32 $0x2;
	[sflag:s2] =	ssyncpa.u1 $0x1  }
0x3f: {  	[sflag:s31] =	ssyncpa.u1 $0x1  }
0x40: {  	p0 =	sne.s32 s0, $0x0;
	_ =	strace $0x9000004A  }
0x41: {  	s0 =	sadd.s32 @!p0 $0x100000, s1;
	[bflag:$0x2] =	sbarrier.arrive $0xFFFF  }
0x42: {  	[sflag:s0] =	ssyncadd.tile.s32 @!p0 $0x1;
	_ =	shalt  }
.Lfunc_end1:
_tile_overlayer_lowered:
.L_overlay_start_2:
0x43: {  	(tag) =	ssettag $0x2  }
0x44: {  	s0 =	rddreg [dreg:$0x0];
	s2 =	stileid.u32  }
0x45: {  	s1 =	rddreg [dreg:$0x1];
	p0 =	sne.s32 s2, $0x0  }
0x46: {  	s3 =	rddreg [dreg:$0x2];
	[bflag:$0x3] =	sbarrier.arrive $0xFFFF;
	s2 =	simm.s32 @!p0 $0x1C01  }
0x47: {  	[timem:s3], [sflag:s2] =	dma.local @!p0 [hbm:s0], s1  }
0x48: {  	s0 =	simm.s32 @!p0 $0x1  }
0x49: {  	_ =	swait.ge @!p0 [sflag:s0], s1  }
0x4a: {  	s1 =	ssub.s32 @!p0 $0x0, s1;
	[sflag:s0] =	ssyncset.done @!p0 $0x0  }
0x4b: {  	[sflag:s0] =	ssyncadd.s32 @!p0 s1  }
0x4c: {  	[bflag:$0x3] =	sbarrier.arrive $0xFFFF  }
0x4d: {  	_ =	shalt  }

</sc_bundles>
